<compile_context>
chip_gen: v7x
topology: tpu7x:2x2x1
jax: 0.10.2.dev20260603
libtpu: 0.0.44.dev20260713+nightly
codegen_flags: <defaults>
</compile_context>

<pallas_src>
import functools

import jax
import jax.numpy as jnp
from jax import lax
from jax.experimental import pallas as pl
from jax.experimental.pallas import tpu as pltpu
from jax.experimental.pallas import tpu_sc as plsc

N = 10000
E = 160000
OUT = 3
NZF = float(N * OUT)

NC, NS = 2, 16
NW = NC * NS
CH = 128
EPAD = 163840
HALF = EPAD // 2
EPW2 = HALF // NW
NCH2 = EPW2 // CH
ACC = 10240
RPT = ACC // NS

NB = 1000
EB = 2048


def _ln(h, s, t):
    m = jnp.mean(h, axis=-1, keepdims=True)
    v = jnp.mean((h - m) ** 2, axis=-1, keepdims=True)
    return (h - m) / jnp.sqrt(v + 1e-5) * s + t



def _full(shape):
    return pl.BlockSpec(shape, lambda i: (0,) * len(shape))


def _encode_body(xin, w0, b0, w1, b1, w2, b2, s, t, out):
    x = xin[...]
    h = jnp.maximum(x @ w0[...] + b0[...], 0.0)
    h = jnp.maximum(h @ w1[...] + b1[...], 0.0)
    h = h @ w2[...] + b2[...]
    xln = _ln(h, s[...], t[...])
    pos = x[:, 124:127]
    out[...] = jnp.concatenate(
        [xln, pos, jnp.zeros((xln.shape[0], 61), jnp.float32)], axis=-1)


def _make_encode():
    return pl.pallas_call(
        _encode_body,
        grid=(N // NB,),
        in_specs=[pl.BlockSpec((NB, 128), lambda i: (i, 0))]
        + [_full(s) for s in [(128, 64), (1, 64), (64, 64), (1, 64),
                              (64, 64), (1, 64), (1, 64), (1, 64)]],
        out_specs=pl.BlockSpec((NB, 128), lambda i: (i, 0)),
        out_shape=jax.ShapeDtypeStruct((N, 128), jnp.float32),
    )


def _edge0_body(base, gs_, gd_,
                we0p, wdist, be0, we1, be1, we2, be2, es, et,
                mwe, mwxs, mwxd, mb1, mw2, mb2, mw3, mb3, ms, mt,
                out):
    gs = gs_[...]
    gd = gd_[...]
    xs, xd = gs[:, :64], gd[:, :64]
    d = gd[:, 64:80] - gs[:, 64:80]
    dist = jnp.sqrt(jnp.sum(d * d, axis=-1, keepdims=True) + 1e-12)
    h = d @ we0p[...] + dist * wdist[...] + be0[...]
    h = jnp.maximum(h, 0.0)
    h = jnp.maximum(h @ we1[...] + be1[...], 0.0)
    e0 = _ln(h @ we2[...] + be2[...], es[...], et[...])
    h = e0 @ mwe[...] + xs @ mwxs[...] + xd @ mwxd[...] + mb1[...]
    h = jnp.maximum(h, 0.0)
    h = jnp.maximum(h @ mw2[...] + mb2[...], 0.0)
    ef = _ln(h @ mw3[...] + mb3[...], ms[...], mt[...])
    e1 = e0 + ef
    row = base + pl.program_id(0) * EB + lax.broadcasted_iota(
        jnp.int32, (EB, 1), 0)
    e1 = jnp.concatenate([e1, jnp.zeros((EB, 64), jnp.float32)], axis=-1)
    out[...] = jnp.where(row < E, e1, 0.0)


@functools.cache
def _make_edge0(half):
    wshapes = [(16, 64), (1, 64), (1, 64), (64, 64), (1, 64), (64, 64),
               (1, 64), (1, 64), (1, 64),
               (64, 64), (64, 64), (64, 64), (1, 64), (64, 64), (1, 64),
               (64, 64), (1, 64), (1, 64), (1, 64)]
    return pl.pallas_call(
        functools.partial(_edge0_body, half * HALF),
        grid=(HALF // EB,),
        in_specs=[pl.BlockSpec((EB, 128), lambda i: (i, 0)),
                  pl.BlockSpec((EB, 128), lambda i: (i, 0))]
        + [_full(s) for s in wshapes],
        out_specs=pl.BlockSpec((EB, 128), lambda i: (i, 0)),
        out_shape=jax.ShapeDtypeStruct((HALF, 128), jnp.float32),
    )


def _edge1_body(base, e, gs_, gd_, mwe, mwxs, mwxd, mb1, mw2, mb2, mw3, mb3,
                ms, mt, out):
    ein = e[...][:, :64]
    xs, xd = gs_[...][:, :64], gd_[...][:, :64]
    h = ein @ mwe[...] + xs @ mwxs[...] + xd @ mwxd[...] + mb1[...]
    h = jnp.maximum(h, 0.0)
    h = jnp.maximum(h @ mw2[...] + mb2[...], 0.0)
    ef = _ln(h @ mw3[...] + mb3[...], ms[...], mt[...])
    e1 = ein + ef
    row = base + pl.program_id(0) * EB + lax.broadcasted_iota(
        jnp.int32, (EB, 1), 0)
    e1 = jnp.concatenate([e1, jnp.zeros((EB, 64), jnp.float32)], axis=-1)
    out[...] = jnp.where(row < E, e1, 0.0)


@functools.cache
def _make_edge1(half):
    wshapes = [(64, 64), (64, 64), (64, 64), (1, 64), (64, 64), (1, 64),
               (64, 64), (1, 64), (1, 64), (1, 64)]
    return pl.pallas_call(
        functools.partial(_edge1_body, half * HALF),
        grid=(HALF // EB,),
        in_specs=[pl.BlockSpec((EB, 128), lambda i: (i, 0)),
                  pl.BlockSpec((EB, 128), lambda i: (i, 0)),
                  pl.BlockSpec((EB, 128), lambda i: (i, 0))]
        + [_full(s) for s in wshapes],
        out_specs=pl.BlockSpec((EB, 128), lambda i: (i, 0)),
        out_shape=jax.ShapeDtypeStruct((HALF, 128), jnp.float32),
    )


def _agg_specs():
    return [pl.BlockSpec((1, NB, 128), lambda i: (0, i, 0)),
            pl.BlockSpec((1, NB, 128), lambda i: (1, i, 0)),
            pl.BlockSpec((1, NB, 128), lambda i: (0, i, 0)),
            pl.BlockSpec((1, NB, 128), lambda i: (1, i, 0))]


def _node0_body(x, a0, a1, a2, a3, wx, wa, b1, w2, b2, w3, b3, s, t, out):
    xin = x[...][:, :64]
    a = (a0[...][0] + a1[...][0] + a2[...][0] + a3[...][0])[:, :64]
    h = jnp.maximum(xin @ wx[...] + a @ wa[...] + b1[...], 0.0)
    h = jnp.maximum(h @ w2[...] + b2[...], 0.0)
    nf = _ln(h @ w3[...] + b3[...], s[...], t[...])
    x1 = xin + nf
    out[...] = jnp.concatenate(
        [x1, jnp.zeros((x1.shape[0], 64), jnp.float32)], axis=-1)


def _make_node0():
    wshapes = [(64, 64), (64, 64), (1, 64), (64, 64), (1, 64), (64, 64),
               (1, 64), (1, 64), (1, 64)]
    return pl.pallas_call(
        _node0_body,
        grid=(N // NB,),
        in_specs=[pl.BlockSpec((NB, 128), lambda i: (i, 0))]
        + _agg_specs()
        + [_full(s) for s in wshapes],
        out_specs=pl.BlockSpec((NB, 128), lambda i: (i, 0)),
        out_shape=jax.ShapeDtypeStruct((N, 128), jnp.float32),
    )


def _node1_body(x, a0, a1, a2, a3, tar,
                wx, wa, b1, w2, b2, w3, b3, s, t,
                dw0, db0, dw1, db1, dw2p, db2p,
                outp, loss):
    xin = x[...][:, :64]
    a = (a0[...][0] + a1[...][0] + a2[...][0] + a3[...][0])[:, :64]
    h = jnp.maximum(xin @ wx[...] + a @ wa[...] + b1[...], 0.0)
    h = jnp.maximum(h @ w2[...] + b2[...], 0.0)
    nf = _ln(h @ w3[...] + b3[...], s[...], t[...])
    x2 = xin + nf
    h = jnp.maximum(x2 @ dw0[...] + db0[...], 0.0)
    h = jnp.maximum(h @ dw1[...] + db1[...], 0.0)
    o = h @ dw2p[...] + db2p[...]
    outp[...] = o
    bs = jnp.sum((o - tar[...]) ** 2)
    i = pl.program_id(0)
    acc = jnp.where(i == 0, 0.0, loss[...]) + bs
    loss[...] = jnp.where(i == pl.num_programs(0) - 1, acc / NZF, acc)


def _make_node1():
    wshapes = [(64, 64), (64, 64), (1, 64), (64, 64), (1, 64), (64, 64),
               (1, 64), (1, 64), (1, 64),
               (64, 64), (1, 64), (64, 64), (1, 64), (64, 128), (1, 128)]
    return pl.pallas_call(
        _node1_body,
        grid=(N // NB,),
        in_specs=[pl.BlockSpec((NB, 128), lambda i: (i, 0))]
        + _agg_specs()
        + [pl.BlockSpec((NB, 128), lambda i: (i, 0))]
        + [_full(s) for s in wshapes],
        out_specs=[pl.BlockSpec((NB, 128), lambda i: (i, 0)),
                   pl.BlockSpec((1, 1), lambda i: (0, 0))],
        out_shape=[jax.ShapeDtypeStruct((N, 128), jnp.float32),
                   jax.ShapeDtypeStruct((1, 1), jnp.float32)],
    )



@functools.cache
def _sc_mesh():
    return plsc.VectorSubcoreMesh(core_axis_name="c", subcore_axis_name="s",
                                  num_cores=NC, num_subcores=NS)


def _gather_x_body(half, src2, dst2, xt, oxs, oxd, idx_s, idx_d,
                   bxs0, bxd0, bxs1, bxd1, sr0, sw0, sr1, sw1):
    c = lax.axis_index("c")
    s = lax.axis_index("s")
    wid = s * NC + c
    chunk0 = wid * (2 * NCH2)
    hoff = half * NCH2
    pltpu.sync_copy(src2.at[pl.ds(chunk0, 2 * NCH2)], idx_s)
    pltpu.sync_copy(dst2.at[pl.ds(chunk0, 2 * NCH2)], idx_d)
    base = wid * EPW2

    bufs = ((bxs0, bxd0, sr0, sw0), (bxs1, bxd1, sr1, sw1))

    for b in range(2):
        bx, bd, sr, _ = bufs[b]
        pltpu.async_copy(xt.at[idx_s.at[hoff + b]], bx, sr)
        pltpu.async_copy(xt.at[idx_d.at[hoff + b]], bd, sr)

    @pl.loop(0, NCH2, step=2)
    def _(j0):
        for b in range(2):
            j = j0 + b
            bx, bd, sr, sw = bufs[b]
            pltpu.make_async_copy(xt.at[idx_s.at[hoff + j]], bx, sr).wait()
            pltpu.make_async_copy(xt.at[idx_d.at[hoff + j]], bd, sr).wait()
            r0 = base + j * CH
            pltpu.async_copy(bx, oxs.at[pl.ds(r0, CH)], sw)
            pltpu.async_copy(bd, oxd.at[pl.ds(r0, CH)], sw)

            @pl.when(j + 2 < NCH2)
            def _():
                pltpu.make_async_copy(bx, oxs.at[pl.ds(r0, CH)], sw).wait()
                pltpu.make_async_copy(bd, oxd.at[pl.ds(r0, CH)], sw).wait()
                pltpu.async_copy(xt.at[idx_s.at[hoff + j + 2]], bx, sr)
                pltpu.async_copy(xt.at[idx_d.at[hoff + j + 2]], bd, sr)

    for b in range(2):
        bx, bd, _, sw = bufs[b]
        pltpu.make_async_copy(bx, oxs.at[pl.ds(0, CH)], sw).wait()
        pltpu.make_async_copy(bd, oxd.at[pl.ds(0, CH)], sw).wait()


@functools.cache
def _gather_x(half):
    return pl.kernel(
        functools.partial(_gather_x_body, half),
        out_type=[jax.ShapeDtypeStruct((HALF, 128), jnp.float32),
                  jax.ShapeDtypeStruct((HALF, 128), jnp.float32)],
        mesh=_sc_mesh(),
        scratch_types=[pltpu.VMEM((2 * NCH2, CH), jnp.int32),
                       pltpu.VMEM((2 * NCH2, CH), jnp.int32),
                       pltpu.VMEM((CH, 128), jnp.float32),
                       pltpu.VMEM((CH, 128), jnp.float32),
                       pltpu.VMEM((CH, 128), jnp.float32),
                       pltpu.VMEM((CH, 128), jnp.float32),
                       pltpu.SemaphoreType.DMA,
                       pltpu.SemaphoreType.DMA,
                       pltpu.SemaphoreType.DMA,
                       pltpu.SemaphoreType.DMA],
    )


def _scatter_body(half, e2, dst2, zeros_hbm, out,
                  idx0, idx1, eb0, eb1, acc, sm0, sm1):
    c = lax.axis_index("c")
    s = lax.axis_index("s")
    wid = s * NC + c
    rows0 = s * RPT
    pltpu.sync_copy(zeros_hbm.at[pl.ds(rows0, RPT)], acc.at[pl.ds(rows0, RPT)])
    plsc.subcore_barrier()
    chunk0 = half * (HALF // CH) + wid * NCH2
    base = wid * EPW2

    bufs = ((idx0, eb0, sm0), (idx1, eb1, sm1))

    for b in range(2):
        idx, eb, sm = bufs[b]
        pltpu.async_copy(dst2.at[chunk0 + b], idx, sm)
        pltpu.async_copy(e2.at[pl.ds(base + b * CH, CH)], eb, sm)

    @pl.loop(0, NCH2, step=2)
    def _(j0):
        for b in range(2):
            j = j0 + b
            idx, eb, sm = bufs[b]
            pltpu.make_async_copy(dst2.at[chunk0 + j], idx, sm).wait()
            pltpu.make_async_copy(e2.at[pl.ds(base + j * CH, CH)], eb,
                                  sm).wait()
            pltpu.sync_copy(eb, acc.at[idx], add=True)

            @pl.when(j + 2 < NCH2)
            def _():
                pltpu.async_copy(dst2.at[chunk0 + j + 2], idx, sm)
                pltpu.async_copy(e2.at[pl.ds(base + (j + 2) * CH, CH)], eb, sm)

    plsc.subcore_barrier()
    pltpu.sync_copy(acc.at[pl.ds(rows0, RPT)], out.at[c, pl.ds(rows0, RPT)])


@functools.cache
def _scatter(half):
    return pl.kernel(
        functools.partial(_scatter_body, half),
        out_type=jax.ShapeDtypeStruct((NC, ACC, 128), jnp.float32),
        mesh=_sc_mesh(),
        scratch_types=[pltpu.VMEM((CH,), jnp.int32),
                       pltpu.VMEM((CH,), jnp.int32),
                       pltpu.VMEM((CH, 128), jnp.float32),
                       pltpu.VMEM((CH, 128), jnp.float32),
                       pltpu.VMEM_SHARED((ACC, 128), jnp.float32),
                       pltpu.SemaphoreType.DMA,
                       pltpu.SemaphoreType.DMA],
    )



def kernel(m_idx, m_gs, node_in, node_tar, params):
    x0in = node_in[0]
    tar = node_tar[0]
    src = m_gs[0, 0].astype(jnp.int32)
    dst = m_gs[0, 1].astype(jnp.int32)
    src2 = jnp.pad(src, (0, EPAD - E)).reshape(EPAD // CH, CH)
    dst2 = jnp.pad(dst, (0, EPAD - E)).reshape(EPAD // CH, CH)
    def _wmaj(a):
        return (a.reshape(2, NW, NCH2, CH).transpose(1, 0, 2, 3)
                .reshape(EPAD // CH, CH))
    src2g, dst2g = _wmaj(src2), _wmaj(dst2)

    tar_pad = jnp.pad(tar, ((0, 0), (0, 125)))
    zeros_acc = jnp.zeros((ACC, 128), jnp.float32)

    p = params

    def lyr(mp, i):
        return mp["layers"][i]

    def b2(x):
        return x.reshape(1, -1)

    enc = p["encode"]
    (ew0, eb0), (ew1, eb1), (ew2, eb2) = enc["layers"]
    es, et = enc["ln"]
    x0 = _make_encode()(x0in, ew0, b2(eb0), ew1, b2(eb1), ew2, b2(eb2),
                        b2(es), b2(et))

    ee = p["edge_enc"]
    (gw0, gb0), (gw1, gb1), (gw2, gb2) = ee["layers"]
    gs, gt = ee["ln"]
    we0p = jnp.pad(gw0[:3], ((0, 13), (0, 0)))
    wdist = gw0[3:4]
    m0 = lyr(p, 0)["edge"]
    (aw1, ab1), (aw2, ab2), (aw3, ab3) = m0["layers"]
    as_, at_ = m0["ln"]

    def edge0(h, gsh, gdh):
        return _make_edge0(h)(
            gsh, gdh,
            we0p, wdist, b2(gb0), gw1, b2(gb1), gw2, b2(gb2),
            b2(gs), b2(gt),
            aw1[:64], aw1[64:128], aw1[128:], b2(ab1),
            aw2, b2(ab2), aw3, b2(ab3), b2(as_), b2(at_))

    gsA, gdA = _gather_x(0)(src2g, dst2g, x0)
    gsB, gdB = _gather_x(1)(src2g, dst2g, x0)
    eA = edge0(0, gsA, gdA)
    eB = edge0(1, gsB, gdB)
    sA = _scatter(0)(eA, dst2, zeros_acc)
    sB = _scatter(1)(eB, dst2, zeros_acc)

    n0 = lyr(p, 0)["node"]
    (nw1, nb1), (nw2, nb2), (nw3, nb3) = n0["layers"]
    ns_, nt_ = n0["ln"]
    x1 = _make_node0()(x0, sA, sA, sB, sB,
                       nw1[:64], nw1[64:], b2(nb1), nw2, b2(nb2),
                       nw3, b2(nb3), b2(ns_), b2(nt_))

    m1 = lyr(p, 1)["edge"]
    (cw1, cb1), (cw2, cb2), (cw3, cb3) = m1["layers"]
    cs_, ct_ = m1["ln"]

    def edge1(h, eh, gsh, gdh):
        return _make_edge1(h)(
            eh, gsh, gdh,
            cw1[:64], cw1[64:128], cw1[128:], b2(cb1),
            cw2, b2(cb2), cw3, b2(cb3), b2(cs_), b2(ct_))

    gs1A, gd1A = _gather_x(0)(src2g, dst2g, x1)
    gs1B, gd1B = _gather_x(1)(src2g, dst2g, x1)
    e2A = edge1(0, eA, gs1A, gd1A)
    e2B = edge1(1, eB, gs1B, gd1B)
    s2A = _scatter(0)(e2A, dst2, zeros_acc)
    s2B = _scatter(1)(e2B, dst2, zeros_acc)

    n1 = lyr(p, 1)["node"]
    (mw1, mb1), (mw2v, mb2v), (mw3v, mb3v) = n1["layers"]
    ms_, mt_ = n1["ln"]
    dec = p["decode"]
    (dw0, db0), (dw1, db1), (dw2, db2v) = dec["layers"]
    dw2p = jnp.pad(dw2, ((0, 0), (0, 125)))
    db2p = jnp.pad(db2v.reshape(1, -1), ((0, 0), (0, 125)))
    outp, loss = _make_node1()(x1, s2A, s2A, s2B, s2B, tar_pad,
                               mw1[:64], mw1[64:], b2(mb1), mw2v, b2(mb2v),
                               mw3v, b2(mb3v), b2(ms_), b2(mt_),
                               dw0, b2(db0), dw1, b2(db1), dw2p, db2p)

    out = outp[:, :OUT][None]
    nz = jnp.asarray(NZF, jnp.float32)
    return (loss[0, 0], out, nz)

# --- scband reference (transcript-rebuilt; emitter-appended) ---
"""Pipeline reference for scband-fvmodel-general-86122684219964 (READ-ONLY COPY).

The authoritative reference and input builder live on the scoring server;
editing this copy changes nothing except your own understanding.
"""

import jax, jax.numpy as jnp
import numpy as np

POS_DIM = 3

def _make_mlp(key, din, dh, dout, nh, ln):
    dims = [din] + [dh] * nh + [dout]
    ks = jax.random.split(key, nh + 1)
    layers = []
    for i in range(nh + 1):
        W = jax.random.normal(ks[i], (dims[i], dims[i + 1]), dtype=jnp.float32) / np.sqrt(dims[i])
        b = jnp.zeros((dims[i + 1],), dtype=jnp.float32)
        layers.append((W, b))
    p = {"layers": layers}
    if ln:
        p["ln"] = (jnp.ones((dout,), jnp.float32), jnp.zeros((dout,), jnp.float32))
    return p

def _apply_mlp(p, x):
    for W, b in p["layers"][:-1]:
        x = jax.nn.relu(x @ W + b)
    W, b = p["layers"][-1]
    x = x @ W + b
    if "ln" in p:
        s, t = p["ln"]
        m = x.mean(-1, keepdims=True)
        v = ((x - m) ** 2).mean(-1, keepdims=True)
        x = (x - m) / jnp.sqrt(v + 1e-5) * s + t
    return x

def _forward(m_idx, m_gs, node_in, node_tar, params):
    # node_in: [1, N, in_dim]; last pos_dim+1 channels are (pos, node_type)
    x0 = node_in[0]
    tar = node_tar[0]
    pos = x0[:, -(1 + POS_DIM):-1]
    ei = m_gs[0]
    src, dst = ei[0], ei[1]
    n = x0.shape[0]
    # encode
    x = _apply_mlp(params["encode"], x0)
    # edge latent init from relative positions (MeshGraphNet-style)
    rel = pos[dst] - pos[src]
    dist = jnp.sqrt((rel ** 2).sum(-1, keepdims=True) + 1e-12)
    e = _apply_mlp(params["edge_enc"], jnp.concatenate([rel, dist], axis=-1))
    # MP_times=1 outer loop, layer_num GN blocks with residuals (use_res=True)
    for lp in params["layers"]:
        ef = _apply_mlp(lp["edge"], jnp.concatenate([e, x[src], x[dst]], axis=-1))
        e = e + ef
        agg = jax.ops.segment_sum(e, dst, num_segments=n)
        nf = _apply_mlp(lp["node"], jnp.concatenate([x, agg], axis=-1))
        x = x + nf
    out = _apply_mlp(params["decode"], x)
    mse = (out - tar) ** 2
    mask = jnp.ones_like(tar)
    loss = (mse * mask).sum()
    nz = mask.sum()
    return (loss / nz, out[None], nz)

def setup_inputs(seed: int = 0):
    key = jax.random.key(seed)
    N, E, IN, LD, OUT, L, NH = 10000, 160000, 128, 64, 3, 2, 2
    ks = jax.random.split(key, 10)
    node_in = jax.random.normal(ks[0], (1, N, IN), dtype=jnp.float32)
    node_tar = jax.random.normal(ks[1], (1, N, OUT), dtype=jnp.float32)
    m_idx = jax.random.randint(ks[2], (1, N), 0, N)
    m_gs = jax.random.randint(ks[3], (1, 2, E), 0, N)
    params = {
        "encode": _make_mlp(ks[4], IN, LD, LD, NH, True),
        "edge_enc": _make_mlp(ks[5], POS_DIM + 1, LD, LD, NH, True),
        "layers": [
            {"edge": _make_mlp(jax.random.fold_in(ks[6], i), 3 * LD, LD, LD, NH, True),
             "node": _make_mlp(jax.random.fold_in(ks[7], i), 2 * LD, LD, LD, NH, True)}
            for i in range(L)
        ],
        "decode": _make_mlp(ks[8], LD, LD, OUT, NH, False),
    }
    return {"m_idx": m_idx, "m_gs": m_gs, "node_in": node_in, "node_tar": node_tar, "params": params}

def reference(m_idx, m_gs, node_in, node_tar, params):
    return _forward(m_idx, m_gs, node_in, node_tar, params)

if __name__ == "__main__":
    import jax
    _d = setup_inputs()
    print(jax.jit(kernel)(*tuple(_d.values())))

</pallas_src>

<mosaic_0001>
#map = affine_map<(d0, d1) -> (0, 0)>
#map1 = affine_map<(d0, d1) -> (0, 0, 0)>
module attributes {stable_mosaic.version = 14 : i64} {
  func.func @_scatter_body(%arg0: i32, %arg1: i32, %arg2: memref<81920x128xf32, #tpu.memory_space<hbm>>, %arg3: memref<1280x128xi32, #tpu.memory_space<hbm>>, %arg4: memref<10240x128xf32, #tpu.memory_space<hbm>>, %arg5: memref<2x10240x128xf32, #tpu.memory_space<hbm>>, %arg6: memref<128xi32, #tpu.memory_space<vmem>>, %arg7: memref<128xi32, #tpu.memory_space<vmem>>, %arg8: memref<128x128xf32, #tpu.memory_space<vmem>>, %arg9: memref<128x128xf32, #tpu.memory_space<vmem>>, %arg10: memref<10240x128xf32, #tpu.memory_space<vmem_shared>>, %arg11: memref<!tpu.dma_semaphore, #tpu.memory_space<semaphore_mem>>, %arg12: memref<!tpu.dma_semaphore, #tpu.memory_space<semaphore_mem>>) attributes {dimension_semantics = [#tpu.dimension_semantics<core_parallel>, #tpu.dimension_semantics<subcore_parallel>], iteration_bounds = array<i64: 2, 16>, scalar_prefetch = 0 : i64, scratch_operands = 7 : i64, tpu.core_type = #tpu.core_type<sc_vector_subcore>, window_params = [{transform_indices = #map}, {transform_indices = #map}, {transform_indices = #map}, {transform_indices = #map1}]} {
    %mul3A = arith.constant 2 : i32
    %mul3A_0 = arith.muli %arg1, %mul3A : i32
    %add3A = arith.addi %mul3A_0, %arg0 : i32
    %mul3A_1 = arith.constant 640 : i32
    %mul3A_2 = arith.muli %arg1, %mul3A_1 : i32
    "tpu.region"() ({
      %run_scoped3A = tpu.sem_alloc : memref<!tpu.dma_semaphore, #tpu.memory_space<semaphore_mem>>
      %dma_start3A_41 = arith.constant 0 : i32
      %dma_start3A_42 = tpu.memref_slice %arg10[%mul3A_2, %dma_start3A_41] : memref<10240x128xf32, #tpu.memory_space<vmem_shared>> -> memref<640x128xf32, #tpu.memory_space<vmem_shared>>
      %dma_start3A_43 = arith.constant 0 : i32
      %dma_start3A_44 = tpu.memref_slice %arg4[%mul3A_2, %dma_start3A_43] : memref<10240x128xf32, #tpu.memory_space<hbm>> -> memref<640x128xf32, #tpu.memory_space<hbm>>
      tpu.enqueue_dma source(%dma_start3A_44 : memref<640x128xf32, #tpu.memory_space<hbm>>) target(%dma_start3A_42 : memref<640x128xf32, #tpu.memory_space<vmem_shared>>) target_semaphore(%run_scoped3A : memref<!tpu.dma_semaphore, #tpu.memory_space<semaphore_mem>>)
      %dma_wait3A = arith.constant 0 : i32
      %dma_wait3A_45 = tpu.memref_slice %arg10[%mul3A_2, %dma_wait3A] : memref<10240x128xf32, #tpu.memory_space<vmem_shared>> -> memref<640x128xf32, #tpu.memory_space<vmem_shared>>
      %dma_wait3A_46 = arith.constant 0 : i32
      %dma_wait3A_47 = tpu.memref_slice %arg4[%mul3A_2, %dma_wait3A_46] : memref<10240x128xf32, #tpu.memory_space<hbm>> -> memref<640x128xf32, #tpu.memory_space<hbm>>
      tpu.wait_dma2 semaphore(%run_scoped3A : memref<!tpu.dma_semaphore, #tpu.memory_space<semaphore_mem>>) src(%dma_wait3A_47 : memref<640x128xf32, #tpu.memory_space<hbm>>) dst(%dma_wait3A_45 : memref<640x128xf32, #tpu.memory_space<vmem_shared>>)
      tpu.yield
    }) : () -> ()
    %barrier3A = arith.constant 0 : index
    tpu.barrier barrier_id(%barrier3A)
    %mul3A_3 = arith.constant 20 : i32
    %mul3A_4 = arith.muli %add3A, %mul3A_3 : i32
    %add3A_5 = arith.constant 640 : i32
    %add3A_6 = arith.addi %add3A_5, %mul3A_4 : i32
    %mul3A_7 = arith.constant 2560 : i32
    %mul3A_8 = arith.muli %add3A, %mul3A_7 : i32
    %add3A_9 = arith.constant 0 : i32
    %add3A_10 = arith.addi %add3A_6, %add3A_9 : i32
    %dma_start3A = arith.constant 0 : i32
    %dma_start3A_11 = tpu.memref_slice %arg3[%add3A_10, %dma_start3A] : memref<1280x128xi32, #tpu.memory_space<hbm>> -> memref<1x128xi32, #tpu.memory_space<hbm>>
    %dma_start3A_12 = tpu.memref_squeeze %dma_start3A_11 : memref<1x128xi32, #tpu.memory_space<hbm>> -> memref<128xi32, #tpu.memory_space<hbm>>
    %dma_start3A_13 = arith.constant 0 : i32
    %dma_start3A_14 = tpu.memref_slice %arg3[%add3A_10, %dma_start3A_13] : memref<1280x128xi32, #tpu.memory_space<hbm>> -> memref<1x128xi32, #tpu.memory_space<hbm>>
    %dma_start3A_15 = tpu.memref_squeeze %dma_start3A_14 : memref<1x128xi32, #tpu.memory_space<hbm>> -> memref<128xi32, #tpu.memory_space<hbm>>
    tpu.enqueue_dma source(%dma_start3A_15 : memref<128xi32, #tpu.memory_space<hbm>>) target(%arg6 : memref<128xi32, #tpu.memory_space<vmem>>) target_semaphore(%arg11 : memref<!tpu.dma_semaphore, #tpu.memory_space<semaphore_mem>>)
    %add3A_16 = arith.constant 0 : i32
    %add3A_17 = arith.addi %mul3A_8, %add3A_16 : i32
    %dma_start3A_18 = arith.constant 0 : i32
    %dma_start3A_19 = tpu.memref_slice %arg2[%add3A_17, %dma_start3A_18] : memref<81920x128xf32, #tpu.memory_space<hbm>> -> memref<128x128xf32, #tpu.memory_space<hbm>>
    %dma_start3A_20 = arith.constant 0 : i32
    %dma_start3A_21 = tpu.memref_slice %arg2[%add3A_17, %dma_start3A_20] : memref<81920x128xf32, #tpu.memory_space<hbm>> -> memref<128x128xf32, #tpu.memory_space<hbm>>
    tpu.enqueue_dma source(%dma_start3A_21 : memref<128x128xf32, #tpu.memory_space<hbm>>) target(%arg8 : memref<128x128xf32, #tpu.memory_space<vmem>>) target_semaphore(%arg11 : memref<!tpu.dma_semaphore, #tpu.memory_space<semaphore_mem>>)
    %add3A_22 = arith.constant 1 : i32
    %add3A_23 = arith.addi %add3A_6, %add3A_22 : i32
    %dma_start3A_24 = arith.constant 0 : i32
    %dma_start3A_25 = tpu.memref_slice %arg3[%add3A_23, %dma_start3A_24] : memref<1280x128xi32, #tpu.memory_space<hbm>> -> memref<1x128xi32, #tpu.memory_space<hbm>>
    %dma_start3A_26 = tpu.memref_squeeze %dma_start3A_25 : memref<1x128xi32, #tpu.memory_space<hbm>> -> memref<128xi32, #tpu.memory_space<hbm>>
    %dma_start3A_27 = arith.constant 0 : i32
    %dma_start3A_28 = tpu.memref_slice %arg3[%add3A_23, %dma_start3A_27] : memref<1280x128xi32, #tpu.memory_space<hbm>> -> memref<1x128xi32, #tpu.memory_space<hbm>>
    %dma_start3A_29 = tpu.memref_squeeze %dma_start3A_28 : memref<1x128xi32, #tpu.memory_space<hbm>> -> memref<128xi32, #tpu.memory_space<hbm>>
    tpu.enqueue_dma source(%dma_start3A_29 : memref<128xi32, #tpu.memory_space<hbm>>) target(%arg7 : memref<128xi32, #tpu.memory_space<vmem>>) target_semaphore(%arg12 : memref<!tpu.dma_semaphore, #tpu.memory_space<semaphore_mem>>)
    %add3A_30 = arith.constant 128 : i32
    %add3A_31 = arith.addi %mul3A_8, %add3A_30 : i32
    %dma_start3A_32 = arith.constant 0 : i32
    %dma_start3A_33 = tpu.memref_slice %arg2[%add3A_31, %dma_start3A_32] : memref<81920x128xf32, #tpu.memory_space<hbm>> -> memref<128x128xf32, #tpu.memory_space<hbm>>
    %dma_start3A_34 = arith.constant 0 : i32
    %dma_start3A_35 = tpu.memref_slice %arg2[%add3A_31, %dma_start3A_34] : memref<81920x128xf32, #tpu.memory_space<hbm>> -> memref<128x128xf32, #tpu.memory_space<hbm>>
    tpu.enqueue_dma source(%dma_start3A_35 : memref<128x128xf32, #tpu.memory_space<hbm>>) target(%arg9 : memref<128x128xf32, #tpu.memory_space<vmem>>) target_semaphore(%arg12 : memref<!tpu.dma_semaphore, #tpu.memory_space<semaphore_mem>>)
    %scan3A = arith.constant 0 : i32
    %scan3A_36 = arith.constant 10 : i32
    %scan3A_37 = arith.addi %scan3A, %scan3A_36 : i32
    %scan3A_38 = arith.constant 1 : i32
    scf.for %scan3A_41 = %scan3A to %scan3A_37 step %scan3A_38  : i32 {
      %mul3A_42 = arith.constant 2 : i32
      %mul3A_43 = arith.muli %scan3A_41, %mul3A_42 : i32
      %add3A_44 = arith.constant 0 : i32
      %add3A_45 = arith.addi %add3A_44, %mul3A_43 : i32
      %add3A_46 = arith.constant 0 : i32
      %add3A_47 = arith.addi %add3A_45, %add3A_46 : i32
      %add3A_48 = arith.addi %add3A_6, %add3A_47 : i32
      %dma_wait3A = arith.constant 0 : i32
      %dma_wait3A_49 = tpu.memref_slice %arg3[%add3A_48, %dma_wait3A] : memref<1280x128xi32, #tpu.memory_space<hbm>> -> memref<1x128xi32, #tpu.memory_space<hbm>>
      %dma_wait3A_50 = tpu.memref_squeeze %dma_wait3A_49 : memref<1x128xi32, #tpu.memory_space<hbm>> -> memref<128xi32, #tpu.memory_space<hbm>>
      %dma_wait3A_51 = arith.constant 0 : i32
      %dma_wait3A_52 = tpu.memref_slice %arg3[%add3A_48, %dma_wait3A_51] : memref<1280x128xi32, #tpu.memory_space<hbm>> -> memref<1x128xi32, #tpu.memory_space<hbm>>
      %dma_wait3A_53 = tpu.memref_squeeze %dma_wait3A_52 : memref<1x128xi32, #tpu.memory_space<hbm>> -> memref<128xi32, #tpu.memory_space<hbm>>
      tpu.wait_dma2 semaphore(%arg11 : memref<!tpu.dma_semaphore, #tpu.memory_space<semaphore_mem>>) src(%dma_wait3A_53 : memref<128xi32, #tpu.memory_space<hbm>>) dst(%arg6 : memref<128xi32, #tpu.memory_space<vmem>>)
      %mul3A_54 = arith.constant 128 : i32
      %mul3A_55 = arith.muli %add3A_47, %mul3A_54 : i32
      %add3A_56 = arith.addi %mul3A_8, %mul3A_55 : i32
      %dma_wait3A_57 = arith.constant 0 : i32
      %dma_wait3A_58 = tpu.memref_slice %arg2[%add3A_56, %dma_wait3A_57] : memref<81920x128xf32, #tpu.memory_space<hbm>> -> memref<128x128xf32, #tpu.memory_space<hbm>>
      %dma_wait3A_59 = arith.constant 0 : i32
      %dma_wait3A_60 = tpu.memref_slice %arg2[%add3A_56, %dma_wait3A_59] : memref<81920x128xf32, #tpu.memory_space<hbm>> -> memref<128x128xf32, #tpu.memory_space<hbm>>
      tpu.wait_dma2 semaphore(%arg11 : memref<!tpu.dma_semaphore, #tpu.memory_space<semaphore_mem>>) src(%dma_wait3A_60 : memref<128x128xf32, #tpu.memory_space<hbm>>) dst(%arg8 : memref<128x128xf32, #tpu.memory_space<vmem>>)
      "tpu.region"() ({
        %run_scoped3A = tpu.sem_alloc : memref<!tpu.dma_semaphore, #tpu.memory_space<semaphore_mem>>
        %dma_start3A_88 = arith.constant 0 : i32
        %dma_start3A_89 = arith.constant 0 : i32
        %dma_start3A_90 = tpu.memref_slice %arg10[%dma_start3A_88, %dma_start3A_89] : memref<10240x128xf32, #tpu.memory_space<vmem_shared>> -> memref<10240x128xf32, #tpu.memory_space<vmem_shared>>
        tpu.enqueue_indirect_dma source(%arg8 : memref<128x128xf32, #tpu.memory_space<vmem>>) target(%dma_start3A_90 : memref<10240x128xf32, #tpu.memory_space<vmem_shared>>) offsets(%arg6 : memref<128xi32, #tpu.memory_space<vmem>>) semaphore(%run_scoped3A : memref<!tpu.dma_semaphore, #tpu.memory_space<semaphore_mem>>) {add = true}
        %dma_wait3A_91 = arith.constant 0 : i32
        %dma_wait3A_92 = arith.constant 0 : i32
        %dma_wait3A_93 = tpu.memref_slice %arg10[%dma_wait3A_91, %dma_wait3A_92] : memref<10240x128xf32, #tpu.memory_space<vmem_shared>> -> memref<10240x128xf32, #tpu.memory_space<vmem_shared>>
        tpu.wait_indirect_dma semaphore(%run_scoped3A : memref<!tpu.dma_semaphore, #tpu.memory_space<semaphore_mem>>) src(%arg8 : memref<128x128xf32, #tpu.memory_space<vmem>>) dst(%dma_wait3A_93 : memref<10240x128xf32, #tpu.memory_space<vmem_shared>>)
        tpu.yield
      }) : () -> ()
      %add3A_61 = arith.constant 2 : i32
      %add3A_62 = arith.addi %add3A_47, %add3A_61 : i32
      %lt3A = arith.constant 20 : i32
      %lt3A_63 = arith.cmpi slt, %add3A_62, %lt3A : i32
      %convert_element_type3A = arith.extui %lt3A_63 : i1 to i32
      %cond3A = arith.constant 0 : i32
      %cond3A_64 = arith.cmpi ne, %convert_element_type3A, %cond3A : i32
      scf.if %cond3A_64 {
        %add3A_88 = arith.addi %add3A_6, %add3A_47 : i32
        %add3A_89 = arith.constant 2 : i32
        %add3A_90 = arith.addi %add3A_88, %add3A_89 : i32
        %dma_start3A_91 = arith.constant 0 : i32
        %dma_start3A_92 = tpu.memref_slice %arg3[%add3A_90, %dma_start3A_91] : memref<1280x128xi32, #tpu.memory_space<hbm>> -> memref<1x128xi32, #tpu.memory_space<hbm>>
        %dma_start3A_93 = tpu.memref_squeeze %dma_start3A_92 : memref<1x128xi32, #tpu.memory_space<hbm>> -> memref<128xi32, #tpu.memory_space<hbm>>
        %dma_start3A_94 = arith.constant 0 : i32
        %dma_start3A_95 = tpu.memref_slice %arg3[%add3A_90, %dma_start3A_94] : memref<1280x128xi32, #tpu.memory_space<hbm>> -> memref<1x128xi32, #tpu.memory_space<hbm>>
        %dma_start3A_96 = tpu.memref_squeeze %dma_start3A_95 : memref<1x128xi32, #tpu.memory_space<hbm>> -> memref<128xi32, #tpu.memory_space<hbm>>
        tpu.enqueue_dma source(%dma_start3A_96 : memref<128xi32, #tpu.memory_space<hbm>>) target(%arg6 : memref<128xi32, #tpu.memory_space<vmem>>) target_semaphore(%arg11 : memref<!tpu.dma_semaphore, #tpu.memory_space<semaphore_mem>>)
        %add3A_97 = arith.constant 2 : i32
        %add3A_98 = arith.addi %add3A_47, %add3A_97 : i32
        %mul3A_99 = arith.constant 128 : i32
        %mul3A_100 = arith.muli %add3A_98, %mul3A_99 : i32
        %add3A_101 = arith.addi %mul3A_8, %mul3A_100 : i32
        %dma_start3A_102 = arith.constant 0 : i32
        %dma_start3A_103 = tpu.memref_slice %arg2[%add3A_101, %dma_start3A_102] : memref<81920x128xf32, #tpu.memory_space<hbm>> -> memref<128x128xf32, #tpu.memory_space<hbm>>
        %dma_start3A_104 = arith.constant 0 : i32
        %dma_start3A_105 = tpu.memref_slice %arg2[%add3A_101, %dma_start3A_104] : memref<81920x128xf32, #tpu.memory_space<hbm>> -> memref<128x128xf32, #tpu.memory_space<hbm>>
        tpu.enqueue_dma source(%dma_start3A_105 : memref<128x128xf32, #tpu.memory_space<hbm>>) target(%arg8 : memref<128x128xf32, #tpu.memory_space<vmem>>) target_semaphore(%arg11 : memref<!tpu.dma_semaphore, #tpu.memory_space<semaphore_mem>>)
      } else {
      }
      %add3A_65 = arith.constant 1 : i32
      %add3A_66 = arith.addi %add3A_45, %add3A_65 : i32
      %add3A_67 = arith.addi %add3A_6, %add3A_66 : i32
      %dma_wait3A_68 = arith.constant 0 : i32
      %dma_wait3A_69 = tpu.memref_slice %arg3[%add3A_67, %dma_wait3A_68] : memref<1280x128xi32, #tpu.memory_space<hbm>> -> memref<1x128xi32, #tpu.memory_space<hbm>>
      %dma_wait3A_70 = tpu.memref_squeeze %dma_wait3A_69 : memref<1x128xi32, #tpu.memory_space<hbm>> -> memref<128xi32, #tpu.memory_space<hbm>>
      %dma_wait3A_71 = arith.constant 0 : i32
      %dma_wait3A_72 = tpu.memref_slice %arg3[%add3A_67, %dma_wait3A_71] : memref<1280x128xi32, #tpu.memory_space<hbm>> -> memref<1x128xi32, #tpu.memory_space<hbm>>
      %dma_wait3A_73 = tpu.memref_squeeze %dma_wait3A_72 : memref<1x128xi32, #tpu.memory_space<hbm>> -> memref<128xi32, #tpu.memory_space<hbm>>
      tpu.wait_dma2 semaphore(%arg12 : memref<!tpu.dma_semaphore, #tpu.memory_space<semaphore_mem>>) src(%dma_wait3A_73 : memref<128xi32, #tpu.memory_space<hbm>>) dst(%arg7 : memref<128xi32, #tpu.memory_space<vmem>>)
      %mul3A_74 = arith.constant 128 : i32
      %mul3A_75 = arith.muli %add3A_66, %mul3A_74 : i32
      %add3A_76 = arith.addi %mul3A_8, %mul3A_75 : i32
      %dma_wait3A_77 = arith.constant 0 : i32
      %dma_wait3A_78 = tpu.memref_slice %arg2[%add3A_76, %dma_wait3A_77] : memref<81920x128xf32, #tpu.memory_space<hbm>> -> memref<128x128xf32, #tpu.memory_space<hbm>>
      %dma_wait3A_79 = arith.constant 0 : i32
      %dma_wait3A_80 = tpu.memref_slice %arg2[%add3A_76, %dma_wait3A_79] : memref<81920x128xf32, #tpu.memory_space<hbm>> -> memref<128x128xf32, #tpu.memory_space<hbm>>
      tpu.wait_dma2 semaphore(%arg12 : memref<!tpu.dma_semaphore, #tpu.memory_space<semaphore_mem>>) src(%dma_wait3A_80 : memref<128x128xf32, #tpu.memory_space<hbm>>) dst(%arg9 : memref<128x128xf32, #tpu.memory_space<vmem>>)
      "tpu.region"() ({
        %run_scoped3A = tpu.sem_alloc : memref<!tpu.dma_semaphore, #tpu.memory_space<semaphore_mem>>
        %dma_start3A_88 = arith.constant 0 : i32
        %dma_start3A_89 = arith.constant 0 : i32
        %dma_start3A_90 = tpu.memref_slice %arg10[%dma_start3A_88, %dma_start3A_89] : memref<10240x128xf32, #tpu.memory_space<vmem_shared>> -> memref<10240x128xf32, #tpu.memory_space<vmem_shared>>
        tpu.enqueue_indirect_dma source(%arg9 : memref<128x128xf32, #tpu.memory_space<vmem>>) target(%dma_start3A_90 : memref<10240x128xf32, #tpu.memory_space<vmem_shared>>) offsets(%arg7 : memref<128xi32, #tpu.memory_space<vmem>>) semaphore(%run_scoped3A : memref<!tpu.dma_semaphore, #tpu.memory_space<semaphore_mem>>) {add = true}
        %dma_wait3A_91 = arith.constant 0 : i32
        %dma_wait3A_92 = arith.constant 0 : i32
        %dma_wait3A_93 = tpu.memref_slice %arg10[%dma_wait3A_91, %dma_wait3A_92] : memref<10240x128xf32, #tpu.memory_space<vmem_shared>> -> memref<10240x128xf32, #tpu.memory_space<vmem_shared>>
        tpu.wait_indirect_dma semaphore(%run_scoped3A : memref<!tpu.dma_semaphore, #tpu.memory_space<semaphore_mem>>) src(%arg9 : memref<128x128xf32, #tpu.memory_space<vmem>>) dst(%dma_wait3A_93 : memref<10240x128xf32, #tpu.memory_space<vmem_shared>>)
        tpu.yield
      }) : () -> ()
      %add3A_81 = arith.constant 2 : i32
      %add3A_82 = arith.addi %add3A_66, %add3A_81 : i32
      %lt3A_83 = arith.constant 20 : i32
      %lt3A_84 = arith.cmpi slt, %add3A_82, %lt3A_83 : i32
      %convert_element_type3A_85 = arith.extui %lt3A_84 : i1 to i32
      %cond3A_86 = arith.constant 0 : i32
      %cond3A_87 = arith.cmpi ne, %convert_element_type3A_85, %cond3A_86 : i32
      scf.if %cond3A_87 {
        %add3A_88 = arith.addi %add3A_6, %add3A_66 : i32
        %add3A_89 = arith.constant 2 : i32
        %add3A_90 = arith.addi %add3A_88, %add3A_89 : i32
        %dma_start3A_91 = arith.constant 0 : i32
        %dma_start3A_92 = tpu.memref_slice %arg3[%add3A_90, %dma_start3A_91] : memref<1280x128xi32, #tpu.memory_space<hbm>> -> memref<1x128xi32, #tpu.memory_space<hbm>>
        %dma_start3A_93 = tpu.memref_squeeze %dma_start3A_92 : memref<1x128xi32, #tpu.memory_space<hbm>> -> memref<128xi32, #tpu.memory_space<hbm>>
        %dma_start3A_94 = arith.constant 0 : i32
        %dma_start3A_95 = tpu.memref_slice %arg3[%add3A_90, %dma_start3A_94] : memref<1280x128xi32, #tpu.memory_space<hbm>> -> memref<1x128xi32, #tpu.memory_space<hbm>>
        %dma_start3A_96 = tpu.memref_squeeze %dma_start3A_95 : memref<1x128xi32, #tpu.memory_space<hbm>> -> memref<128xi32, #tpu.memory_space<hbm>>
        tpu.enqueue_dma source(%dma_start3A_96 : memref<128xi32, #tpu.memory_space<hbm>>) target(%arg7 : memref<128xi32, #tpu.memory_space<vmem>>) target_semaphore(%arg12 : memref<!tpu.dma_semaphore, #tpu.memory_space<semaphore_mem>>)
        %add3A_97 = arith.constant 2 : i32
        %add3A_98 = arith.addi %add3A_66, %add3A_97 : i32
        %mul3A_99 = arith.constant 128 : i32
        %mul3A_100 = arith.muli %add3A_98, %mul3A_99 : i32
        %add3A_101 = arith.addi %mul3A_8, %mul3A_100 : i32
        %dma_start3A_102 = arith.constant 0 : i32
        %dma_start3A_103 = tpu.memref_slice %arg2[%add3A_101, %dma_start3A_102] : memref<81920x128xf32, #tpu.memory_space<hbm>> -> memref<128x128xf32, #tpu.memory_space<hbm>>
        %dma_start3A_104 = arith.constant 0 : i32
        %dma_start3A_105 = tpu.memref_slice %arg2[%add3A_101, %dma_start3A_104] : memref<81920x128xf32, #tpu.memory_space<hbm>> -> memref<128x128xf32, #tpu.memory_space<hbm>>
        tpu.enqueue_dma source(%dma_start3A_105 : memref<128x128xf32, #tpu.memory_space<hbm>>) target(%arg9 : memref<128x128xf32, #tpu.memory_space<vmem>>) target_semaphore(%arg12 : memref<!tpu.dma_semaphore, #tpu.memory_space<semaphore_mem>>)
      } else {
      }
    }
    %scan3A_39 = arith.constant 10 : i32
    %barrier3A_40 = arith.constant 0 : index
    tpu.barrier barrier_id(%barrier3A_40)
    "tpu.region"() ({
      %run_scoped3A = tpu.sem_alloc : memref<!tpu.dma_semaphore, #tpu.memory_space<semaphore_mem>>
      %dma_start3A_41 = arith.constant 0 : i32
      %dma_start3A_42 = tpu.memref_slice %arg5[%arg0, %mul3A_2, %dma_start3A_41] : memref<2x10240x128xf32, #tpu.memory_space<hbm>> -> memref<1x640x128xf32, #tpu.memory_space<hbm>>
      %dma_start3A_43 = tpu.memref_squeeze %dma_start3A_42 : memref<1x640x128xf32, #tpu.memory_space<hbm>> -> memref<640x128xf32, #tpu.memory_space<hbm>>
      %dma_start3A_44 = arith.constant 0 : i32
      %dma_start3A_45 = tpu.memref_slice %arg10[%mul3A_2, %dma_start3A_44] : memref<10240x128xf32, #tpu.memory_space<vmem_shared>> -> memref<640x128xf32, #tpu.memory_space<vmem_shared>>
      tpu.enqueue_dma source(%dma_start3A_45 : memref<640x128xf32, #tpu.memory_space<vmem_shared>>) target(%dma_start3A_43 : memref<640x128xf32, #tpu.memory_space<hbm>>) target_semaphore(%run_scoped3A : memref<!tpu.dma_semaphore, #tpu.memory_space<semaphore_mem>>)
      %dma_wait3A = arith.constant 0 : i32
      %dma_wait3A_46 = tpu.memref_slice %arg5[%arg0, %mul3A_2, %dma_wait3A] : memref<2x10240x128xf32, #tpu.memory_space<hbm>> -> memref<1x640x128xf32, #tpu.memory_space<hbm>>
      %dma_wait3A_47 = tpu.memref_squeeze %dma_wait3A_46 : memref<1x640x128xf32, #tpu.memory_space<hbm>> -> memref<640x128xf32, #tpu.memory_space<hbm>>
      %dma_wait3A_48 = arith.constant 0 : i32
      %dma_wait3A_49 = tpu.memref_slice %arg10[%mul3A_2, %dma_wait3A_48] : memref<10240x128xf32, #tpu.memory_space<vmem_shared>> -> memref<640x128xf32, #tpu.memory_space<vmem_shared>>
      tpu.wait_dma2 semaphore(%run_scoped3A : memref<!tpu.dma_semaphore, #tpu.memory_space<semaphore_mem>>) src(%dma_wait3A_49 : memref<640x128xf32, #tpu.memory_space<vmem_shared>>) dst(%dma_wait3A_47 : memref<640x128xf32, #tpu.memory_space<hbm>>)
      tpu.yield
    }) : () -> ()
    return
  }
}

#map = affine_map<(d0, d1) -> (0, 0)>
module attributes {stable_mosaic.version = 14 : i64} {
  func.func @_gather_x_body(%arg0: i32, %arg1: i32, %arg2: memref<1280x128xi32, #tpu.memory_space<hbm>>, %arg3: memref<1280x128xi32, #tpu.memory_space<hbm>>, %arg4: memref<10000x128xf32, #tpu.memory_space<hbm>>, %arg5: memref<81920x128xf32, #tpu.memory_space<hbm>>, %arg6: memref<81920x128xf32, #tpu.memory_space<hbm>>, %arg7: memref<40x128xi32, #tpu.memory_space<vmem>>, %arg8: memref<40x128xi32, #tpu.memory_space<vmem>>, %arg9: memref<128x128xf32, #tpu.memory_space<vmem>>, %arg10: memref<128x128xf32, #tpu.memory_space<vmem>>, %arg11: memref<128x128xf32, #tpu.memory_space<vmem>>, %arg12: memref<128x128xf32, #tpu.memory_space<vmem>>, %arg13: memref<!tpu.dma_semaphore, #tpu.memory_space<semaphore_mem>>, %arg14: memref<!tpu.dma_semaphore, #tpu.memory_space<semaphore_mem>>, %arg15: memref<!tpu.dma_semaphore, #tpu.memory_space<semaphore_mem>>, %arg16: memref<!tpu.dma_semaphore, #tpu.memory_space<semaphore_mem>>) attributes {dimension_semantics = [#tpu.dimension_semantics<core_parallel>, #tpu.dimension_semantics<subcore_parallel>], iteration_bounds = array<i64: 2, 16>, scalar_prefetch = 0 : i64, scratch_operands = 10 : i64, tpu.core_type = #tpu.core_type<sc_vector_subcore>, window_params = [{transform_indices = #map}, {transform_indices = #map}, {transform_indices = #map}, {transform_indices = #map}, {transform_indices = #map}]} {
    %mul3A = arith.constant 2 : i32
    %mul3A_0 = arith.muli %arg1, %mul3A : i32
    %add3A = arith.addi %mul3A_0, %arg0 : i32
    %mul3A_1 = arith.constant 40 : i32
    %mul3A_2 = arith.muli %add3A, %mul3A_1 : i32
    "tpu.region"() ({
      %run_scoped3A = tpu.sem_alloc : memref<!tpu.dma_semaphore, #tpu.memory_space<semaphore_mem>>
      %dma_start3A_59 = arith.constant 0 : i32
      %dma_start3A_60 = tpu.memref_slice %arg2[%mul3A_2, %dma_start3A_59] : memref<1280x128xi32, #tpu.memory_space<hbm>> -> memref<40x128xi32, #tpu.memory_space<hbm>>
      %dma_start3A_61 = arith.constant 0 : i32
      %dma_start3A_62 = tpu.memref_slice %arg2[%mul3A_2, %dma_start3A_61] : memref<1280x128xi32, #tpu.memory_space<hbm>> -> memref<40x128xi32, #tpu.memory_space<hbm>>
      tpu.enqueue_dma source(%dma_start3A_62 : memref<40x128xi32, #tpu.memory_space<hbm>>) target(%arg7 : memref<40x128xi32, #tpu.memory_space<vmem>>) target_semaphore(%run_scoped3A : memref<!tpu.dma_semaphore, #tpu.memory_space<semaphore_mem>>)
      %dma_wait3A_63 = arith.constant 0 : i32
      %dma_wait3A_64 = tpu.memref_slice %arg2[%mul3A_2, %dma_wait3A_63] : memref<1280x128xi32, #tpu.memory_space<hbm>> -> memref<40x128xi32, #tpu.memory_space<hbm>>
      %dma_wait3A_65 = arith.constant 0 : i32
      %dma_wait3A_66 = tpu.memref_slice %arg2[%mul3A_2, %dma_wait3A_65] : memref<1280x128xi32, #tpu.memory_space<hbm>> -> memref<40x128xi32, #tpu.memory_space<hbm>>
      tpu.wait_dma2 semaphore(%run_scoped3A : memref<!tpu.dma_semaphore, #tpu.memory_space<semaphore_mem>>) src(%dma_wait3A_66 : memref<40x128xi32, #tpu.memory_space<hbm>>) dst(%arg7 : memref<40x128xi32, #tpu.memory_space<vmem>>)
      tpu.yield
    }) : () -> ()
    "tpu.region"() ({
      %run_scoped3A = tpu.sem_alloc : memref<!tpu.dma_semaphore, #tpu.memory_space<semaphore_mem>>
      %dma_start3A_59 = arith.constant 0 : i32
      %dma_start3A_60 = tpu.memref_slice %arg3[%mul3A_2, %dma_start3A_59] : memref<1280x128xi32, #tpu.memory_space<hbm>> -> memref<40x128xi32, #tpu.memory_space<hbm>>
      %dma_start3A_61 = arith.constant 0 : i32
      %dma_start3A_62 = tpu.memref_slice %arg3[%mul3A_2, %dma_start3A_61] : memref<1280x128xi32, #tpu.memory_space<hbm>> -> memref<40x128xi32, #tpu.memory_space<hbm>>
      tpu.enqueue_dma source(%dma_start3A_62 : memref<40x128xi32, #tpu.memory_space<hbm>>) target(%arg8 : memref<40x128xi32, #tpu.memory_space<vmem>>) target_semaphore(%run_scoped3A : memref<!tpu.dma_semaphore, #tpu.memory_space<semaphore_mem>>)
      %dma_wait3A_63 = arith.constant 0 : i32
      %dma_wait3A_64 = tpu.memref_slice %arg3[%mul3A_2, %dma_wait3A_63] : memref<1280x128xi32, #tpu.memory_space<hbm>> -> memref<40x128xi32, #tpu.memory_space<hbm>>
      %dma_wait3A_65 = arith.constant 0 : i32
      %dma_wait3A_66 = tpu.memref_slice %arg3[%mul3A_2, %dma_wait3A_65] : memref<1280x128xi32, #tpu.memory_space<hbm>> -> memref<40x128xi32, #tpu.memory_space<hbm>>
      tpu.wait_dma2 semaphore(%run_scoped3A : memref<!tpu.dma_semaphore, #tpu.memory_space<semaphore_mem>>) src(%dma_wait3A_66 : memref<40x128xi32, #tpu.memory_space<hbm>>) dst(%arg8 : memref<40x128xi32, #tpu.memory_space<vmem>>)
      tpu.yield
    }) : () -> ()
    %mul3A_3 = arith.constant 2560 : i32
    %mul3A_4 = arith.muli %add3A, %mul3A_3 : i32
    %dma_start3A = arith.constant 0 : i32
    %dma_start3A_5 = arith.constant 0 : i32
    %dma_start3A_6 = tpu.memref_slice %arg7[%dma_start3A, %dma_start3A_5] : memref<40x128xi32, #tpu.memory_space<vmem>> -> memref<1x128xi32, #tpu.memory_space<vmem>>
    %dma_start3A_7 = tpu.memref_squeeze %dma_start3A_6 : memref<1x128xi32, #tpu.memory_space<vmem>> -> memref<128xi32, #tpu.memory_space<vmem>>
    %dma_start3A_8 = arith.constant 0 : i32
    %dma_start3A_9 = arith.constant 0 : i32
    %dma_start3A_10 = tpu.memref_slice %arg4[%dma_start3A_8, %dma_start3A_9] : memref<10000x128xf32, #tpu.memory_space<hbm>> -> memref<10000x128xf32, #tpu.memory_space<hbm>>
    tpu.enqueue_indirect_dma source(%dma_start3A_10 : memref<10000x128xf32, #tpu.memory_space<hbm>>) target(%arg9 : memref<128x128xf32, #tpu.memory_space<vmem>>) offsets(%dma_start3A_7 : memref<128xi32, #tpu.memory_space<vmem>>) semaphore(%arg13 : memref<!tpu.dma_semaphore, #tpu.memory_space<semaphore_mem>>)
    %dma_start3A_11 = arith.constant 0 : i32
    %dma_start3A_12 = arith.constant 0 : i32
    %dma_start3A_13 = tpu.memref_slice %arg8[%dma_start3A_11, %dma_start3A_12] : memref<40x128xi32, #tpu.memory_space<vmem>> -> memref<1x128xi32, #tpu.memory_space<vmem>>
    %dma_start3A_14 = tpu.memref_squeeze %dma_start3A_13 : memref<1x128xi32, #tpu.memory_space<vmem>> -> memref<128xi32, #tpu.memory_space<vmem>>
    %dma_start3A_15 = arith.constant 0 : i32
    %dma_start3A_16 = arith.constant 0 : i32
    %dma_start3A_17 = tpu.memref_slice %arg4[%dma_start3A_15, %dma_start3A_16] : memref<10000x128xf32, #tpu.memory_space<hbm>> -> memref<10000x128xf32, #tpu.memory_space<hbm>>
    tpu.enqueue_indirect_dma source(%dma_start3A_17 : memref<10000x128xf32, #tpu.memory_space<hbm>>) target(%arg10 : memref<128x128xf32, #tpu.memory_space<vmem>>) offsets(%dma_start3A_14 : memref<128xi32, #tpu.memory_space<vmem>>) semaphore(%arg13 : memref<!tpu.dma_semaphore, #tpu.memory_space<semaphore_mem>>)
    %dma_start3A_18 = arith.constant 1 : i32
    %dma_start3A_19 = arith.constant 0 : i32
    %dma_start3A_20 = tpu.memref_slice %arg7[%dma_start3A_18, %dma_start3A_19] : memref<40x128xi32, #tpu.memory_space<vmem>> -> memref<1x128xi32, #tpu.memory_space<vmem>>
    %dma_start3A_21 = tpu.memref_squeeze %dma_start3A_20 : memref<1x128xi32, #tpu.memory_space<vmem>> -> memref<128xi32, #tpu.memory_space<vmem>>
    %dma_start3A_22 = arith.constant 0 : i32
    %dma_start3A_23 = arith.constant 0 : i32
    %dma_start3A_24 = tpu.memref_slice %arg4[%dma_start3A_22, %dma_start3A_23] : memref<10000x128xf32, #tpu.memory_space<hbm>> -> memref<10000x128xf32, #tpu.memory_space<hbm>>
    tpu.enqueue_indirect_dma source(%dma_start3A_24 : memref<10000x128xf32, #tpu.memory_space<hbm>>) target(%arg11 : memref<128x128xf32, #tpu.memory_space<vmem>>) offsets(%dma_start3A_21 : memref<128xi32, #tpu.memory_space<vmem>>) semaphore(%arg15 : memref<!tpu.dma_semaphore, #tpu.memory_space<semaphore_mem>>)
    %dma_start3A_25 = arith.constant 1 : i32
    %dma_start3A_26 = arith.constant 0 : i32
    %dma_start3A_27 = tpu.memref_slice %arg8[%dma_start3A_25, %dma_start3A_26] : memref<40x128xi32, #tpu.memory_space<vmem>> -> memref<1x128xi32, #tpu.memory_space<vmem>>
    %dma_start3A_28 = tpu.memref_squeeze %dma_start3A_27 : memref<1x128xi32, #tpu.memory_space<vmem>> -> memref<128xi32, #tpu.memory_space<vmem>>
    %dma_start3A_29 = arith.constant 0 : i32
    %dma_start3A_30 = arith.constant 0 : i32
    %dma_start3A_31 = tpu.memref_slice %arg4[%dma_start3A_29, %dma_start3A_30] : memref<10000x128xf32, #tpu.memory_space<hbm>> -> memref<10000x128xf32, #tpu.memory_space<hbm>>
    tpu.enqueue_indirect_dma source(%dma_start3A_31 : memref<10000x128xf32, #tpu.memory_space<hbm>>) target(%arg12 : memref<128x128xf32, #tpu.memory_space<vmem>>) offsets(%dma_start3A_28 : memref<128xi32, #tpu.memory_space<vmem>>) semaphore(%arg15 : memref<!tpu.dma_semaphore, #tpu.memory_space<semaphore_mem>>)
    %scan3A = arith.constant 0 : i32
    %scan3A_32 = arith.constant 10 : i32
    %scan3A_33 = arith.addi %scan3A, %scan3A_32 : i32
    %scan3A_34 = arith.constant 1 : i32
    scf.for %scan3A_59 = %scan3A to %scan3A_33 step %scan3A_34  : i32 {
      %mul3A_60 = arith.constant 2 : i32
      %mul3A_61 = arith.muli %scan3A_59, %mul3A_60 : i32
      %add3A_62 = arith.constant 0 : i32
      %add3A_63 = arith.addi %add3A_62, %mul3A_61 : i32
      %add3A_64 = arith.constant 0 : i32
      %add3A_65 = arith.addi %add3A_63, %add3A_64 : i32
      %add3A_66 = arith.constant 0 : i32
      %add3A_67 = arith.addi %add3A_66, %add3A_65 : i32
      %dma_wait3A_68 = arith.constant 0 : i32
      %dma_wait3A_69 = tpu.memref_slice %arg7[%add3A_67, %dma_wait3A_68] : memref<40x128xi32, #tpu.memory_space<vmem>> -> memref<1x128xi32, #tpu.memory_space<vmem>>
      %dma_wait3A_70 = tpu.memref_squeeze %dma_wait3A_69 : memref<1x128xi32, #tpu.memory_space<vmem>> -> memref<128xi32, #tpu.memory_space<vmem>>
      %dma_wait3A_71 = arith.constant 0 : i32
      %dma_wait3A_72 = arith.constant 0 : i32
      %dma_wait3A_73 = tpu.memref_slice %arg4[%dma_wait3A_71, %dma_wait3A_72] : memref<10000x128xf32, #tpu.memory_space<hbm>> -> memref<10000x128xf32, #tpu.memory_space<hbm>>
      tpu.wait_indirect_dma semaphore(%arg13 : memref<!tpu.dma_semaphore, #tpu.memory_space<semaphore_mem>>) src(%dma_wait3A_73 : memref<10000x128xf32, #tpu.memory_space<hbm>>) dst(%arg9 : memref<128x128xf32, #tpu.memory_space<vmem>>)
      %add3A_74 = arith.constant 0 : i32
      %add3A_75 = arith.addi %add3A_74, %add3A_65 : i32
      %dma_wait3A_76 = arith.constant 0 : i32
      %dma_wait3A_77 = tpu.memref_slice %arg8[%add3A_75, %dma_wait3A_76] : memref<40x128xi32, #tpu.memory_space<vmem>> -> memref<1x128xi32, #tpu.memory_space<vmem>>
      %dma_wait3A_78 = tpu.memref_squeeze %dma_wait3A_77 : memref<1x128xi32, #tpu.memory_space<vmem>> -> memref<128xi32, #tpu.memory_space<vmem>>
      %dma_wait3A_79 = arith.constant 0 : i32
      %dma_wait3A_80 = arith.constant 0 : i32
      %dma_wait3A_81 = tpu.memref_slice %arg4[%dma_wait3A_79, %dma_wait3A_80] : memref<10000x128xf32, #tpu.memory_space<hbm>> -> memref<10000x128xf32, #tpu.memory_space<hbm>>
      tpu.wait_indirect_dma semaphore(%arg13 : memref<!tpu.dma_semaphore, #tpu.memory_space<semaphore_mem>>) src(%dma_wait3A_81 : memref<10000x128xf32, #tpu.memory_space<hbm>>) dst(%arg10 : memref<128x128xf32, #tpu.memory_space<vmem>>)
      %mul3A_82 = arith.constant 128 : i32
      %mul3A_83 = arith.muli %add3A_65, %mul3A_82 : i32
      %add3A_84 = arith.addi %mul3A_4, %mul3A_83 : i32
      %dma_start3A_85 = arith.constant 0 : i32
      %dma_start3A_86 = tpu.memref_slice %arg5[%add3A_84, %dma_start3A_85] : memref<81920x128xf32, #tpu.memory_space<hbm>> -> memref<128x128xf32, #tpu.memory_space<hbm>>
      %dma_start3A_87 = arith.constant 0 : i32
      %dma_start3A_88 = tpu.memref_slice %arg5[%add3A_84, %dma_start3A_87] : memref<81920x128xf32, #tpu.memory_space<hbm>> -> memref<128x128xf32, #tpu.memory_space<hbm>>
      tpu.enqueue_dma source(%arg9 : memref<128x128xf32, #tpu.memory_space<vmem>>) target(%dma_start3A_88 : memref<128x128xf32, #tpu.memory_space<hbm>>) target_semaphore(%arg14 : memref<!tpu.dma_semaphore, #tpu.memory_space<semaphore_mem>>)
      %dma_start3A_89 = arith.constant 0 : i32
      %dma_start3A_90 = tpu.memref_slice %arg6[%add3A_84, %dma_start3A_89] : memref<81920x128xf32, #tpu.memory_space<hbm>> -> memref<128x128xf32, #tpu.memory_space<hbm>>
      %dma_start3A_91 = arith.constant 0 : i32
      %dma_start3A_92 = tpu.memref_slice %arg6[%add3A_84, %dma_start3A_91] : memref<81920x128xf32, #tpu.memory_space<hbm>> -> memref<128x128xf32, #tpu.memory_space<hbm>>
      tpu.enqueue_dma source(%arg10 : memref<128x128xf32, #tpu.memory_space<vmem>>) target(%dma_start3A_92 : memref<128x128xf32, #tpu.memory_space<hbm>>) target_semaphore(%arg14 : memref<!tpu.dma_semaphore, #tpu.memory_space<semaphore_mem>>)
      %add3A_93 = arith.constant 2 : i32
      %add3A_94 = arith.addi %add3A_65, %add3A_93 : i32
      %lt3A = arith.constant 20 : i32
      %lt3A_95 = arith.cmpi slt, %add3A_94, %lt3A : i32
      %convert_element_type3A = arith.extui %lt3A_95 : i1 to i32
      %cond3A = arith.constant 0 : i32
      %cond3A_96 = arith.cmpi ne, %convert_element_type3A, %cond3A : i32
      scf.if %cond3A_96 {
        %dma_wait3A_133 = arith.constant 0 : i32
        %dma_wait3A_134 = tpu.memref_slice %arg5[%add3A_84, %dma_wait3A_133] : memref<81920x128xf32, #tpu.memory_space<hbm>> -> memref<128x128xf32, #tpu.memory_space<hbm>>
        %dma_wait3A_135 = arith.constant 0 : i32
        %dma_wait3A_136 = tpu.memref_slice %arg5[%add3A_84, %dma_wait3A_135] : memref<81920x128xf32, #tpu.memory_space<hbm>> -> memref<128x128xf32, #tpu.memory_space<hbm>>
        tpu.wait_dma2 semaphore(%arg14 : memref<!tpu.dma_semaphore, #tpu.memory_space<semaphore_mem>>) src(%arg9 : memref<128x128xf32, #tpu.memory_space<vmem>>) dst(%dma_wait3A_136 : memref<128x128xf32, #tpu.memory_space<hbm>>)
        %dma_wait3A_137 = arith.constant 0 : i32
        %dma_wait3A_138 = tpu.memref_slice %arg6[%add3A_84, %dma_wait3A_137] : memref<81920x128xf32, #tpu.memory_space<hbm>> -> memref<128x128xf32, #tpu.memory_space<hbm>>
        %dma_wait3A_139 = arith.constant 0 : i32
        %dma_wait3A_140 = tpu.memref_slice %arg6[%add3A_84, %dma_wait3A_139] : memref<81920x128xf32, #tpu.memory_space<hbm>> -> memref<128x128xf32, #tpu.memory_space<hbm>>
        tpu.wait_dma2 semaphore(%arg14 : memref<!tpu.dma_semaphore, #tpu.memory_space<semaphore_mem>>) src(%arg10 : memref<128x128xf32, #tpu.memory_space<vmem>>) dst(%dma_wait3A_140 : memref<128x128xf32, #tpu.memory_space<hbm>>)
        %add3A_141 = arith.constant 0 : i32
        %add3A_142 = arith.addi %add3A_141, %add3A_65 : i32
        %add3A_143 = arith.constant 2 : i32
        %add3A_144 = arith.addi %add3A_142, %add3A_143 : i32
        %dma_start3A_145 = arith.constant 0 : i32
        %dma_start3A_146 = tpu.memref_slice %arg7[%add3A_144, %dma_start3A_145] : memref<40x128xi32, #tpu.memory_space<vmem>> -> memref<1x128xi32, #tpu.memory_space<vmem>>
        %dma_start3A_147 = tpu.memref_squeeze %dma_start3A_146 : memref<1x128xi32, #tpu.memory_space<vmem>> -> memref<128xi32, #tpu.memory_space<vmem>>
        %dma_start3A_148 = arith.constant 0 : i32
        %dma_start3A_149 = arith.constant 0 : i32
        %dma_start3A_150 = tpu.memref_slice %arg4[%dma_start3A_148, %dma_start3A_149] : memref<10000x128xf32, #tpu.memory_space<hbm>> -> memref<10000x128xf32, #tpu.memory_space<hbm>>
        tpu.enqueue_indirect_dma source(%dma_start3A_150 : memref<10000x128xf32, #tpu.memory_space<hbm>>) target(%arg9 : memref<128x128xf32, #tpu.memory_space<vmem>>) offsets(%dma_start3A_147 : memref<128xi32, #tpu.memory_space<vmem>>) semaphore(%arg13 : memref<!tpu.dma_semaphore, #tpu.memory_space<semaphore_mem>>)
        %add3A_151 = arith.constant 0 : i32
        %add3A_152 = arith.addi %add3A_151, %add3A_65 : i32
        %add3A_153 = arith.constant 2 : i32
        %add3A_154 = arith.addi %add3A_152, %add3A_153 : i32
        %dma_start3A_155 = arith.constant 0 : i32
        %dma_start3A_156 = tpu.memref_slice %arg8[%add3A_154, %dma_start3A_155] : memref<40x128xi32, #tpu.memory_space<vmem>> -> memref<1x128xi32, #tpu.memory_space<vmem>>
        %dma_start3A_157 = tpu.memref_squeeze %dma_start3A_156 : memref<1x128xi32, #tpu.memory_space<vmem>> -> memref<128xi32, #tpu.memory_space<vmem>>
        %dma_start3A_158 = arith.constant 0 : i32
        %dma_start3A_159 = arith.constant 0 : i32
        %dma_start3A_160 = tpu.memref_slice %arg4[%dma_start3A_158, %dma_start3A_159] : memref<10000x128xf32, #tpu.memory_space<hbm>> -> memref<10000x128xf32, #tpu.memory_space<hbm>>
        tpu.enqueue_indirect_dma source(%dma_start3A_160 : memref<10000x128xf32, #tpu.memory_space<hbm>>) target(%arg10 : memref<128x128xf32, #tpu.memory_space<vmem>>) offsets(%dma_start3A_157 : memref<128xi32, #tpu.memory_space<vmem>>) semaphore(%arg13 : memref<!tpu.dma_semaphore, #tpu.memory_space<semaphore_mem>>)
      } else {
      }
      %add3A_97 = arith.constant 1 : i32
      %add3A_98 = arith.addi %add3A_63, %add3A_97 : i32
      %add3A_99 = arith.constant 0 : i32
      %add3A_100 = arith.addi %add3A_99, %add3A_98 : i32
      %dma_wait3A_101 = arith.constant 0 : i32
      %dma_wait3A_102 = tpu.memref_slice %arg7[%add3A_100, %dma_wait3A_101] : memref<40x128xi32, #tpu.memory_space<vmem>> -> memref<1x128xi32, #tpu.memory_space<vmem>>
      %dma_wait3A_103 = tpu.memref_squeeze %dma_wait3A_102 : memref<1x128xi32, #tpu.memory_space<vmem>> -> memref<128xi32, #tpu.memory_space<vmem>>
      %dma_wait3A_104 = arith.constant 0 : i32
      %dma_wait3A_105 = arith.constant 0 : i32
      %dma_wait3A_106 = tpu.memref_slice %arg4[%dma_wait3A_104, %dma_wait3A_105] : memref<10000x128xf32, #tpu.memory_space<hbm>> -> memref<10000x128xf32, #tpu.memory_space<hbm>>
      tpu.wait_indirect_dma semaphore(%arg15 : memref<!tpu.dma_semaphore, #tpu.memory_space<semaphore_mem>>) src(%dma_wait3A_106 : memref<10000x128xf32, #tpu.memory_space<hbm>>) dst(%arg11 : memref<128x128xf32, #tpu.memory_space<vmem>>)
      %add3A_107 = arith.constant 0 : i32
      %add3A_108 = arith.addi %add3A_107, %add3A_98 : i32
      %dma_wait3A_109 = arith.constant 0 : i32
      %dma_wait3A_110 = tpu.memref_slice %arg8[%add3A_108, %dma_wait3A_109] : memref<40x128xi32, #tpu.memory_space<vmem>> -> memref<1x128xi32, #tpu.memory_space<vmem>>
      %dma_wait3A_111 = tpu.memref_squeeze %dma_wait3A_110 : memref<1x128xi32, #tpu.memory_space<vmem>> -> memref<128xi32, #tpu.memory_space<vmem>>
      %dma_wait3A_112 = arith.constant 0 : i32
      %dma_wait3A_113 = arith.constant 0 : i32
      %dma_wait3A_114 = tpu.memref_slice %arg4[%dma_wait3A_112, %dma_wait3A_113] : memref<10000x128xf32, #tpu.memory_space<hbm>> -> memref<10000x128xf32, #tpu.memory_space<hbm>>
      tpu.wait_indirect_dma semaphore(%arg15 : memref<!tpu.dma_semaphore, #tpu.memory_space<semaphore_mem>>) src(%dma_wait3A_114 : memref<10000x128xf32, #tpu.memory_space<hbm>>) dst(%arg12 : memref<128x128xf32, #tpu.memory_space<vmem>>)
      %mul3A_115 = arith.constant 128 : i32
      %mul3A_116 = arith.muli %add3A_98, %mul3A_115 : i32
      %add3A_117 = arith.addi %mul3A_4, %mul3A_116 : i32
      %dma_start3A_118 = arith.constant 0 : i32
      %dma_start3A_119 = tpu.memref_slice %arg5[%add3A_117, %dma_start3A_118] : memref<81920x128xf32, #tpu.memory_space<hbm>> -> memref<128x128xf32, #tpu.memory_space<hbm>>
      %dma_start3A_120 = arith.constant 0 : i32
      %dma_start3A_121 = tpu.memref_slice %arg5[%add3A_117, %dma_start3A_120] : memref<81920x128xf32, #tpu.memory_space<hbm>> -> memref<128x128xf32, #tpu.memory_space<hbm>>
      tpu.enqueue_dma source(%arg11 : memref<128x128xf32, #tpu.memory_space<vmem>>) target(%dma_start3A_121 : memref<128x128xf32, #tpu.memory_space<hbm>>) target_semaphore(%arg16 : memref<!tpu.dma_semaphore, #tpu.memory_space<semaphore_mem>>)
      %dma_start3A_122 = arith.constant 0 : i32
      %dma_start3A_123 = tpu.memref_slice %arg6[%add3A_117, %dma_start3A_122] : memref<81920x128xf32, #tpu.memory_space<hbm>> -> memref<128x128xf32, #tpu.memory_space<hbm>>
      %dma_start3A_124 = arith.constant 0 : i32
      %dma_start3A_125 = tpu.memref_slice %arg6[%add3A_117, %dma_start3A_124] : memref<81920x128xf32, #tpu.memory_space<hbm>> -> memref<128x128xf32, #tpu.memory_space<hbm>>
      tpu.enqueue_dma source(%arg12 : memref<128x128xf32, #tpu.memory_space<vmem>>) target(%dma_start3A_125 : memref<128x128xf32, #tpu.memory_space<hbm>>) target_semaphore(%arg16 : memref<!tpu.dma_semaphore, #tpu.memory_space<semaphore_mem>>)
      %add3A_126 = arith.constant 2 : i32
      %add3A_127 = arith.addi %add3A_98, %add3A_126 : i32
      %lt3A_128 = arith.constant 20 : i32
      %lt3A_129 = arith.cmpi slt, %add3A_127, %lt3A_128 : i32
      %convert_element_type3A_130 = arith.extui %lt3A_129 : i1 to i32
      %cond3A_131 = arith.constant 0 : i32
      %cond3A_132 = arith.cmpi ne, %convert_element_type3A_130, %cond3A_131 : i32
      scf.if %cond3A_132 {
        %dma_wait3A_133 = arith.constant 0 : i32
        %dma_wait3A_134 = tpu.memref_slice %arg5[%add3A_117, %dma_wait3A_133] : memref<81920x128xf32, #tpu.memory_space<hbm>> -> memref<128x128xf32, #tpu.memory_space<hbm>>
        %dma_wait3A_135 = arith.constant 0 : i32
        %dma_wait3A_136 = tpu.memref_slice %arg5[%add3A_117, %dma_wait3A_135] : memref<81920x128xf32, #tpu.memory_space<hbm>> -> memref<128x128xf32, #tpu.memory_space<hbm>>
        tpu.wait_dma2 semaphore(%arg16 : memref<!tpu.dma_semaphore, #tpu.memory_space<semaphore_mem>>) src(%arg11 : memref<128x128xf32, #tpu.memory_space<vmem>>) dst(%dma_wait3A_136 : memref<128x128xf32, #tpu.memory_space<hbm>>)
        %dma_wait3A_137 = arith.constant 0 : i32
        %dma_wait3A_138 = tpu.memref_slice %arg6[%add3A_117, %dma_wait3A_137] : memref<81920x128xf32, #tpu.memory_space<hbm>> -> memref<128x128xf32, #tpu.memory_space<hbm>>
        %dma_wait3A_139 = arith.constant 0 : i32
        %dma_wait3A_140 = tpu.memref_slice %arg6[%add3A_117, %dma_wait3A_139] : memref<81920x128xf32, #tpu.memory_space<hbm>> -> memref<128x128xf32, #tpu.memory_space<hbm>>
        tpu.wait_dma2 semaphore(%arg16 : memref<!tpu.dma_semaphore, #tpu.memory_space<semaphore_mem>>) src(%arg12 : memref<128x128xf32, #tpu.memory_space<vmem>>) dst(%dma_wait3A_140 : memref<128x128xf32, #tpu.memory_space<hbm>>)
        %add3A_141 = arith.constant 0 : i32
        %add3A_142 = arith.addi %add3A_141, %add3A_98 : i32
        %add3A_143 = arith.constant 2 : i32
        %add3A_144 = arith.addi %add3A_142, %add3A_143 : i32
        %dma_start3A_145 = arith.constant 0 : i32
        %dma_start3A_146 = tpu.memref_slice %arg7[%add3A_144, %dma_start3A_145] : memref<40x128xi32, #tpu.memory_space<vmem>> -> memref<1x128xi32, #tpu.memory_space<vmem>>
        %dma_start3A_147 = tpu.memref_squeeze %dma_start3A_146 : memref<1x128xi32, #tpu.memory_space<vmem>> -> memref<128xi32, #tpu.memory_space<vmem>>
        %dma_start3A_148 = arith.constant 0 : i32
        %dma_start3A_149 = arith.constant 0 : i32
        %dma_start3A_150 = tpu.memref_slice %arg4[%dma_start3A_148, %dma_start3A_149] : memref<10000x128xf32, #tpu.memory_space<hbm>> -> memref<10000x128xf32, #tpu.memory_space<hbm>>
        tpu.enqueue_indirect_dma source(%dma_start3A_150 : memref<10000x128xf32, #tpu.memory_space<hbm>>) target(%arg11 : memref<128x128xf32, #tpu.memory_space<vmem>>) offsets(%dma_start3A_147 : memref<128xi32, #tpu.memory_space<vmem>>) semaphore(%arg15 : memref<!tpu.dma_semaphore, #tpu.memory_space<semaphore_mem>>)
        %add3A_151 = arith.constant 0 : i32
        %add3A_152 = arith.addi %add3A_151, %add3A_98 : i32
        %add3A_153 = arith.constant 2 : i32
        %add3A_154 = arith.addi %add3A_152, %add3A_153 : i32
        %dma_start3A_155 = arith.constant 0 : i32
        %dma_start3A_156 = tpu.memref_slice %arg8[%add3A_154, %dma_start3A_155] : memref<40x128xi32, #tpu.memory_space<vmem>> -> memref<1x128xi32, #tpu.memory_space<vmem>>
        %dma_start3A_157 = tpu.memref_squeeze %dma_start3A_156 : memref<1x128xi32, #tpu.memory_space<vmem>> -> memref<128xi32, #tpu.memory_space<vmem>>
        %dma_start3A_158 = arith.constant 0 : i32
        %dma_start3A_159 = arith.constant 0 : i32
        %dma_start3A_160 = tpu.memref_slice %arg4[%dma_start3A_158, %dma_start3A_159] : memref<10000x128xf32, #tpu.memory_space<hbm>> -> memref<10000x128xf32, #tpu.memory_space<hbm>>
        tpu.enqueue_indirect_dma source(%dma_start3A_160 : memref<10000x128xf32, #tpu.memory_space<hbm>>) target(%arg12 : memref<128x128xf32, #tpu.memory_space<vmem>>) offsets(%dma_start3A_157 : memref<128xi32, #tpu.memory_space<vmem>>) semaphore(%arg15 : memref<!tpu.dma_semaphore, #tpu.memory_space<semaphore_mem>>)
      } else {
      }
    }
    %scan3A_35 = arith.constant 10 : i32
    %dma_wait3A = arith.constant 0 : i32
    %dma_wait3A_36 = arith.constant 0 : i32
    %dma_wait3A_37 = tpu.memref_slice %arg5[%dma_wait3A, %dma_wait3A_36] : memref<81920x128xf32, #tpu.memory_space<hbm>> -> memref<128x128xf32, #tpu.memory_space<hbm>>
    %dma_wait3A_38 = arith.constant 0 : i32
    %dma_wait3A_39 = arith.constant 0 : i32
    %dma_wait3A_40 = tpu.memref_slice %arg5[%dma_wait3A_38, %dma_wait3A_39] : memref<81920x128xf32, #tpu.memory_space<hbm>> -> memref<128x128xf32, #tpu.memory_space<hbm>>
    tpu.wait_dma2 semaphore(%arg14 : memref<!tpu.dma_semaphore, #tpu.memory_space<semaphore_mem>>) src(%arg9 : memref<128x128xf32, #tpu.memory_space<vmem>>) dst(%dma_wait3A_40 : memref<128x128xf32, #tpu.memory_space<hbm>>)
    %dma_wait3A_41 = arith.constant 0 : i32
    %dma_wait3A_42 = arith.constant 0 : i32
    %dma_wait3A_43 = tpu.memref_slice %arg6[%dma_wait3A_41, %dma_wait3A_42] : memref<81920x128xf32, #tpu.memory_space<hbm>> -> memref<128x128xf32, #tpu.memory_space<hbm>>
    %dma_wait3A_44 = arith.constant 0 : i32
    %dma_wait3A_45 = arith.constant 0 : i32
    %dma_wait3A_46 = tpu.memref_slice %arg6[%dma_wait3A_44, %dma_wait3A_45] : memref<81920x128xf32, #tpu.memory_space<hbm>> -> memref<128x128xf32, #tpu.memory_space<hbm>>
    tpu.wait_dma2 semaphore(%arg14 : memref<!tpu.dma_semaphore, #tpu.memory_space<semaphore_mem>>) src(%arg10 : memref<128x128xf32, #tpu.memory_space<vmem>>) dst(%dma_wait3A_46 : memref<128x128xf32, #tpu.memory_space<hbm>>)
    %dma_wait3A_47 = arith.constant 0 : i32
    %dma_wait3A_48 = arith.constant 0 : i32
    %dma_wait3A_49 = tpu.memref_slice %arg5[%dma_wait3A_47, %dma_wait3A_48] : memref<81920x128xf32, #tpu.memory_space<hbm>> -> memref<128x128xf32, #tpu.memory_space<hbm>>
    %dma_wait3A_50 = arith.constant 0 : i32
    %dma_wait3A_51 = arith.constant 0 : i32
    %dma_wait3A_52 = tpu.memref_slice %arg5[%dma_wait3A_50, %dma_wait3A_51] : memref<81920x128xf32, #tpu.memory_space<hbm>> -> memref<128x128xf32, #tpu.memory_space<hbm>>
    tpu.wait_dma2 semaphore(%arg16 : memref<!tpu.dma_semaphore, #tpu.memory_space<semaphore_mem>>) src(%arg11 : memref<128x128xf32, #tpu.memory_space<vmem>>) dst(%dma_wait3A_52 : memref<128x128xf32, #tpu.memory_space<hbm>>)
    %dma_wait3A_53 = arith.constant 0 : i32
    %dma_wait3A_54 = arith.constant 0 : i32
    %dma_wait3A_55 = tpu.memref_slice %arg6[%dma_wait3A_53, %dma_wait3A_54] : memref<81920x128xf32, #tpu.memory_space<hbm>> -> memref<128x128xf32, #tpu.memory_space<hbm>>
    %dma_wait3A_56 = arith.constant 0 : i32
    %dma_wait3A_57 = arith.constant 0 : i32
    %dma_wait3A_58 = tpu.memref_slice %arg6[%dma_wait3A_56, %dma_wait3A_57] : memref<81920x128xf32, #tpu.memory_space<hbm>> -> memref<128x128xf32, #tpu.memory_space<hbm>>
    tpu.wait_dma2 semaphore(%arg16 : memref<!tpu.dma_semaphore, #tpu.memory_space<semaphore_mem>>) src(%arg12 : memref<128x128xf32, #tpu.memory_space<vmem>>) dst(%dma_wait3A_58 : memref<128x128xf32, #tpu.memory_space<hbm>>)
    return
  }
}

#map = affine_map<(d0, d1) -> (0, 0)>
module attributes {stable_mosaic.version = 14 : i64} {
  func.func @_gather_x_body(%arg0: i32, %arg1: i32, %arg2: memref<1280x128xi32, #tpu.memory_space<hbm>>, %arg3: memref<1280x128xi32, #tpu.memory_space<hbm>>, %arg4: memref<10000x128xf32, #tpu.memory_space<hbm>>, %arg5: memref<81920x128xf32, #tpu.memory_space<hbm>>, %arg6: memref<81920x128xf32, #tpu.memory_space<hbm>>, %arg7: memref<40x128xi32, #tpu.memory_space<vmem>>, %arg8: memref<40x128xi32, #tpu.memory_space<vmem>>, %arg9: memref<128x128xf32, #tpu.memory_space<vmem>>, %arg10: memref<128x128xf32, #tpu.memory_space<vmem>>, %arg11: memref<128x128xf32, #tpu.memory_space<vmem>>, %arg12: memref<128x128xf32, #tpu.memory_space<vmem>>, %arg13: memref<!tpu.dma_semaphore, #tpu.memory_space<semaphore_mem>>, %arg14: memref<!tpu.dma_semaphore, #tpu.memory_space<semaphore_mem>>, %arg15: memref<!tpu.dma_semaphore, #tpu.memory_space<semaphore_mem>>, %arg16: memref<!tpu.dma_semaphore, #tpu.memory_space<semaphore_mem>>) attributes {dimension_semantics = [#tpu.dimension_semantics<core_parallel>, #tpu.dimension_semantics<subcore_parallel>], iteration_bounds = array<i64: 2, 16>, scalar_prefetch = 0 : i64, scratch_operands = 10 : i64, tpu.core_type = #tpu.core_type<sc_vector_subcore>, window_params = [{transform_indices = #map}, {transform_indices = #map}, {transform_indices = #map}, {transform_indices = #map}, {transform_indices = #map}]} {
    %mul3A = arith.constant 2 : i32
    %mul3A_0 = arith.muli %arg1, %mul3A : i32
    %add3A = arith.addi %mul3A_0, %arg0 : i32
    %mul3A_1 = arith.constant 40 : i32
    %mul3A_2 = arith.muli %add3A, %mul3A_1 : i32
    "tpu.region"() ({
      %run_scoped3A = tpu.sem_alloc : memref<!tpu.dma_semaphore, #tpu.memory_space<semaphore_mem>>
      %dma_start3A_59 = arith.constant 0 : i32
      %dma_start3A_60 = tpu.memref_slice %arg2[%mul3A_2, %dma_start3A_59] : memref<1280x128xi32, #tpu.memory_space<hbm>> -> memref<40x128xi32, #tpu.memory_space<hbm>>
      %dma_start3A_61 = arith.constant 0 : i32
      %dma_start3A_62 = tpu.memref_slice %arg2[%mul3A_2, %dma_start3A_61] : memref<1280x128xi32, #tpu.memory_space<hbm>> -> memref<40x128xi32, #tpu.memory_space<hbm>>
      tpu.enqueue_dma source(%dma_start3A_62 : memref<40x128xi32, #tpu.memory_space<hbm>>) target(%arg7 : memref<40x128xi32, #tpu.memory_space<vmem>>) target_semaphore(%run_scoped3A : memref<!tpu.dma_semaphore, #tpu.memory_space<semaphore_mem>>)
      %dma_wait3A_63 = arith.constant 0 : i32
      %dma_wait3A_64 = tpu.memref_slice %arg2[%mul3A_2, %dma_wait3A_63] : memref<1280x128xi32, #tpu.memory_space<hbm>> -> memref<40x128xi32, #tpu.memory_space<hbm>>
      %dma_wait3A_65 = arith.constant 0 : i32
      %dma_wait3A_66 = tpu.memref_slice %arg2[%mul3A_2, %dma_wait3A_65] : memref<1280x128xi32, #tpu.memory_space<hbm>> -> memref<40x128xi32, #tpu.memory_space<hbm>>
      tpu.wait_dma2 semaphore(%run_scoped3A : memref<!tpu.dma_semaphore, #tpu.memory_space<semaphore_mem>>) src(%dma_wait3A_66 : memref<40x128xi32, #tpu.memory_space<hbm>>) dst(%arg7 : memref<40x128xi32, #tpu.memory_space<vmem>>)
      tpu.yield
    }) : () -> ()
    "tpu.region"() ({
      %run_scoped3A = tpu.sem_alloc : memref<!tpu.dma_semaphore, #tpu.memory_space<semaphore_mem>>
      %dma_start3A_59 = arith.constant 0 : i32
      %dma_start3A_60 = tpu.memref_slice %arg3[%mul3A_2, %dma_start3A_59] : memref<1280x128xi32, #tpu.memory_space<hbm>> -> memref<40x128xi32, #tpu.memory_space<hbm>>
      %dma_start3A_61 = arith.constant 0 : i32
      %dma_start3A_62 = tpu.memref_slice %arg3[%mul3A_2, %dma_start3A_61] : memref<1280x128xi32, #tpu.memory_space<hbm>> -> memref<40x128xi32, #tpu.memory_space<hbm>>
      tpu.enqueue_dma source(%dma_start3A_62 : memref<40x128xi32, #tpu.memory_space<hbm>>) target(%arg8 : memref<40x128xi32, #tpu.memory_space<vmem>>) target_semaphore(%run_scoped3A : memref<!tpu.dma_semaphore, #tpu.memory_space<semaphore_mem>>)
      %dma_wait3A_63 = arith.constant 0 : i32
      %dma_wait3A_64 = tpu.memref_slice %arg3[%mul3A_2, %dma_wait3A_63] : memref<1280x128xi32, #tpu.memory_space<hbm>> -> memref<40x128xi32, #tpu.memory_space<hbm>>
      %dma_wait3A_65 = arith.constant 0 : i32
      %dma_wait3A_66 = tpu.memref_slice %arg3[%mul3A_2, %dma_wait3A_65] : memref<1280x128xi32, #tpu.memory_space<hbm>> -> memref<40x128xi32, #tpu.memory_space<hbm>>
      tpu.wait_dma2 semaphore(%run_scoped3A : memref<!tpu.dma_semaphore, #tpu.memory_space<semaphore_mem>>) src(%dma_wait3A_66 : memref<40x128xi32, #tpu.memory_space<hbm>>) dst(%arg8 : memref<40x128xi32, #tpu.memory_space<vmem>>)
      tpu.yield
    }) : () -> ()
    %mul3A_3 = arith.constant 2560 : i32
    %mul3A_4 = arith.muli %add3A, %mul3A_3 : i32
    %dma_start3A = arith.constant 20 : i32
    %dma_start3A_5 = arith.constant 0 : i32
    %dma_start3A_6 = tpu.memref_slice %arg7[%dma_start3A, %dma_start3A_5] : memref<40x128xi32, #tpu.memory_space<vmem>> -> memref<1x128xi32, #tpu.memory_space<vmem>>
    %dma_start3A_7 = tpu.memref_squeeze %dma_start3A_6 : memref<1x128xi32, #tpu.memory_space<vmem>> -> memref<128xi32, #tpu.memory_space<vmem>>
    %dma_start3A_8 = arith.constant 0 : i32
    %dma_start3A_9 = arith.constant 0 : i32
    %dma_start3A_10 = tpu.memref_slice %arg4[%dma_start3A_8, %dma_start3A_9] : memref<10000x128xf32, #tpu.memory_space<hbm>> -> memref<10000x128xf32, #tpu.memory_space<hbm>>
    tpu.enqueue_indirect_dma source(%dma_start3A_10 : memref<10000x128xf32, #tpu.memory_space<hbm>>) target(%arg9 : memref<128x128xf32, #tpu.memory_space<vmem>>) offsets(%dma_start3A_7 : memref<128xi32, #tpu.memory_space<vmem>>) semaphore(%arg13 : memref<!tpu.dma_semaphore, #tpu.memory_space<semaphore_mem>>)
    %dma_start3A_11 = arith.constant 20 : i32
    %dma_start3A_12 = arith.constant 0 : i32
    %dma_start3A_13 = tpu.memref_slice %arg8[%dma_start3A_11, %dma_start3A_12] : memref<40x128xi32, #tpu.memory_space<vmem>> -> memref<1x128xi32, #tpu.memory_space<vmem>>
    %dma_start3A_14 = tpu.memref_squeeze %dma_start3A_13 : memref<1x128xi32, #tpu.memory_space<vmem>> -> memref<128xi32, #tpu.memory_space<vmem>>
    %dma_start3A_15 = arith.constant 0 : i32
    %dma_start3A_16 = arith.constant 0 : i32
    %dma_start3A_17 = tpu.memref_slice %arg4[%dma_start3A_15, %dma_start3A_16] : memref<10000x128xf32, #tpu.memory_space<hbm>> -> memref<10000x128xf32, #tpu.memory_space<hbm>>
    tpu.enqueue_indirect_dma source(%dma_start3A_17 : memref<10000x128xf32, #tpu.memory_space<hbm>>) target(%arg10 : memref<128x128xf32, #tpu.memory_space<vmem>>) offsets(%dma_start3A_14 : memref<128xi32, #tpu.memory_space<vmem>>) semaphore(%arg13 : memref<!tpu.dma_semaphore, #tpu.memory_space<semaphore_mem>>)
    %dma_start3A_18 = arith.constant 21 : i32
    %dma_start3A_19 = arith.constant 0 : i32
    %dma_start3A_20 = tpu.memref_slice %arg7[%dma_start3A_18, %dma_start3A_19] : memref<40x128xi32, #tpu.memory_space<vmem>> -> memref<1x128xi32, #tpu.memory_space<vmem>>
    %dma_start3A_21 = tpu.memref_squeeze %dma_start3A_20 : memref<1x128xi32, #tpu.memory_space<vmem>> -> memref<128xi32, #tpu.memory_space<vmem>>
    %dma_start3A_22 = arith.constant 0 : i32
    %dma_start3A_23 = arith.constant 0 : i32
    %dma_start3A_24 = tpu.memref_slice %arg4[%dma_start3A_22, %dma_start3A_23] : memref<10000x128xf32, #tpu.memory_space<hbm>> -> memref<10000x128xf32, #tpu.memory_space<hbm>>
    tpu.enqueue_indirect_dma source(%dma_start3A_24 : memref<10000x128xf32, #tpu.memory_space<hbm>>) target(%arg11 : memref<128x128xf32, #tpu.memory_space<vmem>>) offsets(%dma_start3A_21 : memref<128xi32, #tpu.memory_space<vmem>>) semaphore(%arg15 : memref<!tpu.dma_semaphore, #tpu.memory_space<semaphore_mem>>)
    %dma_start3A_25 = arith.constant 21 : i32
    %dma_start3A_26 = arith.constant 0 : i32
    %dma_start3A_27 = tpu.memref_slice %arg8[%dma_start3A_25, %dma_start3A_26] : memref<40x128xi32, #tpu.memory_space<vmem>> -> memref<1x128xi32, #tpu.memory_space<vmem>>
    %dma_start3A_28 = tpu.memref_squeeze %dma_start3A_27 : memref<1x128xi32, #tpu.memory_space<vmem>> -> memref<128xi32, #tpu.memory_space<vmem>>
    %dma_start3A_29 = arith.constant 0 : i32
    %dma_start3A_30 = arith.constant 0 : i32
    %dma_start3A_31 = tpu.memref_slice %arg4[%dma_start3A_29, %dma_start3A_30] : memref<10000x128xf32, #tpu.memory_space<hbm>> -> memref<10000x128xf32, #tpu.memory_space<hbm>>
    tpu.enqueue_indirect_dma source(%dma_start3A_31 : memref<10000x128xf32, #tpu.memory_space<hbm>>) target(%arg12 : memref<128x128xf32, #tpu.memory_space<vmem>>) offsets(%dma_start3A_28 : memref<128xi32, #tpu.memory_space<vmem>>) semaphore(%arg15 : memref<!tpu.dma_semaphore, #tpu.memory_space<semaphore_mem>>)
    %scan3A = arith.constant 0 : i32
    %scan3A_32 = arith.constant 10 : i32
    %scan3A_33 = arith.addi %scan3A, %scan3A_32 : i32
    %scan3A_34 = arith.constant 1 : i32
    scf.for %scan3A_59 = %scan3A to %scan3A_33 step %scan3A_34  : i32 {
      %mul3A_60 = arith.constant 2 : i32
      %mul3A_61 = arith.muli %scan3A_59, %mul3A_60 : i32
      %add3A_62 = arith.constant 0 : i32
      %add3A_63 = arith.addi %add3A_62, %mul3A_61 : i32
      %add3A_64 = arith.constant 0 : i32
      %add3A_65 = arith.addi %add3A_63, %add3A_64 : i32
      %add3A_66 = arith.constant 20 : i32
      %add3A_67 = arith.addi %add3A_66, %add3A_65 : i32
      %dma_wait3A_68 = arith.constant 0 : i32
      %dma_wait3A_69 = tpu.memref_slice %arg7[%add3A_67, %dma_wait3A_68] : memref<40x128xi32, #tpu.memory_space<vmem>> -> memref<1x128xi32, #tpu.memory_space<vmem>>
      %dma_wait3A_70 = tpu.memref_squeeze %dma_wait3A_69 : memref<1x128xi32, #tpu.memory_space<vmem>> -> memref<128xi32, #tpu.memory_space<vmem>>
      %dma_wait3A_71 = arith.constant 0 : i32
      %dma_wait3A_72 = arith.constant 0 : i32
      %dma_wait3A_73 = tpu.memref_slice %arg4[%dma_wait3A_71, %dma_wait3A_72] : memref<10000x128xf32, #tpu.memory_space<hbm>> -> memref<10000x128xf32, #tpu.memory_space<hbm>>
      tpu.wait_indirect_dma semaphore(%arg13 : memref<!tpu.dma_semaphore, #tpu.memory_space<semaphore_mem>>) src(%dma_wait3A_73 : memref<10000x128xf32, #tpu.memory_space<hbm>>) dst(%arg9 : memref<128x128xf32, #tpu.memory_space<vmem>>)
      %add3A_74 = arith.constant 20 : i32
      %add3A_75 = arith.addi %add3A_74, %add3A_65 : i32
      %dma_wait3A_76 = arith.constant 0 : i32
      %dma_wait3A_77 = tpu.memref_slice %arg8[%add3A_75, %dma_wait3A_76] : memref<40x128xi32, #tpu.memory_space<vmem>> -> memref<1x128xi32, #tpu.memory_space<vmem>>
      %dma_wait3A_78 = tpu.memref_squeeze %dma_wait3A_77 : memref<1x128xi32, #tpu.memory_space<vmem>> -> memref<128xi32, #tpu.memory_space<vmem>>
      %dma_wait3A_79 = arith.constant 0 : i32
      %dma_wait3A_80 = arith.constant 0 : i32
      %dma_wait3A_81 = tpu.memref_slice %arg4[%dma_wait3A_79, %dma_wait3A_80] : memref<10000x128xf32, #tpu.memory_space<hbm>> -> memref<10000x128xf32, #tpu.memory_space<hbm>>
      tpu.wait_indirect_dma semaphore(%arg13 : memref<!tpu.dma_semaphore, #tpu.memory_space<semaphore_mem>>) src(%dma_wait3A_81 : memref<10000x128xf32, #tpu.memory_space<hbm>>) dst(%arg10 : memref<128x128xf32, #tpu.memory_space<vmem>>)
      %mul3A_82 = arith.constant 128 : i32
      %mul3A_83 = arith.muli %add3A_65, %mul3A_82 : i32
      %add3A_84 = arith.addi %mul3A_4, %mul3A_83 : i32
      %dma_start3A_85 = arith.constant 0 : i32
      %dma_start3A_86 = tpu.memref_slice %arg5[%add3A_84, %dma_start3A_85] : memref<81920x128xf32, #tpu.memory_space<hbm>> -> memref<128x128xf32, #tpu.memory_space<hbm>>
      %dma_start3A_87 = arith.constant 0 : i32
      %dma_start3A_88 = tpu.memref_slice %arg5[%add3A_84, %dma_start3A_87] : memref<81920x128xf32, #tpu.memory_space<hbm>> -> memref<128x128xf32, #tpu.memory_space<hbm>>
      tpu.enqueue_dma source(%arg9 : memref<128x128xf32, #tpu.memory_space<vmem>>) target(%dma_start3A_88 : memref<128x128xf32, #tpu.memory_space<hbm>>) target_semaphore(%arg14 : memref<!tpu.dma_semaphore, #tpu.memory_space<semaphore_mem>>)
      %dma_start3A_89 = arith.constant 0 : i32
      %dma_start3A_90 = tpu.memref_slice %arg6[%add3A_84, %dma_start3A_89] : memref<81920x128xf32, #tpu.memory_space<hbm>> -> memref<128x128xf32, #tpu.memory_space<hbm>>
      %dma_start3A_91 = arith.constant 0 : i32
      %dma_start3A_92 = tpu.memref_slice %arg6[%add3A_84, %dma_start3A_91] : memref<81920x128xf32, #tpu.memory_space<hbm>> -> memref<128x128xf32, #tpu.memory_space<hbm>>
      tpu.enqueue_dma source(%arg10 : memref<128x128xf32, #tpu.memory_space<vmem>>) target(%dma_start3A_92 : memref<128x128xf32, #tpu.memory_space<hbm>>) target_semaphore(%arg14 : memref<!tpu.dma_semaphore, #tpu.memory_space<semaphore_mem>>)
      %add3A_93 = arith.constant 2 : i32
      %add3A_94 = arith.addi %add3A_65, %add3A_93 : i32
      %lt3A = arith.constant 20 : i32
      %lt3A_95 = arith.cmpi slt, %add3A_94, %lt3A : i32
      %convert_element_type3A = arith.extui %lt3A_95 : i1 to i32
      %cond3A = arith.constant 0 : i32
      %cond3A_96 = arith.cmpi ne, %convert_element_type3A, %cond3A : i32
      scf.if %cond3A_96 {
        %dma_wait3A_133 = arith.constant 0 : i32
        %dma_wait3A_134 = tpu.memref_slice %arg5[%add3A_84, %dma_wait3A_133] : memref<81920x128xf32, #tpu.memory_space<hbm>> -> memref<128x128xf32, #tpu.memory_space<hbm>>
        %dma_wait3A_135 = arith.constant 0 : i32
        %dma_wait3A_136 = tpu.memref_slice %arg5[%add3A_84, %dma_wait3A_135] : memref<81920x128xf32, #tpu.memory_space<hbm>> -> memref<128x128xf32, #tpu.memory_space<hbm>>
        tpu.wait_dma2 semaphore(%arg14 : memref<!tpu.dma_semaphore, #tpu.memory_space<semaphore_mem>>) src(%arg9 : memref<128x128xf32, #tpu.memory_space<vmem>>) dst(%dma_wait3A_136 : memref<128x128xf32, #tpu.memory_space<hbm>>)
        %dma_wait3A_137 = arith.constant 0 : i32
        %dma_wait3A_138 = tpu.memref_slice %arg6[%add3A_84, %dma_wait3A_137] : memref<81920x128xf32, #tpu.memory_space<hbm>> -> memref<128x128xf32, #tpu.memory_space<hbm>>
        %dma_wait3A_139 = arith.constant 0 : i32
        %dma_wait3A_140 = tpu.memref_slice %arg6[%add3A_84, %dma_wait3A_139] : memref<81920x128xf32, #tpu.memory_space<hbm>> -> memref<128x128xf32, #tpu.memory_space<hbm>>
        tpu.wait_dma2 semaphore(%arg14 : memref<!tpu.dma_semaphore, #tpu.memory_space<semaphore_mem>>) src(%arg10 : memref<128x128xf32, #tpu.memory_space<vmem>>) dst(%dma_wait3A_140 : memref<128x128xf32, #tpu.memory_space<hbm>>)
        %add3A_141 = arith.constant 20 : i32
        %add3A_142 = arith.addi %add3A_141, %add3A_65 : i32
        %add3A_143 = arith.constant 2 : i32
        %add3A_144 = arith.addi %add3A_142, %add3A_143 : i32
        %dma_start3A_145 = arith.constant 0 : i32
        %dma_start3A_146 = tpu.memref_slice %arg7[%add3A_144, %dma_start3A_145] : memref<40x128xi32, #tpu.memory_space<vmem>> -> memref<1x128xi32, #tpu.memory_space<vmem>>
        %dma_start3A_147 = tpu.memref_squeeze %dma_start3A_146 : memref<1x128xi32, #tpu.memory_space<vmem>> -> memref<128xi32, #tpu.memory_space<vmem>>
        %dma_start3A_148 = arith.constant 0 : i32
        %dma_start3A_149 = arith.constant 0 : i32
        %dma_start3A_150 = tpu.memref_slice %arg4[%dma_start3A_148, %dma_start3A_149] : memref<10000x128xf32, #tpu.memory_space<hbm>> -> memref<10000x128xf32, #tpu.memory_space<hbm>>
        tpu.enqueue_indirect_dma source(%dma_start3A_150 : memref<10000x128xf32, #tpu.memory_space<hbm>>) target(%arg9 : memref<128x128xf32, #tpu.memory_space<vmem>>) offsets(%dma_start3A_147 : memref<128xi32, #tpu.memory_space<vmem>>) semaphore(%arg13 : memref<!tpu.dma_semaphore, #tpu.memory_space<semaphore_mem>>)
        %add3A_151 = arith.constant 20 : i32
        %add3A_152 = arith.addi %add3A_151, %add3A_65 : i32
        %add3A_153 = arith.constant 2 : i32
        %add3A_154 = arith.addi %add3A_152, %add3A_153 : i32
        %dma_start3A_155 = arith.constant 0 : i32
        %dma_start3A_156 = tpu.memref_slice %arg8[%add3A_154, %dma_start3A_155] : memref<40x128xi32, #tpu.memory_space<vmem>> -> memref<1x128xi32, #tpu.memory_space<vmem>>
        %dma_start3A_157 = tpu.memref_squeeze %dma_start3A_156 : memref<1x128xi32, #tpu.memory_space<vmem>> -> memref<128xi32, #tpu.memory_space<vmem>>
        %dma_start3A_158 = arith.constant 0 : i32
        %dma_start3A_159 = arith.constant 0 : i32
        %dma_start3A_160 = tpu.memref_slice %arg4[%dma_start3A_158, %dma_start3A_159] : memref<10000x128xf32, #tpu.memory_space<hbm>> -> memref<10000x128xf32, #tpu.memory_space<hbm>>
        tpu.enqueue_indirect_dma source(%dma_start3A_160 : memref<10000x128xf32, #tpu.memory_space<hbm>>) target(%arg10 : memref<128x128xf32, #tpu.memory_space<vmem>>) offsets(%dma_start3A_157 : memref<128xi32, #tpu.memory_space<vmem>>) semaphore(%arg13 : memref<!tpu.dma_semaphore, #tpu.memory_space<semaphore_mem>>)
      } else {
      }
      %add3A_97 = arith.constant 1 : i32
      %add3A_98 = arith.addi %add3A_63, %add3A_97 : i32
      %add3A_99 = arith.constant 20 : i32
      %add3A_100 = arith.addi %add3A_99, %add3A_98 : i32
      %dma_wait3A_101 = arith.constant 0 : i32
      %dma_wait3A_102 = tpu.memref_slice %arg7[%add3A_100, %dma_wait3A_101] : memref<40x128xi32, #tpu.memory_space<vmem>> -> memref<1x128xi32, #tpu.memory_space<vmem>>
      %dma_wait3A_103 = tpu.memref_squeeze %dma_wait3A_102 : memref<1x128xi32, #tpu.memory_space<vmem>> -> memref<128xi32, #tpu.memory_space<vmem>>
      %dma_wait3A_104 = arith.constant 0 : i32
      %dma_wait3A_105 = arith.constant 0 : i32
      %dma_wait3A_106 = tpu.memref_slice %arg4[%dma_wait3A_104, %dma_wait3A_105] : memref<10000x128xf32, #tpu.memory_space<hbm>> -> memref<10000x128xf32, #tpu.memory_space<hbm>>
      tpu.wait_indirect_dma semaphore(%arg15 : memref<!tpu.dma_semaphore, #tpu.memory_space<semaphore_mem>>) src(%dma_wait3A_106 : memref<10000x128xf32, #tpu.memory_space<hbm>>) dst(%arg11 : memref<128x128xf32, #tpu.memory_space<vmem>>)
      %add3A_107 = arith.constant 20 : i32
      %add3A_108 = arith.addi %add3A_107, %add3A_98 : i32
      %dma_wait3A_109 = arith.constant 0 : i32
      %dma_wait3A_110 = tpu.memref_slice %arg8[%add3A_108, %dma_wait3A_109] : memref<40x128xi32, #tpu.memory_space<vmem>> -> memref<1x128xi32, #tpu.memory_space<vmem>>
      %dma_wait3A_111 = tpu.memref_squeeze %dma_wait3A_110 : memref<1x128xi32, #tpu.memory_space<vmem>> -> memref<128xi32, #tpu.memory_space<vmem>>
      %dma_wait3A_112 = arith.constant 0 : i32
      %dma_wait3A_113 = arith.constant 0 : i32
      %dma_wait3A_114 = tpu.memref_slice %arg4[%dma_wait3A_112, %dma_wait3A_113] : memref<10000x128xf32, #tpu.memory_space<hbm>> -> memref<10000x128xf32, #tpu.memory_space<hbm>>
      tpu.wait_indirect_dma semaphore(%arg15 : memref<!tpu.dma_semaphore, #tpu.memory_space<semaphore_mem>>) src(%dma_wait3A_114 : memref<10000x128xf32, #tpu.memory_space<hbm>>) dst(%arg12 : memref<128x128xf32, #tpu.memory_space<vmem>>)
      %mul3A_115 = arith.constant 128 : i32
      %mul3A_116 = arith.muli %add3A_98, %mul3A_115 : i32
      %add3A_117 = arith.addi %mul3A_4, %mul3A_116 : i32
      %dma_start3A_118 = arith.constant 0 : i32
      %dma_start3A_119 = tpu.memref_slice %arg5[%add3A_117, %dma_start3A_118] : memref<81920x128xf32, #tpu.memory_space<hbm>> -> memref<128x128xf32, #tpu.memory_space<hbm>>
      %dma_start3A_120 = arith.constant 0 : i32
      %dma_start3A_121 = tpu.memref_slice %arg5[%add3A_117, %dma_start3A_120] : memref<81920x128xf32, #tpu.memory_space<hbm>> -> memref<128x128xf32, #tpu.memory_space<hbm>>
      tpu.enqueue_dma source(%arg11 : memref<128x128xf32, #tpu.memory_space<vmem>>) target(%dma_start3A_121 : memref<128x128xf32, #tpu.memory_space<hbm>>) target_semaphore(%arg16 : memref<!tpu.dma_semaphore, #tpu.memory_space<semaphore_mem>>)
      %dma_start3A_122 = arith.constant 0 : i32
      %dma_start3A_123 = tpu.memref_slice %arg6[%add3A_117, %dma_start3A_122] : memref<81920x128xf32, #tpu.memory_space<hbm>> -> memref<128x128xf32, #tpu.memory_space<hbm>>
      %dma_start3A_124 = arith.constant 0 : i32
      %dma_start3A_125 = tpu.memref_slice %arg6[%add3A_117, %dma_start3A_124] : memref<81920x128xf32, #tpu.memory_space<hbm>> -> memref<128x128xf32, #tpu.memory_space<hbm>>
      tpu.enqueue_dma source(%arg12 : memref<128x128xf32, #tpu.memory_space<vmem>>) target(%dma_start3A_125 : memref<128x128xf32, #tpu.memory_space<hbm>>) target_semaphore(%arg16 : memref<!tpu.dma_semaphore, #tpu.memory_space<semaphore_mem>>)
      %add3A_126 = arith.constant 2 : i32
      %add3A_127 = arith.addi %add3A_98, %add3A_126 : i32
      %lt3A_128 = arith.constant 20 : i32
      %lt3A_129 = arith.cmpi slt, %add3A_127, %lt3A_128 : i32
      %convert_element_type3A_130 = arith.extui %lt3A_129 : i1 to i32
      %cond3A_131 = arith.constant 0 : i32
      %cond3A_132 = arith.cmpi ne, %convert_element_type3A_130, %cond3A_131 : i32
      scf.if %cond3A_132 {
        %dma_wait3A_133 = arith.constant 0 : i32
        %dma_wait3A_134 = tpu.memref_slice %arg5[%add3A_117, %dma_wait3A_133] : memref<81920x128xf32, #tpu.memory_space<hbm>> -> memref<128x128xf32, #tpu.memory_space<hbm>>
        %dma_wait3A_135 = arith.constant 0 : i32
        %dma_wait3A_136 = tpu.memref_slice %arg5[%add3A_117, %dma_wait3A_135] : memref<81920x128xf32, #tpu.memory_space<hbm>> -> memref<128x128xf32, #tpu.memory_space<hbm>>
        tpu.wait_dma2 semaphore(%arg16 : memref<!tpu.dma_semaphore, #tpu.memory_space<semaphore_mem>>) src(%arg11 : memref<128x128xf32, #tpu.memory_space<vmem>>) dst(%dma_wait3A_136 : memref<128x128xf32, #tpu.memory_space<hbm>>)
        %dma_wait3A_137 = arith.constant 0 : i32
        %dma_wait3A_138 = tpu.memref_slice %arg6[%add3A_117, %dma_wait3A_137] : memref<81920x128xf32, #tpu.memory_space<hbm>> -> memref<128x128xf32, #tpu.memory_space<hbm>>
        %dma_wait3A_139 = arith.constant 0 : i32
        %dma_wait3A_140 = tpu.memref_slice %arg6[%add3A_117, %dma_wait3A_139] : memref<81920x128xf32, #tpu.memory_space<hbm>> -> memref<128x128xf32, #tpu.memory_space<hbm>>
        tpu.wait_dma2 semaphore(%arg16 : memref<!tpu.dma_semaphore, #tpu.memory_space<semaphore_mem>>) src(%arg12 : memref<128x128xf32, #tpu.memory_space<vmem>>) dst(%dma_wait3A_140 : memref<128x128xf32, #tpu.memory_space<hbm>>)
        %add3A_141 = arith.constant 20 : i32
        %add3A_142 = arith.addi %add3A_141, %add3A_98 : i32
        %add3A_143 = arith.constant 2 : i32
        %add3A_144 = arith.addi %add3A_142, %add3A_143 : i32
        %dma_start3A_145 = arith.constant 0 : i32
        %dma_start3A_146 = tpu.memref_slice %arg7[%add3A_144, %dma_start3A_145] : memref<40x128xi32, #tpu.memory_space<vmem>> -> memref<1x128xi32, #tpu.memory_space<vmem>>
        %dma_start3A_147 = tpu.memref_squeeze %dma_start3A_146 : memref<1x128xi32, #tpu.memory_space<vmem>> -> memref<128xi32, #tpu.memory_space<vmem>>
        %dma_start3A_148 = arith.constant 0 : i32
        %dma_start3A_149 = arith.constant 0 : i32
        %dma_start3A_150 = tpu.memref_slice %arg4[%dma_start3A_148, %dma_start3A_149] : memref<10000x128xf32, #tpu.memory_space<hbm>> -> memref<10000x128xf32, #tpu.memory_space<hbm>>
        tpu.enqueue_indirect_dma source(%dma_start3A_150 : memref<10000x128xf32, #tpu.memory_space<hbm>>) target(%arg11 : memref<128x128xf32, #tpu.memory_space<vmem>>) offsets(%dma_start3A_147 : memref<128xi32, #tpu.memory_space<vmem>>) semaphore(%arg15 : memref<!tpu.dma_semaphore, #tpu.memory_space<semaphore_mem>>)
        %add3A_151 = arith.constant 20 : i32
        %add3A_152 = arith.addi %add3A_151, %add3A_98 : i32
        %add3A_153 = arith.constant 2 : i32
        %add3A_154 = arith.addi %add3A_152, %add3A_153 : i32
        %dma_start3A_155 = arith.constant 0 : i32
        %dma_start3A_156 = tpu.memref_slice %arg8[%add3A_154, %dma_start3A_155] : memref<40x128xi32, #tpu.memory_space<vmem>> -> memref<1x128xi32, #tpu.memory_space<vmem>>
        %dma_start3A_157 = tpu.memref_squeeze %dma_start3A_156 : memref<1x128xi32, #tpu.memory_space<vmem>> -> memref<128xi32, #tpu.memory_space<vmem>>
        %dma_start3A_158 = arith.constant 0 : i32
        %dma_start3A_159 = arith.constant 0 : i32
        %dma_start3A_160 = tpu.memref_slice %arg4[%dma_start3A_158, %dma_start3A_159] : memref<10000x128xf32, #tpu.memory_space<hbm>> -> memref<10000x128xf32, #tpu.memory_space<hbm>>
        tpu.enqueue_indirect_dma source(%dma_start3A_160 : memref<10000x128xf32, #tpu.memory_space<hbm>>) target(%arg12 : memref<128x128xf32, #tpu.memory_space<vmem>>) offsets(%dma_start3A_157 : memref<128xi32, #tpu.memory_space<vmem>>) semaphore(%arg15 : memref<!tpu.dma_semaphore, #tpu.memory_space<semaphore_mem>>)
      } else {
      }
    }
    %scan3A_35 = arith.constant 10 : i32
    %dma_wait3A = arith.constant 0 : i32
    %dma_wait3A_36 = arith.constant 0 : i32
    %dma_wait3A_37 = tpu.memref_slice %arg5[%dma_wait3A, %dma_wait3A_36] : memref<81920x128xf32, #tpu.memory_space<hbm>> -> memref<128x128xf32, #tpu.memory_space<hbm>>
    %dma_wait3A_38 = arith.constant 0 : i32
    %dma_wait3A_39 = arith.constant 0 : i32
    %dma_wait3A_40 = tpu.memref_slice %arg5[%dma_wait3A_38, %dma_wait3A_39] : memref<81920x128xf32, #tpu.memory_space<hbm>> -> memref<128x128xf32, #tpu.memory_space<hbm>>
    tpu.wait_dma2 semaphore(%arg14 : memref<!tpu.dma_semaphore, #tpu.memory_space<semaphore_mem>>) src(%arg9 : memref<128x128xf32, #tpu.memory_space<vmem>>) dst(%dma_wait3A_40 : memref<128x128xf32, #tpu.memory_space<hbm>>)
    %dma_wait3A_41 = arith.constant 0 : i32
    %dma_wait3A_42 = arith.constant 0 : i32
    %dma_wait3A_43 = tpu.memref_slice %arg6[%dma_wait3A_41, %dma_wait3A_42] : memref<81920x128xf32, #tpu.memory_space<hbm>> -> memref<128x128xf32, #tpu.memory_space<hbm>>
    %dma_wait3A_44 = arith.constant 0 : i32
    %dma_wait3A_45 = arith.constant 0 : i32
    %dma_wait3A_46 = tpu.memref_slice %arg6[%dma_wait3A_44, %dma_wait3A_45] : memref<81920x128xf32, #tpu.memory_space<hbm>> -> memref<128x128xf32, #tpu.memory_space<hbm>>
    tpu.wait_dma2 semaphore(%arg14 : memref<!tpu.dma_semaphore, #tpu.memory_space<semaphore_mem>>) src(%arg10 : memref<128x128xf32, #tpu.memory_space<vmem>>) dst(%dma_wait3A_46 : memref<128x128xf32, #tpu.memory_space<hbm>>)
    %dma_wait3A_47 = arith.constant 0 : i32
    %dma_wait3A_48 = arith.constant 0 : i32
    %dma_wait3A_49 = tpu.memref_slice %arg5[%dma_wait3A_47, %dma_wait3A_48] : memref<81920x128xf32, #tpu.memory_space<hbm>> -> memref<128x128xf32, #tpu.memory_space<hbm>>
    %dma_wait3A_50 = arith.constant 0 : i32
    %dma_wait3A_51 = arith.constant 0 : i32
    %dma_wait3A_52 = tpu.memref_slice %arg5[%dma_wait3A_50, %dma_wait3A_51] : memref<81920x128xf32, #tpu.memory_space<hbm>> -> memref<128x128xf32, #tpu.memory_space<hbm>>
    tpu.wait_dma2 semaphore(%arg16 : memref<!tpu.dma_semaphore, #tpu.memory_space<semaphore_mem>>) src(%arg11 : memref<128x128xf32, #tpu.memory_space<vmem>>) dst(%dma_wait3A_52 : memref<128x128xf32, #tpu.memory_space<hbm>>)
    %dma_wait3A_53 = arith.constant 0 : i32
    %dma_wait3A_54 = arith.constant 0 : i32
    %dma_wait3A_55 = tpu.memref_slice %arg6[%dma_wait3A_53, %dma_wait3A_54] : memref<81920x128xf32, #tpu.memory_space<hbm>> -> memref<128x128xf32, #tpu.memory_space<hbm>>
    %dma_wait3A_56 = arith.constant 0 : i32
    %dma_wait3A_57 = arith.constant 0 : i32
    %dma_wait3A_58 = tpu.memref_slice %arg6[%dma_wait3A_56, %dma_wait3A_57] : memref<81920x128xf32, #tpu.memory_space<hbm>> -> memref<128x128xf32, #tpu.memory_space<hbm>>
    tpu.wait_dma2 semaphore(%arg16 : memref<!tpu.dma_semaphore, #tpu.memory_space<semaphore_mem>>) src(%arg12 : memref<128x128xf32, #tpu.memory_space<vmem>>) dst(%dma_wait3A_58 : memref<128x128xf32, #tpu.memory_space<hbm>>)
    return
  }
}

#map = affine_map<(d0, d1) -> (0, 0)>
#map1 = affine_map<(d0, d1) -> (0, 0, 0)>
module attributes {stable_mosaic.version = 14 : i64} {
  func.func @_scatter_body(%arg0: i32, %arg1: i32, %arg2: memref<81920x128xf32, #tpu.memory_space<hbm>>, %arg3: memref<1280x128xi32, #tpu.memory_space<hbm>>, %arg4: memref<10240x128xf32, #tpu.memory_space<hbm>>, %arg5: memref<2x10240x128xf32, #tpu.memory_space<hbm>>, %arg6: memref<128xi32, #tpu.memory_space<vmem>>, %arg7: memref<128xi32, #tpu.memory_space<vmem>>, %arg8: memref<128x128xf32, #tpu.memory_space<vmem>>, %arg9: memref<128x128xf32, #tpu.memory_space<vmem>>, %arg10: memref<10240x128xf32, #tpu.memory_space<vmem_shared>>, %arg11: memref<!tpu.dma_semaphore, #tpu.memory_space<semaphore_mem>>, %arg12: memref<!tpu.dma_semaphore, #tpu.memory_space<semaphore_mem>>) attributes {dimension_semantics = [#tpu.dimension_semantics<core_parallel>, #tpu.dimension_semantics<subcore_parallel>], iteration_bounds = array<i64: 2, 16>, scalar_prefetch = 0 : i64, scratch_operands = 7 : i64, tpu.core_type = #tpu.core_type<sc_vector_subcore>, window_params = [{transform_indices = #map}, {transform_indices = #map}, {transform_indices = #map}, {transform_indices = #map1}]} {
    %mul3A = arith.constant 2 : i32
    %mul3A_0 = arith.muli %arg1, %mul3A : i32
    %add3A = arith.addi %mul3A_0, %arg0 : i32
    %mul3A_1 = arith.constant 640 : i32
    %mul3A_2 = arith.muli %arg1, %mul3A_1 : i32
    "tpu.region"() ({
      %run_scoped3A = tpu.sem_alloc : memref<!tpu.dma_semaphore, #tpu.memory_space<semaphore_mem>>
      %dma_start3A_41 = arith.constant 0 : i32
      %dma_start3A_42 = tpu.memref_slice %arg10[%mul3A_2, %dma_start3A_41] : memref<10240x128xf32, #tpu.memory_space<vmem_shared>> -> memref<640x128xf32, #tpu.memory_space<vmem_shared>>
      %dma_start3A_43 = arith.constant 0 : i32
      %dma_start3A_44 = tpu.memref_slice %arg4[%mul3A_2, %dma_start3A_43] : memref<10240x128xf32, #tpu.memory_space<hbm>> -> memref<640x128xf32, #tpu.memory_space<hbm>>
      tpu.enqueue_dma source(%dma_start3A_44 : memref<640x128xf32, #tpu.memory_space<hbm>>) target(%dma_start3A_42 : memref<640x128xf32, #tpu.memory_space<vmem_shared>>) target_semaphore(%run_scoped3A : memref<!tpu.dma_semaphore, #tpu.memory_space<semaphore_mem>>)
      %dma_wait3A = arith.constant 0 : i32
      %dma_wait3A_45 = tpu.memref_slice %arg10[%mul3A_2, %dma_wait3A] : memref<10240x128xf32, #tpu.memory_space<vmem_shared>> -> memref<640x128xf32, #tpu.memory_space<vmem_shared>>
      %dma_wait3A_46 = arith.constant 0 : i32
      %dma_wait3A_47 = tpu.memref_slice %arg4[%mul3A_2, %dma_wait3A_46] : memref<10240x128xf32, #tpu.memory_space<hbm>> -> memref<640x128xf32, #tpu.memory_space<hbm>>
      tpu.wait_dma2 semaphore(%run_scoped3A : memref<!tpu.dma_semaphore, #tpu.memory_space<semaphore_mem>>) src(%dma_wait3A_47 : memref<640x128xf32, #tpu.memory_space<hbm>>) dst(%dma_wait3A_45 : memref<640x128xf32, #tpu.memory_space<vmem_shared>>)
      tpu.yield
    }) : () -> ()
    %barrier3A = arith.constant 0 : index
    tpu.barrier barrier_id(%barrier3A)
    %mul3A_3 = arith.constant 20 : i32
    %mul3A_4 = arith.muli %add3A, %mul3A_3 : i32
    %add3A_5 = arith.constant 0 : i32
    %add3A_6 = arith.addi %add3A_5, %mul3A_4 : i32
    %mul3A_7 = arith.constant 2560 : i32
    %mul3A_8 = arith.muli %add3A, %mul3A_7 : i32
    %add3A_9 = arith.constant 0 : i32
    %add3A_10 = arith.addi %add3A_6, %add3A_9 : i32
    %dma_start3A = arith.constant 0 : i32
    %dma_start3A_11 = tpu.memref_slice %arg3[%add3A_10, %dma_start3A] : memref<1280x128xi32, #tpu.memory_space<hbm>> -> memref<1x128xi32, #tpu.memory_space<hbm>>
    %dma_start3A_12 = tpu.memref_squeeze %dma_start3A_11 : memref<1x128xi32, #tpu.memory_space<hbm>> -> memref<128xi32, #tpu.memory_space<hbm>>
    %dma_start3A_13 = arith.constant 0 : i32
    %dma_start3A_14 = tpu.memref_slice %arg3[%add3A_10, %dma_start3A_13] : memref<1280x128xi32, #tpu.memory_space<hbm>> -> memref<1x128xi32, #tpu.memory_space<hbm>>
    %dma_start3A_15 = tpu.memref_squeeze %dma_start3A_14 : memref<1x128xi32, #tpu.memory_space<hbm>> -> memref<128xi32, #tpu.memory_space<hbm>>
    tpu.enqueue_dma source(%dma_start3A_15 : memref<128xi32, #tpu.memory_space<hbm>>) target(%arg6 : memref<128xi32, #tpu.memory_space<vmem>>) target_semaphore(%arg11 : memref<!tpu.dma_semaphore, #tpu.memory_space<semaphore_mem>>)
    %add3A_16 = arith.constant 0 : i32
    %add3A_17 = arith.addi %mul3A_8, %add3A_16 : i32
    %dma_start3A_18 = arith.constant 0 : i32
    %dma_start3A_19 = tpu.memref_slice %arg2[%add3A_17, %dma_start3A_18] : memref<81920x128xf32, #tpu.memory_space<hbm>> -> memref<128x128xf32, #tpu.memory_space<hbm>>
    %dma_start3A_20 = arith.constant 0 : i32
    %dma_start3A_21 = tpu.memref_slice %arg2[%add3A_17, %dma_start3A_20] : memref<81920x128xf32, #tpu.memory_space<hbm>> -> memref<128x128xf32, #tpu.memory_space<hbm>>
    tpu.enqueue_dma source(%dma_start3A_21 : memref<128x128xf32, #tpu.memory_space<hbm>>) target(%arg8 : memref<128x128xf32, #tpu.memory_space<vmem>>) target_semaphore(%arg11 : memref<!tpu.dma_semaphore, #tpu.memory_space<semaphore_mem>>)
    %add3A_22 = arith.constant 1 : i32
    %add3A_23 = arith.addi %add3A_6, %add3A_22 : i32
    %dma_start3A_24 = arith.constant 0 : i32
    %dma_start3A_25 = tpu.memref_slice %arg3[%add3A_23, %dma_start3A_24] : memref<1280x128xi32, #tpu.memory_space<hbm>> -> memref<1x128xi32, #tpu.memory_space<hbm>>
    %dma_start3A_26 = tpu.memref_squeeze %dma_start3A_25 : memref<1x128xi32, #tpu.memory_space<hbm>> -> memref<128xi32, #tpu.memory_space<hbm>>
    %dma_start3A_27 = arith.constant 0 : i32
    %dma_start3A_28 = tpu.memref_slice %arg3[%add3A_23, %dma_start3A_27] : memref<1280x128xi32, #tpu.memory_space<hbm>> -> memref<1x128xi32, #tpu.memory_space<hbm>>
    %dma_start3A_29 = tpu.memref_squeeze %dma_start3A_28 : memref<1x128xi32, #tpu.memory_space<hbm>> -> memref<128xi32, #tpu.memory_space<hbm>>
    tpu.enqueue_dma source(%dma_start3A_29 : memref<128xi32, #tpu.memory_space<hbm>>) target(%arg7 : memref<128xi32, #tpu.memory_space<vmem>>) target_semaphore(%arg12 : memref<!tpu.dma_semaphore, #tpu.memory_space<semaphore_mem>>)
    %add3A_30 = arith.constant 128 : i32
    %add3A_31 = arith.addi %mul3A_8, %add3A_30 : i32
    %dma_start3A_32 = arith.constant 0 : i32
    %dma_start3A_33 = tpu.memref_slice %arg2[%add3A_31, %dma_start3A_32] : memref<81920x128xf32, #tpu.memory_space<hbm>> -> memref<128x128xf32, #tpu.memory_space<hbm>>
    %dma_start3A_34 = arith.constant 0 : i32
    %dma_start3A_35 = tpu.memref_slice %arg2[%add3A_31, %dma_start3A_34] : memref<81920x128xf32, #tpu.memory_space<hbm>> -> memref<128x128xf32, #tpu.memory_space<hbm>>
    tpu.enqueue_dma source(%dma_start3A_35 : memref<128x128xf32, #tpu.memory_space<hbm>>) target(%arg9 : memref<128x128xf32, #tpu.memory_space<vmem>>) target_semaphore(%arg12 : memref<!tpu.dma_semaphore, #tpu.memory_space<semaphore_mem>>)
    %scan3A = arith.constant 0 : i32
    %scan3A_36 = arith.constant 10 : i32
    %scan3A_37 = arith.addi %scan3A, %scan3A_36 : i32
    %scan3A_38 = arith.constant 1 : i32
    scf.for %scan3A_41 = %scan3A to %scan3A_37 step %scan3A_38  : i32 {
      %mul3A_42 = arith.constant 2 : i32
      %mul3A_43 = arith.muli %scan3A_41, %mul3A_42 : i32
      %add3A_44 = arith.constant 0 : i32
      %add3A_45 = arith.addi %add3A_44, %mul3A_43 : i32
      %add3A_46 = arith.constant 0 : i32
      %add3A_47 = arith.addi %add3A_45, %add3A_46 : i32
      %add3A_48 = arith.addi %add3A_6, %add3A_47 : i32
      %dma_wait3A = arith.constant 0 : i32
      %dma_wait3A_49 = tpu.memref_slice %arg3[%add3A_48, %dma_wait3A] : memref<1280x128xi32, #tpu.memory_space<hbm>> -> memref<1x128xi32, #tpu.memory_space<hbm>>
      %dma_wait3A_50 = tpu.memref_squeeze %dma_wait3A_49 : memref<1x128xi32, #tpu.memory_space<hbm>> -> memref<128xi32, #tpu.memory_space<hbm>>
      %dma_wait3A_51 = arith.constant 0 : i32
      %dma_wait3A_52 = tpu.memref_slice %arg3[%add3A_48, %dma_wait3A_51] : memref<1280x128xi32, #tpu.memory_space<hbm>> -> memref<1x128xi32, #tpu.memory_space<hbm>>
      %dma_wait3A_53 = tpu.memref_squeeze %dma_wait3A_52 : memref<1x128xi32, #tpu.memory_space<hbm>> -> memref<128xi32, #tpu.memory_space<hbm>>
      tpu.wait_dma2 semaphore(%arg11 : memref<!tpu.dma_semaphore, #tpu.memory_space<semaphore_mem>>) src(%dma_wait3A_53 : memref<128xi32, #tpu.memory_space<hbm>>) dst(%arg6 : memref<128xi32, #tpu.memory_space<vmem>>)
      %mul3A_54 = arith.constant 128 : i32
      %mul3A_55 = arith.muli %add3A_47, %mul3A_54 : i32
      %add3A_56 = arith.addi %mul3A_8, %mul3A_55 : i32
      %dma_wait3A_57 = arith.constant 0 : i32
      %dma_wait3A_58 = tpu.memref_slice %arg2[%add3A_56, %dma_wait3A_57] : memref<81920x128xf32, #tpu.memory_space<hbm>> -> memref<128x128xf32, #tpu.memory_space<hbm>>
      %dma_wait3A_59 = arith.constant 0 : i32
      %dma_wait3A_60 = tpu.memref_slice %arg2[%add3A_56, %dma_wait3A_59] : memref<81920x128xf32, #tpu.memory_space<hbm>> -> memref<128x128xf32, #tpu.memory_space<hbm>>
      tpu.wait_dma2 semaphore(%arg11 : memref<!tpu.dma_semaphore, #tpu.memory_space<semaphore_mem>>) src(%dma_wait3A_60 : memref<128x128xf32, #tpu.memory_space<hbm>>) dst(%arg8 : memref<128x128xf32, #tpu.memory_space<vmem>>)
      "tpu.region"() ({
        %run_scoped3A = tpu.sem_alloc : memref<!tpu.dma_semaphore, #tpu.memory_space<semaphore_mem>>
        %dma_start3A_88 = arith.constant 0 : i32
        %dma_start3A_89 = arith.constant 0 : i32
        %dma_start3A_90 = tpu.memref_slice %arg10[%dma_start3A_88, %dma_start3A_89] : memref<10240x128xf32, #tpu.memory_space<vmem_shared>> -> memref<10240x128xf32, #tpu.memory_space<vmem_shared>>
        tpu.enqueue_indirect_dma source(%arg8 : memref<128x128xf32, #tpu.memory_space<vmem>>) target(%dma_start3A_90 : memref<10240x128xf32, #tpu.memory_space<vmem_shared>>) offsets(%arg6 : memref<128xi32, #tpu.memory_space<vmem>>) semaphore(%run_scoped3A : memref<!tpu.dma_semaphore, #tpu.memory_space<semaphore_mem>>) {add = true}
        %dma_wait3A_91 = arith.constant 0 : i32
        %dma_wait3A_92 = arith.constant 0 : i32
        %dma_wait3A_93 = tpu.memref_slice %arg10[%dma_wait3A_91, %dma_wait3A_92] : memref<10240x128xf32, #tpu.memory_space<vmem_shared>> -> memref<10240x128xf32, #tpu.memory_space<vmem_shared>>
        tpu.wait_indirect_dma semaphore(%run_scoped3A : memref<!tpu.dma_semaphore, #tpu.memory_space<semaphore_mem>>) src(%arg8 : memref<128x128xf32, #tpu.memory_space<vmem>>) dst(%dma_wait3A_93 : memref<10240x128xf32, #tpu.memory_space<vmem_shared>>)
        tpu.yield
      }) : () -> ()
      %add3A_61 = arith.constant 2 : i32
      %add3A_62 = arith.addi %add3A_47, %add3A_61 : i32
      %lt3A = arith.constant 20 : i32
      %lt3A_63 = arith.cmpi slt, %add3A_62, %lt3A : i32
      %convert_element_type3A = arith.extui %lt3A_63 : i1 to i32
      %cond3A = arith.constant 0 : i32
      %cond3A_64 = arith.cmpi ne, %convert_element_type3A, %cond3A : i32
      scf.if %cond3A_64 {
        %add3A_88 = arith.addi %add3A_6, %add3A_47 : i32
        %add3A_89 = arith.constant 2 : i32
        %add3A_90 = arith.addi %add3A_88, %add3A_89 : i32
        %dma_start3A_91 = arith.constant 0 : i32
        %dma_start3A_92 = tpu.memref_slice %arg3[%add3A_90, %dma_start3A_91] : memref<1280x128xi32, #tpu.memory_space<hbm>> -> memref<1x128xi32, #tpu.memory_space<hbm>>
        %dma_start3A_93 = tpu.memref_squeeze %dma_start3A_92 : memref<1x128xi32, #tpu.memory_space<hbm>> -> memref<128xi32, #tpu.memory_space<hbm>>
        %dma_start3A_94 = arith.constant 0 : i32
        %dma_start3A_95 = tpu.memref_slice %arg3[%add3A_90, %dma_start3A_94] : memref<1280x128xi32, #tpu.memory_space<hbm>> -> memref<1x128xi32, #tpu.memory_space<hbm>>
        %dma_start3A_96 = tpu.memref_squeeze %dma_start3A_95 : memref<1x128xi32, #tpu.memory_space<hbm>> -> memref<128xi32, #tpu.memory_space<hbm>>
        tpu.enqueue_dma source(%dma_start3A_96 : memref<128xi32, #tpu.memory_space<hbm>>) target(%arg6 : memref<128xi32, #tpu.memory_space<vmem>>) target_semaphore(%arg11 : memref<!tpu.dma_semaphore, #tpu.memory_space<semaphore_mem>>)
        %add3A_97 = arith.constant 2 : i32
        %add3A_98 = arith.addi %add3A_47, %add3A_97 : i32
        %mul3A_99 = arith.constant 128 : i32
        %mul3A_100 = arith.muli %add3A_98, %mul3A_99 : i32
        %add3A_101 = arith.addi %mul3A_8, %mul3A_100 : i32
        %dma_start3A_102 = arith.constant 0 : i32
        %dma_start3A_103 = tpu.memref_slice %arg2[%add3A_101, %dma_start3A_102] : memref<81920x128xf32, #tpu.memory_space<hbm>> -> memref<128x128xf32, #tpu.memory_space<hbm>>
        %dma_start3A_104 = arith.constant 0 : i32
        %dma_start3A_105 = tpu.memref_slice %arg2[%add3A_101, %dma_start3A_104] : memref<81920x128xf32, #tpu.memory_space<hbm>> -> memref<128x128xf32, #tpu.memory_space<hbm>>
        tpu.enqueue_dma source(%dma_start3A_105 : memref<128x128xf32, #tpu.memory_space<hbm>>) target(%arg8 : memref<128x128xf32, #tpu.memory_space<vmem>>) target_semaphore(%arg11 : memref<!tpu.dma_semaphore, #tpu.memory_space<semaphore_mem>>)
      } else {
      }
      %add3A_65 = arith.constant 1 : i32
      %add3A_66 = arith.addi %add3A_45, %add3A_65 : i32
      %add3A_67 = arith.addi %add3A_6, %add3A_66 : i32
      %dma_wait3A_68 = arith.constant 0 : i32
      %dma_wait3A_69 = tpu.memref_slice %arg3[%add3A_67, %dma_wait3A_68] : memref<1280x128xi32, #tpu.memory_space<hbm>> -> memref<1x128xi32, #tpu.memory_space<hbm>>
      %dma_wait3A_70 = tpu.memref_squeeze %dma_wait3A_69 : memref<1x128xi32, #tpu.memory_space<hbm>> -> memref<128xi32, #tpu.memory_space<hbm>>
      %dma_wait3A_71 = arith.constant 0 : i32
      %dma_wait3A_72 = tpu.memref_slice %arg3[%add3A_67, %dma_wait3A_71] : memref<1280x128xi32, #tpu.memory_space<hbm>> -> memref<1x128xi32, #tpu.memory_space<hbm>>
      %dma_wait3A_73 = tpu.memref_squeeze %dma_wait3A_72 : memref<1x128xi32, #tpu.memory_space<hbm>> -> memref<128xi32, #tpu.memory_space<hbm>>
      tpu.wait_dma2 semaphore(%arg12 : memref<!tpu.dma_semaphore, #tpu.memory_space<semaphore_mem>>) src(%dma_wait3A_73 : memref<128xi32, #tpu.memory_space<hbm>>) dst(%arg7 : memref<128xi32, #tpu.memory_space<vmem>>)
      %mul3A_74 = arith.constant 128 : i32
      %mul3A_75 = arith.muli %add3A_66, %mul3A_74 : i32
      %add3A_76 = arith.addi %mul3A_8, %mul3A_75 : i32
      %dma_wait3A_77 = arith.constant 0 : i32
      %dma_wait3A_78 = tpu.memref_slice %arg2[%add3A_76, %dma_wait3A_77] : memref<81920x128xf32, #tpu.memory_space<hbm>> -> memref<128x128xf32, #tpu.memory_space<hbm>>
      %dma_wait3A_79 = arith.constant 0 : i32
      %dma_wait3A_80 = tpu.memref_slice %arg2[%add3A_76, %dma_wait3A_79] : memref<81920x128xf32, #tpu.memory_space<hbm>> -> memref<128x128xf32, #tpu.memory_space<hbm>>
      tpu.wait_dma2 semaphore(%arg12 : memref<!tpu.dma_semaphore, #tpu.memory_space<semaphore_mem>>) src(%dma_wait3A_80 : memref<128x128xf32, #tpu.memory_space<hbm>>) dst(%arg9 : memref<128x128xf32, #tpu.memory_space<vmem>>)
      "tpu.region"() ({
        %run_scoped3A = tpu.sem_alloc : memref<!tpu.dma_semaphore, #tpu.memory_space<semaphore_mem>>
        %dma_start3A_88 = arith.constant 0 : i32
        %dma_start3A_89 = arith.constant 0 : i32
        %dma_start3A_90 = tpu.memref_slice %arg10[%dma_start3A_88, %dma_start3A_89] : memref<10240x128xf32, #tpu.memory_space<vmem_shared>> -> memref<10240x128xf32, #tpu.memory_space<vmem_shared>>
        tpu.enqueue_indirect_dma source(%arg9 : memref<128x128xf32, #tpu.memory_space<vmem>>) target(%dma_start3A_90 : memref<10240x128xf32, #tpu.memory_space<vmem_shared>>) offsets(%arg7 : memref<128xi32, #tpu.memory_space<vmem>>) semaphore(%run_scoped3A : memref<!tpu.dma_semaphore, #tpu.memory_space<semaphore_mem>>) {add = true}
        %dma_wait3A_91 = arith.constant 0 : i32
        %dma_wait3A_92 = arith.constant 0 : i32
        %dma_wait3A_93 = tpu.memref_slice %arg10[%dma_wait3A_91, %dma_wait3A_92] : memref<10240x128xf32, #tpu.memory_space<vmem_shared>> -> memref<10240x128xf32, #tpu.memory_space<vmem_shared>>
        tpu.wait_indirect_dma semaphore(%run_scoped3A : memref<!tpu.dma_semaphore, #tpu.memory_space<semaphore_mem>>) src(%arg9 : memref<128x128xf32, #tpu.memory_space<vmem>>) dst(%dma_wait3A_93 : memref<10240x128xf32, #tpu.memory_space<vmem_shared>>)
        tpu.yield
      }) : () -> ()
      %add3A_81 = arith.constant 2 : i32
      %add3A_82 = arith.addi %add3A_66, %add3A_81 : i32
      %lt3A_83 = arith.constant 20 : i32
      %lt3A_84 = arith.cmpi slt, %add3A_82, %lt3A_83 : i32
      %convert_element_type3A_85 = arith.extui %lt3A_84 : i1 to i32
      %cond3A_86 = arith.constant 0 : i32
      %cond3A_87 = arith.cmpi ne, %convert_element_type3A_85, %cond3A_86 : i32
      scf.if %cond3A_87 {
        %add3A_88 = arith.addi %add3A_6, %add3A_66 : i32
        %add3A_89 = arith.constant 2 : i32
        %add3A_90 = arith.addi %add3A_88, %add3A_89 : i32
        %dma_start3A_91 = arith.constant 0 : i32
        %dma_start3A_92 = tpu.memref_slice %arg3[%add3A_90, %dma_start3A_91] : memref<1280x128xi32, #tpu.memory_space<hbm>> -> memref<1x128xi32, #tpu.memory_space<hbm>>
        %dma_start3A_93 = tpu.memref_squeeze %dma_start3A_92 : memref<1x128xi32, #tpu.memory_space<hbm>> -> memref<128xi32, #tpu.memory_space<hbm>>
        %dma_start3A_94 = arith.constant 0 : i32
        %dma_start3A_95 = tpu.memref_slice %arg3[%add3A_90, %dma_start3A_94] : memref<1280x128xi32, #tpu.memory_space<hbm>> -> memref<1x128xi32, #tpu.memory_space<hbm>>
        %dma_start3A_96 = tpu.memref_squeeze %dma_start3A_95 : memref<1x128xi32, #tpu.memory_space<hbm>> -> memref<128xi32, #tpu.memory_space<hbm>>
        tpu.enqueue_dma source(%dma_start3A_96 : memref<128xi32, #tpu.memory_space<hbm>>) target(%arg7 : memref<128xi32, #tpu.memory_space<vmem>>) target_semaphore(%arg12 : memref<!tpu.dma_semaphore, #tpu.memory_space<semaphore_mem>>)
        %add3A_97 = arith.constant 2 : i32
        %add3A_98 = arith.addi %add3A_66, %add3A_97 : i32
        %mul3A_99 = arith.constant 128 : i32
        %mul3A_100 = arith.muli %add3A_98, %mul3A_99 : i32
        %add3A_101 = arith.addi %mul3A_8, %mul3A_100 : i32
        %dma_start3A_102 = arith.constant 0 : i32
        %dma_start3A_103 = tpu.memref_slice %arg2[%add3A_101, %dma_start3A_102] : memref<81920x128xf32, #tpu.memory_space<hbm>> -> memref<128x128xf32, #tpu.memory_space<hbm>>
        %dma_start3A_104 = arith.constant 0 : i32
        %dma_start3A_105 = tpu.memref_slice %arg2[%add3A_101, %dma_start3A_104] : memref<81920x128xf32, #tpu.memory_space<hbm>> -> memref<128x128xf32, #tpu.memory_space<hbm>>
        tpu.enqueue_dma source(%dma_start3A_105 : memref<128x128xf32, #tpu.memory_space<hbm>>) target(%arg9 : memref<128x128xf32, #tpu.memory_space<vmem>>) target_semaphore(%arg12 : memref<!tpu.dma_semaphore, #tpu.memory_space<semaphore_mem>>)
      } else {
      }
    }
    %scan3A_39 = arith.constant 10 : i32
    %barrier3A_40 = arith.constant 0 : index
    tpu.barrier barrier_id(%barrier3A_40)
    "tpu.region"() ({
      %run_scoped3A = tpu.sem_alloc : memref<!tpu.dma_semaphore, #tpu.memory_space<semaphore_mem>>
      %dma_start3A_41 = arith.constant 0 : i32
      %dma_start3A_42 = tpu.memref_slice %arg5[%arg0, %mul3A_2, %dma_start3A_41] : memref<2x10240x128xf32, #tpu.memory_space<hbm>> -> memref<1x640x128xf32, #tpu.memory_space<hbm>>
      %dma_start3A_43 = tpu.memref_squeeze %dma_start3A_42 : memref<1x640x128xf32, #tpu.memory_space<hbm>> -> memref<640x128xf32, #tpu.memory_space<hbm>>
      %dma_start3A_44 = arith.constant 0 : i32
      %dma_start3A_45 = tpu.memref_slice %arg10[%mul3A_2, %dma_start3A_44] : memref<10240x128xf32, #tpu.memory_space<vmem_shared>> -> memref<640x128xf32, #tpu.memory_space<vmem_shared>>
      tpu.enqueue_dma source(%dma_start3A_45 : memref<640x128xf32, #tpu.memory_space<vmem_shared>>) target(%dma_start3A_43 : memref<640x128xf32, #tpu.memory_space<hbm>>) target_semaphore(%run_scoped3A : memref<!tpu.dma_semaphore, #tpu.memory_space<semaphore_mem>>)
      %dma_wait3A = arith.constant 0 : i32
      %dma_wait3A_46 = tpu.memref_slice %arg5[%arg0, %mul3A_2, %dma_wait3A] : memref<2x10240x128xf32, #tpu.memory_space<hbm>> -> memref<1x640x128xf32, #tpu.memory_space<hbm>>
      %dma_wait3A_47 = tpu.memref_squeeze %dma_wait3A_46 : memref<1x640x128xf32, #tpu.memory_space<hbm>> -> memref<640x128xf32, #tpu.memory_space<hbm>>
      %dma_wait3A_48 = arith.constant 0 : i32
      %dma_wait3A_49 = tpu.memref_slice %arg10[%mul3A_2, %dma_wait3A_48] : memref<10240x128xf32, #tpu.memory_space<vmem_shared>> -> memref<640x128xf32, #tpu.memory_space<vmem_shared>>
      tpu.wait_dma2 semaphore(%run_scoped3A : memref<!tpu.dma_semaphore, #tpu.memory_space<semaphore_mem>>) src(%dma_wait3A_49 : memref<640x128xf32, #tpu.memory_space<vmem_shared>>) dst(%dma_wait3A_47 : memref<640x128xf32, #tpu.memory_space<hbm>>)
      tpu.yield
    }) : () -> ()
    return
  }
}

#map = affine_map<(d0, d1) -> (0, 0)>
module attributes {stable_mosaic.version = 14 : i64} {
  func.func @_gather_x_body(%arg0: i32, %arg1: i32, %arg2: memref<1280x128xi32, #tpu.memory_space<hbm>>, %arg3: memref<1280x128xi32, #tpu.memory_space<hbm>>, %arg4: memref<10000x128xf32, #tpu.memory_space<hbm>>, %arg5: memref<81920x128xf32, #tpu.memory_space<hbm>>, %arg6: memref<81920x128xf32, #tpu.memory_space<hbm>>, %arg7: memref<40x128xi32, #tpu.memory_space<vmem>>, %arg8: memref<40x128xi32, #tpu.memory_space<vmem>>, %arg9: memref<128x128xf32, #tpu.memory_space<vmem>>, %arg10: memref<128x128xf32, #tpu.memory_space<vmem>>, %arg11: memref<128x128xf32, #tpu.memory_space<vmem>>, %arg12: memref<128x128xf32, #tpu.memory_space<vmem>>, %arg13: memref<!tpu.dma_semaphore, #tpu.memory_space<semaphore_mem>>, %arg14: memref<!tpu.dma_semaphore, #tpu.memory_space<semaphore_mem>>, %arg15: memref<!tpu.dma_semaphore, #tpu.memory_space<semaphore_mem>>, %arg16: memref<!tpu.dma_semaphore, #tpu.memory_space<semaphore_mem>>) attributes {dimension_semantics = [#tpu.dimension_semantics<core_parallel>, #tpu.dimension_semantics<subcore_parallel>], iteration_bounds = array<i64: 2, 16>, scalar_prefetch = 0 : i64, scratch_operands = 10 : i64, tpu.core_type = #tpu.core_type<sc_vector_subcore>, window_params = [{transform_indices = #map}, {transform_indices = #map}, {transform_indices = #map}, {transform_indices = #map}, {transform_indices = #map}]} {
    %mul3A = arith.constant 2 : i32
    %mul3A_0 = arith.muli %arg1, %mul3A : i32
    %add3A = arith.addi %mul3A_0, %arg0 : i32
    %mul3A_1 = arith.constant 40 : i32
    %mul3A_2 = arith.muli %add3A, %mul3A_1 : i32
    "tpu.region"() ({
      %run_scoped3A = tpu.sem_alloc : memref<!tpu.dma_semaphore, #tpu.memory_space<semaphore_mem>>
      %dma_start3A_59 = arith.constant 0 : i32
      %dma_start3A_60 = tpu.memref_slice %arg2[%mul3A_2, %dma_start3A_59] : memref<1280x128xi32, #tpu.memory_space<hbm>> -> memref<40x128xi32, #tpu.memory_space<hbm>>
      %dma_start3A_61 = arith.constant 0 : i32
      %dma_start3A_62 = tpu.memref_slice %arg2[%mul3A_2, %dma_start3A_61] : memref<1280x128xi32, #tpu.memory_space<hbm>> -> memref<40x128xi32, #tpu.memory_space<hbm>>
      tpu.enqueue_dma source(%dma_start3A_62 : memref<40x128xi32, #tpu.memory_space<hbm>>) target(%arg7 : memref<40x128xi32, #tpu.memory_space<vmem>>) target_semaphore(%run_scoped3A : memref<!tpu.dma_semaphore, #tpu.memory_space<semaphore_mem>>)
      %dma_wait3A_63 = arith.constant 0 : i32
      %dma_wait3A_64 = tpu.memref_slice %arg2[%mul3A_2, %dma_wait3A_63] : memref<1280x128xi32, #tpu.memory_space<hbm>> -> memref<40x128xi32, #tpu.memory_space<hbm>>
      %dma_wait3A_65 = arith.constant 0 : i32
      %dma_wait3A_66 = tpu.memref_slice %arg2[%mul3A_2, %dma_wait3A_65] : memref<1280x128xi32, #tpu.memory_space<hbm>> -> memref<40x128xi32, #tpu.memory_space<hbm>>
      tpu.wait_dma2 semaphore(%run_scoped3A : memref<!tpu.dma_semaphore, #tpu.memory_space<semaphore_mem>>) src(%dma_wait3A_66 : memref<40x128xi32, #tpu.memory_space<hbm>>) dst(%arg7 : memref<40x128xi32, #tpu.memory_space<vmem>>)
      tpu.yield
    }) : () -> ()
    "tpu.region"() ({
      %run_scoped3A = tpu.sem_alloc : memref<!tpu.dma_semaphore, #tpu.memory_space<semaphore_mem>>
      %dma_start3A_59 = arith.constant 0 : i32
      %dma_start3A_60 = tpu.memref_slice %arg3[%mul3A_2, %dma_start3A_59] : memref<1280x128xi32, #tpu.memory_space<hbm>> -> memref<40x128xi32, #tpu.memory_space<hbm>>
      %dma_start3A_61 = arith.constant 0 : i32
      %dma_start3A_62 = tpu.memref_slice %arg3[%mul3A_2, %dma_start3A_61] : memref<1280x128xi32, #tpu.memory_space<hbm>> -> memref<40x128xi32, #tpu.memory_space<hbm>>
      tpu.enqueue_dma source(%dma_start3A_62 : memref<40x128xi32, #tpu.memory_space<hbm>>) target(%arg8 : memref<40x128xi32, #tpu.memory_space<vmem>>) target_semaphore(%run_scoped3A : memref<!tpu.dma_semaphore, #tpu.memory_space<semaphore_mem>>)
      %dma_wait3A_63 = arith.constant 0 : i32
      %dma_wait3A_64 = tpu.memref_slice %arg3[%mul3A_2, %dma_wait3A_63] : memref<1280x128xi32, #tpu.memory_space<hbm>> -> memref<40x128xi32, #tpu.memory_space<hbm>>
      %dma_wait3A_65 = arith.constant 0 : i32
      %dma_wait3A_66 = tpu.memref_slice %arg3[%mul3A_2, %dma_wait3A_65] : memref<1280x128xi32, #tpu.memory_space<hbm>> -> memref<40x128xi32, #tpu.memory_space<hbm>>
      tpu.wait_dma2 semaphore(%run_scoped3A : memref<!tpu.dma_semaphore, #tpu.memory_space<semaphore_mem>>) src(%dma_wait3A_66 : memref<40x128xi32, #tpu.memory_space<hbm>>) dst(%arg8 : memref<40x128xi32, #tpu.memory_space<vmem>>)
      tpu.yield
    }) : () -> ()
    %mul3A_3 = arith.constant 2560 : i32
    %mul3A_4 = arith.muli %add3A, %mul3A_3 : i32
    %dma_start3A = arith.constant 20 : i32
    %dma_start3A_5 = arith.constant 0 : i32
    %dma_start3A_6 = tpu.memref_slice %arg7[%dma_start3A, %dma_start3A_5] : memref<40x128xi32, #tpu.memory_space<vmem>> -> memref<1x128xi32, #tpu.memory_space<vmem>>
    %dma_start3A_7 = tpu.memref_squeeze %dma_start3A_6 : memref<1x128xi32, #tpu.memory_space<vmem>> -> memref<128xi32, #tpu.memory_space<vmem>>
    %dma_start3A_8 = arith.constant 0 : i32
    %dma_start3A_9 = arith.constant 0 : i32
    %dma_start3A_10 = tpu.memref_slice %arg4[%dma_start3A_8, %dma_start3A_9] : memref<10000x128xf32, #tpu.memory_space<hbm>> -> memref<10000x128xf32, #tpu.memory_space<hbm>>
    tpu.enqueue_indirect_dma source(%dma_start3A_10 : memref<10000x128xf32, #tpu.memory_space<hbm>>) target(%arg9 : memref<128x128xf32, #tpu.memory_space<vmem>>) offsets(%dma_start3A_7 : memref<128xi32, #tpu.memory_space<vmem>>) semaphore(%arg13 : memref<!tpu.dma_semaphore, #tpu.memory_space<semaphore_mem>>)
    %dma_start3A_11 = arith.constant 20 : i32
    %dma_start3A_12 = arith.constant 0 : i32
    %dma_start3A_13 = tpu.memref_slice %arg8[%dma_start3A_11, %dma_start3A_12] : memref<40x128xi32, #tpu.memory_space<vmem>> -> memref<1x128xi32, #tpu.memory_space<vmem>>
    %dma_start3A_14 = tpu.memref_squeeze %dma_start3A_13 : memref<1x128xi32, #tpu.memory_space<vmem>> -> memref<128xi32, #tpu.memory_space<vmem>>
    %dma_start3A_15 = arith.constant 0 : i32
    %dma_start3A_16 = arith.constant 0 : i32
    %dma_start3A_17 = tpu.memref_slice %arg4[%dma_start3A_15, %dma_start3A_16] : memref<10000x128xf32, #tpu.memory_space<hbm>> -> memref<10000x128xf32, #tpu.memory_space<hbm>>
    tpu.enqueue_indirect_dma source(%dma_start3A_17 : memref<10000x128xf32, #tpu.memory_space<hbm>>) target(%arg10 : memref<128x128xf32, #tpu.memory_space<vmem>>) offsets(%dma_start3A_14 : memref<128xi32, #tpu.memory_space<vmem>>) semaphore(%arg13 : memref<!tpu.dma_semaphore, #tpu.memory_space<semaphore_mem>>)
    %dma_start3A_18 = arith.constant 21 : i32
    %dma_start3A_19 = arith.constant 0 : i32
    %dma_start3A_20 = tpu.memref_slice %arg7[%dma_start3A_18, %dma_start3A_19] : memref<40x128xi32, #tpu.memory_space<vmem>> -> memref<1x128xi32, #tpu.memory_space<vmem>>
    %dma_start3A_21 = tpu.memref_squeeze %dma_start3A_20 : memref<1x128xi32, #tpu.memory_space<vmem>> -> memref<128xi32, #tpu.memory_space<vmem>>
    %dma_start3A_22 = arith.constant 0 : i32
    %dma_start3A_23 = arith.constant 0 : i32
    %dma_start3A_24 = tpu.memref_slice %arg4[%dma_start3A_22, %dma_start3A_23] : memref<10000x128xf32, #tpu.memory_space<hbm>> -> memref<10000x128xf32, #tpu.memory_space<hbm>>
    tpu.enqueue_indirect_dma source(%dma_start3A_24 : memref<10000x128xf32, #tpu.memory_space<hbm>>) target(%arg11 : memref<128x128xf32, #tpu.memory_space<vmem>>) offsets(%dma_start3A_21 : memref<128xi32, #tpu.memory_space<vmem>>) semaphore(%arg15 : memref<!tpu.dma_semaphore, #tpu.memory_space<semaphore_mem>>)
    %dma_start3A_25 = arith.constant 21 : i32
    %dma_start3A_26 = arith.constant 0 : i32
    %dma_start3A_27 = tpu.memref_slice %arg8[%dma_start3A_25, %dma_start3A_26] : memref<40x128xi32, #tpu.memory_space<vmem>> -> memref<1x128xi32, #tpu.memory_space<vmem>>
    %dma_start3A_28 = tpu.memref_squeeze %dma_start3A_27 : memref<1x128xi32, #tpu.memory_space<vmem>> -> memref<128xi32, #tpu.memory_space<vmem>>
    %dma_start3A_29 = arith.constant 0 : i32
    %dma_start3A_30 = arith.constant 0 : i32
    %dma_start3A_31 = tpu.memref_slice %arg4[%dma_start3A_29, %dma_start3A_30] : memref<10000x128xf32, #tpu.memory_space<hbm>> -> memref<10000x128xf32, #tpu.memory_space<hbm>>
    tpu.enqueue_indirect_dma source(%dma_start3A_31 : memref<10000x128xf32, #tpu.memory_space<hbm>>) target(%arg12 : memref<128x128xf32, #tpu.memory_space<vmem>>) offsets(%dma_start3A_28 : memref<128xi32, #tpu.memory_space<vmem>>) semaphore(%arg15 : memref<!tpu.dma_semaphore, #tpu.memory_space<semaphore_mem>>)
    %scan3A = arith.constant 0 : i32
    %scan3A_32 = arith.constant 10 : i32
    %scan3A_33 = arith.addi %scan3A, %scan3A_32 : i32
    %scan3A_34 = arith.constant 1 : i32
    scf.for %scan3A_59 = %scan3A to %scan3A_33 step %scan3A_34  : i32 {
      %mul3A_60 = arith.constant 2 : i32
      %mul3A_61 = arith.muli %scan3A_59, %mul3A_60 : i32
      %add3A_62 = arith.constant 0 : i32
      %add3A_63 = arith.addi %add3A_62, %mul3A_61 : i32
      %add3A_64 = arith.constant 0 : i32
      %add3A_65 = arith.addi %add3A_63, %add3A_64 : i32
      %add3A_66 = arith.constant 20 : i32
      %add3A_67 = arith.addi %add3A_66, %add3A_65 : i32
      %dma_wait3A_68 = arith.constant 0 : i32
      %dma_wait3A_69 = tpu.memref_slice %arg7[%add3A_67, %dma_wait3A_68] : memref<40x128xi32, #tpu.memory_space<vmem>> -> memref<1x128xi32, #tpu.memory_space<vmem>>
      %dma_wait3A_70 = tpu.memref_squeeze %dma_wait3A_69 : memref<1x128xi32, #tpu.memory_space<vmem>> -> memref<128xi32, #tpu.memory_space<vmem>>
      %dma_wait3A_71 = arith.constant 0 : i32
      %dma_wait3A_72 = arith.constant 0 : i32
      %dma_wait3A_73 = tpu.memref_slice %arg4[%dma_wait3A_71, %dma_wait3A_72] : memref<10000x128xf32, #tpu.memory_space<hbm>> -> memref<10000x128xf32, #tpu.memory_space<hbm>>
      tpu.wait_indirect_dma semaphore(%arg13 : memref<!tpu.dma_semaphore, #tpu.memory_space<semaphore_mem>>) src(%dma_wait3A_73 : memref<10000x128xf32, #tpu.memory_space<hbm>>) dst(%arg9 : memref<128x128xf32, #tpu.memory_space<vmem>>)
      %add3A_74 = arith.constant 20 : i32
      %add3A_75 = arith.addi %add3A_74, %add3A_65 : i32
      %dma_wait3A_76 = arith.constant 0 : i32
      %dma_wait3A_77 = tpu.memref_slice %arg8[%add3A_75, %dma_wait3A_76] : memref<40x128xi32, #tpu.memory_space<vmem>> -> memref<1x128xi32, #tpu.memory_space<vmem>>
      %dma_wait3A_78 = tpu.memref_squeeze %dma_wait3A_77 : memref<1x128xi32, #tpu.memory_space<vmem>> -> memref<128xi32, #tpu.memory_space<vmem>>
      %dma_wait3A_79 = arith.constant 0 : i32
      %dma_wait3A_80 = arith.constant 0 : i32
      %dma_wait3A_81 = tpu.memref_slice %arg4[%dma_wait3A_79, %dma_wait3A_80] : memref<10000x128xf32, #tpu.memory_space<hbm>> -> memref<10000x128xf32, #tpu.memory_space<hbm>>
      tpu.wait_indirect_dma semaphore(%arg13 : memref<!tpu.dma_semaphore, #tpu.memory_space<semaphore_mem>>) src(%dma_wait3A_81 : memref<10000x128xf32, #tpu.memory_space<hbm>>) dst(%arg10 : memref<128x128xf32, #tpu.memory_space<vmem>>)
      %mul3A_82 = arith.constant 128 : i32
      %mul3A_83 = arith.muli %add3A_65, %mul3A_82 : i32
      %add3A_84 = arith.addi %mul3A_4, %mul3A_83 : i32
      %dma_start3A_85 = arith.constant 0 : i32
      %dma_start3A_86 = tpu.memref_slice %arg5[%add3A_84, %dma_start3A_85] : memref<81920x128xf32, #tpu.memory_space<hbm>> -> memref<128x128xf32, #tpu.memory_space<hbm>>
      %dma_start3A_87 = arith.constant 0 : i32
      %dma_start3A_88 = tpu.memref_slice %arg5[%add3A_84, %dma_start3A_87] : memref<81920x128xf32, #tpu.memory_space<hbm>> -> memref<128x128xf32, #tpu.memory_space<hbm>>
      tpu.enqueue_dma source(%arg9 : memref<128x128xf32, #tpu.memory_space<vmem>>) target(%dma_start3A_88 : memref<128x128xf32, #tpu.memory_space<hbm>>) target_semaphore(%arg14 : memref<!tpu.dma_semaphore, #tpu.memory_space<semaphore_mem>>)
      %dma_start3A_89 = arith.constant 0 : i32
      %dma_start3A_90 = tpu.memref_slice %arg6[%add3A_84, %dma_start3A_89] : memref<81920x128xf32, #tpu.memory_space<hbm>> -> memref<128x128xf32, #tpu.memory_space<hbm>>
      %dma_start3A_91 = arith.constant 0 : i32
      %dma_start3A_92 = tpu.memref_slice %arg6[%add3A_84, %dma_start3A_91] : memref<81920x128xf32, #tpu.memory_space<hbm>> -> memref<128x128xf32, #tpu.memory_space<hbm>>
      tpu.enqueue_dma source(%arg10 : memref<128x128xf32, #tpu.memory_space<vmem>>) target(%dma_start3A_92 : memref<128x128xf32, #tpu.memory_space<hbm>>) target_semaphore(%arg14 : memref<!tpu.dma_semaphore, #tpu.memory_space<semaphore_mem>>)
      %add3A_93 = arith.constant 2 : i32
      %add3A_94 = arith.addi %add3A_65, %add3A_93 : i32
      %lt3A = arith.constant 20 : i32
      %lt3A_95 = arith.cmpi slt, %add3A_94, %lt3A : i32
      %convert_element_type3A = arith.extui %lt3A_95 : i1 to i32
      %cond3A = arith.constant 0 : i32
      %cond3A_96 = arith.cmpi ne, %convert_element_type3A, %cond3A : i32
      scf.if %cond3A_96 {
        %dma_wait3A_133 = arith.constant 0 : i32
        %dma_wait3A_134 = tpu.memref_slice %arg5[%add3A_84, %dma_wait3A_133] : memref<81920x128xf32, #tpu.memory_space<hbm>> -> memref<128x128xf32, #tpu.memory_space<hbm>>
        %dma_wait3A_135 = arith.constant 0 : i32
        %dma_wait3A_136 = tpu.memref_slice %arg5[%add3A_84, %dma_wait3A_135] : memref<81920x128xf32, #tpu.memory_space<hbm>> -> memref<128x128xf32, #tpu.memory_space<hbm>>
        tpu.wait_dma2 semaphore(%arg14 : memref<!tpu.dma_semaphore, #tpu.memory_space<semaphore_mem>>) src(%arg9 : memref<128x128xf32, #tpu.memory_space<vmem>>) dst(%dma_wait3A_136 : memref<128x128xf32, #tpu.memory_space<hbm>>)
        %dma_wait3A_137 = arith.constant 0 : i32
        %dma_wait3A_138 = tpu.memref_slice %arg6[%add3A_84, %dma_wait3A_137] : memref<81920x128xf32, #tpu.memory_space<hbm>> -> memref<128x128xf32, #tpu.memory_space<hbm>>
        %dma_wait3A_139 = arith.constant 0 : i32
        %dma_wait3A_140 = tpu.memref_slice %arg6[%add3A_84, %dma_wait3A_139] : memref<81920x128xf32, #tpu.memory_space<hbm>> -> memref<128x128xf32, #tpu.memory_space<hbm>>
        tpu.wait_dma2 semaphore(%arg14 : memref<!tpu.dma_semaphore, #tpu.memory_space<semaphore_mem>>) src(%arg10 : memref<128x128xf32, #tpu.memory_space<vmem>>) dst(%dma_wait3A_140 : memref<128x128xf32, #tpu.memory_space<hbm>>)
        %add3A_141 = arith.constant 20 : i32
        %add3A_142 = arith.addi %add3A_141, %add3A_65 : i32
        %add3A_143 = arith.constant 2 : i32
        %add3A_144 = arith.addi %add3A_142, %add3A_143 : i32
        %dma_start3A_145 = arith.constant 0 : i32
        %dma_start3A_146 = tpu.memref_slice %arg7[%add3A_144, %dma_start3A_145] : memref<40x128xi32, #tpu.memory_space<vmem>> -> memref<1x128xi32, #tpu.memory_space<vmem>>
        %dma_start3A_147 = tpu.memref_squeeze %dma_start3A_146 : memref<1x128xi32, #tpu.memory_space<vmem>> -> memref<128xi32, #tpu.memory_space<vmem>>
        %dma_start3A_148 = arith.constant 0 : i32
        %dma_start3A_149 = arith.constant 0 : i32
        %dma_start3A_150 = tpu.memref_slice %arg4[%dma_start3A_148, %dma_start3A_149] : memref<10000x128xf32, #tpu.memory_space<hbm>> -> memref<10000x128xf32, #tpu.memory_space<hbm>>
        tpu.enqueue_indirect_dma source(%dma_start3A_150 : memref<10000x128xf32, #tpu.memory_space<hbm>>) target(%arg9 : memref<128x128xf32, #tpu.memory_space<vmem>>) offsets(%dma_start3A_147 : memref<128xi32, #tpu.memory_space<vmem>>) semaphore(%arg13 : memref<!tpu.dma_semaphore, #tpu.memory_space<semaphore_mem>>)
        %add3A_151 = arith.constant 20 : i32
        %add3A_152 = arith.addi %add3A_151, %add3A_65 : i32
        %add3A_153 = arith.constant 2 : i32
        %add3A_154 = arith.addi %add3A_152, %add3A_153 : i32
        %dma_start3A_155 = arith.constant 0 : i32
        %dma_start3A_156 = tpu.memref_slice %arg8[%add3A_154, %dma_start3A_155] : memref<40x128xi32, #tpu.memory_space<vmem>> -> memref<1x128xi32, #tpu.memory_space<vmem>>
        %dma_start3A_157 = tpu.memref_squeeze %dma_start3A_156 : memref<1x128xi32, #tpu.memory_space<vmem>> -> memref<128xi32, #tpu.memory_space<vmem>>
        %dma_start3A_158 = arith.constant 0 : i32
        %dma_start3A_159 = arith.constant 0 : i32
        %dma_start3A_160 = tpu.memref_slice %arg4[%dma_start3A_158, %dma_start3A_159] : memref<10000x128xf32, #tpu.memory_space<hbm>> -> memref<10000x128xf32, #tpu.memory_space<hbm>>
        tpu.enqueue_indirect_dma source(%dma_start3A_160 : memref<10000x128xf32, #tpu.memory_space<hbm>>) target(%arg10 : memref<128x128xf32, #tpu.memory_space<vmem>>) offsets(%dma_start3A_157 : memref<128xi32, #tpu.memory_space<vmem>>) semaphore(%arg13 : memref<!tpu.dma_semaphore, #tpu.memory_space<semaphore_mem>>)
      } else {
      }
      %add3A_97 = arith.constant 1 : i32
      %add3A_98 = arith.addi %add3A_63, %add3A_97 : i32
      %add3A_99 = arith.constant 20 : i32
      %add3A_100 = arith.addi %add3A_99, %add3A_98 : i32
      %dma_wait3A_101 = arith.constant 0 : i32
      %dma_wait3A_102 = tpu.memref_slice %arg7[%add3A_100, %dma_wait3A_101] : memref<40x128xi32, #tpu.memory_space<vmem>> -> memref<1x128xi32, #tpu.memory_space<vmem>>
      %dma_wait3A_103 = tpu.memref_squeeze %dma_wait3A_102 : memref<1x128xi32, #tpu.memory_space<vmem>> -> memref<128xi32, #tpu.memory_space<vmem>>
      %dma_wait3A_104 = arith.constant 0 : i32
      %dma_wait3A_105 = arith.constant 0 : i32
      %dma_wait3A_106 = tpu.memref_slice %arg4[%dma_wait3A_104, %dma_wait3A_105] : memref<10000x128xf32, #tpu.memory_space<hbm>> -> memref<10000x128xf32, #tpu.memory_space<hbm>>
      tpu.wait_indirect_dma semaphore(%arg15 : memref<!tpu.dma_semaphore, #tpu.memory_space<semaphore_mem>>) src(%dma_wait3A_106 : memref<10000x128xf32, #tpu.memory_space<hbm>>) dst(%arg11 : memref<128x128xf32, #tpu.memory_space<vmem>>)
      %add3A_107 = arith.constant 20 : i32
      %add3A_108 = arith.addi %add3A_107, %add3A_98 : i32
      %dma_wait3A_109 = arith.constant 0 : i32
      %dma_wait3A_110 = tpu.memref_slice %arg8[%add3A_108, %dma_wait3A_109] : memref<40x128xi32, #tpu.memory_space<vmem>> -> memref<1x128xi32, #tpu.memory_space<vmem>>
      %dma_wait3A_111 = tpu.memref_squeeze %dma_wait3A_110 : memref<1x128xi32, #tpu.memory_space<vmem>> -> memref<128xi32, #tpu.memory_space<vmem>>
      %dma_wait3A_112 = arith.constant 0 : i32
      %dma_wait3A_113 = arith.constant 0 : i32
      %dma_wait3A_114 = tpu.memref_slice %arg4[%dma_wait3A_112, %dma_wait3A_113] : memref<10000x128xf32, #tpu.memory_space<hbm>> -> memref<10000x128xf32, #tpu.memory_space<hbm>>
      tpu.wait_indirect_dma semaphore(%arg15 : memref<!tpu.dma_semaphore, #tpu.memory_space<semaphore_mem>>) src(%dma_wait3A_114 : memref<10000x128xf32, #tpu.memory_space<hbm>>) dst(%arg12 : memref<128x128xf32, #tpu.memory_space<vmem>>)
      %mul3A_115 = arith.constant 128 : i32
      %mul3A_116 = arith.muli %add3A_98, %mul3A_115 : i32
      %add3A_117 = arith.addi %mul3A_4, %mul3A_116 : i32
      %dma_start3A_118 = arith.constant 0 : i32
      %dma_start3A_119 = tpu.memref_slice %arg5[%add3A_117, %dma_start3A_118] : memref<81920x128xf32, #tpu.memory_space<hbm>> -> memref<128x128xf32, #tpu.memory_space<hbm>>
      %dma_start3A_120 = arith.constant 0 : i32
      %dma_start3A_121 = tpu.memref_slice %arg5[%add3A_117, %dma_start3A_120] : memref<81920x128xf32, #tpu.memory_space<hbm>> -> memref<128x128xf32, #tpu.memory_space<hbm>>
      tpu.enqueue_dma source(%arg11 : memref<128x128xf32, #tpu.memory_space<vmem>>) target(%dma_start3A_121 : memref<128x128xf32, #tpu.memory_space<hbm>>) target_semaphore(%arg16 : memref<!tpu.dma_semaphore, #tpu.memory_space<semaphore_mem>>)
      %dma_start3A_122 = arith.constant 0 : i32
      %dma_start3A_123 = tpu.memref_slice %arg6[%add3A_117, %dma_start3A_122] : memref<81920x128xf32, #tpu.memory_space<hbm>> -> memref<128x128xf32, #tpu.memory_space<hbm>>
      %dma_start3A_124 = arith.constant 0 : i32
      %dma_start3A_125 = tpu.memref_slice %arg6[%add3A_117, %dma_start3A_124] : memref<81920x128xf32, #tpu.memory_space<hbm>> -> memref<128x128xf32, #tpu.memory_space<hbm>>
      tpu.enqueue_dma source(%arg12 : memref<128x128xf32, #tpu.memory_space<vmem>>) target(%dma_start3A_125 : memref<128x128xf32, #tpu.memory_space<hbm>>) target_semaphore(%arg16 : memref<!tpu.dma_semaphore, #tpu.memory_space<semaphore_mem>>)
      %add3A_126 = arith.constant 2 : i32
      %add3A_127 = arith.addi %add3A_98, %add3A_126 : i32
      %lt3A_128 = arith.constant 20 : i32
      %lt3A_129 = arith.cmpi slt, %add3A_127, %lt3A_128 : i32
      %convert_element_type3A_130 = arith.extui %lt3A_129 : i1 to i32
      %cond3A_131 = arith.constant 0 : i32
      %cond3A_132 = arith.cmpi ne, %convert_element_type3A_130, %cond3A_131 : i32
      scf.if %cond3A_132 {
        %dma_wait3A_133 = arith.constant 0 : i32
        %dma_wait3A_134 = tpu.memref_slice %arg5[%add3A_117, %dma_wait3A_133] : memref<81920x128xf32, #tpu.memory_space<hbm>> -> memref<128x128xf32, #tpu.memory_space<hbm>>
        %dma_wait3A_135 = arith.constant 0 : i32
        %dma_wait3A_136 = tpu.memref_slice %arg5[%add3A_117, %dma_wait3A_135] : memref<81920x128xf32, #tpu.memory_space<hbm>> -> memref<128x128xf32, #tpu.memory_space<hbm>>
        tpu.wait_dma2 semaphore(%arg16 : memref<!tpu.dma_semaphore, #tpu.memory_space<semaphore_mem>>) src(%arg11 : memref<128x128xf32, #tpu.memory_space<vmem>>) dst(%dma_wait3A_136 : memref<128x128xf32, #tpu.memory_space<hbm>>)
        %dma_wait3A_137 = arith.constant 0 : i32
        %dma_wait3A_138 = tpu.memref_slice %arg6[%add3A_117, %dma_wait3A_137] : memref<81920x128xf32, #tpu.memory_space<hbm>> -> memref<128x128xf32, #tpu.memory_space<hbm>>
        %dma_wait3A_139 = arith.constant 0 : i32
        %dma_wait3A_140 = tpu.memref_slice %arg6[%add3A_117, %dma_wait3A_139] : memref<81920x128xf32, #tpu.memory_space<hbm>> -> memref<128x128xf32, #tpu.memory_space<hbm>>
        tpu.wait_dma2 semaphore(%arg16 : memref<!tpu.dma_semaphore, #tpu.memory_space<semaphore_mem>>) src(%arg12 : memref<128x128xf32, #tpu.memory_space<vmem>>) dst(%dma_wait3A_140 : memref<128x128xf32, #tpu.memory_space<hbm>>)
        %add3A_141 = arith.constant 20 : i32
        %add3A_142 = arith.addi %add3A_141, %add3A_98 : i32
        %add3A_143 = arith.constant 2 : i32
        %add3A_144 = arith.addi %add3A_142, %add3A_143 : i32
        %dma_start3A_145 = arith.constant 0 : i32
        %dma_start3A_146 = tpu.memref_slice %arg7[%add3A_144, %dma_start3A_145] : memref<40x128xi32, #tpu.memory_space<vmem>> -> memref<1x128xi32, #tpu.memory_space<vmem>>
        %dma_start3A_147 = tpu.memref_squeeze %dma_start3A_146 : memref<1x128xi32, #tpu.memory_space<vmem>> -> memref<128xi32, #tpu.memory_space<vmem>>
        %dma_start3A_148 = arith.constant 0 : i32
        %dma_start3A_149 = arith.constant 0 : i32
        %dma_start3A_150 = tpu.memref_slice %arg4[%dma_start3A_148, %dma_start3A_149] : memref<10000x128xf32, #tpu.memory_space<hbm>> -> memref<10000x128xf32, #tpu.memory_space<hbm>>
        tpu.enqueue_indirect_dma source(%dma_start3A_150 : memref<10000x128xf32, #tpu.memory_space<hbm>>) target(%arg11 : memref<128x128xf32, #tpu.memory_space<vmem>>) offsets(%dma_start3A_147 : memref<128xi32, #tpu.memory_space<vmem>>) semaphore(%arg15 : memref<!tpu.dma_semaphore, #tpu.memory_space<semaphore_mem>>)
        %add3A_151 = arith.constant 20 : i32
        %add3A_152 = arith.addi %add3A_151, %add3A_98 : i32
        %add3A_153 = arith.constant 2 : i32
        %add3A_154 = arith.addi %add3A_152, %add3A_153 : i32
        %dma_start3A_155 = arith.constant 0 : i32
        %dma_start3A_156 = tpu.memref_slice %arg8[%add3A_154, %dma_start3A_155] : memref<40x128xi32, #tpu.memory_space<vmem>> -> memref<1x128xi32, #tpu.memory_space<vmem>>
        %dma_start3A_157 = tpu.memref_squeeze %dma_start3A_156 : memref<1x128xi32, #tpu.memory_space<vmem>> -> memref<128xi32, #tpu.memory_space<vmem>>
        %dma_start3A_158 = arith.constant 0 : i32
        %dma_start3A_159 = arith.constant 0 : i32
        %dma_start3A_160 = tpu.memref_slice %arg4[%dma_start3A_158, %dma_start3A_159] : memref<10000x128xf32, #tpu.memory_space<hbm>> -> memref<10000x128xf32, #tpu.memory_space<hbm>>
        tpu.enqueue_indirect_dma source(%dma_start3A_160 : memref<10000x128xf32, #tpu.memory_space<hbm>>) target(%arg12 : memref<128x128xf32, #tpu.memory_space<vmem>>) offsets(%dma_start3A_157 : memref<128xi32, #tpu.memory_space<vmem>>) semaphore(%arg15 : memref<!tpu.dma_semaphore, #tpu.memory_space<semaphore_mem>>)
      } else {
      }
    }
    %scan3A_35 = arith.constant 10 : i32
    %dma_wait3A = arith.constant 0 : i32
    %dma_wait3A_36 = arith.constant 0 : i32
    %dma_wait3A_37 = tpu.memref_slice %arg5[%dma_wait3A, %dma_wait3A_36] : memref<81920x128xf32, #tpu.memory_space<hbm>> -> memref<128x128xf32, #tpu.memory_space<hbm>>
    %dma_wait3A_38 = arith.constant 0 : i32
    %dma_wait3A_39 = arith.constant 0 : i32
    %dma_wait3A_40 = tpu.memref_slice %arg5[%dma_wait3A_38, %dma_wait3A_39] : memref<81920x128xf32, #tpu.memory_space<hbm>> -> memref<128x128xf32, #tpu.memory_space<hbm>>
    tpu.wait_dma2 semaphore(%arg14 : memref<!tpu.dma_semaphore, #tpu.memory_space<semaphore_mem>>) src(%arg9 : memref<128x128xf32, #tpu.memory_space<vmem>>) dst(%dma_wait3A_40 : memref<128x128xf32, #tpu.memory_space<hbm>>)
    %dma_wait3A_41 = arith.constant 0 : i32
    %dma_wait3A_42 = arith.constant 0 : i32
    %dma_wait3A_43 = tpu.memref_slice %arg6[%dma_wait3A_41, %dma_wait3A_42] : memref<81920x128xf32, #tpu.memory_space<hbm>> -> memref<128x128xf32, #tpu.memory_space<hbm>>
    %dma_wait3A_44 = arith.constant 0 : i32
    %dma_wait3A_45 = arith.constant 0 : i32
    %dma_wait3A_46 = tpu.memref_slice %arg6[%dma_wait3A_44, %dma_wait3A_45] : memref<81920x128xf32, #tpu.memory_space<hbm>> -> memref<128x128xf32, #tpu.memory_space<hbm>>
    tpu.wait_dma2 semaphore(%arg14 : memref<!tpu.dma_semaphore, #tpu.memory_space<semaphore_mem>>) src(%arg10 : memref<128x128xf32, #tpu.memory_space<vmem>>) dst(%dma_wait3A_46 : memref<128x128xf32, #tpu.memory_space<hbm>>)
    %dma_wait3A_47 = arith.constant 0 : i32
    %dma_wait3A_48 = arith.constant 0 : i32
    %dma_wait3A_49 = tpu.memref_slice %arg5[%dma_wait3A_47, %dma_wait3A_48] : memref<81920x128xf32, #tpu.memory_space<hbm>> -> memref<128x128xf32, #tpu.memory_space<hbm>>
    %dma_wait3A_50 = arith.constant 0 : i32
    %dma_wait3A_51 = arith.constant 0 : i32
    %dma_wait3A_52 = tpu.memref_slice %arg5[%dma_wait3A_50, %dma_wait3A_51] : memref<81920x128xf32, #tpu.memory_space<hbm>> -> memref<128x128xf32, #tpu.memory_space<hbm>>
    tpu.wait_dma2 semaphore(%arg16 : memref<!tpu.dma_semaphore, #tpu.memory_space<semaphore_mem>>) src(%arg11 : memref<128x128xf32, #tpu.memory_space<vmem>>) dst(%dma_wait3A_52 : memref<128x128xf32, #tpu.memory_space<hbm>>)
    %dma_wait3A_53 = arith.constant 0 : i32
    %dma_wait3A_54 = arith.constant 0 : i32
    %dma_wait3A_55 = tpu.memref_slice %arg6[%dma_wait3A_53, %dma_wait3A_54] : memref<81920x128xf32, #tpu.memory_space<hbm>> -> memref<128x128xf32, #tpu.memory_space<hbm>>
    %dma_wait3A_56 = arith.constant 0 : i32
    %dma_wait3A_57 = arith.constant 0 : i32
    %dma_wait3A_58 = tpu.memref_slice %arg6[%dma_wait3A_56, %dma_wait3A_57] : memref<81920x128xf32, #tpu.memory_space<hbm>> -> memref<128x128xf32, #tpu.memory_space<hbm>>
    tpu.wait_dma2 semaphore(%arg16 : memref<!tpu.dma_semaphore, #tpu.memory_space<semaphore_mem>>) src(%arg12 : memref<128x128xf32, #tpu.memory_space<vmem>>) dst(%dma_wait3A_58 : memref<128x128xf32, #tpu.memory_space<hbm>>)
    return
  }
}

#map = affine_map<(d0, d1) -> (0, 0)>
module attributes {stable_mosaic.version = 14 : i64} {
  func.func @_gather_x_body(%arg0: i32, %arg1: i32, %arg2: memref<1280x128xi32, #tpu.memory_space<hbm>>, %arg3: memref<1280x128xi32, #tpu.memory_space<hbm>>, %arg4: memref<10000x128xf32, #tpu.memory_space<hbm>>, %arg5: memref<81920x128xf32, #tpu.memory_space<hbm>>, %arg6: memref<81920x128xf32, #tpu.memory_space<hbm>>, %arg7: memref<40x128xi32, #tpu.memory_space<vmem>>, %arg8: memref<40x128xi32, #tpu.memory_space<vmem>>, %arg9: memref<128x128xf32, #tpu.memory_space<vmem>>, %arg10: memref<128x128xf32, #tpu.memory_space<vmem>>, %arg11: memref<128x128xf32, #tpu.memory_space<vmem>>, %arg12: memref<128x128xf32, #tpu.memory_space<vmem>>, %arg13: memref<!tpu.dma_semaphore, #tpu.memory_space<semaphore_mem>>, %arg14: memref<!tpu.dma_semaphore, #tpu.memory_space<semaphore_mem>>, %arg15: memref<!tpu.dma_semaphore, #tpu.memory_space<semaphore_mem>>, %arg16: memref<!tpu.dma_semaphore, #tpu.memory_space<semaphore_mem>>) attributes {dimension_semantics = [#tpu.dimension_semantics<core_parallel>, #tpu.dimension_semantics<subcore_parallel>], iteration_bounds = array<i64: 2, 16>, scalar_prefetch = 0 : i64, scratch_operands = 10 : i64, tpu.core_type = #tpu.core_type<sc_vector_subcore>, window_params = [{transform_indices = #map}, {transform_indices = #map}, {transform_indices = #map}, {transform_indices = #map}, {transform_indices = #map}]} {
    %mul3A = arith.constant 2 : i32
    %mul3A_0 = arith.muli %arg1, %mul3A : i32
    %add3A = arith.addi %mul3A_0, %arg0 : i32
    %mul3A_1 = arith.constant 40 : i32
    %mul3A_2 = arith.muli %add3A, %mul3A_1 : i32
    "tpu.region"() ({
      %run_scoped3A = tpu.sem_alloc : memref<!tpu.dma_semaphore, #tpu.memory_space<semaphore_mem>>
      %dma_start3A_59 = arith.constant 0 : i32
      %dma_start3A_60 = tpu.memref_slice %arg2[%mul3A_2, %dma_start3A_59] : memref<1280x128xi32, #tpu.memory_space<hbm>> -> memref<40x128xi32, #tpu.memory_space<hbm>>
      %dma_start3A_61 = arith.constant 0 : i32
      %dma_start3A_62 = tpu.memref_slice %arg2[%mul3A_2, %dma_start3A_61] : memref<1280x128xi32, #tpu.memory_space<hbm>> -> memref<40x128xi32, #tpu.memory_space<hbm>>
      tpu.enqueue_dma source(%dma_start3A_62 : memref<40x128xi32, #tpu.memory_space<hbm>>) target(%arg7 : memref<40x128xi32, #tpu.memory_space<vmem>>) target_semaphore(%run_scoped3A : memref<!tpu.dma_semaphore, #tpu.memory_space<semaphore_mem>>)
      %dma_wait3A_63 = arith.constant 0 : i32
      %dma_wait3A_64 = tpu.memref_slice %arg2[%mul3A_2, %dma_wait3A_63] : memref<1280x128xi32, #tpu.memory_space<hbm>> -> memref<40x128xi32, #tpu.memory_space<hbm>>
      %dma_wait3A_65 = arith.constant 0 : i32
      %dma_wait3A_66 = tpu.memref_slice %arg2[%mul3A_2, %dma_wait3A_65] : memref<1280x128xi32, #tpu.memory_space<hbm>> -> memref<40x128xi32, #tpu.memory_space<hbm>>
      tpu.wait_dma2 semaphore(%run_scoped3A : memref<!tpu.dma_semaphore, #tpu.memory_space<semaphore_mem>>) src(%dma_wait3A_66 : memref<40x128xi32, #tpu.memory_space<hbm>>) dst(%arg7 : memref<40x128xi32, #tpu.memory_space<vmem>>)
      tpu.yield
    }) : () -> ()
    "tpu.region"() ({
      %run_scoped3A = tpu.sem_alloc : memref<!tpu.dma_semaphore, #tpu.memory_space<semaphore_mem>>
      %dma_start3A_59 = arith.constant 0 : i32
      %dma_start3A_60 = tpu.memref_slice %arg3[%mul3A_2, %dma_start3A_59] : memref<1280x128xi32, #tpu.memory_space<hbm>> -> memref<40x128xi32, #tpu.memory_space<hbm>>
      %dma_start3A_61 = arith.constant 0 : i32
      %dma_start3A_62 = tpu.memref_slice %arg3[%mul3A_2, %dma_start3A_61] : memref<1280x128xi32, #tpu.memory_space<hbm>> -> memref<40x128xi32, #tpu.memory_space<hbm>>
      tpu.enqueue_dma source(%dma_start3A_62 : memref<40x128xi32, #tpu.memory_space<hbm>>) target(%arg8 : memref<40x128xi32, #tpu.memory_space<vmem>>) target_semaphore(%run_scoped3A : memref<!tpu.dma_semaphore, #tpu.memory_space<semaphore_mem>>)
      %dma_wait3A_63 = arith.constant 0 : i32
      %dma_wait3A_64 = tpu.memref_slice %arg3[%mul3A_2, %dma_wait3A_63] : memref<1280x128xi32, #tpu.memory_space<hbm>> -> memref<40x128xi32, #tpu.memory_space<hbm>>
      %dma_wait3A_65 = arith.constant 0 : i32
      %dma_wait3A_66 = tpu.memref_slice %arg3[%mul3A_2, %dma_wait3A_65] : memref<1280x128xi32, #tpu.memory_space<hbm>> -> memref<40x128xi32, #tpu.memory_space<hbm>>
      tpu.wait_dma2 semaphore(%run_scoped3A : memref<!tpu.dma_semaphore, #tpu.memory_space<semaphore_mem>>) src(%dma_wait3A_66 : memref<40x128xi32, #tpu.memory_space<hbm>>) dst(%arg8 : memref<40x128xi32, #tpu.memory_space<vmem>>)
      tpu.yield
    }) : () -> ()
    %mul3A_3 = arith.constant 2560 : i32
    %mul3A_4 = arith.muli %add3A, %mul3A_3 : i32
    %dma_start3A = arith.constant 0 : i32
    %dma_start3A_5 = arith.constant 0 : i32
    %dma_start3A_6 = tpu.memref_slice %arg7[%dma_start3A, %dma_start3A_5] : memref<40x128xi32, #tpu.memory_space<vmem>> -> memref<1x128xi32, #tpu.memory_space<vmem>>
    %dma_start3A_7 = tpu.memref_squeeze %dma_start3A_6 : memref<1x128xi32, #tpu.memory_space<vmem>> -> memref<128xi32, #tpu.memory_space<vmem>>
    %dma_start3A_8 = arith.constant 0 : i32
    %dma_start3A_9 = arith.constant 0 : i32
    %dma_start3A_10 = tpu.memref_slice %arg4[%dma_start3A_8, %dma_start3A_9] : memref<10000x128xf32, #tpu.memory_space<hbm>> -> memref<10000x128xf32, #tpu.memory_space<hbm>>
    tpu.enqueue_indirect_dma source(%dma_start3A_10 : memref<10000x128xf32, #tpu.memory_space<hbm>>) target(%arg9 : memref<128x128xf32, #tpu.memory_space<vmem>>) offsets(%dma_start3A_7 : memref<128xi32, #tpu.memory_space<vmem>>) semaphore(%arg13 : memref<!tpu.dma_semaphore, #tpu.memory_space<semaphore_mem>>)
    %dma_start3A_11 = arith.constant 0 : i32
    %dma_start3A_12 = arith.constant 0 : i32
    %dma_start3A_13 = tpu.memref_slice %arg8[%dma_start3A_11, %dma_start3A_12] : memref<40x128xi32, #tpu.memory_space<vmem>> -> memref<1x128xi32, #tpu.memory_space<vmem>>
    %dma_start3A_14 = tpu.memref_squeeze %dma_start3A_13 : memref<1x128xi32, #tpu.memory_space<vmem>> -> memref<128xi32, #tpu.memory_space<vmem>>
    %dma_start3A_15 = arith.constant 0 : i32
    %dma_start3A_16 = arith.constant 0 : i32
    %dma_start3A_17 = tpu.memref_slice %arg4[%dma_start3A_15, %dma_start3A_16] : memref<10000x128xf32, #tpu.memory_space<hbm>> -> memref<10000x128xf32, #tpu.memory_space<hbm>>
    tpu.enqueue_indirect_dma source(%dma_start3A_17 : memref<10000x128xf32, #tpu.memory_space<hbm>>) target(%arg10 : memref<128x128xf32, #tpu.memory_space<vmem>>) offsets(%dma_start3A_14 : memref<128xi32, #tpu.memory_space<vmem>>) semaphore(%arg13 : memref<!tpu.dma_semaphore, #tpu.memory_space<semaphore_mem>>)
    %dma_start3A_18 = arith.constant 1 : i32
    %dma_start3A_19 = arith.constant 0 : i32
    %dma_start3A_20 = tpu.memref_slice %arg7[%dma_start3A_18, %dma_start3A_19] : memref<40x128xi32, #tpu.memory_space<vmem>> -> memref<1x128xi32, #tpu.memory_space<vmem>>
    %dma_start3A_21 = tpu.memref_squeeze %dma_start3A_20 : memref<1x128xi32, #tpu.memory_space<vmem>> -> memref<128xi32, #tpu.memory_space<vmem>>
    %dma_start3A_22 = arith.constant 0 : i32
    %dma_start3A_23 = arith.constant 0 : i32
    %dma_start3A_24 = tpu.memref_slice %arg4[%dma_start3A_22, %dma_start3A_23] : memref<10000x128xf32, #tpu.memory_space<hbm>> -> memref<10000x128xf32, #tpu.memory_space<hbm>>
    tpu.enqueue_indirect_dma source(%dma_start3A_24 : memref<10000x128xf32, #tpu.memory_space<hbm>>) target(%arg11 : memref<128x128xf32, #tpu.memory_space<vmem>>) offsets(%dma_start3A_21 : memref<128xi32, #tpu.memory_space<vmem>>) semaphore(%arg15 : memref<!tpu.dma_semaphore, #tpu.memory_space<semaphore_mem>>)
    %dma_start3A_25 = arith.constant 1 : i32
    %dma_start3A_26 = arith.constant 0 : i32
    %dma_start3A_27 = tpu.memref_slice %arg8[%dma_start3A_25, %dma_start3A_26] : memref<40x128xi32, #tpu.memory_space<vmem>> -> memref<1x128xi32, #tpu.memory_space<vmem>>
    %dma_start3A_28 = tpu.memref_squeeze %dma_start3A_27 : memref<1x128xi32, #tpu.memory_space<vmem>> -> memref<128xi32, #tpu.memory_space<vmem>>
    %dma_start3A_29 = arith.constant 0 : i32
    %dma_start3A_30 = arith.constant 0 : i32
    %dma_start3A_31 = tpu.memref_slice %arg4[%dma_start3A_29, %dma_start3A_30] : memref<10000x128xf32, #tpu.memory_space<hbm>> -> memref<10000x128xf32, #tpu.memory_space<hbm>>
    tpu.enqueue_indirect_dma source(%dma_start3A_31 : memref<10000x128xf32, #tpu.memory_space<hbm>>) target(%arg12 : memref<128x128xf32, #tpu.memory_space<vmem>>) offsets(%dma_start3A_28 : memref<128xi32, #tpu.memory_space<vmem>>) semaphore(%arg15 : memref<!tpu.dma_semaphore, #tpu.memory_space<semaphore_mem>>)
    %scan3A = arith.constant 0 : i32
    %scan3A_32 = arith.constant 10 : i32
    %scan3A_33 = arith.addi %scan3A, %scan3A_32 : i32
    %scan3A_34 = arith.constant 1 : i32
    scf.for %scan3A_59 = %scan3A to %scan3A_33 step %scan3A_34  : i32 {
      %mul3A_60 = arith.constant 2 : i32
      %mul3A_61 = arith.muli %scan3A_59, %mul3A_60 : i32
      %add3A_62 = arith.constant 0 : i32
      %add3A_63 = arith.addi %add3A_62, %mul3A_61 : i32
      %add3A_64 = arith.constant 0 : i32
      %add3A_65 = arith.addi %add3A_63, %add3A_64 : i32
      %add3A_66 = arith.constant 0 : i32
      %add3A_67 = arith.addi %add3A_66, %add3A_65 : i32
      %dma_wait3A_68 = arith.constant 0 : i32
      %dma_wait3A_69 = tpu.memref_slice %arg7[%add3A_67, %dma_wait3A_68] : memref<40x128xi32, #tpu.memory_space<vmem>> -> memref<1x128xi32, #tpu.memory_space<vmem>>
      %dma_wait3A_70 = tpu.memref_squeeze %dma_wait3A_69 : memref<1x128xi32, #tpu.memory_space<vmem>> -> memref<128xi32, #tpu.memory_space<vmem>>
      %dma_wait3A_71 = arith.constant 0 : i32
      %dma_wait3A_72 = arith.constant 0 : i32
      %dma_wait3A_73 = tpu.memref_slice %arg4[%dma_wait3A_71, %dma_wait3A_72] : memref<10000x128xf32, #tpu.memory_space<hbm>> -> memref<10000x128xf32, #tpu.memory_space<hbm>>
      tpu.wait_indirect_dma semaphore(%arg13 : memref<!tpu.dma_semaphore, #tpu.memory_space<semaphore_mem>>) src(%dma_wait3A_73 : memref<10000x128xf32, #tpu.memory_space<hbm>>) dst(%arg9 : memref<128x128xf32, #tpu.memory_space<vmem>>)
      %add3A_74 = arith.constant 0 : i32
      %add3A_75 = arith.addi %add3A_74, %add3A_65 : i32
      %dma_wait3A_76 = arith.constant 0 : i32
      %dma_wait3A_77 = tpu.memref_slice %arg8[%add3A_75, %dma_wait3A_76] : memref<40x128xi32, #tpu.memory_space<vmem>> -> memref<1x128xi32, #tpu.memory_space<vmem>>
      %dma_wait3A_78 = tpu.memref_squeeze %dma_wait3A_77 : memref<1x128xi32, #tpu.memory_space<vmem>> -> memref<128xi32, #tpu.memory_space<vmem>>
      %dma_wait3A_79 = arith.constant 0 : i32
      %dma_wait3A_80 = arith.constant 0 : i32
      %dma_wait3A_81 = tpu.memref_slice %arg4[%dma_wait3A_79, %dma_wait3A_80] : memref<10000x128xf32, #tpu.memory_space<hbm>> -> memref<10000x128xf32, #tpu.memory_space<hbm>>
      tpu.wait_indirect_dma semaphore(%arg13 : memref<!tpu.dma_semaphore, #tpu.memory_space<semaphore_mem>>) src(%dma_wait3A_81 : memref<10000x128xf32, #tpu.memory_space<hbm>>) dst(%arg10 : memref<128x128xf32, #tpu.memory_space<vmem>>)
      %mul3A_82 = arith.constant 128 : i32
      %mul3A_83 = arith.muli %add3A_65, %mul3A_82 : i32
      %add3A_84 = arith.addi %mul3A_4, %mul3A_83 : i32
      %dma_start3A_85 = arith.constant 0 : i32
      %dma_start3A_86 = tpu.memref_slice %arg5[%add3A_84, %dma_start3A_85] : memref<81920x128xf32, #tpu.memory_space<hbm>> -> memref<128x128xf32, #tpu.memory_space<hbm>>
      %dma_start3A_87 = arith.constant 0 : i32
      %dma_start3A_88 = tpu.memref_slice %arg5[%add3A_84, %dma_start3A_87] : memref<81920x128xf32, #tpu.memory_space<hbm>> -> memref<128x128xf32, #tpu.memory_space<hbm>>
      tpu.enqueue_dma source(%arg9 : memref<128x128xf32, #tpu.memory_space<vmem>>) target(%dma_start3A_88 : memref<128x128xf32, #tpu.memory_space<hbm>>) target_semaphore(%arg14 : memref<!tpu.dma_semaphore, #tpu.memory_space<semaphore_mem>>)
      %dma_start3A_89 = arith.constant 0 : i32
      %dma_start3A_90 = tpu.memref_slice %arg6[%add3A_84, %dma_start3A_89] : memref<81920x128xf32, #tpu.memory_space<hbm>> -> memref<128x128xf32, #tpu.memory_space<hbm>>
      %dma_start3A_91 = arith.constant 0 : i32
      %dma_start3A_92 = tpu.memref_slice %arg6[%add3A_84, %dma_start3A_91] : memref<81920x128xf32, #tpu.memory_space<hbm>> -> memref<128x128xf32, #tpu.memory_space<hbm>>
      tpu.enqueue_dma source(%arg10 : memref<128x128xf32, #tpu.memory_space<vmem>>) target(%dma_start3A_92 : memref<128x128xf32, #tpu.memory_space<hbm>>) target_semaphore(%arg14 : memref<!tpu.dma_semaphore, #tpu.memory_space<semaphore_mem>>)
      %add3A_93 = arith.constant 2 : i32
      %add3A_94 = arith.addi %add3A_65, %add3A_93 : i32
      %lt3A = arith.constant 20 : i32
      %lt3A_95 = arith.cmpi slt, %add3A_94, %lt3A : i32
      %convert_element_type3A = arith.extui %lt3A_95 : i1 to i32
      %cond3A = arith.constant 0 : i32
      %cond3A_96 = arith.cmpi ne, %convert_element_type3A, %cond3A : i32
      scf.if %cond3A_96 {
        %dma_wait3A_133 = arith.constant 0 : i32
        %dma_wait3A_134 = tpu.memref_slice %arg5[%add3A_84, %dma_wait3A_133] : memref<81920x128xf32, #tpu.memory_space<hbm>> -> memref<128x128xf32, #tpu.memory_space<hbm>>
        %dma_wait3A_135 = arith.constant 0 : i32
        %dma_wait3A_136 = tpu.memref_slice %arg5[%add3A_84, %dma_wait3A_135] : memref<81920x128xf32, #tpu.memory_space<hbm>> -> memref<128x128xf32, #tpu.memory_space<hbm>>
        tpu.wait_dma2 semaphore(%arg14 : memref<!tpu.dma_semaphore, #tpu.memory_space<semaphore_mem>>) src(%arg9 : memref<128x128xf32, #tpu.memory_space<vmem>>) dst(%dma_wait3A_136 : memref<128x128xf32, #tpu.memory_space<hbm>>)
        %dma_wait3A_137 = arith.constant 0 : i32
        %dma_wait3A_138 = tpu.memref_slice %arg6[%add3A_84, %dma_wait3A_137] : memref<81920x128xf32, #tpu.memory_space<hbm>> -> memref<128x128xf32, #tpu.memory_space<hbm>>
        %dma_wait3A_139 = arith.constant 0 : i32
        %dma_wait3A_140 = tpu.memref_slice %arg6[%add3A_84, %dma_wait3A_139] : memref<81920x128xf32, #tpu.memory_space<hbm>> -> memref<128x128xf32, #tpu.memory_space<hbm>>
        tpu.wait_dma2 semaphore(%arg14 : memref<!tpu.dma_semaphore, #tpu.memory_space<semaphore_mem>>) src(%arg10 : memref<128x128xf32, #tpu.memory_space<vmem>>) dst(%dma_wait3A_140 : memref<128x128xf32, #tpu.memory_space<hbm>>)
        %add3A_141 = arith.constant 0 : i32
        %add3A_142 = arith.addi %add3A_141, %add3A_65 : i32
        %add3A_143 = arith.constant 2 : i32
        %add3A_144 = arith.addi %add3A_142, %add3A_143 : i32
        %dma_start3A_145 = arith.constant 0 : i32
        %dma_start3A_146 = tpu.memref_slice %arg7[%add3A_144, %dma_start3A_145] : memref<40x128xi32, #tpu.memory_space<vmem>> -> memref<1x128xi32, #tpu.memory_space<vmem>>
        %dma_start3A_147 = tpu.memref_squeeze %dma_start3A_146 : memref<1x128xi32, #tpu.memory_space<vmem>> -> memref<128xi32, #tpu.memory_space<vmem>>
        %dma_start3A_148 = arith.constant 0 : i32
        %dma_start3A_149 = arith.constant 0 : i32
        %dma_start3A_150 = tpu.memref_slice %arg4[%dma_start3A_148, %dma_start3A_149] : memref<10000x128xf32, #tpu.memory_space<hbm>> -> memref<10000x128xf32, #tpu.memory_space<hbm>>
        tpu.enqueue_indirect_dma source(%dma_start3A_150 : memref<10000x128xf32, #tpu.memory_space<hbm>>) target(%arg9 : memref<128x128xf32, #tpu.memory_space<vmem>>) offsets(%dma_start3A_147 : memref<128xi32, #tpu.memory_space<vmem>>) semaphore(%arg13 : memref<!tpu.dma_semaphore, #tpu.memory_space<semaphore_mem>>)
        %add3A_151 = arith.constant 0 : i32
        %add3A_152 = arith.addi %add3A_151, %add3A_65 : i32
        %add3A_153 = arith.constant 2 : i32
        %add3A_154 = arith.addi %add3A_152, %add3A_153 : i32
        %dma_start3A_155 = arith.constant 0 : i32
        %dma_start3A_156 = tpu.memref_slice %arg8[%add3A_154, %dma_start3A_155] : memref<40x128xi32, #tpu.memory_space<vmem>> -> memref<1x128xi32, #tpu.memory_space<vmem>>
        %dma_start3A_157 = tpu.memref_squeeze %dma_start3A_156 : memref<1x128xi32, #tpu.memory_space<vmem>> -> memref<128xi32, #tpu.memory_space<vmem>>
        %dma_start3A_158 = arith.constant 0 : i32
        %dma_start3A_159 = arith.constant 0 : i32
        %dma_start3A_160 = tpu.memref_slice %arg4[%dma_start3A_158, %dma_start3A_159] : memref<10000x128xf32, #tpu.memory_space<hbm>> -> memref<10000x128xf32, #tpu.memory_space<hbm>>
        tpu.enqueue_indirect_dma source(%dma_start3A_160 : memref<10000x128xf32, #tpu.memory_space<hbm>>) target(%arg10 : memref<128x128xf32, #tpu.memory_space<vmem>>) offsets(%dma_start3A_157 : memref<128xi32, #tpu.memory_space<vmem>>) semaphore(%arg13 : memref<!tpu.dma_semaphore, #tpu.memory_space<semaphore_mem>>)
      } else {
      }
      %add3A_97 = arith.constant 1 : i32
      %add3A_98 = arith.addi %add3A_63, %add3A_97 : i32
      %add3A_99 = arith.constant 0 : i32
      %add3A_100 = arith.addi %add3A_99, %add3A_98 : i32
      %dma_wait3A_101 = arith.constant 0 : i32
      %dma_wait3A_102 = tpu.memref_slice %arg7[%add3A_100, %dma_wait3A_101] : memref<40x128xi32, #tpu.memory_space<vmem>> -> memref<1x128xi32, #tpu.memory_space<vmem>>
      %dma_wait3A_103 = tpu.memref_squeeze %dma_wait3A_102 : memref<1x128xi32, #tpu.memory_space<vmem>> -> memref<128xi32, #tpu.memory_space<vmem>>
      %dma_wait3A_104 = arith.constant 0 : i32
      %dma_wait3A_105 = arith.constant 0 : i32
      %dma_wait3A_106 = tpu.memref_slice %arg4[%dma_wait3A_104, %dma_wait3A_105] : memref<10000x128xf32, #tpu.memory_space<hbm>> -> memref<10000x128xf32, #tpu.memory_space<hbm>>
      tpu.wait_indirect_dma semaphore(%arg15 : memref<!tpu.dma_semaphore, #tpu.memory_space<semaphore_mem>>) src(%dma_wait3A_106 : memref<10000x128xf32, #tpu.memory_space<hbm>>) dst(%arg11 : memref<128x128xf32, #tpu.memory_space<vmem>>)
      %add3A_107 = arith.constant 0 : i32
      %add3A_108 = arith.addi %add3A_107, %add3A_98 : i32
      %dma_wait3A_109 = arith.constant 0 : i32
      %dma_wait3A_110 = tpu.memref_slice %arg8[%add3A_108, %dma_wait3A_109] : memref<40x128xi32, #tpu.memory_space<vmem>> -> memref<1x128xi32, #tpu.memory_space<vmem>>
      %dma_wait3A_111 = tpu.memref_squeeze %dma_wait3A_110 : memref<1x128xi32, #tpu.memory_space<vmem>> -> memref<128xi32, #tpu.memory_space<vmem>>
      %dma_wait3A_112 = arith.constant 0 : i32
      %dma_wait3A_113 = arith.constant 0 : i32
      %dma_wait3A_114 = tpu.memref_slice %arg4[%dma_wait3A_112, %dma_wait3A_113] : memref<10000x128xf32, #tpu.memory_space<hbm>> -> memref<10000x128xf32, #tpu.memory_space<hbm>>
      tpu.wait_indirect_dma semaphore(%arg15 : memref<!tpu.dma_semaphore, #tpu.memory_space<semaphore_mem>>) src(%dma_wait3A_114 : memref<10000x128xf32, #tpu.memory_space<hbm>>) dst(%arg12 : memref<128x128xf32, #tpu.memory_space<vmem>>)
      %mul3A_115 = arith.constant 128 : i32
      %mul3A_116 = arith.muli %add3A_98, %mul3A_115 : i32
      %add3A_117 = arith.addi %mul3A_4, %mul3A_116 : i32
      %dma_start3A_118 = arith.constant 0 : i32
      %dma_start3A_119 = tpu.memref_slice %arg5[%add3A_117, %dma_start3A_118] : memref<81920x128xf32, #tpu.memory_space<hbm>> -> memref<128x128xf32, #tpu.memory_space<hbm>>
      %dma_start3A_120 = arith.constant 0 : i32
      %dma_start3A_121 = tpu.memref_slice %arg5[%add3A_117, %dma_start3A_120] : memref<81920x128xf32, #tpu.memory_space<hbm>> -> memref<128x128xf32, #tpu.memory_space<hbm>>
      tpu.enqueue_dma source(%arg11 : memref<128x128xf32, #tpu.memory_space<vmem>>) target(%dma_start3A_121 : memref<128x128xf32, #tpu.memory_space<hbm>>) target_semaphore(%arg16 : memref<!tpu.dma_semaphore, #tpu.memory_space<semaphore_mem>>)
      %dma_start3A_122 = arith.constant 0 : i32
      %dma_start3A_123 = tpu.memref_slice %arg6[%add3A_117, %dma_start3A_122] : memref<81920x128xf32, #tpu.memory_space<hbm>> -> memref<128x128xf32, #tpu.memory_space<hbm>>
      %dma_start3A_124 = arith.constant 0 : i32
      %dma_start3A_125 = tpu.memref_slice %arg6[%add3A_117, %dma_start3A_124] : memref<81920x128xf32, #tpu.memory_space<hbm>> -> memref<128x128xf32, #tpu.memory_space<hbm>>
      tpu.enqueue_dma source(%arg12 : memref<128x128xf32, #tpu.memory_space<vmem>>) target(%dma_start3A_125 : memref<128x128xf32, #tpu.memory_space<hbm>>) target_semaphore(%arg16 : memref<!tpu.dma_semaphore, #tpu.memory_space<semaphore_mem>>)
      %add3A_126 = arith.constant 2 : i32
      %add3A_127 = arith.addi %add3A_98, %add3A_126 : i32
      %lt3A_128 = arith.constant 20 : i32
      %lt3A_129 = arith.cmpi slt, %add3A_127, %lt3A_128 : i32
      %convert_element_type3A_130 = arith.extui %lt3A_129 : i1 to i32
      %cond3A_131 = arith.constant 0 : i32
      %cond3A_132 = arith.cmpi ne, %convert_element_type3A_130, %cond3A_131 : i32
      scf.if %cond3A_132 {
        %dma_wait3A_133 = arith.constant 0 : i32
        %dma_wait3A_134 = tpu.memref_slice %arg5[%add3A_117, %dma_wait3A_133] : memref<81920x128xf32, #tpu.memory_space<hbm>> -> memref<128x128xf32, #tpu.memory_space<hbm>>
        %dma_wait3A_135 = arith.constant 0 : i32
        %dma_wait3A_136 = tpu.memref_slice %arg5[%add3A_117, %dma_wait3A_135] : memref<81920x128xf32, #tpu.memory_space<hbm>> -> memref<128x128xf32, #tpu.memory_space<hbm>>
        tpu.wait_dma2 semaphore(%arg16 : memref<!tpu.dma_semaphore, #tpu.memory_space<semaphore_mem>>) src(%arg11 : memref<128x128xf32, #tpu.memory_space<vmem>>) dst(%dma_wait3A_136 : memref<128x128xf32, #tpu.memory_space<hbm>>)
        %dma_wait3A_137 = arith.constant 0 : i32
        %dma_wait3A_138 = tpu.memref_slice %arg6[%add3A_117, %dma_wait3A_137] : memref<81920x128xf32, #tpu.memory_space<hbm>> -> memref<128x128xf32, #tpu.memory_space<hbm>>
        %dma_wait3A_139 = arith.constant 0 : i32
        %dma_wait3A_140 = tpu.memref_slice %arg6[%add3A_117, %dma_wait3A_139] : memref<81920x128xf32, #tpu.memory_space<hbm>> -> memref<128x128xf32, #tpu.memory_space<hbm>>
        tpu.wait_dma2 semaphore(%arg16 : memref<!tpu.dma_semaphore, #tpu.memory_space<semaphore_mem>>) src(%arg12 : memref<128x128xf32, #tpu.memory_space<vmem>>) dst(%dma_wait3A_140 : memref<128x128xf32, #tpu.memory_space<hbm>>)
        %add3A_141 = arith.constant 0 : i32
        %add3A_142 = arith.addi %add3A_141, %add3A_98 : i32
        %add3A_143 = arith.constant 2 : i32
        %add3A_144 = arith.addi %add3A_142, %add3A_143 : i32
        %dma_start3A_145 = arith.constant 0 : i32
        %dma_start3A_146 = tpu.memref_slice %arg7[%add3A_144, %dma_start3A_145] : memref<40x128xi32, #tpu.memory_space<vmem>> -> memref<1x128xi32, #tpu.memory_space<vmem>>
        %dma_start3A_147 = tpu.memref_squeeze %dma_start3A_146 : memref<1x128xi32, #tpu.memory_space<vmem>> -> memref<128xi32, #tpu.memory_space<vmem>>
        %dma_start3A_148 = arith.constant 0 : i32
        %dma_start3A_149 = arith.constant 0 : i32
        %dma_start3A_150 = tpu.memref_slice %arg4[%dma_start3A_148, %dma_start3A_149] : memref<10000x128xf32, #tpu.memory_space<hbm>> -> memref<10000x128xf32, #tpu.memory_space<hbm>>
        tpu.enqueue_indirect_dma source(%dma_start3A_150 : memref<10000x128xf32, #tpu.memory_space<hbm>>) target(%arg11 : memref<128x128xf32, #tpu.memory_space<vmem>>) offsets(%dma_start3A_147 : memref<128xi32, #tpu.memory_space<vmem>>) semaphore(%arg15 : memref<!tpu.dma_semaphore, #tpu.memory_space<semaphore_mem>>)
        %add3A_151 = arith.constant 0 : i32
        %add3A_152 = arith.addi %add3A_151, %add3A_98 : i32
        %add3A_153 = arith.constant 2 : i32
        %add3A_154 = arith.addi %add3A_152, %add3A_153 : i32
        %dma_start3A_155 = arith.constant 0 : i32
        %dma_start3A_156 = tpu.memref_slice %arg8[%add3A_154, %dma_start3A_155] : memref<40x128xi32, #tpu.memory_space<vmem>> -> memref<1x128xi32, #tpu.memory_space<vmem>>
        %dma_start3A_157 = tpu.memref_squeeze %dma_start3A_156 : memref<1x128xi32, #tpu.memory_space<vmem>> -> memref<128xi32, #tpu.memory_space<vmem>>
        %dma_start3A_158 = arith.constant 0 : i32
        %dma_start3A_159 = arith.constant 0 : i32
        %dma_start3A_160 = tpu.memref_slice %arg4[%dma_start3A_158, %dma_start3A_159] : memref<10000x128xf32, #tpu.memory_space<hbm>> -> memref<10000x128xf32, #tpu.memory_space<hbm>>
        tpu.enqueue_indirect_dma source(%dma_start3A_160 : memref<10000x128xf32, #tpu.memory_space<hbm>>) target(%arg12 : memref<128x128xf32, #tpu.memory_space<vmem>>) offsets(%dma_start3A_157 : memref<128xi32, #tpu.memory_space<vmem>>) semaphore(%arg15 : memref<!tpu.dma_semaphore, #tpu.memory_space<semaphore_mem>>)
      } else {
      }
    }
    %scan3A_35 = arith.constant 10 : i32
    %dma_wait3A = arith.constant 0 : i32
    %dma_wait3A_36 = arith.constant 0 : i32
    %dma_wait3A_37 = tpu.memref_slice %arg5[%dma_wait3A, %dma_wait3A_36] : memref<81920x128xf32, #tpu.memory_space<hbm>> -> memref<128x128xf32, #tpu.memory_space<hbm>>
    %dma_wait3A_38 = arith.constant 0 : i32
    %dma_wait3A_39 = arith.constant 0 : i32
    %dma_wait3A_40 = tpu.memref_slice %arg5[%dma_wait3A_38, %dma_wait3A_39] : memref<81920x128xf32, #tpu.memory_space<hbm>> -> memref<128x128xf32, #tpu.memory_space<hbm>>
    tpu.wait_dma2 semaphore(%arg14 : memref<!tpu.dma_semaphore, #tpu.memory_space<semaphore_mem>>) src(%arg9 : memref<128x128xf32, #tpu.memory_space<vmem>>) dst(%dma_wait3A_40 : memref<128x128xf32, #tpu.memory_space<hbm>>)
    %dma_wait3A_41 = arith.constant 0 : i32
    %dma_wait3A_42 = arith.constant 0 : i32
    %dma_wait3A_43 = tpu.memref_slice %arg6[%dma_wait3A_41, %dma_wait3A_42] : memref<81920x128xf32, #tpu.memory_space<hbm>> -> memref<128x128xf32, #tpu.memory_space<hbm>>
    %dma_wait3A_44 = arith.constant 0 : i32
    %dma_wait3A_45 = arith.constant 0 : i32
    %dma_wait3A_46 = tpu.memref_slice %arg6[%dma_wait3A_44, %dma_wait3A_45] : memref<81920x128xf32, #tpu.memory_space<hbm>> -> memref<128x128xf32, #tpu.memory_space<hbm>>
    tpu.wait_dma2 semaphore(%arg14 : memref<!tpu.dma_semaphore, #tpu.memory_space<semaphore_mem>>) src(%arg10 : memref<128x128xf32, #tpu.memory_space<vmem>>) dst(%dma_wait3A_46 : memref<128x128xf32, #tpu.memory_space<hbm>>)
    %dma_wait3A_47 = arith.constant 0 : i32
    %dma_wait3A_48 = arith.constant 0 : i32
    %dma_wait3A_49 = tpu.memref_slice %arg5[%dma_wait3A_47, %dma_wait3A_48] : memref<81920x128xf32, #tpu.memory_space<hbm>> -> memref<128x128xf32, #tpu.memory_space<hbm>>
    %dma_wait3A_50 = arith.constant 0 : i32
    %dma_wait3A_51 = arith.constant 0 : i32
    %dma_wait3A_52 = tpu.memref_slice %arg5[%dma_wait3A_50, %dma_wait3A_51] : memref<81920x128xf32, #tpu.memory_space<hbm>> -> memref<128x128xf32, #tpu.memory_space<hbm>>
    tpu.wait_dma2 semaphore(%arg16 : memref<!tpu.dma_semaphore, #tpu.memory_space<semaphore_mem>>) src(%arg11 : memref<128x128xf32, #tpu.memory_space<vmem>>) dst(%dma_wait3A_52 : memref<128x128xf32, #tpu.memory_space<hbm>>)
    %dma_wait3A_53 = arith.constant 0 : i32
    %dma_wait3A_54 = arith.constant 0 : i32
    %dma_wait3A_55 = tpu.memref_slice %arg6[%dma_wait3A_53, %dma_wait3A_54] : memref<81920x128xf32, #tpu.memory_space<hbm>> -> memref<128x128xf32, #tpu.memory_space<hbm>>
    %dma_wait3A_56 = arith.constant 0 : i32
    %dma_wait3A_57 = arith.constant 0 : i32
    %dma_wait3A_58 = tpu.memref_slice %arg6[%dma_wait3A_56, %dma_wait3A_57] : memref<81920x128xf32, #tpu.memory_space<hbm>> -> memref<128x128xf32, #tpu.memory_space<hbm>>
    tpu.wait_dma2 semaphore(%arg16 : memref<!tpu.dma_semaphore, #tpu.memory_space<semaphore_mem>>) src(%arg12 : memref<128x128xf32, #tpu.memory_space<vmem>>) dst(%dma_wait3A_58 : memref<128x128xf32, #tpu.memory_space<hbm>>)
    return
  }
}

#map = affine_map<(d0, d1) -> (0, 0)>
#map1 = affine_map<(d0, d1) -> (0, 0, 0)>
module attributes {stable_mosaic.version = 14 : i64} {
  func.func @_scatter_body(%arg0: i32, %arg1: i32, %arg2: memref<81920x128xf32, #tpu.memory_space<hbm>>, %arg3: memref<1280x128xi32, #tpu.memory_space<hbm>>, %arg4: memref<10240x128xf32, #tpu.memory_space<hbm>>, %arg5: memref<2x10240x128xf32, #tpu.memory_space<hbm>>, %arg6: memref<128xi32, #tpu.memory_space<vmem>>, %arg7: memref<128xi32, #tpu.memory_space<vmem>>, %arg8: memref<128x128xf32, #tpu.memory_space<vmem>>, %arg9: memref<128x128xf32, #tpu.memory_space<vmem>>, %arg10: memref<10240x128xf32, #tpu.memory_space<vmem_shared>>, %arg11: memref<!tpu.dma_semaphore, #tpu.memory_space<semaphore_mem>>, %arg12: memref<!tpu.dma_semaphore, #tpu.memory_space<semaphore_mem>>) attributes {dimension_semantics = [#tpu.dimension_semantics<core_parallel>, #tpu.dimension_semantics<subcore_parallel>], iteration_bounds = array<i64: 2, 16>, scalar_prefetch = 0 : i64, scratch_operands = 7 : i64, tpu.core_type = #tpu.core_type<sc_vector_subcore>, window_params = [{transform_indices = #map}, {transform_indices = #map}, {transform_indices = #map}, {transform_indices = #map1}]} {
    %mul3A = arith.constant 2 : i32
    %mul3A_0 = arith.muli %arg1, %mul3A : i32
    %add3A = arith.addi %mul3A_0, %arg0 : i32
    %mul3A_1 = arith.constant 640 : i32
    %mul3A_2 = arith.muli %arg1, %mul3A_1 : i32
    "tpu.region"() ({
      %run_scoped3A = tpu.sem_alloc : memref<!tpu.dma_semaphore, #tpu.memory_space<semaphore_mem>>
      %dma_start3A_41 = arith.constant 0 : i32
      %dma_start3A_42 = tpu.memref_slice %arg10[%mul3A_2, %dma_start3A_41] : memref<10240x128xf32, #tpu.memory_space<vmem_shared>> -> memref<640x128xf32, #tpu.memory_space<vmem_shared>>
      %dma_start3A_43 = arith.constant 0 : i32
      %dma_start3A_44 = tpu.memref_slice %arg4[%mul3A_2, %dma_start3A_43] : memref<10240x128xf32, #tpu.memory_space<hbm>> -> memref<640x128xf32, #tpu.memory_space<hbm>>
      tpu.enqueue_dma source(%dma_start3A_44 : memref<640x128xf32, #tpu.memory_space<hbm>>) target(%dma_start3A_42 : memref<640x128xf32, #tpu.memory_space<vmem_shared>>) target_semaphore(%run_scoped3A : memref<!tpu.dma_semaphore, #tpu.memory_space<semaphore_mem>>)
      %dma_wait3A = arith.constant 0 : i32
      %dma_wait3A_45 = tpu.memref_slice %arg10[%mul3A_2, %dma_wait3A] : memref<10240x128xf32, #tpu.memory_space<vmem_shared>> -> memref<640x128xf32, #tpu.memory_space<vmem_shared>>
      %dma_wait3A_46 = arith.constant 0 : i32
      %dma_wait3A_47 = tpu.memref_slice %arg4[%mul3A_2, %dma_wait3A_46] : memref<10240x128xf32, #tpu.memory_space<hbm>> -> memref<640x128xf32, #tpu.memory_space<hbm>>
      tpu.wait_dma2 semaphore(%run_scoped3A : memref<!tpu.dma_semaphore, #tpu.memory_space<semaphore_mem>>) src(%dma_wait3A_47 : memref<640x128xf32, #tpu.memory_space<hbm>>) dst(%dma_wait3A_45 : memref<640x128xf32, #tpu.memory_space<vmem_shared>>)
      tpu.yield
    }) : () -> ()
    %barrier3A = arith.constant 0 : index
    tpu.barrier barrier_id(%barrier3A)
    %mul3A_3 = arith.constant 20 : i32
    %mul3A_4 = arith.muli %add3A, %mul3A_3 : i32
    %add3A_5 = arith.constant 640 : i32
    %add3A_6 = arith.addi %add3A_5, %mul3A_4 : i32
    %mul3A_7 = arith.constant 2560 : i32
    %mul3A_8 = arith.muli %add3A, %mul3A_7 : i32
    %add3A_9 = arith.constant 0 : i32
    %add3A_10 = arith.addi %add3A_6, %add3A_9 : i32
    %dma_start3A = arith.constant 0 : i32
    %dma_start3A_11 = tpu.memref_slice %arg3[%add3A_10, %dma_start3A] : memref<1280x128xi32, #tpu.memory_space<hbm>> -> memref<1x128xi32, #tpu.memory_space<hbm>>
    %dma_start3A_12 = tpu.memref_squeeze %dma_start3A_11 : memref<1x128xi32, #tpu.memory_space<hbm>> -> memref<128xi32, #tpu.memory_space<hbm>>
    %dma_start3A_13 = arith.constant 0 : i32
    %dma_start3A_14 = tpu.memref_slice %arg3[%add3A_10, %dma_start3A_13] : memref<1280x128xi32, #tpu.memory_space<hbm>> -> memref<1x128xi32, #tpu.memory_space<hbm>>
    %dma_start3A_15 = tpu.memref_squeeze %dma_start3A_14 : memref<1x128xi32, #tpu.memory_space<hbm>> -> memref<128xi32, #tpu.memory_space<hbm>>
    tpu.enqueue_dma source(%dma_start3A_15 : memref<128xi32, #tpu.memory_space<hbm>>) target(%arg6 : memref<128xi32, #tpu.memory_space<vmem>>) target_semaphore(%arg11 : memref<!tpu.dma_semaphore, #tpu.memory_space<semaphore_mem>>)
    %add3A_16 = arith.constant 0 : i32
    %add3A_17 = arith.addi %mul3A_8, %add3A_16 : i32
    %dma_start3A_18 = arith.constant 0 : i32
    %dma_start3A_19 = tpu.memref_slice %arg2[%add3A_17, %dma_start3A_18] : memref<81920x128xf32, #tpu.memory_space<hbm>> -> memref<128x128xf32, #tpu.memory_space<hbm>>
    %dma_start3A_20 = arith.constant 0 : i32
    %dma_start3A_21 = tpu.memref_slice %arg2[%add3A_17, %dma_start3A_20] : memref<81920x128xf32, #tpu.memory_space<hbm>> -> memref<128x128xf32, #tpu.memory_space<hbm>>
    tpu.enqueue_dma source(%dma_start3A_21 : memref<128x128xf32, #tpu.memory_space<hbm>>) target(%arg8 : memref<128x128xf32, #tpu.memory_space<vmem>>) target_semaphore(%arg11 : memref<!tpu.dma_semaphore, #tpu.memory_space<semaphore_mem>>)
    %add3A_22 = arith.constant 1 : i32
    %add3A_23 = arith.addi %add3A_6, %add3A_22 : i32
    %dma_start3A_24 = arith.constant 0 : i32
    %dma_start3A_25 = tpu.memref_slice %arg3[%add3A_23, %dma_start3A_24] : memref<1280x128xi32, #tpu.memory_space<hbm>> -> memref<1x128xi32, #tpu.memory_space<hbm>>
    %dma_start3A_26 = tpu.memref_squeeze %dma_start3A_25 : memref<1x128xi32, #tpu.memory_space<hbm>> -> memref<128xi32, #tpu.memory_space<hbm>>
    %dma_start3A_27 = arith.constant 0 : i32
    %dma_start3A_28 = tpu.memref_slice %arg3[%add3A_23, %dma_start3A_27] : memref<1280x128xi32, #tpu.memory_space<hbm>> -> memref<1x128xi32, #tpu.memory_space<hbm>>
    %dma_start3A_29 = tpu.memref_squeeze %dma_start3A_28 : memref<1x128xi32, #tpu.memory_space<hbm>> -> memref<128xi32, #tpu.memory_space<hbm>>
    tpu.enqueue_dma source(%dma_start3A_29 : memref<128xi32, #tpu.memory_space<hbm>>) target(%arg7 : memref<128xi32, #tpu.memory_space<vmem>>) target_semaphore(%arg12 : memref<!tpu.dma_semaphore, #tpu.memory_space<semaphore_mem>>)
    %add3A_30 = arith.constant 128 : i32
    %add3A_31 = arith.addi %mul3A_8, %add3A_30 : i32
    %dma_start3A_32 = arith.constant 0 : i32
    %dma_start3A_33 = tpu.memref_slice %arg2[%add3A_31, %dma_start3A_32] : memref<81920x128xf32, #tpu.memory_space<hbm>> -> memref<128x128xf32, #tpu.memory_space<hbm>>
    %dma_start3A_34 = arith.constant 0 : i32
    %dma_start3A_35 = tpu.memref_slice %arg2[%add3A_31, %dma_start3A_34] : memref<81920x128xf32, #tpu.memory_space<hbm>> -> memref<128x128xf32, #tpu.memory_space<hbm>>
    tpu.enqueue_dma source(%dma_start3A_35 : memref<128x128xf32, #tpu.memory_space<hbm>>) target(%arg9 : memref<128x128xf32, #tpu.memory_space<vmem>>) target_semaphore(%arg12 : memref<!tpu.dma_semaphore, #tpu.memory_space<semaphore_mem>>)
    %scan3A = arith.constant 0 : i32
    %scan3A_36 = arith.constant 10 : i32
    %scan3A_37 = arith.addi %scan3A, %scan3A_36 : i32
    %scan3A_38 = arith.constant 1 : i32
    scf.for %scan3A_41 = %scan3A to %scan3A_37 step %scan3A_38  : i32 {
      %mul3A_42 = arith.constant 2 : i32
      %mul3A_43 = arith.muli %scan3A_41, %mul3A_42 : i32
      %add3A_44 = arith.constant 0 : i32
      %add3A_45 = arith.addi %add3A_44, %mul3A_43 : i32
      %add3A_46 = arith.constant 0 : i32
      %add3A_47 = arith.addi %add3A_45, %add3A_46 : i32
      %add3A_48 = arith.addi %add3A_6, %add3A_47 : i32
      %dma_wait3A = arith.constant 0 : i32
      %dma_wait3A_49 = tpu.memref_slice %arg3[%add3A_48, %dma_wait3A] : memref<1280x128xi32, #tpu.memory_space<hbm>> -> memref<1x128xi32, #tpu.memory_space<hbm>>
      %dma_wait3A_50 = tpu.memref_squeeze %dma_wait3A_49 : memref<1x128xi32, #tpu.memory_space<hbm>> -> memref<128xi32, #tpu.memory_space<hbm>>
      %dma_wait3A_51 = arith.constant 0 : i32
      %dma_wait3A_52 = tpu.memref_slice %arg3[%add3A_48, %dma_wait3A_51] : memref<1280x128xi32, #tpu.memory_space<hbm>> -> memref<1x128xi32, #tpu.memory_space<hbm>>
      %dma_wait3A_53 = tpu.memref_squeeze %dma_wait3A_52 : memref<1x128xi32, #tpu.memory_space<hbm>> -> memref<128xi32, #tpu.memory_space<hbm>>
      tpu.wait_dma2 semaphore(%arg11 : memref<!tpu.dma_semaphore, #tpu.memory_space<semaphore_mem>>) src(%dma_wait3A_53 : memref<128xi32, #tpu.memory_space<hbm>>) dst(%arg6 : memref<128xi32, #tpu.memory_space<vmem>>)
      %mul3A_54 = arith.constant 128 : i32
      %mul3A_55 = arith.muli %add3A_47, %mul3A_54 : i32
      %add3A_56 = arith.addi %mul3A_8, %mul3A_55 : i32
      %dma_wait3A_57 = arith.constant 0 : i32
      %dma_wait3A_58 = tpu.memref_slice %arg2[%add3A_56, %dma_wait3A_57] : memref<81920x128xf32, #tpu.memory_space<hbm>> -> memref<128x128xf32, #tpu.memory_space<hbm>>
      %dma_wait3A_59 = arith.constant 0 : i32
      %dma_wait3A_60 = tpu.memref_slice %arg2[%add3A_56, %dma_wait3A_59] : memref<81920x128xf32, #tpu.memory_space<hbm>> -> memref<128x128xf32, #tpu.memory_space<hbm>>
      tpu.wait_dma2 semaphore(%arg11 : memref<!tpu.dma_semaphore, #tpu.memory_space<semaphore_mem>>) src(%dma_wait3A_60 : memref<128x128xf32, #tpu.memory_space<hbm>>) dst(%arg8 : memref<128x128xf32, #tpu.memory_space<vmem>>)
      "tpu.region"() ({
        %run_scoped3A = tpu.sem_alloc : memref<!tpu.dma_semaphore, #tpu.memory_space<semaphore_mem>>
        %dma_start3A_88 = arith.constant 0 : i32
        %dma_start3A_89 = arith.constant 0 : i32
        %dma_start3A_90 = tpu.memref_slice %arg10[%dma_start3A_88, %dma_start3A_89] : memref<10240x128xf32, #tpu.memory_space<vmem_shared>> -> memref<10240x128xf32, #tpu.memory_space<vmem_shared>>
        tpu.enqueue_indirect_dma source(%arg8 : memref<128x128xf32, #tpu.memory_space<vmem>>) target(%dma_start3A_90 : memref<10240x128xf32, #tpu.memory_space<vmem_shared>>) offsets(%arg6 : memref<128xi32, #tpu.memory_space<vmem>>) semaphore(%run_scoped3A : memref<!tpu.dma_semaphore, #tpu.memory_space<semaphore_mem>>) {add = true}
        %dma_wait3A_91 = arith.constant 0 : i32
        %dma_wait3A_92 = arith.constant 0 : i32
        %dma_wait3A_93 = tpu.memref_slice %arg10[%dma_wait3A_91, %dma_wait3A_92] : memref<10240x128xf32, #tpu.memory_space<vmem_shared>> -> memref<10240x128xf32, #tpu.memory_space<vmem_shared>>
        tpu.wait_indirect_dma semaphore(%run_scoped3A : memref<!tpu.dma_semaphore, #tpu.memory_space<semaphore_mem>>) src(%arg8 : memref<128x128xf32, #tpu.memory_space<vmem>>) dst(%dma_wait3A_93 : memref<10240x128xf32, #tpu.memory_space<vmem_shared>>)
        tpu.yield
      }) : () -> ()
      %add3A_61 = arith.constant 2 : i32
      %add3A_62 = arith.addi %add3A_47, %add3A_61 : i32
      %lt3A = arith.constant 20 : i32
      %lt3A_63 = arith.cmpi slt, %add3A_62, %lt3A : i32
      %convert_element_type3A = arith.extui %lt3A_63 : i1 to i32
      %cond3A = arith.constant 0 : i32
      %cond3A_64 = arith.cmpi ne, %convert_element_type3A, %cond3A : i32
      scf.if %cond3A_64 {
        %add3A_88 = arith.addi %add3A_6, %add3A_47 : i32
        %add3A_89 = arith.constant 2 : i32
        %add3A_90 = arith.addi %add3A_88, %add3A_89 : i32
        %dma_start3A_91 = arith.constant 0 : i32
        %dma_start3A_92 = tpu.memref_slice %arg3[%add3A_90, %dma_start3A_91] : memref<1280x128xi32, #tpu.memory_space<hbm>> -> memref<1x128xi32, #tpu.memory_space<hbm>>
        %dma_start3A_93 = tpu.memref_squeeze %dma_start3A_92 : memref<1x128xi32, #tpu.memory_space<hbm>> -> memref<128xi32, #tpu.memory_space<hbm>>
        %dma_start3A_94 = arith.constant 0 : i32
        %dma_start3A_95 = tpu.memref_slice %arg3[%add3A_90, %dma_start3A_94] : memref<1280x128xi32, #tpu.memory_space<hbm>> -> memref<1x128xi32, #tpu.memory_space<hbm>>
        %dma_start3A_96 = tpu.memref_squeeze %dma_start3A_95 : memref<1x128xi32, #tpu.memory_space<hbm>> -> memref<128xi32, #tpu.memory_space<hbm>>
        tpu.enqueue_dma source(%dma_start3A_96 : memref<128xi32, #tpu.memory_space<hbm>>) target(%arg6 : memref<128xi32, #tpu.memory_space<vmem>>) target_semaphore(%arg11 : memref<!tpu.dma_semaphore, #tpu.memory_space<semaphore_mem>>)
        %add3A_97 = arith.constant 2 : i32
        %add3A_98 = arith.addi %add3A_47, %add3A_97 : i32
        %mul3A_99 = arith.constant 128 : i32
        %mul3A_100 = arith.muli %add3A_98, %mul3A_99 : i32
        %add3A_101 = arith.addi %mul3A_8, %mul3A_100 : i32
        %dma_start3A_102 = arith.constant 0 : i32
        %dma_start3A_103 = tpu.memref_slice %arg2[%add3A_101, %dma_start3A_102] : memref<81920x128xf32, #tpu.memory_space<hbm>> -> memref<128x128xf32, #tpu.memory_space<hbm>>
        %dma_start3A_104 = arith.constant 0 : i32
        %dma_start3A_105 = tpu.memref_slice %arg2[%add3A_101, %dma_start3A_104] : memref<81920x128xf32, #tpu.memory_space<hbm>> -> memref<128x128xf32, #tpu.memory_space<hbm>>
        tpu.enqueue_dma source(%dma_start3A_105 : memref<128x128xf32, #tpu.memory_space<hbm>>) target(%arg8 : memref<128x128xf32, #tpu.memory_space<vmem>>) target_semaphore(%arg11 : memref<!tpu.dma_semaphore, #tpu.memory_space<semaphore_mem>>)
      } else {
      }
      %add3A_65 = arith.constant 1 : i32
      %add3A_66 = arith.addi %add3A_45, %add3A_65 : i32
      %add3A_67 = arith.addi %add3A_6, %add3A_66 : i32
      %dma_wait3A_68 = arith.constant 0 : i32
      %dma_wait3A_69 = tpu.memref_slice %arg3[%add3A_67, %dma_wait3A_68] : memref<1280x128xi32, #tpu.memory_space<hbm>> -> memref<1x128xi32, #tpu.memory_space<hbm>>
      %dma_wait3A_70 = tpu.memref_squeeze %dma_wait3A_69 : memref<1x128xi32, #tpu.memory_space<hbm>> -> memref<128xi32, #tpu.memory_space<hbm>>
      %dma_wait3A_71 = arith.constant 0 : i32
      %dma_wait3A_72 = tpu.memref_slice %arg3[%add3A_67, %dma_wait3A_71] : memref<1280x128xi32, #tpu.memory_space<hbm>> -> memref<1x128xi32, #tpu.memory_space<hbm>>
      %dma_wait3A_73 = tpu.memref_squeeze %dma_wait3A_72 : memref<1x128xi32, #tpu.memory_space<hbm>> -> memref<128xi32, #tpu.memory_space<hbm>>
      tpu.wait_dma2 semaphore(%arg12 : memref<!tpu.dma_semaphore, #tpu.memory_space<semaphore_mem>>) src(%dma_wait3A_73 : memref<128xi32, #tpu.memory_space<hbm>>) dst(%arg7 : memref<128xi32, #tpu.memory_space<vmem>>)
      %mul3A_74 = arith.constant 128 : i32
      %mul3A_75 = arith.muli %add3A_66, %mul3A_74 : i32
      %add3A_76 = arith.addi %mul3A_8, %mul3A_75 : i32
      %dma_wait3A_77 = arith.constant 0 : i32
      %dma_wait3A_78 = tpu.memref_slice %arg2[%add3A_76, %dma_wait3A_77] : memref<81920x128xf32, #tpu.memory_space<hbm>> -> memref<128x128xf32, #tpu.memory_space<hbm>>
      %dma_wait3A_79 = arith.constant 0 : i32
      %dma_wait3A_80 = tpu.memref_slice %arg2[%add3A_76, %dma_wait3A_79] : memref<81920x128xf32, #tpu.memory_space<hbm>> -> memref<128x128xf32, #tpu.memory_space<hbm>>
      tpu.wait_dma2 semaphore(%arg12 : memref<!tpu.dma_semaphore, #tpu.memory_space<semaphore_mem>>) src(%dma_wait3A_80 : memref<128x128xf32, #tpu.memory_space<hbm>>) dst(%arg9 : memref<128x128xf32, #tpu.memory_space<vmem>>)
      "tpu.region"() ({
        %run_scoped3A = tpu.sem_alloc : memref<!tpu.dma_semaphore, #tpu.memory_space<semaphore_mem>>
        %dma_start3A_88 = arith.constant 0 : i32
        %dma_start3A_89 = arith.constant 0 : i32
        %dma_start3A_90 = tpu.memref_slice %arg10[%dma_start3A_88, %dma_start3A_89] : memref<10240x128xf32, #tpu.memory_space<vmem_shared>> -> memref<10240x128xf32, #tpu.memory_space<vmem_shared>>
        tpu.enqueue_indirect_dma source(%arg9 : memref<128x128xf32, #tpu.memory_space<vmem>>) target(%dma_start3A_90 : memref<10240x128xf32, #tpu.memory_space<vmem_shared>>) offsets(%arg7 : memref<128xi32, #tpu.memory_space<vmem>>) semaphore(%run_scoped3A : memref<!tpu.dma_semaphore, #tpu.memory_space<semaphore_mem>>) {add = true}
        %dma_wait3A_91 = arith.constant 0 : i32
        %dma_wait3A_92 = arith.constant 0 : i32
        %dma_wait3A_93 = tpu.memref_slice %arg10[%dma_wait3A_91, %dma_wait3A_92] : memref<10240x128xf32, #tpu.memory_space<vmem_shared>> -> memref<10240x128xf32, #tpu.memory_space<vmem_shared>>
        tpu.wait_indirect_dma semaphore(%run_scoped3A : memref<!tpu.dma_semaphore, #tpu.memory_space<semaphore_mem>>) src(%arg9 : memref<128x128xf32, #tpu.memory_space<vmem>>) dst(%dma_wait3A_93 : memref<10240x128xf32, #tpu.memory_space<vmem_shared>>)
        tpu.yield
      }) : () -> ()
      %add3A_81 = arith.constant 2 : i32
      %add3A_82 = arith.addi %add3A_66, %add3A_81 : i32
      %lt3A_83 = arith.constant 20 : i32
      %lt3A_84 = arith.cmpi slt, %add3A_82, %lt3A_83 : i32
      %convert_element_type3A_85 = arith.extui %lt3A_84 : i1 to i32
      %cond3A_86 = arith.constant 0 : i32
      %cond3A_87 = arith.cmpi ne, %convert_element_type3A_85, %cond3A_86 : i32
      scf.if %cond3A_87 {
        %add3A_88 = arith.addi %add3A_6, %add3A_66 : i32
        %add3A_89 = arith.constant 2 : i32
        %add3A_90 = arith.addi %add3A_88, %add3A_89 : i32
        %dma_start3A_91 = arith.constant 0 : i32
        %dma_start3A_92 = tpu.memref_slice %arg3[%add3A_90, %dma_start3A_91] : memref<1280x128xi32, #tpu.memory_space<hbm>> -> memref<1x128xi32, #tpu.memory_space<hbm>>
        %dma_start3A_93 = tpu.memref_squeeze %dma_start3A_92 : memref<1x128xi32, #tpu.memory_space<hbm>> -> memref<128xi32, #tpu.memory_space<hbm>>
        %dma_start3A_94 = arith.constant 0 : i32
        %dma_start3A_95 = tpu.memref_slice %arg3[%add3A_90, %dma_start3A_94] : memref<1280x128xi32, #tpu.memory_space<hbm>> -> memref<1x128xi32, #tpu.memory_space<hbm>>
        %dma_start3A_96 = tpu.memref_squeeze %dma_start3A_95 : memref<1x128xi32, #tpu.memory_space<hbm>> -> memref<128xi32, #tpu.memory_space<hbm>>
        tpu.enqueue_dma source(%dma_start3A_96 : memref<128xi32, #tpu.memory_space<hbm>>) target(%arg7 : memref<128xi32, #tpu.memory_space<vmem>>) target_semaphore(%arg12 : memref<!tpu.dma_semaphore, #tpu.memory_space<semaphore_mem>>)
        %add3A_97 = arith.constant 2 : i32
        %add3A_98 = arith.addi %add3A_66, %add3A_97 : i32
        %mul3A_99 = arith.constant 128 : i32
        %mul3A_100 = arith.muli %add3A_98, %mul3A_99 : i32
        %add3A_101 = arith.addi %mul3A_8, %mul3A_100 : i32
        %dma_start3A_102 = arith.constant 0 : i32
        %dma_start3A_103 = tpu.memref_slice %arg2[%add3A_101, %dma_start3A_102] : memref<81920x128xf32, #tpu.memory_space<hbm>> -> memref<128x128xf32, #tpu.memory_space<hbm>>
        %dma_start3A_104 = arith.constant 0 : i32
        %dma_start3A_105 = tpu.memref_slice %arg2[%add3A_101, %dma_start3A_104] : memref<81920x128xf32, #tpu.memory_space<hbm>> -> memref<128x128xf32, #tpu.memory_space<hbm>>
        tpu.enqueue_dma source(%dma_start3A_105 : memref<128x128xf32, #tpu.memory_space<hbm>>) target(%arg9 : memref<128x128xf32, #tpu.memory_space<vmem>>) target_semaphore(%arg12 : memref<!tpu.dma_semaphore, #tpu.memory_space<semaphore_mem>>)
      } else {
      }
    }
    %scan3A_39 = arith.constant 10 : i32
    %barrier3A_40 = arith.constant 0 : index
    tpu.barrier barrier_id(%barrier3A_40)
    "tpu.region"() ({
      %run_scoped3A = tpu.sem_alloc : memref<!tpu.dma_semaphore, #tpu.memory_space<semaphore_mem>>
      %dma_start3A_41 = arith.constant 0 : i32
      %dma_start3A_42 = tpu.memref_slice %arg5[%arg0, %mul3A_2, %dma_start3A_41] : memref<2x10240x128xf32, #tpu.memory_space<hbm>> -> memref<1x640x128xf32, #tpu.memory_space<hbm>>
      %dma_start3A_43 = tpu.memref_squeeze %dma_start3A_42 : memref<1x640x128xf32, #tpu.memory_space<hbm>> -> memref<640x128xf32, #tpu.memory_space<hbm>>
      %dma_start3A_44 = arith.constant 0 : i32
      %dma_start3A_45 = tpu.memref_slice %arg10[%mul3A_2, %dma_start3A_44] : memref<10240x128xf32, #tpu.memory_space<vmem_shared>> -> memref<640x128xf32, #tpu.memory_space<vmem_shared>>
      tpu.enqueue_dma source(%dma_start3A_45 : memref<640x128xf32, #tpu.memory_space<vmem_shared>>) target(%dma_start3A_43 : memref<640x128xf32, #tpu.memory_space<hbm>>) target_semaphore(%run_scoped3A : memref<!tpu.dma_semaphore, #tpu.memory_space<semaphore_mem>>)
      %dma_wait3A = arith.constant 0 : i32
      %dma_wait3A_46 = tpu.memref_slice %arg5[%arg0, %mul3A_2, %dma_wait3A] : memref<2x10240x128xf32, #tpu.memory_space<hbm>> -> memref<1x640x128xf32, #tpu.memory_space<hbm>>
      %dma_wait3A_47 = tpu.memref_squeeze %dma_wait3A_46 : memref<1x640x128xf32, #tpu.memory_space<hbm>> -> memref<640x128xf32, #tpu.memory_space<hbm>>
      %dma_wait3A_48 = arith.constant 0 : i32
      %dma_wait3A_49 = tpu.memref_slice %arg10[%mul3A_2, %dma_wait3A_48] : memref<10240x128xf32, #tpu.memory_space<vmem_shared>> -> memref<640x128xf32, #tpu.memory_space<vmem_shared>>
      tpu.wait_dma2 semaphore(%run_scoped3A : memref<!tpu.dma_semaphore, #tpu.memory_space<semaphore_mem>>) src(%dma_wait3A_49 : memref<640x128xf32, #tpu.memory_space<vmem_shared>>) dst(%dma_wait3A_47 : memref<640x128xf32, #tpu.memory_space<hbm>>)
      tpu.yield
    }) : () -> ()
    return
  }
}

#map = affine_map<(d0, d1) -> (0, 0)>
#map1 = affine_map<(d0, d1) -> (0, 0, 0)>
module attributes {stable_mosaic.version = 14 : i64} {
  func.func @_scatter_body(%arg0: i32, %arg1: i32, %arg2: memref<81920x128xf32, #tpu.memory_space<hbm>>, %arg3: memref<1280x128xi32, #tpu.memory_space<hbm>>, %arg4: memref<10240x128xf32, #tpu.memory_space<hbm>>, %arg5: memref<2x10240x128xf32, #tpu.memory_space<hbm>>, %arg6: memref<128xi32, #tpu.memory_space<vmem>>, %arg7: memref<128xi32, #tpu.memory_space<vmem>>, %arg8: memref<128x128xf32, #tpu.memory_space<vmem>>, %arg9: memref<128x128xf32, #tpu.memory_space<vmem>>, %arg10: memref<10240x128xf32, #tpu.memory_space<vmem_shared>>, %arg11: memref<!tpu.dma_semaphore, #tpu.memory_space<semaphore_mem>>, %arg12: memref<!tpu.dma_semaphore, #tpu.memory_space<semaphore_mem>>) attributes {dimension_semantics = [#tpu.dimension_semantics<core_parallel>, #tpu.dimension_semantics<subcore_parallel>], iteration_bounds = array<i64: 2, 16>, scalar_prefetch = 0 : i64, scratch_operands = 7 : i64, tpu.core_type = #tpu.core_type<sc_vector_subcore>, window_params = [{transform_indices = #map}, {transform_indices = #map}, {transform_indices = #map}, {transform_indices = #map1}]} {
    %mul3A = arith.constant 2 : i32
    %mul3A_0 = arith.muli %arg1, %mul3A : i32
    %add3A = arith.addi %mul3A_0, %arg0 : i32
    %mul3A_1 = arith.constant 640 : i32
    %mul3A_2 = arith.muli %arg1, %mul3A_1 : i32
    "tpu.region"() ({
      %run_scoped3A = tpu.sem_alloc : memref<!tpu.dma_semaphore, #tpu.memory_space<semaphore_mem>>
      %dma_start3A_41 = arith.constant 0 : i32
      %dma_start3A_42 = tpu.memref_slice %arg10[%mul3A_2, %dma_start3A_41] : memref<10240x128xf32, #tpu.memory_space<vmem_shared>> -> memref<640x128xf32, #tpu.memory_space<vmem_shared>>
      %dma_start3A_43 = arith.constant 0 : i32
      %dma_start3A_44 = tpu.memref_slice %arg4[%mul3A_2, %dma_start3A_43] : memref<10240x128xf32, #tpu.memory_space<hbm>> -> memref<640x128xf32, #tpu.memory_space<hbm>>
      tpu.enqueue_dma source(%dma_start3A_44 : memref<640x128xf32, #tpu.memory_space<hbm>>) target(%dma_start3A_42 : memref<640x128xf32, #tpu.memory_space<vmem_shared>>) target_semaphore(%run_scoped3A : memref<!tpu.dma_semaphore, #tpu.memory_space<semaphore_mem>>)
      %dma_wait3A = arith.constant 0 : i32
      %dma_wait3A_45 = tpu.memref_slice %arg10[%mul3A_2, %dma_wait3A] : memref<10240x128xf32, #tpu.memory_space<vmem_shared>> -> memref<640x128xf32, #tpu.memory_space<vmem_shared>>
      %dma_wait3A_46 = arith.constant 0 : i32
      %dma_wait3A_47 = tpu.memref_slice %arg4[%mul3A_2, %dma_wait3A_46] : memref<10240x128xf32, #tpu.memory_space<hbm>> -> memref<640x128xf32, #tpu.memory_space<hbm>>
      tpu.wait_dma2 semaphore(%run_scoped3A : memref<!tpu.dma_semaphore, #tpu.memory_space<semaphore_mem>>) src(%dma_wait3A_47 : memref<640x128xf32, #tpu.memory_space<hbm>>) dst(%dma_wait3A_45 : memref<640x128xf32, #tpu.memory_space<vmem_shared>>)
      tpu.yield
    }) : () -> ()
    %barrier3A = arith.constant 0 : index
    tpu.barrier barrier_id(%barrier3A)
    %mul3A_3 = arith.constant 20 : i32
    %mul3A_4 = arith.muli %add3A, %mul3A_3 : i32
    %add3A_5 = arith.constant 0 : i32
    %add3A_6 = arith.addi %add3A_5, %mul3A_4 : i32
    %mul3A_7 = arith.constant 2560 : i32
    %mul3A_8 = arith.muli %add3A, %mul3A_7 : i32
    %add3A_9 = arith.constant 0 : i32
    %add3A_10 = arith.addi %add3A_6, %add3A_9 : i32
    %dma_start3A = arith.constant 0 : i32
    %dma_start3A_11 = tpu.memref_slice %arg3[%add3A_10, %dma_start3A] : memref<1280x128xi32, #tpu.memory_space<hbm>> -> memref<1x128xi32, #tpu.memory_space<hbm>>
    %dma_start3A_12 = tpu.memref_squeeze %dma_start3A_11 : memref<1x128xi32, #tpu.memory_space<hbm>> -> memref<128xi32, #tpu.memory_space<hbm>>
    %dma_start3A_13 = arith.constant 0 : i32
    %dma_start3A_14 = tpu.memref_slice %arg3[%add3A_10, %dma_start3A_13] : memref<1280x128xi32, #tpu.memory_space<hbm>> -> memref<1x128xi32, #tpu.memory_space<hbm>>
    %dma_start3A_15 = tpu.memref_squeeze %dma_start3A_14 : memref<1x128xi32, #tpu.memory_space<hbm>> -> memref<128xi32, #tpu.memory_space<hbm>>
    tpu.enqueue_dma source(%dma_start3A_15 : memref<128xi32, #tpu.memory_space<hbm>>) target(%arg6 : memref<128xi32, #tpu.memory_space<vmem>>) target_semaphore(%arg11 : memref<!tpu.dma_semaphore, #tpu.memory_space<semaphore_mem>>)
    %add3A_16 = arith.constant 0 : i32
    %add3A_17 = arith.addi %mul3A_8, %add3A_16 : i32
    %dma_start3A_18 = arith.constant 0 : i32
    %dma_start3A_19 = tpu.memref_slice %arg2[%add3A_17, %dma_start3A_18] : memref<81920x128xf32, #tpu.memory_space<hbm>> -> memref<128x128xf32, #tpu.memory_space<hbm>>
    %dma_start3A_20 = arith.constant 0 : i32
    %dma_start3A_21 = tpu.memref_slice %arg2[%add3A_17, %dma_start3A_20] : memref<81920x128xf32, #tpu.memory_space<hbm>> -> memref<128x128xf32, #tpu.memory_space<hbm>>
    tpu.enqueue_dma source(%dma_start3A_21 : memref<128x128xf32, #tpu.memory_space<hbm>>) target(%arg8 : memref<128x128xf32, #tpu.memory_space<vmem>>) target_semaphore(%arg11 : memref<!tpu.dma_semaphore, #tpu.memory_space<semaphore_mem>>)
    %add3A_22 = arith.constant 1 : i32
    %add3A_23 = arith.addi %add3A_6, %add3A_22 : i32
    %dma_start3A_24 = arith.constant 0 : i32
    %dma_start3A_25 = tpu.memref_slice %arg3[%add3A_23, %dma_start3A_24] : memref<1280x128xi32, #tpu.memory_space<hbm>> -> memref<1x128xi32, #tpu.memory_space<hbm>>
    %dma_start3A_26 = tpu.memref_squeeze %dma_start3A_25 : memref<1x128xi32, #tpu.memory_space<hbm>> -> memref<128xi32, #tpu.memory_space<hbm>>
    %dma_start3A_27 = arith.constant 0 : i32
    %dma_start3A_28 = tpu.memref_slice %arg3[%add3A_23, %dma_start3A_27] : memref<1280x128xi32, #tpu.memory_space<hbm>> -> memref<1x128xi32, #tpu.memory_space<hbm>>
    %dma_start3A_29 = tpu.memref_squeeze %dma_start3A_28 : memref<1x128xi32, #tpu.memory_space<hbm>> -> memref<128xi32, #tpu.memory_space<hbm>>
    tpu.enqueue_dma source(%dma_start3A_29 : memref<128xi32, #tpu.memory_space<hbm>>) target(%arg7 : memref<128xi32, #tpu.memory_space<vmem>>) target_semaphore(%arg12 : memref<!tpu.dma_semaphore, #tpu.memory_space<semaphore_mem>>)
    %add3A_30 = arith.constant 128 : i32
    %add3A_31 = arith.addi %mul3A_8, %add3A_30 : i32
    %dma_start3A_32 = arith.constant 0 : i32
    %dma_start3A_33 = tpu.memref_slice %arg2[%add3A_31, %dma_start3A_32] : memref<81920x128xf32, #tpu.memory_space<hbm>> -> memref<128x128xf32, #tpu.memory_space<hbm>>
    %dma_start3A_34 = arith.constant 0 : i32
    %dma_start3A_35 = tpu.memref_slice %arg2[%add3A_31, %dma_start3A_34] : memref<81920x128xf32, #tpu.memory_space<hbm>> -> memref<128x128xf32, #tpu.memory_space<hbm>>
    tpu.enqueue_dma source(%dma_start3A_35 : memref<128x128xf32, #tpu.memory_space<hbm>>) target(%arg9 : memref<128x128xf32, #tpu.memory_space<vmem>>) target_semaphore(%arg12 : memref<!tpu.dma_semaphore, #tpu.memory_space<semaphore_mem>>)
    %scan3A = arith.constant 0 : i32
    %scan3A_36 = arith.constant 10 : i32
    %scan3A_37 = arith.addi %scan3A, %scan3A_36 : i32
    %scan3A_38 = arith.constant 1 : i32
    scf.for %scan3A_41 = %scan3A to %scan3A_37 step %scan3A_38  : i32 {
      %mul3A_42 = arith.constant 2 : i32
      %mul3A_43 = arith.muli %scan3A_41, %mul3A_42 : i32
      %add3A_44 = arith.constant 0 : i32
      %add3A_45 = arith.addi %add3A_44, %mul3A_43 : i32
      %add3A_46 = arith.constant 0 : i32
      %add3A_47 = arith.addi %add3A_45, %add3A_46 : i32
      %add3A_48 = arith.addi %add3A_6, %add3A_47 : i32
      %dma_wait3A = arith.constant 0 : i32
      %dma_wait3A_49 = tpu.memref_slice %arg3[%add3A_48, %dma_wait3A] : memref<1280x128xi32, #tpu.memory_space<hbm>> -> memref<1x128xi32, #tpu.memory_space<hbm>>
      %dma_wait3A_50 = tpu.memref_squeeze %dma_wait3A_49 : memref<1x128xi32, #tpu.memory_space<hbm>> -> memref<128xi32, #tpu.memory_space<hbm>>
      %dma_wait3A_51 = arith.constant 0 : i32
      %dma_wait3A_52 = tpu.memref_slice %arg3[%add3A_48, %dma_wait3A_51] : memref<1280x128xi32, #tpu.memory_space<hbm>> -> memref<1x128xi32, #tpu.memory_space<hbm>>
      %dma_wait3A_53 = tpu.memref_squeeze %dma_wait3A_52 : memref<1x128xi32, #tpu.memory_space<hbm>> -> memref<128xi32, #tpu.memory_space<hbm>>
      tpu.wait_dma2 semaphore(%arg11 : memref<!tpu.dma_semaphore, #tpu.memory_space<semaphore_mem>>) src(%dma_wait3A_53 : memref<128xi32, #tpu.memory_space<hbm>>) dst(%arg6 : memref<128xi32, #tpu.memory_space<vmem>>)
      %mul3A_54 = arith.constant 128 : i32
      %mul3A_55 = arith.muli %add3A_47, %mul3A_54 : i32
      %add3A_56 = arith.addi %mul3A_8, %mul3A_55 : i32
      %dma_wait3A_57 = arith.constant 0 : i32
      %dma_wait3A_58 = tpu.memref_slice %arg2[%add3A_56, %dma_wait3A_57] : memref<81920x128xf32, #tpu.memory_space<hbm>> -> memref<128x128xf32, #tpu.memory_space<hbm>>
      %dma_wait3A_59 = arith.constant 0 : i32
      %dma_wait3A_60 = tpu.memref_slice %arg2[%add3A_56, %dma_wait3A_59] : memref<81920x128xf32, #tpu.memory_space<hbm>> -> memref<128x128xf32, #tpu.memory_space<hbm>>
      tpu.wait_dma2 semaphore(%arg11 : memref<!tpu.dma_semaphore, #tpu.memory_space<semaphore_mem>>) src(%dma_wait3A_60 : memref<128x128xf32, #tpu.memory_space<hbm>>) dst(%arg8 : memref<128x128xf32, #tpu.memory_space<vmem>>)
      "tpu.region"() ({
        %run_scoped3A = tpu.sem_alloc : memref<!tpu.dma_semaphore, #tpu.memory_space<semaphore_mem>>
        %dma_start3A_88 = arith.constant 0 : i32
        %dma_start3A_89 = arith.constant 0 : i32
        %dma_start3A_90 = tpu.memref_slice %arg10[%dma_start3A_88, %dma_start3A_89] : memref<10240x128xf32, #tpu.memory_space<vmem_shared>> -> memref<10240x128xf32, #tpu.memory_space<vmem_shared>>
        tpu.enqueue_indirect_dma source(%arg8 : memref<128x128xf32, #tpu.memory_space<vmem>>) target(%dma_start3A_90 : memref<10240x128xf32, #tpu.memory_space<vmem_shared>>) offsets(%arg6 : memref<128xi32, #tpu.memory_space<vmem>>) semaphore(%run_scoped3A : memref<!tpu.dma_semaphore, #tpu.memory_space<semaphore_mem>>) {add = true}
        %dma_wait3A_91 = arith.constant 0 : i32
        %dma_wait3A_92 = arith.constant 0 : i32
        %dma_wait3A_93 = tpu.memref_slice %arg10[%dma_wait3A_91, %dma_wait3A_92] : memref<10240x128xf32, #tpu.memory_space<vmem_shared>> -> memref<10240x128xf32, #tpu.memory_space<vmem_shared>>
        tpu.wait_indirect_dma semaphore(%run_scoped3A : memref<!tpu.dma_semaphore, #tpu.memory_space<semaphore_mem>>) src(%arg8 : memref<128x128xf32, #tpu.memory_space<vmem>>) dst(%dma_wait3A_93 : memref<10240x128xf32, #tpu.memory_space<vmem_shared>>)
        tpu.yield
      }) : () -> ()
      %add3A_61 = arith.constant 2 : i32
      %add3A_62 = arith.addi %add3A_47, %add3A_61 : i32
      %lt3A = arith.constant 20 : i32
      %lt3A_63 = arith.cmpi slt, %add3A_62, %lt3A : i32
      %convert_element_type3A = arith.extui %lt3A_63 : i1 to i32
      %cond3A = arith.constant 0 : i32
      %cond3A_64 = arith.cmpi ne, %convert_element_type3A, %cond3A : i32
      scf.if %cond3A_64 {
        %add3A_88 = arith.addi %add3A_6, %add3A_47 : i32
        %add3A_89 = arith.constant 2 : i32
        %add3A_90 = arith.addi %add3A_88, %add3A_89 : i32
        %dma_start3A_91 = arith.constant 0 : i32
        %dma_start3A_92 = tpu.memref_slice %arg3[%add3A_90, %dma_start3A_91] : memref<1280x128xi32, #tpu.memory_space<hbm>> -> memref<1x128xi32, #tpu.memory_space<hbm>>
        %dma_start3A_93 = tpu.memref_squeeze %dma_start3A_92 : memref<1x128xi32, #tpu.memory_space<hbm>> -> memref<128xi32, #tpu.memory_space<hbm>>
        %dma_start3A_94 = arith.constant 0 : i32
        %dma_start3A_95 = tpu.memref_slice %arg3[%add3A_90, %dma_start3A_94] : memref<1280x128xi32, #tpu.memory_space<hbm>> -> memref<1x128xi32, #tpu.memory_space<hbm>>
        %dma_start3A_96 = tpu.memref_squeeze %dma_start3A_95 : memref<1x128xi32, #tpu.memory_space<hbm>> -> memref<128xi32, #tpu.memory_space<hbm>>
        tpu.enqueue_dma source(%dma_start3A_96 : memref<128xi32, #tpu.memory_space<hbm>>) target(%arg6 : memref<128xi32, #tpu.memory_space<vmem>>) target_semaphore(%arg11 : memref<!tpu.dma_semaphore, #tpu.memory_space<semaphore_mem>>)
        %add3A_97 = arith.constant 2 : i32
        %add3A_98 = arith.addi %add3A_47, %add3A_97 : i32
        %mul3A_99 = arith.constant 128 : i32
        %mul3A_100 = arith.muli %add3A_98, %mul3A_99 : i32
        %add3A_101 = arith.addi %mul3A_8, %mul3A_100 : i32
        %dma_start3A_102 = arith.constant 0 : i32
        %dma_start3A_103 = tpu.memref_slice %arg2[%add3A_101, %dma_start3A_102] : memref<81920x128xf32, #tpu.memory_space<hbm>> -> memref<128x128xf32, #tpu.memory_space<hbm>>
        %dma_start3A_104 = arith.constant 0 : i32
        %dma_start3A_105 = tpu.memref_slice %arg2[%add3A_101, %dma_start3A_104] : memref<81920x128xf32, #tpu.memory_space<hbm>> -> memref<128x128xf32, #tpu.memory_space<hbm>>
        tpu.enqueue_dma source(%dma_start3A_105 : memref<128x128xf32, #tpu.memory_space<hbm>>) target(%arg8 : memref<128x128xf32, #tpu.memory_space<vmem>>) target_semaphore(%arg11 : memref<!tpu.dma_semaphore, #tpu.memory_space<semaphore_mem>>)
      } else {
      }
      %add3A_65 = arith.constant 1 : i32
      %add3A_66 = arith.addi %add3A_45, %add3A_65 : i32
      %add3A_67 = arith.addi %add3A_6, %add3A_66 : i32
      %dma_wait3A_68 = arith.constant 0 : i32
      %dma_wait3A_69 = tpu.memref_slice %arg3[%add3A_67, %dma_wait3A_68] : memref<1280x128xi32, #tpu.memory_space<hbm>> -> memref<1x128xi32, #tpu.memory_space<hbm>>
      %dma_wait3A_70 = tpu.memref_squeeze %dma_wait3A_69 : memref<1x128xi32, #tpu.memory_space<hbm>> -> memref<128xi32, #tpu.memory_space<hbm>>
      %dma_wait3A_71 = arith.constant 0 : i32
      %dma_wait3A_72 = tpu.memref_slice %arg3[%add3A_67, %dma_wait3A_71] : memref<1280x128xi32, #tpu.memory_space<hbm>> -> memref<1x128xi32, #tpu.memory_space<hbm>>
      %dma_wait3A_73 = tpu.memref_squeeze %dma_wait3A_72 : memref<1x128xi32, #tpu.memory_space<hbm>> -> memref<128xi32, #tpu.memory_space<hbm>>
      tpu.wait_dma2 semaphore(%arg12 : memref<!tpu.dma_semaphore, #tpu.memory_space<semaphore_mem>>) src(%dma_wait3A_73 : memref<128xi32, #tpu.memory_space<hbm>>) dst(%arg7 : memref<128xi32, #tpu.memory_space<vmem>>)
      %mul3A_74 = arith.constant 128 : i32
      %mul3A_75 = arith.muli %add3A_66, %mul3A_74 : i32
      %add3A_76 = arith.addi %mul3A_8, %mul3A_75 : i32
      %dma_wait3A_77 = arith.constant 0 : i32
      %dma_wait3A_78 = tpu.memref_slice %arg2[%add3A_76, %dma_wait3A_77] : memref<81920x128xf32, #tpu.memory_space<hbm>> -> memref<128x128xf32, #tpu.memory_space<hbm>>
      %dma_wait3A_79 = arith.constant 0 : i32
      %dma_wait3A_80 = tpu.memref_slice %arg2[%add3A_76, %dma_wait3A_79] : memref<81920x128xf32, #tpu.memory_space<hbm>> -> memref<128x128xf32, #tpu.memory_space<hbm>>
      tpu.wait_dma2 semaphore(%arg12 : memref<!tpu.dma_semaphore, #tpu.memory_space<semaphore_mem>>) src(%dma_wait3A_80 : memref<128x128xf32, #tpu.memory_space<hbm>>) dst(%arg9 : memref<128x128xf32, #tpu.memory_space<vmem>>)
      "tpu.region"() ({
        %run_scoped3A = tpu.sem_alloc : memref<!tpu.dma_semaphore, #tpu.memory_space<semaphore_mem>>
        %dma_start3A_88 = arith.constant 0 : i32
        %dma_start3A_89 = arith.constant 0 : i32
        %dma_start3A_90 = tpu.memref_slice %arg10[%dma_start3A_88, %dma_start3A_89] : memref<10240x128xf32, #tpu.memory_space<vmem_shared>> -> memref<10240x128xf32, #tpu.memory_space<vmem_shared>>
        tpu.enqueue_indirect_dma source(%arg9 : memref<128x128xf32, #tpu.memory_space<vmem>>) target(%dma_start3A_90 : memref<10240x128xf32, #tpu.memory_space<vmem_shared>>) offsets(%arg7 : memref<128xi32, #tpu.memory_space<vmem>>) semaphore(%run_scoped3A : memref<!tpu.dma_semaphore, #tpu.memory_space<semaphore_mem>>) {add = true}
        %dma_wait3A_91 = arith.constant 0 : i32
        %dma_wait3A_92 = arith.constant 0 : i32
        %dma_wait3A_93 = tpu.memref_slice %arg10[%dma_wait3A_91, %dma_wait3A_92] : memref<10240x128xf32, #tpu.memory_space<vmem_shared>> -> memref<10240x128xf32, #tpu.memory_space<vmem_shared>>
        tpu.wait_indirect_dma semaphore(%run_scoped3A : memref<!tpu.dma_semaphore, #tpu.memory_space<semaphore_mem>>) src(%arg9 : memref<128x128xf32, #tpu.memory_space<vmem>>) dst(%dma_wait3A_93 : memref<10240x128xf32, #tpu.memory_space<vmem_shared>>)
        tpu.yield
      }) : () -> ()
      %add3A_81 = arith.constant 2 : i32
      %add3A_82 = arith.addi %add3A_66, %add3A_81 : i32
      %lt3A_83 = arith.constant 20 : i32
      %lt3A_84 = arith.cmpi slt, %add3A_82, %lt3A_83 : i32
      %convert_element_type3A_85 = arith.extui %lt3A_84 : i1 to i32
      %cond3A_86 = arith.constant 0 : i32
      %cond3A_87 = arith.cmpi ne, %convert_element_type3A_85, %cond3A_86 : i32
      scf.if %cond3A_87 {
        %add3A_88 = arith.addi %add3A_6, %add3A_66 : i32
        %add3A_89 = arith.constant 2 : i32
        %add3A_90 = arith.addi %add3A_88, %add3A_89 : i32
        %dma_start3A_91 = arith.constant 0 : i32
        %dma_start3A_92 = tpu.memref_slice %arg3[%add3A_90, %dma_start3A_91] : memref<1280x128xi32, #tpu.memory_space<hbm>> -> memref<1x128xi32, #tpu.memory_space<hbm>>
        %dma_start3A_93 = tpu.memref_squeeze %dma_start3A_92 : memref<1x128xi32, #tpu.memory_space<hbm>> -> memref<128xi32, #tpu.memory_space<hbm>>
        %dma_start3A_94 = arith.constant 0 : i32
        %dma_start3A_95 = tpu.memref_slice %arg3[%add3A_90, %dma_start3A_94] : memref<1280x128xi32, #tpu.memory_space<hbm>> -> memref<1x128xi32, #tpu.memory_space<hbm>>
        %dma_start3A_96 = tpu.memref_squeeze %dma_start3A_95 : memref<1x128xi32, #tpu.memory_space<hbm>> -> memref<128xi32, #tpu.memory_space<hbm>>
        tpu.enqueue_dma source(%dma_start3A_96 : memref<128xi32, #tpu.memory_space<hbm>>) target(%arg7 : memref<128xi32, #tpu.memory_space<vmem>>) target_semaphore(%arg12 : memref<!tpu.dma_semaphore, #tpu.memory_space<semaphore_mem>>)
        %add3A_97 = arith.constant 2 : i32
        %add3A_98 = arith.addi %add3A_66, %add3A_97 : i32
        %mul3A_99 = arith.constant 128 : i32
        %mul3A_100 = arith.muli %add3A_98, %mul3A_99 : i32
        %add3A_101 = arith.addi %mul3A_8, %mul3A_100 : i32
        %dma_start3A_102 = arith.constant 0 : i32
        %dma_start3A_103 = tpu.memref_slice %arg2[%add3A_101, %dma_start3A_102] : memref<81920x128xf32, #tpu.memory_space<hbm>> -> memref<128x128xf32, #tpu.memory_space<hbm>>
        %dma_start3A_104 = arith.constant 0 : i32
        %dma_start3A_105 = tpu.memref_slice %arg2[%add3A_101, %dma_start3A_104] : memref<81920x128xf32, #tpu.memory_space<hbm>> -> memref<128x128xf32, #tpu.memory_space<hbm>>
        tpu.enqueue_dma source(%dma_start3A_105 : memref<128x128xf32, #tpu.memory_space<hbm>>) target(%arg9 : memref<128x128xf32, #tpu.memory_space<vmem>>) target_semaphore(%arg12 : memref<!tpu.dma_semaphore, #tpu.memory_space<semaphore_mem>>)
      } else {
      }
    }
    %scan3A_39 = arith.constant 10 : i32
    %barrier3A_40 = arith.constant 0 : index
    tpu.barrier barrier_id(%barrier3A_40)
    "tpu.region"() ({
      %run_scoped3A = tpu.sem_alloc : memref<!tpu.dma_semaphore, #tpu.memory_space<semaphore_mem>>
      %dma_start3A_41 = arith.constant 0 : i32
      %dma_start3A_42 = tpu.memref_slice %arg5[%arg0, %mul3A_2, %dma_start3A_41] : memref<2x10240x128xf32, #tpu.memory_space<hbm>> -> memref<1x640x128xf32, #tpu.memory_space<hbm>>
      %dma_start3A_43 = tpu.memref_squeeze %dma_start3A_42 : memref<1x640x128xf32, #tpu.memory_space<hbm>> -> memref<640x128xf32, #tpu.memory_space<hbm>>
      %dma_start3A_44 = arith.constant 0 : i32
      %dma_start3A_45 = tpu.memref_slice %arg10[%mul3A_2, %dma_start3A_44] : memref<10240x128xf32, #tpu.memory_space<vmem_shared>> -> memref<640x128xf32, #tpu.memory_space<vmem_shared>>
      tpu.enqueue_dma source(%dma_start3A_45 : memref<640x128xf32, #tpu.memory_space<vmem_shared>>) target(%dma_start3A_43 : memref<640x128xf32, #tpu.memory_space<hbm>>) target_semaphore(%run_scoped3A : memref<!tpu.dma_semaphore, #tpu.memory_space<semaphore_mem>>)
      %dma_wait3A = arith.constant 0 : i32
      %dma_wait3A_46 = tpu.memref_slice %arg5[%arg0, %mul3A_2, %dma_wait3A] : memref<2x10240x128xf32, #tpu.memory_space<hbm>> -> memref<1x640x128xf32, #tpu.memory_space<hbm>>
      %dma_wait3A_47 = tpu.memref_squeeze %dma_wait3A_46 : memref<1x640x128xf32, #tpu.memory_space<hbm>> -> memref<640x128xf32, #tpu.memory_space<hbm>>
      %dma_wait3A_48 = arith.constant 0 : i32
      %dma_wait3A_49 = tpu.memref_slice %arg10[%mul3A_2, %dma_wait3A_48] : memref<10240x128xf32, #tpu.memory_space<vmem_shared>> -> memref<640x128xf32, #tpu.memory_space<vmem_shared>>
      tpu.wait_dma2 semaphore(%run_scoped3A : memref<!tpu.dma_semaphore, #tpu.memory_space<semaphore_mem>>) src(%dma_wait3A_49 : memref<640x128xf32, #tpu.memory_space<vmem_shared>>) dst(%dma_wait3A_47 : memref<640x128xf32, #tpu.memory_space<hbm>>)
      tpu.yield
    }) : () -> ()
    return
  }
}

module attributes {stable_mosaic.version = 14 : i64} {
  func.func @_encode_body(%arg0: i32, %arg1: memref<1000x128xf32, #tpu.memory_space<vmem>>, %arg2: memref<128x64xf32, #tpu.memory_space<vmem>>, %arg3: memref<1x64xf32, #tpu.memory_space<vmem>>, %arg4: memref<64x64xf32, #tpu.memory_space<vmem>>, %arg5: memref<1x64xf32, #tpu.memory_space<vmem>>, %arg6: memref<64x64xf32, #tpu.memory_space<vmem>>, %arg7: memref<1x64xf32, #tpu.memory_space<vmem>>, %arg8: memref<1x64xf32, #tpu.memory_space<vmem>>, %arg9: memref<1x64xf32, #tpu.memory_space<vmem>>, %arg10: memref<1000x128xf32, #tpu.memory_space<vmem>>) attributes {dimension_semantics = [#tpu.dimension_semantics<arbitrary>], iteration_bounds = array<i64: 10>, scalar_prefetch = 0 : i64, scratch_operands = 0 : i64, tpu.core_type = #tpu.core_type<tc>, window_params = [{transform_indices = @transform_0, window_bounds = array<i64: 1000, 128>}, {pipeline_mode = #tpu.pipeline_mode<synchronous>, transform_indices = @transform_1, window_bounds = array<i64: 128, 64>}, {pipeline_mode = #tpu.pipeline_mode<synchronous>, transform_indices = @transform_2, window_bounds = array<i64: 1, 64>}, {pipeline_mode = #tpu.pipeline_mode<synchronous>, transform_indices = @transform_3, window_bounds = array<i64: 64, 64>}, {pipeline_mode = #tpu.pipeline_mode<synchronous>, transform_indices = @transform_4, window_bounds = array<i64: 1, 64>}, {pipeline_mode = #tpu.pipeline_mode<synchronous>, transform_indices = @transform_5, window_bounds = array<i64: 64, 64>}, {pipeline_mode = #tpu.pipeline_mode<synchronous>, transform_indices = @transform_6, window_bounds = array<i64: 1, 64>}, {pipeline_mode = #tpu.pipeline_mode<synchronous>, transform_indices = @transform_7, window_bounds = array<i64: 1, 64>}, {pipeline_mode = #tpu.pipeline_mode<synchronous>, transform_indices = @transform_8, window_bounds = array<i64: 1, 64>}, {transform_indices = @transform_9, window_bounds = array<i64: 1000, 128>}]} {
    %get3A = arith.constant 0 : index
    %get3A_0 = arith.constant 0 : index
    %get3A_1 = vector.load %arg1[%get3A, %get3A_0] : memref<1000x128xf32, #tpu.memory_space<vmem>>, vector<1000x128xf32>
    %get3A_2 = arith.constant 0 : index
    %get3A_3 = arith.constant 0 : index
    %get3A_4 = vector.load %arg2[%get3A_2, %get3A_3] : memref<128x64xf32, #tpu.memory_space<vmem>>, vector<128x64xf32>
    %dot_general3A = arith.constant dense<0.000000e+00> : vector<1000x64xf32>
    %dot_general3A_5 = tpu.matmul %get3A_1, %get3A_4, %dot_general3A {dimension_numbers = #tpu.dot_dimension_numbers<[1], [0], [0], [1], [0, 0, 1, 1], [], []>, transpose_lhs_hint = false} : vector<1000x128xf32>, vector<128x64xf32>, vector<1000x64xf32> -> vector<1000x64xf32>
    %get3A_6 = arith.constant 0 : index
    %get3A_7 = arith.constant 0 : index
    %get3A_8 = vector.load %arg3[%get3A_6, %get3A_7] : memref<1x64xf32, #tpu.memory_space<vmem>>, vector<1x64xf32>
    %add3A = vector.broadcast %get3A_8 : vector<1x64xf32> to vector<1000x64xf32>
    %add3A_9 = arith.addf %dot_general3A_5, %add3A : vector<1000x64xf32>
    %max3A = arith.constant 0.000000e+00 : f32
    %max3A_10 = vector.broadcast %max3A : f32 to vector<1000x64xf32>
    %max3A_11 = arith.maximumf %add3A_9, %max3A_10 : vector<1000x64xf32>
    %get3A_12 = arith.constant 0 : index
    %get3A_13 = arith.constant 0 : index
    %get3A_14 = vector.load %arg4[%get3A_12, %get3A_13] : memref<64x64xf32, #tpu.memory_space<vmem>>, vector<64x64xf32>
    %dot_general3A_15 = arith.constant dense<0.000000e+00> : vector<1000x64xf32>
    %dot_general3A_16 = tpu.matmul %max3A_11, %get3A_14, %dot_general3A_15 {dimension_numbers = #tpu.dot_dimension_numbers<[1], [0], [0], [1], [0, 0, 1, 1], [], []>, transpose_lhs_hint = false} : vector<1000x64xf32>, vector<64x64xf32>, vector<1000x64xf32> -> vector<1000x64xf32>
    %get3A_17 = arith.constant 0 : index
    %get3A_18 = arith.constant 0 : index
    %get3A_19 = vector.load %arg5[%get3A_17, %get3A_18] : memref<1x64xf32, #tpu.memory_space<vmem>>, vector<1x64xf32>
    %add3A_20 = vector.broadcast %get3A_19 : vector<1x64xf32> to vector<1000x64xf32>
    %add3A_21 = arith.addf %dot_general3A_16, %add3A_20 : vector<1000x64xf32>
    %max3A_22 = arith.constant 0.000000e+00 : f32
    %max3A_23 = vector.broadcast %max3A_22 : f32 to vector<1000x64xf32>
    %max3A_24 = arith.maximumf %add3A_21, %max3A_23 : vector<1000x64xf32>
    %get3A_25 = arith.constant 0 : index
    %get3A_26 = arith.constant 0 : index
    %get3A_27 = vector.load %arg6[%get3A_25, %get3A_26] : memref<64x64xf32, #tpu.memory_space<vmem>>, vector<64x64xf32>
    %dot_general3A_28 = arith.constant dense<0.000000e+00> : vector<1000x64xf32>
    %dot_general3A_29 = tpu.matmul %max3A_24, %get3A_27, %dot_general3A_28 {dimension_numbers = #tpu.dot_dimension_numbers<[1], [0], [0], [1], [0, 0, 1, 1], [], []>, transpose_lhs_hint = false} : vector<1000x64xf32>, vector<64x64xf32>, vector<1000x64xf32> -> vector<1000x64xf32>
    %get3A_30 = arith.constant 0 : index
    %get3A_31 = arith.constant 0 : index
    %get3A_32 = vector.load %arg7[%get3A_30, %get3A_31] : memref<1x64xf32, #tpu.memory_space<vmem>>, vector<1x64xf32>
    %add3A_33 = vector.broadcast %get3A_32 : vector<1x64xf32> to vector<1000x64xf32>
    %add3A_34 = arith.addf %dot_general3A_29, %add3A_33 : vector<1000x64xf32>
    %get3A_35 = arith.constant 0 : index
    %get3A_36 = arith.constant 0 : index
    %get3A_37 = vector.load %arg8[%get3A_35, %get3A_36] : memref<1x64xf32, #tpu.memory_space<vmem>>, vector<1x64xf32>
    %get3A_38 = arith.constant 0 : index
    %get3A_39 = arith.constant 0 : index
    %get3A_40 = vector.load %arg9[%get3A_38, %get3A_39] : memref<1x64xf32, #tpu.memory_space<vmem>>, vector<1x64xf32>
    %reduce_sum3A = arith.constant dense<0.000000e+00> : vector<1000xf32>
    %reduce_sum3A_41 = vector.multi_reduction <add>, %add3A_34, %reduce_sum3A [1] : vector<1000x64xf32> to vector<1000xf32>
    %broadcast_in_dim3A = vector.shape_cast %reduce_sum3A_41 : vector<1000xf32> to vector<1000x1xf32>
    %div3A = arith.constant 6.400000e+01 : f32
    %div3A_42 = vector.broadcast %div3A : f32 to vector<1000x1xf32>
    %div3A_43 = arith.divf %broadcast_in_dim3A, %div3A_42 : vector<1000x1xf32>
    %sub3A = vector.broadcast %div3A_43 : vector<1000x1xf32> to vector<1000x64xf32>
    %sub3A_44 = arith.subf %add3A_34, %sub3A : vector<1000x64xf32>
    %integer_pow3A = arith.mulf %sub3A_44, %sub3A_44 : vector<1000x64xf32>
    %reduce_sum3A_45 = arith.constant dense<0.000000e+00> : vector<1000xf32>
    %reduce_sum3A_46 = vector.multi_reduction <add>, %integer_pow3A, %reduce_sum3A_45 [1] : vector<1000x64xf32> to vector<1000xf32>
    %broadcast_in_dim3A_47 = vector.shape_cast %reduce_sum3A_46 : vector<1000xf32> to vector<1000x1xf32>
    %div3A_48 = arith.constant 6.400000e+01 : f32
    %div3A_49 = vector.broadcast %div3A_48 : f32 to vector<1000x1xf32>
    %div3A_50 = arith.divf %broadcast_in_dim3A_47, %div3A_49 : vector<1000x1xf32>
    %sub3A_51 = vector.broadcast %div3A_43 : vector<1000x1xf32> to vector<1000x64xf32>
    %sub3A_52 = arith.subf %add3A_34, %sub3A_51 : vector<1000x64xf32>
    %add3A_53 = arith.constant 9.99999974E-6 : f32
    %add3A_54 = vector.broadcast %add3A_53 : f32 to vector<1000x1xf32>
    %add3A_55 = arith.addf %div3A_50, %add3A_54 : vector<1000x1xf32>
    %sqrt3A = math.sqrt %add3A_55 : vector<1000x1xf32>
    %div3A_56 = vector.broadcast %sqrt3A : vector<1000x1xf32> to vector<1000x64xf32>
    %div3A_57 = arith.divf %sub3A_52, %div3A_56 : vector<1000x64xf32>
    %mul3A = vector.broadcast %get3A_37 : vector<1x64xf32> to vector<1000x64xf32>
    %mul3A_58 = arith.mulf %div3A_57, %mul3A : vector<1000x64xf32>
    %add3A_59 = vector.broadcast %get3A_40 : vector<1x64xf32> to vector<1000x64xf32>
    %add3A_60 = arith.addf %mul3A_58, %add3A_59 : vector<1000x64xf32>
    %slice3A = vector.extract_strided_slice %get3A_1 {offsets = [0, 124], sizes = [1000, 3], strides = [1, 1]} : vector<1000x128xf32> to vector<1000x3xf32>
    %broadcast_in_dim3A_61 = arith.constant 0.000000e+00 : f32
    %broadcast_in_dim3A_62 = vector.broadcast %broadcast_in_dim3A_61 : f32 to vector<1000x61xf32>
    %concatenate3A = tpu.concatenate %add3A_60, %slice3A, %broadcast_in_dim3A_62 in 1 : vector<1000x64xf32>, vector<1000x3xf32>, vector<1000x61xf32> -> vector<1000x128xf32>
    %swap3A = arith.constant 0 : index
    %swap3A_63 = arith.constant 0 : index
    %swap3A_64 = vector.load %arg10[%swap3A, %swap3A_63] : memref<1000x128xf32, #tpu.memory_space<vmem>>, vector<1000x128xf32>
    tpu.vector_store %arg10[%swap3A, %swap3A_63], %concatenate3A {strides = array<i32>} : memref<1000x128xf32, #tpu.memory_space<vmem>>, vector<1000x128xf32>,
    return
  }
  func.func @transform_0(%arg0: i32) -> (i32, i32) {
    %c0_i32 = arith.constant 0 : i32
    %c0_i32_0 = arith.constant 0 : i32
    return %arg0, %c0_i32 : i32, i32
  }
  func.func @transform_1(%arg0: i32) -> (i32, i32) {
    %c0_i32 = arith.constant 0 : i32
    %c0_i32_0 = arith.constant 0 : i32
    %c0_i32_1 = arith.constant 0 : i32
    return %c0_i32, %c0_i32_0 : i32, i32
  }
  func.func @transform_2(%arg0: i32) -> (i32, i32) {
    %c0_i32 = arith.constant 0 : i32
    %c0_i32_0 = arith.constant 0 : i32
    %c0_i32_1 = arith.constant 0 : i32
    return %c0_i32, %c0_i32_0 : i32, i32
  }
  func.func @transform_3(%arg0: i32) -> (i32, i32) {
    %c0_i32 = arith.constant 0 : i32
    %c0_i32_0 = arith.constant 0 : i32
    %c0_i32_1 = arith.constant 0 : i32
    return %c0_i32, %c0_i32_0 : i32, i32
  }
  func.func @transform_4(%arg0: i32) -> (i32, i32) {
    %c0_i32 = arith.constant 0 : i32
    %c0_i32_0 = arith.constant 0 : i32
    %c0_i32_1 = arith.constant 0 : i32
    return %c0_i32, %c0_i32_0 : i32, i32
  }
  func.func @transform_5(%arg0: i32) -> (i32, i32) {
    %c0_i32 = arith.constant 0 : i32
    %c0_i32_0 = arith.constant 0 : i32
    %c0_i32_1 = arith.constant 0 : i32
    return %c0_i32, %c0_i32_0 : i32, i32
  }
  func.func @transform_6(%arg0: i32) -> (i32, i32) {
    %c0_i32 = arith.constant 0 : i32
    %c0_i32_0 = arith.constant 0 : i32
    %c0_i32_1 = arith.constant 0 : i32
    return %c0_i32, %c0_i32_0 : i32, i32
  }
  func.func @transform_7(%arg0: i32) -> (i32, i32) {
    %c0_i32 = arith.constant 0 : i32
    %c0_i32_0 = arith.constant 0 : i32
    %c0_i32_1 = arith.constant 0 : i32
    return %c0_i32, %c0_i32_0 : i32, i32
  }
  func.func @transform_8(%arg0: i32) -> (i32, i32) {
    %c0_i32 = arith.constant 0 : i32
    %c0_i32_0 = arith.constant 0 : i32
    %c0_i32_1 = arith.constant 0 : i32
    return %c0_i32, %c0_i32_0 : i32, i32
  }
  func.func @transform_9(%arg0: i32) -> (i32, i32) {
    %c0_i32 = arith.constant 0 : i32
    %c0_i32_0 = arith.constant 0 : i32
    return %arg0, %c0_i32 : i32, i32
  }
}

module attributes {stable_mosaic.version = 14 : i64} {
  func.func @_edge0_body(%arg0: i32, %arg1: memref<2048x128xf32, #tpu.memory_space<vmem>>, %arg2: memref<2048x128xf32, #tpu.memory_space<vmem>>, %arg3: memref<16x64xf32, #tpu.memory_space<vmem>>, %arg4: memref<1x64xf32, #tpu.memory_space<vmem>>, %arg5: memref<1x64xf32, #tpu.memory_space<vmem>>, %arg6: memref<64x64xf32, #tpu.memory_space<vmem>>, %arg7: memref<1x64xf32, #tpu.memory_space<vmem>>, %arg8: memref<64x64xf32, #tpu.memory_space<vmem>>, %arg9: memref<1x64xf32, #tpu.memory_space<vmem>>, %arg10: memref<1x64xf32, #tpu.memory_space<vmem>>, %arg11: memref<1x64xf32, #tpu.memory_space<vmem>>, %arg12: memref<64x64xf32, #tpu.memory_space<vmem>>, %arg13: memref<64x64xf32, #tpu.memory_space<vmem>>, %arg14: memref<64x64xf32, #tpu.memory_space<vmem>>, %arg15: memref<1x64xf32, #tpu.memory_space<vmem>>, %arg16: memref<64x64xf32, #tpu.memory_space<vmem>>, %arg17: memref<1x64xf32, #tpu.memory_space<vmem>>, %arg18: memref<64x64xf32, #tpu.memory_space<vmem>>, %arg19: memref<1x64xf32, #tpu.memory_space<vmem>>, %arg20: memref<1x64xf32, #tpu.memory_space<vmem>>, %arg21: memref<1x64xf32, #tpu.memory_space<vmem>>, %arg22: memref<2048x128xf32, #tpu.memory_space<vmem>>) attributes {dimension_semantics = [#tpu.dimension_semantics<arbitrary>], iteration_bounds = array<i64: 40>, scalar_prefetch = 0 : i64, scratch_operands = 0 : i64, tpu.core_type = #tpu.core_type<tc>, window_params = [{transform_indices = @transform_0, window_bounds = array<i64: 2048, 128>}, {transform_indices = @transform_1, window_bounds = array<i64: 2048, 128>}, {pipeline_mode = #tpu.pipeline_mode<synchronous>, transform_indices = @transform_2, window_bounds = array<i64: 16, 64>}, {pipeline_mode = #tpu.pipeline_mode<synchronous>, transform_indices = @transform_3, window_bounds = array<i64: 1, 64>}, {pipeline_mode = #tpu.pipeline_mode<synchronous>, transform_indices = @transform_4, window_bounds = array<i64: 1, 64>}, {pipeline_mode = #tpu.pipeline_mode<synchronous>, transform_indices = @transform_5, window_bounds = array<i64: 64, 64>}, {pipeline_mode = #tpu.pipeline_mode<synchronous>, transform_indices = @transform_6, window_bounds = array<i64: 1, 64>}, {pipeline_mode = #tpu.pipeline_mode<synchronous>, transform_indices = @transform_7, window_bounds = array<i64: 64, 64>}, {pipeline_mode = #tpu.pipeline_mode<synchronous>, transform_indices = @transform_8, window_bounds = array<i64: 1, 64>}, {pipeline_mode = #tpu.pipeline_mode<synchronous>, transform_indices = @transform_9, window_bounds = array<i64: 1, 64>}, {pipeline_mode = #tpu.pipeline_mode<synchronous>, transform_indices = @transform_10, window_bounds = array<i64: 1, 64>}, {pipeline_mode = #tpu.pipeline_mode<synchronous>, transform_indices = @transform_11, window_bounds = array<i64: 64, 64>}, {pipeline_mode = #tpu.pipeline_mode<synchronous>, transform_indices = @transform_12, window_bounds = array<i64: 64, 64>}, {pipeline_mode = #tpu.pipeline_mode<synchronous>, transform_indices = @transform_13, window_bounds = array<i64: 64, 64>}, {pipeline_mode = #tpu.pipeline_mode<synchronous>, transform_indices = @transform_14, window_bounds = array<i64: 1, 64>}, {pipeline_mode = #tpu.pipeline_mode<synchronous>, transform_indices = @transform_15, window_bounds = array<i64: 64, 64>}, {pipeline_mode = #tpu.pipeline_mode<synchronous>, transform_indices = @transform_16, window_bounds = array<i64: 1, 64>}, {pipeline_mode = #tpu.pipeline_mode<synchronous>, transform_indices = @transform_17, window_bounds = array<i64: 64, 64>}, {pipeline_mode = #tpu.pipeline_mode<synchronous>, transform_indices = @transform_18, window_bounds = array<i64: 1, 64>}, {pipeline_mode = #tpu.pipeline_mode<synchronous>, transform_indices = @transform_19, window_bounds = array<i64: 1, 64>}, {pipeline_mode = #tpu.pipeline_mode<synchronous>, transform_indices = @transform_20, window_bounds = array<i64: 1, 64>}, {transform_indices = @transform_21, window_bounds = array<i64: 2048, 128>}]} {
    %get3A = arith.constant 0 : index
    %get3A_0 = arith.constant 0 : index
    %get3A_1 = vector.load %arg1[%get3A, %get3A_0] : memref<2048x128xf32, #tpu.memory_space<vmem>>, vector<2048x128xf32>
    %get3A_2 = arith.constant 0 : index
    %get3A_3 = arith.constant 0 : index
    %get3A_4 = vector.load %arg2[%get3A_2, %get3A_3] : memref<2048x128xf32, #tpu.memory_space<vmem>>, vector<2048x128xf32>
    %slice3A = vector.extract_strided_slice %get3A_1 {offsets = [0, 0], sizes = [2048, 64], strides = [1, 1]} : vector<2048x128xf32> to vector<2048x64xf32>
    %slice3A_5 = vector.extract_strided_slice %get3A_4 {offsets = [0, 0], sizes = [2048, 64], strides = [1, 1]} : vector<2048x128xf32> to vector<2048x64xf32>
    %slice3A_6 = vector.extract_strided_slice %get3A_4 {offsets = [0, 64], sizes = [2048, 16], strides = [1, 1]} : vector<2048x128xf32> to vector<2048x16xf32>
    %slice3A_7 = vector.extract_strided_slice %get3A_1 {offsets = [0, 64], sizes = [2048, 16], strides = [1, 1]} : vector<2048x128xf32> to vector<2048x16xf32>
    %sub3A = arith.subf %slice3A_6, %slice3A_7 : vector<2048x16xf32>
    %mul3A = arith.mulf %sub3A, %sub3A : vector<2048x16xf32>
    %reduce_sum3A = arith.constant dense<0.000000e+00> : vector<2048xf32>
    %reduce_sum3A_8 = vector.multi_reduction <add>, %mul3A, %reduce_sum3A [1] : vector<2048x16xf32> to vector<2048xf32>
    %broadcast_in_dim3A = vector.shape_cast %reduce_sum3A_8 : vector<2048xf32> to vector<2048x1xf32>
    %add3A = arith.constant 9.99999996E-13 : f32
    %add3A_9 = vector.broadcast %add3A : f32 to vector<2048x1xf32>
    %add3A_10 = arith.addf %broadcast_in_dim3A, %add3A_9 : vector<2048x1xf32>
    %sqrt3A = math.sqrt %add3A_10 : vector<2048x1xf32>
    %get3A_11 = arith.constant 0 : index
    %get3A_12 = arith.constant 0 : index
    %get3A_13 = vector.load %arg3[%get3A_11, %get3A_12] : memref<16x64xf32, #tpu.memory_space<vmem>>, vector<16x64xf32>
    %dot_general3A = arith.constant dense<0.000000e+00> : vector<2048x64xf32>
    %dot_general3A_14 = tpu.matmul %sub3A, %get3A_13, %dot_general3A {dimension_numbers = #tpu.dot_dimension_numbers<[1], [0], [0], [1], [0, 0, 1, 1], [], []>, transpose_lhs_hint = false} : vector<2048x16xf32>, vector<16x64xf32>, vector<2048x64xf32> -> vector<2048x64xf32>
    %get3A_15 = arith.constant 0 : index
    %get3A_16 = arith.constant 0 : index
    %get3A_17 = vector.load %arg4[%get3A_15, %get3A_16] : memref<1x64xf32, #tpu.memory_space<vmem>>, vector<1x64xf32>
    %mul3A_18 = vector.broadcast %sqrt3A : vector<2048x1xf32> to vector<2048x64xf32>
    %mul3A_19 = vector.broadcast %get3A_17 : vector<1x64xf32> to vector<2048x64xf32>
    %mul3A_20 = arith.mulf %mul3A_18, %mul3A_19 : vector<2048x64xf32>
    %add3A_21 = arith.addf %dot_general3A_14, %mul3A_20 : vector<2048x64xf32>
    %get3A_22 = arith.constant 0 : index
    %get3A_23 = arith.constant 0 : index
    %get3A_24 = vector.load %arg5[%get3A_22, %get3A_23] : memref<1x64xf32, #tpu.memory_space<vmem>>, vector<1x64xf32>
    %add3A_25 = vector.broadcast %get3A_24 : vector<1x64xf32> to vector<2048x64xf32>
    %add3A_26 = arith.addf %add3A_21, %add3A_25 : vector<2048x64xf32>
    %max3A = arith.constant 0.000000e+00 : f32
    %max3A_27 = vector.broadcast %max3A : f32 to vector<2048x64xf32>
    %max3A_28 = arith.maximumf %add3A_26, %max3A_27 : vector<2048x64xf32>
    %get3A_29 = arith.constant 0 : index
    %get3A_30 = arith.constant 0 : index
    %get3A_31 = vector.load %arg6[%get3A_29, %get3A_30] : memref<64x64xf32, #tpu.memory_space<vmem>>, vector<64x64xf32>
    %dot_general3A_32 = arith.constant dense<0.000000e+00> : vector<2048x64xf32>
    %dot_general3A_33 = tpu.matmul %max3A_28, %get3A_31, %dot_general3A_32 {dimension_numbers = #tpu.dot_dimension_numbers<[1], [0], [0], [1], [0, 0, 1, 1], [], []>, transpose_lhs_hint = false} : vector<2048x64xf32>, vector<64x64xf32>, vector<2048x64xf32> -> vector<2048x64xf32>
    %get3A_34 = arith.constant 0 : index
    %get3A_35 = arith.constant 0 : index
    %get3A_36 = vector.load %arg7[%get3A_34, %get3A_35] : memref<1x64xf32, #tpu.memory_space<vmem>>, vector<1x64xf32>
    %add3A_37 = vector.broadcast %get3A_36 : vector<1x64xf32> to vector<2048x64xf32>
    %add3A_38 = arith.addf %dot_general3A_33, %add3A_37 : vector<2048x64xf32>
    %max3A_39 = arith.constant 0.000000e+00 : f32
    %max3A_40 = vector.broadcast %max3A_39 : f32 to vector<2048x64xf32>
    %max3A_41 = arith.maximumf %add3A_38, %max3A_40 : vector<2048x64xf32>
    %get3A_42 = arith.constant 0 : index
    %get3A_43 = arith.constant 0 : index
    %get3A_44 = vector.load %arg8[%get3A_42, %get3A_43] : memref<64x64xf32, #tpu.memory_space<vmem>>, vector<64x64xf32>
    %dot_general3A_45 = arith.constant dense<0.000000e+00> : vector<2048x64xf32>
    %dot_general3A_46 = tpu.matmul %max3A_41, %get3A_44, %dot_general3A_45 {dimension_numbers = #tpu.dot_dimension_numbers<[1], [0], [0], [1], [0, 0, 1, 1], [], []>, transpose_lhs_hint = false} : vector<2048x64xf32>, vector<64x64xf32>, vector<2048x64xf32> -> vector<2048x64xf32>
    %get3A_47 = arith.constant 0 : index
    %get3A_48 = arith.constant 0 : index
    %get3A_49 = vector.load %arg9[%get3A_47, %get3A_48] : memref<1x64xf32, #tpu.memory_space<vmem>>, vector<1x64xf32>
    %add3A_50 = vector.broadcast %get3A_49 : vector<1x64xf32> to vector<2048x64xf32>
    %add3A_51 = arith.addf %dot_general3A_46, %add3A_50 : vector<2048x64xf32>
    %get3A_52 = arith.constant 0 : index
    %get3A_53 = arith.constant 0 : index
    %get3A_54 = vector.load %arg10[%get3A_52, %get3A_53] : memref<1x64xf32, #tpu.memory_space<vmem>>, vector<1x64xf32>
    %get3A_55 = arith.constant 0 : index
    %get3A_56 = arith.constant 0 : index
    %get3A_57 = vector.load %arg11[%get3A_55, %get3A_56] : memref<1x64xf32, #tpu.memory_space<vmem>>, vector<1x64xf32>
    %reduce_sum3A_58 = arith.constant dense<0.000000e+00> : vector<2048xf32>
    %reduce_sum3A_59 = vector.multi_reduction <add>, %add3A_51, %reduce_sum3A_58 [1] : vector<2048x64xf32> to vector<2048xf32>
    %broadcast_in_dim3A_60 = vector.shape_cast %reduce_sum3A_59 : vector<2048xf32> to vector<2048x1xf32>
    %div3A = arith.constant 6.400000e+01 : f32
    %div3A_61 = vector.broadcast %div3A : f32 to vector<2048x1xf32>
    %div3A_62 = arith.divf %broadcast_in_dim3A_60, %div3A_61 : vector<2048x1xf32>
    %sub3A_63 = vector.broadcast %div3A_62 : vector<2048x1xf32> to vector<2048x64xf32>
    %sub3A_64 = arith.subf %add3A_51, %sub3A_63 : vector<2048x64xf32>
    %integer_pow3A = arith.mulf %sub3A_64, %sub3A_64 : vector<2048x64xf32>
    %reduce_sum3A_65 = arith.constant dense<0.000000e+00> : vector<2048xf32>
    %reduce_sum3A_66 = vector.multi_reduction <add>, %integer_pow3A, %reduce_sum3A_65 [1] : vector<2048x64xf32> to vector<2048xf32>
    %broadcast_in_dim3A_67 = vector.shape_cast %reduce_sum3A_66 : vector<2048xf32> to vector<2048x1xf32>
    %div3A_68 = arith.constant 6.400000e+01 : f32
    %div3A_69 = vector.broadcast %div3A_68 : f32 to vector<2048x1xf32>
    %div3A_70 = arith.divf %broadcast_in_dim3A_67, %div3A_69 : vector<2048x1xf32>
    %sub3A_71 = vector.broadcast %div3A_62 : vector<2048x1xf32> to vector<2048x64xf32>
    %sub3A_72 = arith.subf %add3A_51, %sub3A_71 : vector<2048x64xf32>
    %add3A_73 = arith.constant 9.99999974E-6 : f32
    %add3A_74 = vector.broadcast %add3A_73 : f32 to vector<2048x1xf32>
    %add3A_75 = arith.addf %div3A_70, %add3A_74 : vector<2048x1xf32>
    %sqrt3A_76 = math.sqrt %add3A_75 : vector<2048x1xf32>
    %div3A_77 = vector.broadcast %sqrt3A_76 : vector<2048x1xf32> to vector<2048x64xf32>
    %div3A_78 = arith.divf %sub3A_72, %div3A_77 : vector<2048x64xf32>
    %mul3A_79 = vector.broadcast %get3A_54 : vector<1x64xf32> to vector<2048x64xf32>
    %mul3A_80 = arith.mulf %div3A_78, %mul3A_79 : vector<2048x64xf32>
    %add3A_81 = vector.broadcast %get3A_57 : vector<1x64xf32> to vector<2048x64xf32>
    %add3A_82 = arith.addf %mul3A_80, %add3A_81 : vector<2048x64xf32>
    %get3A_83 = arith.constant 0 : index
    %get3A_84 = arith.constant 0 : index
    %get3A_85 = vector.load %arg12[%get3A_83, %get3A_84] : memref<64x64xf32, #tpu.memory_space<vmem>>, vector<64x64xf32>
    %dot_general3A_86 = arith.constant dense<0.000000e+00> : vector<2048x64xf32>
    %dot_general3A_87 = tpu.matmul %add3A_82, %get3A_85, %dot_general3A_86 {dimension_numbers = #tpu.dot_dimension_numbers<[1], [0], [0], [1], [0, 0, 1, 1], [], []>, transpose_lhs_hint = false} : vector<2048x64xf32>, vector<64x64xf32>, vector<2048x64xf32> -> vector<2048x64xf32>
    %get3A_88 = arith.constant 0 : index
    %get3A_89 = arith.constant 0 : index
    %get3A_90 = vector.load %arg13[%get3A_88, %get3A_89] : memref<64x64xf32, #tpu.memory_space<vmem>>, vector<64x64xf32>
    %dot_general3A_91 = arith.constant dense<0.000000e+00> : vector<2048x64xf32>
    %dot_general3A_92 = tpu.matmul %slice3A, %get3A_90, %dot_general3A_91 {dimension_numbers = #tpu.dot_dimension_numbers<[1], [0], [0], [1], [0, 0, 1, 1], [], []>, transpose_lhs_hint = false} : vector<2048x64xf32>, vector<64x64xf32>, vector<2048x64xf32> -> vector<2048x64xf32>
    %add3A_93 = arith.addf %dot_general3A_87, %dot_general3A_92 : vector<2048x64xf32>
    %get3A_94 = arith.constant 0 : index
    %get3A_95 = arith.constant 0 : index
    %get3A_96 = vector.load %arg14[%get3A_94, %get3A_95] : memref<64x64xf32, #tpu.memory_space<vmem>>, vector<64x64xf32>
    %dot_general3A_97 = arith.constant dense<0.000000e+00> : vector<2048x64xf32>
    %dot_general3A_98 = tpu.matmul %slice3A_5, %get3A_96, %dot_general3A_97 {dimension_numbers = #tpu.dot_dimension_numbers<[1], [0], [0], [1], [0, 0, 1, 1], [], []>, transpose_lhs_hint = false} : vector<2048x64xf32>, vector<64x64xf32>, vector<2048x64xf32> -> vector<2048x64xf32>
    %add3A_99 = arith.addf %add3A_93, %dot_general3A_98 : vector<2048x64xf32>
    %get3A_100 = arith.constant 0 : index
    %get3A_101 = arith.constant 0 : index
    %get3A_102 = vector.load %arg15[%get3A_100, %get3A_101] : memref<1x64xf32, #tpu.memory_space<vmem>>, vector<1x64xf32>
    %add3A_103 = vector.broadcast %get3A_102 : vector<1x64xf32> to vector<2048x64xf32>
    %add3A_104 = arith.addf %add3A_99, %add3A_103 : vector<2048x64xf32>
    %max3A_105 = arith.constant 0.000000e+00 : f32
    %max3A_106 = vector.broadcast %max3A_105 : f32 to vector<2048x64xf32>
    %max3A_107 = arith.maximumf %add3A_104, %max3A_106 : vector<2048x64xf32>
    %get3A_108 = arith.constant 0 : index
    %get3A_109 = arith.constant 0 : index
    %get3A_110 = vector.load %arg16[%get3A_108, %get3A_109] : memref<64x64xf32, #tpu.memory_space<vmem>>, vector<64x64xf32>
    %dot_general3A_111 = arith.constant dense<0.000000e+00> : vector<2048x64xf32>
    %dot_general3A_112 = tpu.matmul %max3A_107, %get3A_110, %dot_general3A_111 {dimension_numbers = #tpu.dot_dimension_numbers<[1], [0], [0], [1], [0, 0, 1, 1], [], []>, transpose_lhs_hint = false} : vector<2048x64xf32>, vector<64x64xf32>, vector<2048x64xf32> -> vector<2048x64xf32>
    %get3A_113 = arith.constant 0 : index
    %get3A_114 = arith.constant 0 : index
    %get3A_115 = vector.load %arg17[%get3A_113, %get3A_114] : memref<1x64xf32, #tpu.memory_space<vmem>>, vector<1x64xf32>
    %add3A_116 = vector.broadcast %get3A_115 : vector<1x64xf32> to vector<2048x64xf32>
    %add3A_117 = arith.addf %dot_general3A_112, %add3A_116 : vector<2048x64xf32>
    %max3A_118 = arith.constant 0.000000e+00 : f32
    %max3A_119 = vector.broadcast %max3A_118 : f32 to vector<2048x64xf32>
    %max3A_120 = arith.maximumf %add3A_117, %max3A_119 : vector<2048x64xf32>
    %get3A_121 = arith.constant 0 : index
    %get3A_122 = arith.constant 0 : index
    %get3A_123 = vector.load %arg18[%get3A_121, %get3A_122] : memref<64x64xf32, #tpu.memory_space<vmem>>, vector<64x64xf32>
    %dot_general3A_124 = arith.constant dense<0.000000e+00> : vector<2048x64xf32>
    %dot_general3A_125 = tpu.matmul %max3A_120, %get3A_123, %dot_general3A_124 {dimension_numbers = #tpu.dot_dimension_numbers<[1], [0], [0], [1], [0, 0, 1, 1], [], []>, transpose_lhs_hint = false} : vector<2048x64xf32>, vector<64x64xf32>, vector<2048x64xf32> -> vector<2048x64xf32>
    %get3A_126 = arith.constant 0 : index
    %get3A_127 = arith.constant 0 : index
    %get3A_128 = vector.load %arg19[%get3A_126, %get3A_127] : memref<1x64xf32, #tpu.memory_space<vmem>>, vector<1x64xf32>
    %add3A_129 = vector.broadcast %get3A_128 : vector<1x64xf32> to vector<2048x64xf32>
    %add3A_130 = arith.addf %dot_general3A_125, %add3A_129 : vector<2048x64xf32>
    %get3A_131 = arith.constant 0 : index
    %get3A_132 = arith.constant 0 : index
    %get3A_133 = vector.load %arg20[%get3A_131, %get3A_132] : memref<1x64xf32, #tpu.memory_space<vmem>>, vector<1x64xf32>
    %get3A_134 = arith.constant 0 : index
    %get3A_135 = arith.constant 0 : index
    %get3A_136 = vector.load %arg21[%get3A_134, %get3A_135] : memref<1x64xf32, #tpu.memory_space<vmem>>, vector<1x64xf32>
    %reduce_sum3A_137 = arith.constant dense<0.000000e+00> : vector<2048xf32>
    %reduce_sum3A_138 = vector.multi_reduction <add>, %add3A_130, %reduce_sum3A_137 [1] : vector<2048x64xf32> to vector<2048xf32>
    %broadcast_in_dim3A_139 = vector.shape_cast %reduce_sum3A_138 : vector<2048xf32> to vector<2048x1xf32>
    %div3A_140 = arith.constant 6.400000e+01 : f32
    %div3A_141 = vector.broadcast %div3A_140 : f32 to vector<2048x1xf32>
    %div3A_142 = arith.divf %broadcast_in_dim3A_139, %div3A_141 : vector<2048x1xf32>
    %sub3A_143 = vector.broadcast %div3A_142 : vector<2048x1xf32> to vector<2048x64xf32>
    %sub3A_144 = arith.subf %add3A_130, %sub3A_143 : vector<2048x64xf32>
    %integer_pow3A_145 = arith.mulf %sub3A_144, %sub3A_144 : vector<2048x64xf32>
    %reduce_sum3A_146 = arith.constant dense<0.000000e+00> : vector<2048xf32>
    %reduce_sum3A_147 = vector.multi_reduction <add>, %integer_pow3A_145, %reduce_sum3A_146 [1] : vector<2048x64xf32> to vector<2048xf32>
    %broadcast_in_dim3A_148 = vector.shape_cast %reduce_sum3A_147 : vector<2048xf32> to vector<2048x1xf32>
    %div3A_149 = arith.constant 6.400000e+01 : f32
    %div3A_150 = vector.broadcast %div3A_149 : f32 to vector<2048x1xf32>
    %div3A_151 = arith.divf %broadcast_in_dim3A_148, %div3A_150 : vector<2048x1xf32>
    %sub3A_152 = vector.broadcast %div3A_142 : vector<2048x1xf32> to vector<2048x64xf32>
    %sub3A_153 = arith.subf %add3A_130, %sub3A_152 : vector<2048x64xf32>
    %add3A_154 = arith.constant 9.99999974E-6 : f32
    %add3A_155 = vector.broadcast %add3A_154 : f32 to vector<2048x1xf32>
    %add3A_156 = arith.addf %div3A_151, %add3A_155 : vector<2048x1xf32>
    %sqrt3A_157 = math.sqrt %add3A_156 : vector<2048x1xf32>
    %div3A_158 = vector.broadcast %sqrt3A_157 : vector<2048x1xf32> to vector<2048x64xf32>
    %div3A_159 = arith.divf %sub3A_153, %div3A_158 : vector<2048x64xf32>
    %mul3A_160 = vector.broadcast %get3A_133 : vector<1x64xf32> to vector<2048x64xf32>
    %mul3A_161 = arith.mulf %div3A_159, %mul3A_160 : vector<2048x64xf32>
    %add3A_162 = vector.broadcast %get3A_136 : vector<1x64xf32> to vector<2048x64xf32>
    %add3A_163 = arith.addf %mul3A_161, %add3A_162 : vector<2048x64xf32>
    %add3A_164 = arith.addf %add3A_82, %add3A_163 : vector<2048x64xf32>
    %mul3A_165 = arith.constant 2048 : i32
    %mul3A_166 = arith.muli %arg0, %mul3A_165 : i32
    %add3A_167 = arith.constant 81920 : i32
    %add3A_168 = arith.addi %add3A_167, %mul3A_166 : i32
    %iota3A = tpu.iota {dimensions = array<i32: 0>} : vector<2048x1xi32>
    %add3A_169 = vector.broadcast %add3A_168 : i32 to vector<2048x1xi32>
    %add3A_170 = arith.addi %add3A_169, %iota3A : vector<2048x1xi32>
    %broadcast_in_dim3A_171 = arith.constant 0.000000e+00 : f32
    %broadcast_in_dim3A_172 = vector.broadcast %broadcast_in_dim3A_171 : f32 to vector<2048x64xf32>
    %concatenate3A = tpu.concatenate %add3A_164, %broadcast_in_dim3A_172 in 1 : vector<2048x64xf32>, vector<2048x64xf32> -> vector<2048x128xf32>
    %lt3A = arith.constant 160000 : i32
    %lt3A_173 = vector.broadcast %lt3A : i32 to vector<2048x1xi32>
    %lt3A_174 = arith.cmpi slt, %add3A_170, %lt3A_173 : vector<2048x1xi32>
    %jit3A = arith.constant 0.000000e+00 : f32
    %broadcast_in_dim3A_175 = vector.shape_cast %lt3A_174 : vector<2048x1xi1> to vector<2048x1xi1>
    %broadcast_in_dim3A_176 = vector.broadcast %broadcast_in_dim3A_175 : vector<2048x1xi1> to vector<2048x128xi1>
    %broadcast_in_dim3A_177 = vector.broadcast %jit3A : f32 to vector<2048x128xf32>
    %select_n3A = arith.select %broadcast_in_dim3A_176, %concatenate3A, %broadcast_in_dim3A_177 : vector<2048x128xi1>, vector<2048x128xf32>
    %swap3A = arith.constant 0 : index
    %swap3A_178 = arith.constant 0 : index
    %swap3A_179 = vector.load %arg22[%swap3A, %swap3A_178] : memref<2048x128xf32, #tpu.memory_space<vmem>>, vector<2048x128xf32>
    tpu.vector_store %arg22[%swap3A, %swap3A_178], %select_n3A {strides = array<i32>} : memref<2048x128xf32, #tpu.memory_space<vmem>>, vector<2048x128xf32>,
    return
  }
  func.func @transform_0(%arg0: i32) -> (i32, i32) {
    %c0_i32 = arith.constant 0 : i32
    %c0_i32_0 = arith.constant 0 : i32
    return %arg0, %c0_i32 : i32, i32
  }
  func.func @transform_1(%arg0: i32) -> (i32, i32) {
    %c0_i32 = arith.constant 0 : i32
    %c0_i32_0 = arith.constant 0 : i32
    return %arg0, %c0_i32 : i32, i32
  }
  func.func @transform_2(%arg0: i32) -> (i32, i32) {
    %c0_i32 = arith.constant 0 : i32
    %c0_i32_0 = arith.constant 0 : i32
    %c0_i32_1 = arith.constant 0 : i32
    return %c0_i32, %c0_i32_0 : i32, i32
  }
  func.func @transform_3(%arg0: i32) -> (i32, i32) {
    %c0_i32 = arith.constant 0 : i32
    %c0_i32_0 = arith.constant 0 : i32
    %c0_i32_1 = arith.constant 0 : i32
    return %c0_i32, %c0_i32_0 : i32, i32
  }
  func.func @transform_4(%arg0: i32) -> (i32, i32) {
    %c0_i32 = arith.constant 0 : i32
    %c0_i32_0 = arith.constant 0 : i32
    %c0_i32_1 = arith.constant 0 : i32
    return %c0_i32, %c0_i32_0 : i32, i32
  }
  func.func @transform_5(%arg0: i32) -> (i32, i32) {
    %c0_i32 = arith.constant 0 : i32
    %c0_i32_0 = arith.constant 0 : i32
    %c0_i32_1 = arith.constant 0 : i32
    return %c0_i32, %c0_i32_0 : i32, i32
  }
  func.func @transform_6(%arg0: i32) -> (i32, i32) {
    %c0_i32 = arith.constant 0 : i32
    %c0_i32_0 = arith.constant 0 : i32
    %c0_i32_1 = arith.constant 0 : i32
    return %c0_i32, %c0_i32_0 : i32, i32
  }
  func.func @transform_7(%arg0: i32) -> (i32, i32) {
    %c0_i32 = arith.constant 0 : i32
    %c0_i32_0 = arith.constant 0 : i32
    %c0_i32_1 = arith.constant 0 : i32
    return %c0_i32, %c0_i32_0 : i32, i32
  }
  func.func @transform_8(%arg0: i32) -> (i32, i32) {
    %c0_i32 = arith.constant 0 : i32
    %c0_i32_0 = arith.constant 0 : i32
    %c0_i32_1 = arith.constant 0 : i32
    return %c0_i32, %c0_i32_0 : i32, i32
  }
  func.func @transform_9(%arg0: i32) -> (i32, i32) {
    %c0_i32 = arith.constant 0 : i32
    %c0_i32_0 = arith.constant 0 : i32
    %c0_i32_1 = arith.constant 0 : i32
    return %c0_i32, %c0_i32_0 : i32, i32
  }
  func.func @transform_10(%arg0: i32) -> (i32, i32) {
    %c0_i32 = arith.constant 0 : i32
    %c0_i32_0 = arith.constant 0 : i32
    %c0_i32_1 = arith.constant 0 : i32
    return %c0_i32, %c0_i32_0 : i32, i32
  }
  func.func @transform_11(%arg0: i32) -> (i32, i32) {
    %c0_i32 = arith.constant 0 : i32
    %c0_i32_0 = arith.constant 0 : i32
    %c0_i32_1 = arith.constant 0 : i32
    return %c0_i32, %c0_i32_0 : i32, i32
  }
  func.func @transform_12(%arg0: i32) -> (i32, i32) {
    %c0_i32 = arith.constant 0 : i32
    %c0_i32_0 = arith.constant 0 : i32
    %c0_i32_1 = arith.constant 0 : i32
    return %c0_i32, %c0_i32_0 : i32, i32
  }
  func.func @transform_13(%arg0: i32) -> (i32, i32) {
    %c0_i32 = arith.constant 0 : i32
    %c0_i32_0 = arith.constant 0 : i32
    %c0_i32_1 = arith.constant 0 : i32
    return %c0_i32, %c0_i32_0 : i32, i32
  }
  func.func @transform_14(%arg0: i32) -> (i32, i32) {
    %c0_i32 = arith.constant 0 : i32
    %c0_i32_0 = arith.constant 0 : i32
    %c0_i32_1 = arith.constant 0 : i32
    return %c0_i32, %c0_i32_0 : i32, i32
  }
  func.func @transform_15(%arg0: i32) -> (i32, i32) {
    %c0_i32 = arith.constant 0 : i32
    %c0_i32_0 = arith.constant 0 : i32
    %c0_i32_1 = arith.constant 0 : i32
    return %c0_i32, %c0_i32_0 : i32, i32
  }
  func.func @transform_16(%arg0: i32) -> (i32, i32) {
    %c0_i32 = arith.constant 0 : i32
    %c0_i32_0 = arith.constant 0 : i32
    %c0_i32_1 = arith.constant 0 : i32
    return %c0_i32, %c0_i32_0 : i32, i32
  }
  func.func @transform_17(%arg0: i32) -> (i32, i32) {
    %c0_i32 = arith.constant 0 : i32
    %c0_i32_0 = arith.constant 0 : i32
    %c0_i32_1 = arith.constant 0 : i32
    return %c0_i32, %c0_i32_0 : i32, i32
  }
  func.func @transform_18(%arg0: i32) -> (i32, i32) {
    %c0_i32 = arith.constant 0 : i32
    %c0_i32_0 = arith.constant 0 : i32
    %c0_i32_1 = arith.constant 0 : i32
    return %c0_i32, %c0_i32_0 : i32, i32
  }
  func.func @transform_19(%arg0: i32) -> (i32, i32) {
    %c0_i32 = arith.constant 0 : i32
    %c0_i32_0 = arith.constant 0 : i32
    %c0_i32_1 = arith.constant 0 : i32
    return %c0_i32, %c0_i32_0 : i32, i32
  }
  func.func @transform_20(%arg0: i32) -> (i32, i32) {
    %c0_i32 = arith.constant 0 : i32
    %c0_i32_0 = arith.constant 0 : i32
    %c0_i32_1 = arith.constant 0 : i32
    return %c0_i32, %c0_i32_0 : i32, i32
  }
  func.func @transform_21(%arg0: i32) -> (i32, i32) {
    %c0_i32 = arith.constant 0 : i32
    %c0_i32_0 = arith.constant 0 : i32
    return %arg0, %c0_i32 : i32, i32
  }
}

module attributes {stable_mosaic.version = 14 : i64} {
  func.func @_edge0_body(%arg0: i32, %arg1: memref<2048x128xf32, #tpu.memory_space<vmem>>, %arg2: memref<2048x128xf32, #tpu.memory_space<vmem>>, %arg3: memref<16x64xf32, #tpu.memory_space<vmem>>, %arg4: memref<1x64xf32, #tpu.memory_space<vmem>>, %arg5: memref<1x64xf32, #tpu.memory_space<vmem>>, %arg6: memref<64x64xf32, #tpu.memory_space<vmem>>, %arg7: memref<1x64xf32, #tpu.memory_space<vmem>>, %arg8: memref<64x64xf32, #tpu.memory_space<vmem>>, %arg9: memref<1x64xf32, #tpu.memory_space<vmem>>, %arg10: memref<1x64xf32, #tpu.memory_space<vmem>>, %arg11: memref<1x64xf32, #tpu.memory_space<vmem>>, %arg12: memref<64x64xf32, #tpu.memory_space<vmem>>, %arg13: memref<64x64xf32, #tpu.memory_space<vmem>>, %arg14: memref<64x64xf32, #tpu.memory_space<vmem>>, %arg15: memref<1x64xf32, #tpu.memory_space<vmem>>, %arg16: memref<64x64xf32, #tpu.memory_space<vmem>>, %arg17: memref<1x64xf32, #tpu.memory_space<vmem>>, %arg18: memref<64x64xf32, #tpu.memory_space<vmem>>, %arg19: memref<1x64xf32, #tpu.memory_space<vmem>>, %arg20: memref<1x64xf32, #tpu.memory_space<vmem>>, %arg21: memref<1x64xf32, #tpu.memory_space<vmem>>, %arg22: memref<2048x128xf32, #tpu.memory_space<vmem>>) attributes {dimension_semantics = [#tpu.dimension_semantics<arbitrary>], iteration_bounds = array<i64: 40>, scalar_prefetch = 0 : i64, scratch_operands = 0 : i64, tpu.core_type = #tpu.core_type<tc>, window_params = [{transform_indices = @transform_0, window_bounds = array<i64: 2048, 128>}, {transform_indices = @transform_1, window_bounds = array<i64: 2048, 128>}, {pipeline_mode = #tpu.pipeline_mode<synchronous>, transform_indices = @transform_2, window_bounds = array<i64: 16, 64>}, {pipeline_mode = #tpu.pipeline_mode<synchronous>, transform_indices = @transform_3, window_bounds = array<i64: 1, 64>}, {pipeline_mode = #tpu.pipeline_mode<synchronous>, transform_indices = @transform_4, window_bounds = array<i64: 1, 64>}, {pipeline_mode = #tpu.pipeline_mode<synchronous>, transform_indices = @transform_5, window_bounds = array<i64: 64, 64>}, {pipeline_mode = #tpu.pipeline_mode<synchronous>, transform_indices = @transform_6, window_bounds = array<i64: 1, 64>}, {pipeline_mode = #tpu.pipeline_mode<synchronous>, transform_indices = @transform_7, window_bounds = array<i64: 64, 64>}, {pipeline_mode = #tpu.pipeline_mode<synchronous>, transform_indices = @transform_8, window_bounds = array<i64: 1, 64>}, {pipeline_mode = #tpu.pipeline_mode<synchronous>, transform_indices = @transform_9, window_bounds = array<i64: 1, 64>}, {pipeline_mode = #tpu.pipeline_mode<synchronous>, transform_indices = @transform_10, window_bounds = array<i64: 1, 64>}, {pipeline_mode = #tpu.pipeline_mode<synchronous>, transform_indices = @transform_11, window_bounds = array<i64: 64, 64>}, {pipeline_mode = #tpu.pipeline_mode<synchronous>, transform_indices = @transform_12, window_bounds = array<i64: 64, 64>}, {pipeline_mode = #tpu.pipeline_mode<synchronous>, transform_indices = @transform_13, window_bounds = array<i64: 64, 64>}, {pipeline_mode = #tpu.pipeline_mode<synchronous>, transform_indices = @transform_14, window_bounds = array<i64: 1, 64>}, {pipeline_mode = #tpu.pipeline_mode<synchronous>, transform_indices = @transform_15, window_bounds = array<i64: 64, 64>}, {pipeline_mode = #tpu.pipeline_mode<synchronous>, transform_indices = @transform_16, window_bounds = array<i64: 1, 64>}, {pipeline_mode = #tpu.pipeline_mode<synchronous>, transform_indices = @transform_17, window_bounds = array<i64: 64, 64>}, {pipeline_mode = #tpu.pipeline_mode<synchronous>, transform_indices = @transform_18, window_bounds = array<i64: 1, 64>}, {pipeline_mode = #tpu.pipeline_mode<synchronous>, transform_indices = @transform_19, window_bounds = array<i64: 1, 64>}, {pipeline_mode = #tpu.pipeline_mode<synchronous>, transform_indices = @transform_20, window_bounds = array<i64: 1, 64>}, {transform_indices = @transform_21, window_bounds = array<i64: 2048, 128>}]} {
    %get3A = arith.constant 0 : index
    %get3A_0 = arith.constant 0 : index
    %get3A_1 = vector.load %arg1[%get3A, %get3A_0] : memref<2048x128xf32, #tpu.memory_space<vmem>>, vector<2048x128xf32>
    %get3A_2 = arith.constant 0 : index
    %get3A_3 = arith.constant 0 : index
    %get3A_4 = vector.load %arg2[%get3A_2, %get3A_3] : memref<2048x128xf32, #tpu.memory_space<vmem>>, vector<2048x128xf32>
    %slice3A = vector.extract_strided_slice %get3A_1 {offsets = [0, 0], sizes = [2048, 64], strides = [1, 1]} : vector<2048x128xf32> to vector<2048x64xf32>
    %slice3A_5 = vector.extract_strided_slice %get3A_4 {offsets = [0, 0], sizes = [2048, 64], strides = [1, 1]} : vector<2048x128xf32> to vector<2048x64xf32>
    %slice3A_6 = vector.extract_strided_slice %get3A_4 {offsets = [0, 64], sizes = [2048, 16], strides = [1, 1]} : vector<2048x128xf32> to vector<2048x16xf32>
    %slice3A_7 = vector.extract_strided_slice %get3A_1 {offsets = [0, 64], sizes = [2048, 16], strides = [1, 1]} : vector<2048x128xf32> to vector<2048x16xf32>
    %sub3A = arith.subf %slice3A_6, %slice3A_7 : vector<2048x16xf32>
    %mul3A = arith.mulf %sub3A, %sub3A : vector<2048x16xf32>
    %reduce_sum3A = arith.constant dense<0.000000e+00> : vector<2048xf32>
    %reduce_sum3A_8 = vector.multi_reduction <add>, %mul3A, %reduce_sum3A [1] : vector<2048x16xf32> to vector<2048xf32>
    %broadcast_in_dim3A = vector.shape_cast %reduce_sum3A_8 : vector<2048xf32> to vector<2048x1xf32>
    %add3A = arith.constant 9.99999996E-13 : f32
    %add3A_9 = vector.broadcast %add3A : f32 to vector<2048x1xf32>
    %add3A_10 = arith.addf %broadcast_in_dim3A, %add3A_9 : vector<2048x1xf32>
    %sqrt3A = math.sqrt %add3A_10 : vector<2048x1xf32>
    %get3A_11 = arith.constant 0 : index
    %get3A_12 = arith.constant 0 : index
    %get3A_13 = vector.load %arg3[%get3A_11, %get3A_12] : memref<16x64xf32, #tpu.memory_space<vmem>>, vector<16x64xf32>
    %dot_general3A = arith.constant dense<0.000000e+00> : vector<2048x64xf32>
    %dot_general3A_14 = tpu.matmul %sub3A, %get3A_13, %dot_general3A {dimension_numbers = #tpu.dot_dimension_numbers<[1], [0], [0], [1], [0, 0, 1, 1], [], []>, transpose_lhs_hint = false} : vector<2048x16xf32>, vector<16x64xf32>, vector<2048x64xf32> -> vector<2048x64xf32>
    %get3A_15 = arith.constant 0 : index
    %get3A_16 = arith.constant 0 : index
    %get3A_17 = vector.load %arg4[%get3A_15, %get3A_16] : memref<1x64xf32, #tpu.memory_space<vmem>>, vector<1x64xf32>
    %mul3A_18 = vector.broadcast %sqrt3A : vector<2048x1xf32> to vector<2048x64xf32>
    %mul3A_19 = vector.broadcast %get3A_17 : vector<1x64xf32> to vector<2048x64xf32>
    %mul3A_20 = arith.mulf %mul3A_18, %mul3A_19 : vector<2048x64xf32>
    %add3A_21 = arith.addf %dot_general3A_14, %mul3A_20 : vector<2048x64xf32>
    %get3A_22 = arith.constant 0 : index
    %get3A_23 = arith.constant 0 : index
    %get3A_24 = vector.load %arg5[%get3A_22, %get3A_23] : memref<1x64xf32, #tpu.memory_space<vmem>>, vector<1x64xf32>
    %add3A_25 = vector.broadcast %get3A_24 : vector<1x64xf32> to vector<2048x64xf32>
    %add3A_26 = arith.addf %add3A_21, %add3A_25 : vector<2048x64xf32>
    %max3A = arith.constant 0.000000e+00 : f32
    %max3A_27 = vector.broadcast %max3A : f32 to vector<2048x64xf32>
    %max3A_28 = arith.maximumf %add3A_26, %max3A_27 : vector<2048x64xf32>
    %get3A_29 = arith.constant 0 : index
    %get3A_30 = arith.constant 0 : index
    %get3A_31 = vector.load %arg6[%get3A_29, %get3A_30] : memref<64x64xf32, #tpu.memory_space<vmem>>, vector<64x64xf32>
    %dot_general3A_32 = arith.constant dense<0.000000e+00> : vector<2048x64xf32>
    %dot_general3A_33 = tpu.matmul %max3A_28, %get3A_31, %dot_general3A_32 {dimension_numbers = #tpu.dot_dimension_numbers<[1], [0], [0], [1], [0, 0, 1, 1], [], []>, transpose_lhs_hint = false} : vector<2048x64xf32>, vector<64x64xf32>, vector<2048x64xf32> -> vector<2048x64xf32>
    %get3A_34 = arith.constant 0 : index
    %get3A_35 = arith.constant 0 : index
    %get3A_36 = vector.load %arg7[%get3A_34, %get3A_35] : memref<1x64xf32, #tpu.memory_space<vmem>>, vector<1x64xf32>
    %add3A_37 = vector.broadcast %get3A_36 : vector<1x64xf32> to vector<2048x64xf32>
    %add3A_38 = arith.addf %dot_general3A_33, %add3A_37 : vector<2048x64xf32>
    %max3A_39 = arith.constant 0.000000e+00 : f32
    %max3A_40 = vector.broadcast %max3A_39 : f32 to vector<2048x64xf32>
    %max3A_41 = arith.maximumf %add3A_38, %max3A_40 : vector<2048x64xf32>
    %get3A_42 = arith.constant 0 : index
    %get3A_43 = arith.constant 0 : index
    %get3A_44 = vector.load %arg8[%get3A_42, %get3A_43] : memref<64x64xf32, #tpu.memory_space<vmem>>, vector<64x64xf32>
    %dot_general3A_45 = arith.constant dense<0.000000e+00> : vector<2048x64xf32>
    %dot_general3A_46 = tpu.matmul %max3A_41, %get3A_44, %dot_general3A_45 {dimension_numbers = #tpu.dot_dimension_numbers<[1], [0], [0], [1], [0, 0, 1, 1], [], []>, transpose_lhs_hint = false} : vector<2048x64xf32>, vector<64x64xf32>, vector<2048x64xf32> -> vector<2048x64xf32>
    %get3A_47 = arith.constant 0 : index
    %get3A_48 = arith.constant 0 : index
    %get3A_49 = vector.load %arg9[%get3A_47, %get3A_48] : memref<1x64xf32, #tpu.memory_space<vmem>>, vector<1x64xf32>
    %add3A_50 = vector.broadcast %get3A_49 : vector<1x64xf32> to vector<2048x64xf32>
    %add3A_51 = arith.addf %dot_general3A_46, %add3A_50 : vector<2048x64xf32>
    %get3A_52 = arith.constant 0 : index
    %get3A_53 = arith.constant 0 : index
    %get3A_54 = vector.load %arg10[%get3A_52, %get3A_53] : memref<1x64xf32, #tpu.memory_space<vmem>>, vector<1x64xf32>
    %get3A_55 = arith.constant 0 : index
    %get3A_56 = arith.constant 0 : index
    %get3A_57 = vector.load %arg11[%get3A_55, %get3A_56] : memref<1x64xf32, #tpu.memory_space<vmem>>, vector<1x64xf32>
    %reduce_sum3A_58 = arith.constant dense<0.000000e+00> : vector<2048xf32>
    %reduce_sum3A_59 = vector.multi_reduction <add>, %add3A_51, %reduce_sum3A_58 [1] : vector<2048x64xf32> to vector<2048xf32>
    %broadcast_in_dim3A_60 = vector.shape_cast %reduce_sum3A_59 : vector<2048xf32> to vector<2048x1xf32>
    %div3A = arith.constant 6.400000e+01 : f32
    %div3A_61 = vector.broadcast %div3A : f32 to vector<2048x1xf32>
    %div3A_62 = arith.divf %broadcast_in_dim3A_60, %div3A_61 : vector<2048x1xf32>
    %sub3A_63 = vector.broadcast %div3A_62 : vector<2048x1xf32> to vector<2048x64xf32>
    %sub3A_64 = arith.subf %add3A_51, %sub3A_63 : vector<2048x64xf32>
    %integer_pow3A = arith.mulf %sub3A_64, %sub3A_64 : vector<2048x64xf32>
    %reduce_sum3A_65 = arith.constant dense<0.000000e+00> : vector<2048xf32>
    %reduce_sum3A_66 = vector.multi_reduction <add>, %integer_pow3A, %reduce_sum3A_65 [1] : vector<2048x64xf32> to vector<2048xf32>
    %broadcast_in_dim3A_67 = vector.shape_cast %reduce_sum3A_66 : vector<2048xf32> to vector<2048x1xf32>
    %div3A_68 = arith.constant 6.400000e+01 : f32
    %div3A_69 = vector.broadcast %div3A_68 : f32 to vector<2048x1xf32>
    %div3A_70 = arith.divf %broadcast_in_dim3A_67, %div3A_69 : vector<2048x1xf32>
    %sub3A_71 = vector.broadcast %div3A_62 : vector<2048x1xf32> to vector<2048x64xf32>
    %sub3A_72 = arith.subf %add3A_51, %sub3A_71 : vector<2048x64xf32>
    %add3A_73 = arith.constant 9.99999974E-6 : f32
    %add3A_74 = vector.broadcast %add3A_73 : f32 to vector<2048x1xf32>
    %add3A_75 = arith.addf %div3A_70, %add3A_74 : vector<2048x1xf32>
    %sqrt3A_76 = math.sqrt %add3A_75 : vector<2048x1xf32>
    %div3A_77 = vector.broadcast %sqrt3A_76 : vector<2048x1xf32> to vector<2048x64xf32>
    %div3A_78 = arith.divf %sub3A_72, %div3A_77 : vector<2048x64xf32>
    %mul3A_79 = vector.broadcast %get3A_54 : vector<1x64xf32> to vector<2048x64xf32>
    %mul3A_80 = arith.mulf %div3A_78, %mul3A_79 : vector<2048x64xf32>
    %add3A_81 = vector.broadcast %get3A_57 : vector<1x64xf32> to vector<2048x64xf32>
    %add3A_82 = arith.addf %mul3A_80, %add3A_81 : vector<2048x64xf32>
    %get3A_83 = arith.constant 0 : index
    %get3A_84 = arith.constant 0 : index
    %get3A_85 = vector.load %arg12[%get3A_83, %get3A_84] : memref<64x64xf32, #tpu.memory_space<vmem>>, vector<64x64xf32>
    %dot_general3A_86 = arith.constant dense<0.000000e+00> : vector<2048x64xf32>
    %dot_general3A_87 = tpu.matmul %add3A_82, %get3A_85, %dot_general3A_86 {dimension_numbers = #tpu.dot_dimension_numbers<[1], [0], [0], [1], [0, 0, 1, 1], [], []>, transpose_lhs_hint = false} : vector<2048x64xf32>, vector<64x64xf32>, vector<2048x64xf32> -> vector<2048x64xf32>
    %get3A_88 = arith.constant 0 : index
    %get3A_89 = arith.constant 0 : index
    %get3A_90 = vector.load %arg13[%get3A_88, %get3A_89] : memref<64x64xf32, #tpu.memory_space<vmem>>, vector<64x64xf32>
    %dot_general3A_91 = arith.constant dense<0.000000e+00> : vector<2048x64xf32>
    %dot_general3A_92 = tpu.matmul %slice3A, %get3A_90, %dot_general3A_91 {dimension_numbers = #tpu.dot_dimension_numbers<[1], [0], [0], [1], [0, 0, 1, 1], [], []>, transpose_lhs_hint = false} : vector<2048x64xf32>, vector<64x64xf32>, vector<2048x64xf32> -> vector<2048x64xf32>
    %add3A_93 = arith.addf %dot_general3A_87, %dot_general3A_92 : vector<2048x64xf32>
    %get3A_94 = arith.constant 0 : index
    %get3A_95 = arith.constant 0 : index
    %get3A_96 = vector.load %arg14[%get3A_94, %get3A_95] : memref<64x64xf32, #tpu.memory_space<vmem>>, vector<64x64xf32>
    %dot_general3A_97 = arith.constant dense<0.000000e+00> : vector<2048x64xf32>
    %dot_general3A_98 = tpu.matmul %slice3A_5, %get3A_96, %dot_general3A_97 {dimension_numbers = #tpu.dot_dimension_numbers<[1], [0], [0], [1], [0, 0, 1, 1], [], []>, transpose_lhs_hint = false} : vector<2048x64xf32>, vector<64x64xf32>, vector<2048x64xf32> -> vector<2048x64xf32>
    %add3A_99 = arith.addf %add3A_93, %dot_general3A_98 : vector<2048x64xf32>
    %get3A_100 = arith.constant 0 : index
    %get3A_101 = arith.constant 0 : index
    %get3A_102 = vector.load %arg15[%get3A_100, %get3A_101] : memref<1x64xf32, #tpu.memory_space<vmem>>, vector<1x64xf32>
    %add3A_103 = vector.broadcast %get3A_102 : vector<1x64xf32> to vector<2048x64xf32>
    %add3A_104 = arith.addf %add3A_99, %add3A_103 : vector<2048x64xf32>
    %max3A_105 = arith.constant 0.000000e+00 : f32
    %max3A_106 = vector.broadcast %max3A_105 : f32 to vector<2048x64xf32>
    %max3A_107 = arith.maximumf %add3A_104, %max3A_106 : vector<2048x64xf32>
    %get3A_108 = arith.constant 0 : index
    %get3A_109 = arith.constant 0 : index
    %get3A_110 = vector.load %arg16[%get3A_108, %get3A_109] : memref<64x64xf32, #tpu.memory_space<vmem>>, vector<64x64xf32>
    %dot_general3A_111 = arith.constant dense<0.000000e+00> : vector<2048x64xf32>
    %dot_general3A_112 = tpu.matmul %max3A_107, %get3A_110, %dot_general3A_111 {dimension_numbers = #tpu.dot_dimension_numbers<[1], [0], [0], [1], [0, 0, 1, 1], [], []>, transpose_lhs_hint = false} : vector<2048x64xf32>, vector<64x64xf32>, vector<2048x64xf32> -> vector<2048x64xf32>
    %get3A_113 = arith.constant 0 : index
    %get3A_114 = arith.constant 0 : index
    %get3A_115 = vector.load %arg17[%get3A_113, %get3A_114] : memref<1x64xf32, #tpu.memory_space<vmem>>, vector<1x64xf32>
    %add3A_116 = vector.broadcast %get3A_115 : vector<1x64xf32> to vector<2048x64xf32>
    %add3A_117 = arith.addf %dot_general3A_112, %add3A_116 : vector<2048x64xf32>
    %max3A_118 = arith.constant 0.000000e+00 : f32
    %max3A_119 = vector.broadcast %max3A_118 : f32 to vector<2048x64xf32>
    %max3A_120 = arith.maximumf %add3A_117, %max3A_119 : vector<2048x64xf32>
    %get3A_121 = arith.constant 0 : index
    %get3A_122 = arith.constant 0 : index
    %get3A_123 = vector.load %arg18[%get3A_121, %get3A_122] : memref<64x64xf32, #tpu.memory_space<vmem>>, vector<64x64xf32>
    %dot_general3A_124 = arith.constant dense<0.000000e+00> : vector<2048x64xf32>
    %dot_general3A_125 = tpu.matmul %max3A_120, %get3A_123, %dot_general3A_124 {dimension_numbers = #tpu.dot_dimension_numbers<[1], [0], [0], [1], [0, 0, 1, 1], [], []>, transpose_lhs_hint = false} : vector<2048x64xf32>, vector<64x64xf32>, vector<2048x64xf32> -> vector<2048x64xf32>
    %get3A_126 = arith.constant 0 : index
    %get3A_127 = arith.constant 0 : index
    %get3A_128 = vector.load %arg19[%get3A_126, %get3A_127] : memref<1x64xf32, #tpu.memory_space<vmem>>, vector<1x64xf32>
    %add3A_129 = vector.broadcast %get3A_128 : vector<1x64xf32> to vector<2048x64xf32>
    %add3A_130 = arith.addf %dot_general3A_125, %add3A_129 : vector<2048x64xf32>
    %get3A_131 = arith.constant 0 : index
    %get3A_132 = arith.constant 0 : index
    %get3A_133 = vector.load %arg20[%get3A_131, %get3A_132] : memref<1x64xf32, #tpu.memory_space<vmem>>, vector<1x64xf32>
    %get3A_134 = arith.constant 0 : index
    %get3A_135 = arith.constant 0 : index
    %get3A_136 = vector.load %arg21[%get3A_134, %get3A_135] : memref<1x64xf32, #tpu.memory_space<vmem>>, vector<1x64xf32>
    %reduce_sum3A_137 = arith.constant dense<0.000000e+00> : vector<2048xf32>
    %reduce_sum3A_138 = vector.multi_reduction <add>, %add3A_130, %reduce_sum3A_137 [1] : vector<2048x64xf32> to vector<2048xf32>
    %broadcast_in_dim3A_139 = vector.shape_cast %reduce_sum3A_138 : vector<2048xf32> to vector<2048x1xf32>
    %div3A_140 = arith.constant 6.400000e+01 : f32
    %div3A_141 = vector.broadcast %div3A_140 : f32 to vector<2048x1xf32>
    %div3A_142 = arith.divf %broadcast_in_dim3A_139, %div3A_141 : vector<2048x1xf32>
    %sub3A_143 = vector.broadcast %div3A_142 : vector<2048x1xf32> to vector<2048x64xf32>
    %sub3A_144 = arith.subf %add3A_130, %sub3A_143 : vector<2048x64xf32>
    %integer_pow3A_145 = arith.mulf %sub3A_144, %sub3A_144 : vector<2048x64xf32>
    %reduce_sum3A_146 = arith.constant dense<0.000000e+00> : vector<2048xf32>
    %reduce_sum3A_147 = vector.multi_reduction <add>, %integer_pow3A_145, %reduce_sum3A_146 [1] : vector<2048x64xf32> to vector<2048xf32>
    %broadcast_in_dim3A_148 = vector.shape_cast %reduce_sum3A_147 : vector<2048xf32> to vector<2048x1xf32>
    %div3A_149 = arith.constant 6.400000e+01 : f32
    %div3A_150 = vector.broadcast %div3A_149 : f32 to vector<2048x1xf32>
    %div3A_151 = arith.divf %broadcast_in_dim3A_148, %div3A_150 : vector<2048x1xf32>
    %sub3A_152 = vector.broadcast %div3A_142 : vector<2048x1xf32> to vector<2048x64xf32>
    %sub3A_153 = arith.subf %add3A_130, %sub3A_152 : vector<2048x64xf32>
    %add3A_154 = arith.constant 9.99999974E-6 : f32
    %add3A_155 = vector.broadcast %add3A_154 : f32 to vector<2048x1xf32>
    %add3A_156 = arith.addf %div3A_151, %add3A_155 : vector<2048x1xf32>
    %sqrt3A_157 = math.sqrt %add3A_156 : vector<2048x1xf32>
    %div3A_158 = vector.broadcast %sqrt3A_157 : vector<2048x1xf32> to vector<2048x64xf32>
    %div3A_159 = arith.divf %sub3A_153, %div3A_158 : vector<2048x64xf32>
    %mul3A_160 = vector.broadcast %get3A_133 : vector<1x64xf32> to vector<2048x64xf32>
    %mul3A_161 = arith.mulf %div3A_159, %mul3A_160 : vector<2048x64xf32>
    %add3A_162 = vector.broadcast %get3A_136 : vector<1x64xf32> to vector<2048x64xf32>
    %add3A_163 = arith.addf %mul3A_161, %add3A_162 : vector<2048x64xf32>
    %add3A_164 = arith.addf %add3A_82, %add3A_163 : vector<2048x64xf32>
    %mul3A_165 = arith.constant 2048 : i32
    %mul3A_166 = arith.muli %arg0, %mul3A_165 : i32
    %add3A_167 = arith.constant 0 : i32
    %add3A_168 = arith.addi %add3A_167, %mul3A_166 : i32
    %iota3A = tpu.iota {dimensions = array<i32: 0>} : vector<2048x1xi32>
    %add3A_169 = vector.broadcast %add3A_168 : i32 to vector<2048x1xi32>
    %add3A_170 = arith.addi %add3A_169, %iota3A : vector<2048x1xi32>
    %broadcast_in_dim3A_171 = arith.constant 0.000000e+00 : f32
    %broadcast_in_dim3A_172 = vector.broadcast %broadcast_in_dim3A_171 : f32 to vector<2048x64xf32>
    %concatenate3A = tpu.concatenate %add3A_164, %broadcast_in_dim3A_172 in 1 : vector<2048x64xf32>, vector<2048x64xf32> -> vector<2048x128xf32>
    %lt3A = arith.constant 160000 : i32
    %lt3A_173 = vector.broadcast %lt3A : i32 to vector<2048x1xi32>
    %lt3A_174 = arith.cmpi slt, %add3A_170, %lt3A_173 : vector<2048x1xi32>
    %jit3A = arith.constant 0.000000e+00 : f32
    %broadcast_in_dim3A_175 = vector.shape_cast %lt3A_174 : vector<2048x1xi1> to vector<2048x1xi1>
    %broadcast_in_dim3A_176 = vector.broadcast %broadcast_in_dim3A_175 : vector<2048x1xi1> to vector<2048x128xi1>
    %broadcast_in_dim3A_177 = vector.broadcast %jit3A : f32 to vector<2048x128xf32>
    %select_n3A = arith.select %broadcast_in_dim3A_176, %concatenate3A, %broadcast_in_dim3A_177 : vector<2048x128xi1>, vector<2048x128xf32>
    %swap3A = arith.constant 0 : index
    %swap3A_178 = arith.constant 0 : index
    %swap3A_179 = vector.load %arg22[%swap3A, %swap3A_178] : memref<2048x128xf32, #tpu.memory_space<vmem>>, vector<2048x128xf32>
    tpu.vector_store %arg22[%swap3A, %swap3A_178], %select_n3A {strides = array<i32>} : memref<2048x128xf32, #tpu.memory_space<vmem>>, vector<2048x128xf32>,
    return
  }
  func.func @transform_0(%arg0: i32) -> (i32, i32) {
    %c0_i32 = arith.constant 0 : i32
    %c0_i32_0 = arith.constant 0 : i32
    return %arg0, %c0_i32 : i32, i32
  }
  func.func @transform_1(%arg0: i32) -> (i32, i32) {
    %c0_i32 = arith.constant 0 : i32
    %c0_i32_0 = arith.constant 0 : i32
    return %arg0, %c0_i32 : i32, i32
  }
  func.func @transform_2(%arg0: i32) -> (i32, i32) {
    %c0_i32 = arith.constant 0 : i32
    %c0_i32_0 = arith.constant 0 : i32
    %c0_i32_1 = arith.constant 0 : i32
    return %c0_i32, %c0_i32_0 : i32, i32
  }
  func.func @transform_3(%arg0: i32) -> (i32, i32) {
    %c0_i32 = arith.constant 0 : i32
    %c0_i32_0 = arith.constant 0 : i32
    %c0_i32_1 = arith.constant 0 : i32
    return %c0_i32, %c0_i32_0 : i32, i32
  }
  func.func @transform_4(%arg0: i32) -> (i32, i32) {
    %c0_i32 = arith.constant 0 : i32
    %c0_i32_0 = arith.constant 0 : i32
    %c0_i32_1 = arith.constant 0 : i32
    return %c0_i32, %c0_i32_0 : i32, i32
  }
  func.func @transform_5(%arg0: i32) -> (i32, i32) {
    %c0_i32 = arith.constant 0 : i32
    %c0_i32_0 = arith.constant 0 : i32
    %c0_i32_1 = arith.constant 0 : i32
    return %c0_i32, %c0_i32_0 : i32, i32
  }
  func.func @transform_6(%arg0: i32) -> (i32, i32) {
    %c0_i32 = arith.constant 0 : i32
    %c0_i32_0 = arith.constant 0 : i32
    %c0_i32_1 = arith.constant 0 : i32
    return %c0_i32, %c0_i32_0 : i32, i32
  }
  func.func @transform_7(%arg0: i32) -> (i32, i32) {
    %c0_i32 = arith.constant 0 : i32
    %c0_i32_0 = arith.constant 0 : i32
    %c0_i32_1 = arith.constant 0 : i32
    return %c0_i32, %c0_i32_0 : i32, i32
  }
  func.func @transform_8(%arg0: i32) -> (i32, i32) {
    %c0_i32 = arith.constant 0 : i32
    %c0_i32_0 = arith.constant 0 : i32
    %c0_i32_1 = arith.constant 0 : i32
    return %c0_i32, %c0_i32_0 : i32, i32
  }
  func.func @transform_9(%arg0: i32) -> (i32, i32) {
    %c0_i32 = arith.constant 0 : i32
    %c0_i32_0 = arith.constant 0 : i32
    %c0_i32_1 = arith.constant 0 : i32
    return %c0_i32, %c0_i32_0 : i32, i32
  }
  func.func @transform_10(%arg0: i32) -> (i32, i32) {
    %c0_i32 = arith.constant 0 : i32
    %c0_i32_0 = arith.constant 0 : i32
    %c0_i32_1 = arith.constant 0 : i32
    return %c0_i32, %c0_i32_0 : i32, i32
  }
  func.func @transform_11(%arg0: i32) -> (i32, i32) {
    %c0_i32 = arith.constant 0 : i32
    %c0_i32_0 = arith.constant 0 : i32
    %c0_i32_1 = arith.constant 0 : i32
    return %c0_i32, %c0_i32_0 : i32, i32
  }
  func.func @transform_12(%arg0: i32) -> (i32, i32) {
    %c0_i32 = arith.constant 0 : i32
    %c0_i32_0 = arith.constant 0 : i32
    %c0_i32_1 = arith.constant 0 : i32
    return %c0_i32, %c0_i32_0 : i32, i32
  }
  func.func @transform_13(%arg0: i32) -> (i32, i32) {
    %c0_i32 = arith.constant 0 : i32
    %c0_i32_0 = arith.constant 0 : i32
    %c0_i32_1 = arith.constant 0 : i32
    return %c0_i32, %c0_i32_0 : i32, i32
  }
  func.func @transform_14(%arg0: i32) -> (i32, i32) {
    %c0_i32 = arith.constant 0 : i32
    %c0_i32_0 = arith.constant 0 : i32
    %c0_i32_1 = arith.constant 0 : i32
    return %c0_i32, %c0_i32_0 : i32, i32
  }
  func.func @transform_15(%arg0: i32) -> (i32, i32) {
    %c0_i32 = arith.constant 0 : i32
    %c0_i32_0 = arith.constant 0 : i32
    %c0_i32_1 = arith.constant 0 : i32
    return %c0_i32, %c0_i32_0 : i32, i32
  }
  func.func @transform_16(%arg0: i32) -> (i32, i32) {
    %c0_i32 = arith.constant 0 : i32
    %c0_i32_0 = arith.constant 0 : i32
    %c0_i32_1 = arith.constant 0 : i32
    return %c0_i32, %c0_i32_0 : i32, i32
  }
  func.func @transform_17(%arg0: i32) -> (i32, i32) {
    %c0_i32 = arith.constant 0 : i32
    %c0_i32_0 = arith.constant 0 : i32
    %c0_i32_1 = arith.constant 0 : i32
    return %c0_i32, %c0_i32_0 : i32, i32
  }
  func.func @transform_18(%arg0: i32) -> (i32, i32) {
    %c0_i32 = arith.constant 0 : i32
    %c0_i32_0 = arith.constant 0 : i32
    %c0_i32_1 = arith.constant 0 : i32
    return %c0_i32, %c0_i32_0 : i32, i32
  }
  func.func @transform_19(%arg0: i32) -> (i32, i32) {
    %c0_i32 = arith.constant 0 : i32
    %c0_i32_0 = arith.constant 0 : i32
    %c0_i32_1 = arith.constant 0 : i32
    return %c0_i32, %c0_i32_0 : i32, i32
  }
  func.func @transform_20(%arg0: i32) -> (i32, i32) {
    %c0_i32 = arith.constant 0 : i32
    %c0_i32_0 = arith.constant 0 : i32
    %c0_i32_1 = arith.constant 0 : i32
    return %c0_i32, %c0_i32_0 : i32, i32
  }
  func.func @transform_21(%arg0: i32) -> (i32, i32) {
    %c0_i32 = arith.constant 0 : i32
    %c0_i32_0 = arith.constant 0 : i32
    return %arg0, %c0_i32 : i32, i32
  }
}

module attributes {stable_mosaic.version = 14 : i64} {
  func.func @_node0_body(%arg0: i32, %arg1: memref<1000x128xf32, #tpu.memory_space<vmem>>, %arg2: memref<1x1000x128xf32, #tpu.memory_space<vmem>>, %arg3: memref<1x1000x128xf32, #tpu.memory_space<vmem>>, %arg4: memref<1x1000x128xf32, #tpu.memory_space<vmem>>, %arg5: memref<1x1000x128xf32, #tpu.memory_space<vmem>>, %arg6: memref<64x64xf32, #tpu.memory_space<vmem>>, %arg7: memref<64x64xf32, #tpu.memory_space<vmem>>, %arg8: memref<1x64xf32, #tpu.memory_space<vmem>>, %arg9: memref<64x64xf32, #tpu.memory_space<vmem>>, %arg10: memref<1x64xf32, #tpu.memory_space<vmem>>, %arg11: memref<64x64xf32, #tpu.memory_space<vmem>>, %arg12: memref<1x64xf32, #tpu.memory_space<vmem>>, %arg13: memref<1x64xf32, #tpu.memory_space<vmem>>, %arg14: memref<1x64xf32, #tpu.memory_space<vmem>>, %arg15: memref<1000x128xf32, #tpu.memory_space<vmem>>) attributes {dimension_semantics = [#tpu.dimension_semantics<arbitrary>], iteration_bounds = array<i64: 10>, scalar_prefetch = 0 : i64, scratch_operands = 0 : i64, tpu.core_type = #tpu.core_type<tc>, window_params = [{transform_indices = @transform_0, window_bounds = array<i64: 1000, 128>}, {transform_indices = @transform_1, window_bounds = array<i64: 1, 1000, 128>}, {transform_indices = @transform_2, window_bounds = array<i64: 1, 1000, 128>}, {transform_indices = @transform_3, window_bounds = array<i64: 1, 1000, 128>}, {transform_indices = @transform_4, window_bounds = array<i64: 1, 1000, 128>}, {pipeline_mode = #tpu.pipeline_mode<synchronous>, transform_indices = @transform_5, window_bounds = array<i64: 64, 64>}, {pipeline_mode = #tpu.pipeline_mode<synchronous>, transform_indices = @transform_6, window_bounds = array<i64: 64, 64>}, {pipeline_mode = #tpu.pipeline_mode<synchronous>, transform_indices = @transform_7, window_bounds = array<i64: 1, 64>}, {pipeline_mode = #tpu.pipeline_mode<synchronous>, transform_indices = @transform_8, window_bounds = array<i64: 64, 64>}, {pipeline_mode = #tpu.pipeline_mode<synchronous>, transform_indices = @transform_9, window_bounds = array<i64: 1, 64>}, {pipeline_mode = #tpu.pipeline_mode<synchronous>, transform_indices = @transform_10, window_bounds = array<i64: 64, 64>}, {pipeline_mode = #tpu.pipeline_mode<synchronous>, transform_indices = @transform_11, window_bounds = array<i64: 1, 64>}, {pipeline_mode = #tpu.pipeline_mode<synchronous>, transform_indices = @transform_12, window_bounds = array<i64: 1, 64>}, {pipeline_mode = #tpu.pipeline_mode<synchronous>, transform_indices = @transform_13, window_bounds = array<i64: 1, 64>}, {transform_indices = @transform_14, window_bounds = array<i64: 1000, 128>}]} {
    %get3A = arith.constant 0 : index
    %get3A_0 = arith.constant 0 : index
    %get3A_1 = vector.load %arg1[%get3A, %get3A_0] : memref<1000x128xf32, #tpu.memory_space<vmem>>, vector<1000x128xf32>
    %slice3A = vector.extract_strided_slice %get3A_1 {offsets = [0, 0], sizes = [1000, 64], strides = [1, 1]} : vector<1000x128xf32> to vector<1000x64xf32>
    %get3A_2 = arith.constant 0 : index
    %get3A_3 = arith.constant 0 : index
    %get3A_4 = arith.constant 0 : index
    %get3A_5 = vector.load %arg2[%get3A_2, %get3A_3, %get3A_4] : memref<1x1000x128xf32, #tpu.memory_space<vmem>>, vector<1x1000x128xf32>
    %squeeze3A = vector.shape_cast %get3A_5 : vector<1x1000x128xf32> to vector<1000x128xf32>
    %get3A_6 = arith.constant 0 : index
    %get3A_7 = arith.constant 0 : index
    %get3A_8 = arith.constant 0 : index
    %get3A_9 = vector.load %arg3[%get3A_6, %get3A_7, %get3A_8] : memref<1x1000x128xf32, #tpu.memory_space<vmem>>, vector<1x1000x128xf32>
    %squeeze3A_10 = vector.shape_cast %get3A_9 : vector<1x1000x128xf32> to vector<1000x128xf32>
    %add3A = arith.addf %squeeze3A, %squeeze3A_10 : vector<1000x128xf32>
    %get3A_11 = arith.constant 0 : index
    %get3A_12 = arith.constant 0 : index
    %get3A_13 = arith.constant 0 : index
    %get3A_14 = vector.load %arg4[%get3A_11, %get3A_12, %get3A_13] : memref<1x1000x128xf32, #tpu.memory_space<vmem>>, vector<1x1000x128xf32>
    %squeeze3A_15 = vector.shape_cast %get3A_14 : vector<1x1000x128xf32> to vector<1000x128xf32>
    %add3A_16 = arith.addf %add3A, %squeeze3A_15 : vector<1000x128xf32>
    %get3A_17 = arith.constant 0 : index
    %get3A_18 = arith.constant 0 : index
    %get3A_19 = arith.constant 0 : index
    %get3A_20 = vector.load %arg5[%get3A_17, %get3A_18, %get3A_19] : memref<1x1000x128xf32, #tpu.memory_space<vmem>>, vector<1x1000x128xf32>
    %squeeze3A_21 = vector.shape_cast %get3A_20 : vector<1x1000x128xf32> to vector<1000x128xf32>
    %add3A_22 = arith.addf %add3A_16, %squeeze3A_21 : vector<1000x128xf32>
    %slice3A_23 = vector.extract_strided_slice %add3A_22 {offsets = [0, 0], sizes = [1000, 64], strides = [1, 1]} : vector<1000x128xf32> to vector<1000x64xf32>
    %get3A_24 = arith.constant 0 : index
    %get3A_25 = arith.constant 0 : index
    %get3A_26 = vector.load %arg6[%get3A_24, %get3A_25] : memref<64x64xf32, #tpu.memory_space<vmem>>, vector<64x64xf32>
    %dot_general3A = arith.constant dense<0.000000e+00> : vector<1000x64xf32>
    %dot_general3A_27 = tpu.matmul %slice3A, %get3A_26, %dot_general3A {dimension_numbers = #tpu.dot_dimension_numbers<[1], [0], [0], [1], [0, 0, 1, 1], [], []>, transpose_lhs_hint = false} : vector<1000x64xf32>, vector<64x64xf32>, vector<1000x64xf32> -> vector<1000x64xf32>
    %get3A_28 = arith.constant 0 : index
    %get3A_29 = arith.constant 0 : index
    %get3A_30 = vector.load %arg7[%get3A_28, %get3A_29] : memref<64x64xf32, #tpu.memory_space<vmem>>, vector<64x64xf32>
    %dot_general3A_31 = arith.constant dense<0.000000e+00> : vector<1000x64xf32>
    %dot_general3A_32 = tpu.matmul %slice3A_23, %get3A_30, %dot_general3A_31 {dimension_numbers = #tpu.dot_dimension_numbers<[1], [0], [0], [1], [0, 0, 1, 1], [], []>, transpose_lhs_hint = false} : vector<1000x64xf32>, vector<64x64xf32>, vector<1000x64xf32> -> vector<1000x64xf32>
    %add3A_33 = arith.addf %dot_general3A_27, %dot_general3A_32 : vector<1000x64xf32>
    %get3A_34 = arith.constant 0 : index
    %get3A_35 = arith.constant 0 : index
    %get3A_36 = vector.load %arg8[%get3A_34, %get3A_35] : memref<1x64xf32, #tpu.memory_space<vmem>>, vector<1x64xf32>
    %add3A_37 = vector.broadcast %get3A_36 : vector<1x64xf32> to vector<1000x64xf32>
    %add3A_38 = arith.addf %add3A_33, %add3A_37 : vector<1000x64xf32>
    %max3A = arith.constant 0.000000e+00 : f32
    %max3A_39 = vector.broadcast %max3A : f32 to vector<1000x64xf32>
    %max3A_40 = arith.maximumf %add3A_38, %max3A_39 : vector<1000x64xf32>
    %get3A_41 = arith.constant 0 : index
    %get3A_42 = arith.constant 0 : index
    %get3A_43 = vector.load %arg9[%get3A_41, %get3A_42] : memref<64x64xf32, #tpu.memory_space<vmem>>, vector<64x64xf32>
    %dot_general3A_44 = arith.constant dense<0.000000e+00> : vector<1000x64xf32>
    %dot_general3A_45 = tpu.matmul %max3A_40, %get3A_43, %dot_general3A_44 {dimension_numbers = #tpu.dot_dimension_numbers<[1], [0], [0], [1], [0, 0, 1, 1], [], []>, transpose_lhs_hint = false} : vector<1000x64xf32>, vector<64x64xf32>, vector<1000x64xf32> -> vector<1000x64xf32>
    %get3A_46 = arith.constant 0 : index
    %get3A_47 = arith.constant 0 : index
    %get3A_48 = vector.load %arg10[%get3A_46, %get3A_47] : memref<1x64xf32, #tpu.memory_space<vmem>>, vector<1x64xf32>
    %add3A_49 = vector.broadcast %get3A_48 : vector<1x64xf32> to vector<1000x64xf32>
    %add3A_50 = arith.addf %dot_general3A_45, %add3A_49 : vector<1000x64xf32>
    %max3A_51 = arith.constant 0.000000e+00 : f32
    %max3A_52 = vector.broadcast %max3A_51 : f32 to vector<1000x64xf32>
    %max3A_53 = arith.maximumf %add3A_50, %max3A_52 : vector<1000x64xf32>
    %get3A_54 = arith.constant 0 : index
    %get3A_55 = arith.constant 0 : index
    %get3A_56 = vector.load %arg11[%get3A_54, %get3A_55] : memref<64x64xf32, #tpu.memory_space<vmem>>, vector<64x64xf32>
    %dot_general3A_57 = arith.constant dense<0.000000e+00> : vector<1000x64xf32>
    %dot_general3A_58 = tpu.matmul %max3A_53, %get3A_56, %dot_general3A_57 {dimension_numbers = #tpu.dot_dimension_numbers<[1], [0], [0], [1], [0, 0, 1, 1], [], []>, transpose_lhs_hint = false} : vector<1000x64xf32>, vector<64x64xf32>, vector<1000x64xf32> -> vector<1000x64xf32>
    %get3A_59 = arith.constant 0 : index
    %get3A_60 = arith.constant 0 : index
    %get3A_61 = vector.load %arg12[%get3A_59, %get3A_60] : memref<1x64xf32, #tpu.memory_space<vmem>>, vector<1x64xf32>
    %add3A_62 = vector.broadcast %get3A_61 : vector<1x64xf32> to vector<1000x64xf32>
    %add3A_63 = arith.addf %dot_general3A_58, %add3A_62 : vector<1000x64xf32>
    %get3A_64 = arith.constant 0 : index
    %get3A_65 = arith.constant 0 : index
    %get3A_66 = vector.load %arg13[%get3A_64, %get3A_65] : memref<1x64xf32, #tpu.memory_space<vmem>>, vector<1x64xf32>
    %get3A_67 = arith.constant 0 : index
    %get3A_68 = arith.constant 0 : index
    %get3A_69 = vector.load %arg14[%get3A_67, %get3A_68] : memref<1x64xf32, #tpu.memory_space<vmem>>, vector<1x64xf32>
    %reduce_sum3A = arith.constant dense<0.000000e+00> : vector<1000xf32>
    %reduce_sum3A_70 = vector.multi_reduction <add>, %add3A_63, %reduce_sum3A [1] : vector<1000x64xf32> to vector<1000xf32>
    %broadcast_in_dim3A = vector.shape_cast %reduce_sum3A_70 : vector<1000xf32> to vector<1000x1xf32>
    %div3A = arith.constant 6.400000e+01 : f32
    %div3A_71 = vector.broadcast %div3A : f32 to vector<1000x1xf32>
    %div3A_72 = arith.divf %broadcast_in_dim3A, %div3A_71 : vector<1000x1xf32>
    %sub3A = vector.broadcast %div3A_72 : vector<1000x1xf32> to vector<1000x64xf32>
    %sub3A_73 = arith.subf %add3A_63, %sub3A : vector<1000x64xf32>
    %integer_pow3A = arith.mulf %sub3A_73, %sub3A_73 : vector<1000x64xf32>
    %reduce_sum3A_74 = arith.constant dense<0.000000e+00> : vector<1000xf32>
    %reduce_sum3A_75 = vector.multi_reduction <add>, %integer_pow3A, %reduce_sum3A_74 [1] : vector<1000x64xf32> to vector<1000xf32>
    %broadcast_in_dim3A_76 = vector.shape_cast %reduce_sum3A_75 : vector<1000xf32> to vector<1000x1xf32>
    %div3A_77 = arith.constant 6.400000e+01 : f32
    %div3A_78 = vector.broadcast %div3A_77 : f32 to vector<1000x1xf32>
    %div3A_79 = arith.divf %broadcast_in_dim3A_76, %div3A_78 : vector<1000x1xf32>
    %sub3A_80 = vector.broadcast %div3A_72 : vector<1000x1xf32> to vector<1000x64xf32>
    %sub3A_81 = arith.subf %add3A_63, %sub3A_80 : vector<1000x64xf32>
    %add3A_82 = arith.constant 9.99999974E-6 : f32
    %add3A_83 = vector.broadcast %add3A_82 : f32 to vector<1000x1xf32>
    %add3A_84 = arith.addf %div3A_79, %add3A_83 : vector<1000x1xf32>
    %sqrt3A = math.sqrt %add3A_84 : vector<1000x1xf32>
    %div3A_85 = vector.broadcast %sqrt3A : vector<1000x1xf32> to vector<1000x64xf32>
    %div3A_86 = arith.divf %sub3A_81, %div3A_85 : vector<1000x64xf32>
    %mul3A = vector.broadcast %get3A_66 : vector<1x64xf32> to vector<1000x64xf32>
    %mul3A_87 = arith.mulf %div3A_86, %mul3A : vector<1000x64xf32>
    %add3A_88 = vector.broadcast %get3A_69 : vector<1x64xf32> to vector<1000x64xf32>
    %add3A_89 = arith.addf %mul3A_87, %add3A_88 : vector<1000x64xf32>
    %add3A_90 = arith.addf %slice3A, %add3A_89 : vector<1000x64xf32>
    %broadcast_in_dim3A_91 = arith.constant 0.000000e+00 : f32
    %broadcast_in_dim3A_92 = vector.broadcast %broadcast_in_dim3A_91 : f32 to vector<1000x64xf32>
    %concatenate3A = tpu.concatenate %add3A_90, %broadcast_in_dim3A_92 in 1 : vector<1000x64xf32>, vector<1000x64xf32> -> vector<1000x128xf32>
    %swap3A = arith.constant 0 : index
    %swap3A_93 = arith.constant 0 : index
    %swap3A_94 = vector.load %arg15[%swap3A, %swap3A_93] : memref<1000x128xf32, #tpu.memory_space<vmem>>, vector<1000x128xf32>
    tpu.vector_store %arg15[%swap3A, %swap3A_93], %concatenate3A {strides = array<i32>} : memref<1000x128xf32, #tpu.memory_space<vmem>>, vector<1000x128xf32>,
    return
  }
  func.func @transform_0(%arg0: i32) -> (i32, i32) {
    %c0_i32 = arith.constant 0 : i32
    %c0_i32_0 = arith.constant 0 : i32
    return %arg0, %c0_i32 : i32, i32
  }
  func.func @transform_1(%arg0: i32) -> (i32, i32, i32) {
    %c0_i32 = arith.constant 0 : i32
    %c0_i32_0 = arith.constant 0 : i32
    %c0_i32_1 = arith.constant 0 : i32
    return %c0_i32, %arg0, %c0_i32_0 : i32, i32, i32
  }
  func.func @transform_2(%arg0: i32) -> (i32, i32, i32) {
    %c1_i32 = arith.constant 1 : i32
    %c0_i32 = arith.constant 0 : i32
    %c0_i32_0 = arith.constant 0 : i32
    return %c1_i32, %arg0, %c0_i32 : i32, i32, i32
  }
  func.func @transform_3(%arg0: i32) -> (i32, i32, i32) {
    %c0_i32 = arith.constant 0 : i32
    %c0_i32_0 = arith.constant 0 : i32
    %c0_i32_1 = arith.constant 0 : i32
    return %c0_i32, %arg0, %c0_i32_0 : i32, i32, i32
  }
  func.func @transform_4(%arg0: i32) -> (i32, i32, i32) {
    %c1_i32 = arith.constant 1 : i32
    %c0_i32 = arith.constant 0 : i32
    %c0_i32_0 = arith.constant 0 : i32
    return %c1_i32, %arg0, %c0_i32 : i32, i32, i32
  }
  func.func @transform_5(%arg0: i32) -> (i32, i32) {
    %c0_i32 = arith.constant 0 : i32
    %c0_i32_0 = arith.constant 0 : i32
    %c0_i32_1 = arith.constant 0 : i32
    return %c0_i32, %c0_i32_0 : i32, i32
  }
  func.func @transform_6(%arg0: i32) -> (i32, i32) {
    %c0_i32 = arith.constant 0 : i32
    %c0_i32_0 = arith.constant 0 : i32
    %c0_i32_1 = arith.constant 0 : i32
    return %c0_i32, %c0_i32_0 : i32, i32
  }
  func.func @transform_7(%arg0: i32) -> (i32, i32) {
    %c0_i32 = arith.constant 0 : i32
    %c0_i32_0 = arith.constant 0 : i32
    %c0_i32_1 = arith.constant 0 : i32
    return %c0_i32, %c0_i32_0 : i32, i32
  }
  func.func @transform_8(%arg0: i32) -> (i32, i32) {
    %c0_i32 = arith.constant 0 : i32
    %c0_i32_0 = arith.constant 0 : i32
    %c0_i32_1 = arith.constant 0 : i32
    return %c0_i32, %c0_i32_0 : i32, i32
  }
  func.func @transform_9(%arg0: i32) -> (i32, i32) {
    %c0_i32 = arith.constant 0 : i32
    %c0_i32_0 = arith.constant 0 : i32
    %c0_i32_1 = arith.constant 0 : i32
    return %c0_i32, %c0_i32_0 : i32, i32
  }
  func.func @transform_10(%arg0: i32) -> (i32, i32) {
    %c0_i32 = arith.constant 0 : i32
    %c0_i32_0 = arith.constant 0 : i32
    %c0_i32_1 = arith.constant 0 : i32
    return %c0_i32, %c0_i32_0 : i32, i32
  }
  func.func @transform_11(%arg0: i32) -> (i32, i32) {
    %c0_i32 = arith.constant 0 : i32
    %c0_i32_0 = arith.constant 0 : i32
    %c0_i32_1 = arith.constant 0 : i32
    return %c0_i32, %c0_i32_0 : i32, i32
  }
  func.func @transform_12(%arg0: i32) -> (i32, i32) {
    %c0_i32 = arith.constant 0 : i32
    %c0_i32_0 = arith.constant 0 : i32
    %c0_i32_1 = arith.constant 0 : i32
    return %c0_i32, %c0_i32_0 : i32, i32
  }
  func.func @transform_13(%arg0: i32) -> (i32, i32) {
    %c0_i32 = arith.constant 0 : i32
    %c0_i32_0 = arith.constant 0 : i32
    %c0_i32_1 = arith.constant 0 : i32
    return %c0_i32, %c0_i32_0 : i32, i32
  }
  func.func @transform_14(%arg0: i32) -> (i32, i32) {
    %c0_i32 = arith.constant 0 : i32
    %c0_i32_0 = arith.constant 0 : i32
    return %arg0, %c0_i32 : i32, i32
  }
}

module attributes {stable_mosaic.version = 14 : i64} {
  func.func @_edge1_body(%arg0: i32, %arg1: memref<2048x128xf32, #tpu.memory_space<vmem>>, %arg2: memref<2048x128xf32, #tpu.memory_space<vmem>>, %arg3: memref<2048x128xf32, #tpu.memory_space<vmem>>, %arg4: memref<64x64xf32, #tpu.memory_space<vmem>>, %arg5: memref<64x64xf32, #tpu.memory_space<vmem>>, %arg6: memref<64x64xf32, #tpu.memory_space<vmem>>, %arg7: memref<1x64xf32, #tpu.memory_space<vmem>>, %arg8: memref<64x64xf32, #tpu.memory_space<vmem>>, %arg9: memref<1x64xf32, #tpu.memory_space<vmem>>, %arg10: memref<64x64xf32, #tpu.memory_space<vmem>>, %arg11: memref<1x64xf32, #tpu.memory_space<vmem>>, %arg12: memref<1x64xf32, #tpu.memory_space<vmem>>, %arg13: memref<1x64xf32, #tpu.memory_space<vmem>>, %arg14: memref<2048x128xf32, #tpu.memory_space<vmem>>) attributes {dimension_semantics = [#tpu.dimension_semantics<arbitrary>], iteration_bounds = array<i64: 40>, scalar_prefetch = 0 : i64, scratch_operands = 0 : i64, tpu.core_type = #tpu.core_type<tc>, window_params = [{transform_indices = @transform_0, window_bounds = array<i64: 2048, 128>}, {transform_indices = @transform_1, window_bounds = array<i64: 2048, 128>}, {transform_indices = @transform_2, window_bounds = array<i64: 2048, 128>}, {pipeline_mode = #tpu.pipeline_mode<synchronous>, transform_indices = @transform_3, window_bounds = array<i64: 64, 64>}, {pipeline_mode = #tpu.pipeline_mode<synchronous>, transform_indices = @transform_4, window_bounds = array<i64: 64, 64>}, {pipeline_mode = #tpu.pipeline_mode<synchronous>, transform_indices = @transform_5, window_bounds = array<i64: 64, 64>}, {pipeline_mode = #tpu.pipeline_mode<synchronous>, transform_indices = @transform_6, window_bounds = array<i64: 1, 64>}, {pipeline_mode = #tpu.pipeline_mode<synchronous>, transform_indices = @transform_7, window_bounds = array<i64: 64, 64>}, {pipeline_mode = #tpu.pipeline_mode<synchronous>, transform_indices = @transform_8, window_bounds = array<i64: 1, 64>}, {pipeline_mode = #tpu.pipeline_mode<synchronous>, transform_indices = @transform_9, window_bounds = array<i64: 64, 64>}, {pipeline_mode = #tpu.pipeline_mode<synchronous>, transform_indices = @transform_10, window_bounds = array<i64: 1, 64>}, {pipeline_mode = #tpu.pipeline_mode<synchronous>, transform_indices = @transform_11, window_bounds = array<i64: 1, 64>}, {pipeline_mode = #tpu.pipeline_mode<synchronous>, transform_indices = @transform_12, window_bounds = array<i64: 1, 64>}, {transform_indices = @transform_13, window_bounds = array<i64: 2048, 128>}]} {
    %get3A = arith.constant 0 : index
    %get3A_0 = arith.constant 0 : index
    %get3A_1 = vector.load %arg1[%get3A, %get3A_0] : memref<2048x128xf32, #tpu.memory_space<vmem>>, vector<2048x128xf32>
    %slice3A = vector.extract_strided_slice %get3A_1 {offsets = [0, 0], sizes = [2048, 64], strides = [1, 1]} : vector<2048x128xf32> to vector<2048x64xf32>
    %get3A_2 = arith.constant 0 : index
    %get3A_3 = arith.constant 0 : index
    %get3A_4 = vector.load %arg2[%get3A_2, %get3A_3] : memref<2048x128xf32, #tpu.memory_space<vmem>>, vector<2048x128xf32>
    %slice3A_5 = vector.extract_strided_slice %get3A_4 {offsets = [0, 0], sizes = [2048, 64], strides = [1, 1]} : vector<2048x128xf32> to vector<2048x64xf32>
    %get3A_6 = arith.constant 0 : index
    %get3A_7 = arith.constant 0 : index
    %get3A_8 = vector.load %arg3[%get3A_6, %get3A_7] : memref<2048x128xf32, #tpu.memory_space<vmem>>, vector<2048x128xf32>
    %slice3A_9 = vector.extract_strided_slice %get3A_8 {offsets = [0, 0], sizes = [2048, 64], strides = [1, 1]} : vector<2048x128xf32> to vector<2048x64xf32>
    %get3A_10 = arith.constant 0 : index
    %get3A_11 = arith.constant 0 : index
    %get3A_12 = vector.load %arg4[%get3A_10, %get3A_11] : memref<64x64xf32, #tpu.memory_space<vmem>>, vector<64x64xf32>
    %dot_general3A = arith.constant dense<0.000000e+00> : vector<2048x64xf32>
    %dot_general3A_13 = tpu.matmul %slice3A, %get3A_12, %dot_general3A {dimension_numbers = #tpu.dot_dimension_numbers<[1], [0], [0], [1], [0, 0, 1, 1], [], []>, transpose_lhs_hint = false} : vector<2048x64xf32>, vector<64x64xf32>, vector<2048x64xf32> -> vector<2048x64xf32>
    %get3A_14 = arith.constant 0 : index
    %get3A_15 = arith.constant 0 : index
    %get3A_16 = vector.load %arg5[%get3A_14, %get3A_15] : memref<64x64xf32, #tpu.memory_space<vmem>>, vector<64x64xf32>
    %dot_general3A_17 = arith.constant dense<0.000000e+00> : vector<2048x64xf32>
    %dot_general3A_18 = tpu.matmul %slice3A_5, %get3A_16, %dot_general3A_17 {dimension_numbers = #tpu.dot_dimension_numbers<[1], [0], [0], [1], [0, 0, 1, 1], [], []>, transpose_lhs_hint = false} : vector<2048x64xf32>, vector<64x64xf32>, vector<2048x64xf32> -> vector<2048x64xf32>
    %add3A = arith.addf %dot_general3A_13, %dot_general3A_18 : vector<2048x64xf32>
    %get3A_19 = arith.constant 0 : index
    %get3A_20 = arith.constant 0 : index
    %get3A_21 = vector.load %arg6[%get3A_19, %get3A_20] : memref<64x64xf32, #tpu.memory_space<vmem>>, vector<64x64xf32>
    %dot_general3A_22 = arith.constant dense<0.000000e+00> : vector<2048x64xf32>
    %dot_general3A_23 = tpu.matmul %slice3A_9, %get3A_21, %dot_general3A_22 {dimension_numbers = #tpu.dot_dimension_numbers<[1], [0], [0], [1], [0, 0, 1, 1], [], []>, transpose_lhs_hint = false} : vector<2048x64xf32>, vector<64x64xf32>, vector<2048x64xf32> -> vector<2048x64xf32>
    %add3A_24 = arith.addf %add3A, %dot_general3A_23 : vector<2048x64xf32>
    %get3A_25 = arith.constant 0 : index
    %get3A_26 = arith.constant 0 : index
    %get3A_27 = vector.load %arg7[%get3A_25, %get3A_26] : memref<1x64xf32, #tpu.memory_space<vmem>>, vector<1x64xf32>
    %add3A_28 = vector.broadcast %get3A_27 : vector<1x64xf32> to vector<2048x64xf32>
    %add3A_29 = arith.addf %add3A_24, %add3A_28 : vector<2048x64xf32>
    %max3A = arith.constant 0.000000e+00 : f32
    %max3A_30 = vector.broadcast %max3A : f32 to vector<2048x64xf32>
    %max3A_31 = arith.maximumf %add3A_29, %max3A_30 : vector<2048x64xf32>
    %get3A_32 = arith.constant 0 : index
    %get3A_33 = arith.constant 0 : index
    %get3A_34 = vector.load %arg8[%get3A_32, %get3A_33] : memref<64x64xf32, #tpu.memory_space<vmem>>, vector<64x64xf32>
    %dot_general3A_35 = arith.constant dense<0.000000e+00> : vector<2048x64xf32>
    %dot_general3A_36 = tpu.matmul %max3A_31, %get3A_34, %dot_general3A_35 {dimension_numbers = #tpu.dot_dimension_numbers<[1], [0], [0], [1], [0, 0, 1, 1], [], []>, transpose_lhs_hint = false} : vector<2048x64xf32>, vector<64x64xf32>, vector<2048x64xf32> -> vector<2048x64xf32>
    %get3A_37 = arith.constant 0 : index
    %get3A_38 = arith.constant 0 : index
    %get3A_39 = vector.load %arg9[%get3A_37, %get3A_38] : memref<1x64xf32, #tpu.memory_space<vmem>>, vector<1x64xf32>
    %add3A_40 = vector.broadcast %get3A_39 : vector<1x64xf32> to vector<2048x64xf32>
    %add3A_41 = arith.addf %dot_general3A_36, %add3A_40 : vector<2048x64xf32>
    %max3A_42 = arith.constant 0.000000e+00 : f32
    %max3A_43 = vector.broadcast %max3A_42 : f32 to vector<2048x64xf32>
    %max3A_44 = arith.maximumf %add3A_41, %max3A_43 : vector<2048x64xf32>
    %get3A_45 = arith.constant 0 : index
    %get3A_46 = arith.constant 0 : index
    %get3A_47 = vector.load %arg10[%get3A_45, %get3A_46] : memref<64x64xf32, #tpu.memory_space<vmem>>, vector<64x64xf32>
    %dot_general3A_48 = arith.constant dense<0.000000e+00> : vector<2048x64xf32>
    %dot_general3A_49 = tpu.matmul %max3A_44, %get3A_47, %dot_general3A_48 {dimension_numbers = #tpu.dot_dimension_numbers<[1], [0], [0], [1], [0, 0, 1, 1], [], []>, transpose_lhs_hint = false} : vector<2048x64xf32>, vector<64x64xf32>, vector<2048x64xf32> -> vector<2048x64xf32>
    %get3A_50 = arith.constant 0 : index
    %get3A_51 = arith.constant 0 : index
    %get3A_52 = vector.load %arg11[%get3A_50, %get3A_51] : memref<1x64xf32, #tpu.memory_space<vmem>>, vector<1x64xf32>
    %add3A_53 = vector.broadcast %get3A_52 : vector<1x64xf32> to vector<2048x64xf32>
    %add3A_54 = arith.addf %dot_general3A_49, %add3A_53 : vector<2048x64xf32>
    %get3A_55 = arith.constant 0 : index
    %get3A_56 = arith.constant 0 : index
    %get3A_57 = vector.load %arg12[%get3A_55, %get3A_56] : memref<1x64xf32, #tpu.memory_space<vmem>>, vector<1x64xf32>
    %get3A_58 = arith.constant 0 : index
    %get3A_59 = arith.constant 0 : index
    %get3A_60 = vector.load %arg13[%get3A_58, %get3A_59] : memref<1x64xf32, #tpu.memory_space<vmem>>, vector<1x64xf32>
    %reduce_sum3A = arith.constant dense<0.000000e+00> : vector<2048xf32>
    %reduce_sum3A_61 = vector.multi_reduction <add>, %add3A_54, %reduce_sum3A [1] : vector<2048x64xf32> to vector<2048xf32>
    %broadcast_in_dim3A = vector.shape_cast %reduce_sum3A_61 : vector<2048xf32> to vector<2048x1xf32>
    %div3A = arith.constant 6.400000e+01 : f32
    %div3A_62 = vector.broadcast %div3A : f32 to vector<2048x1xf32>
    %div3A_63 = arith.divf %broadcast_in_dim3A, %div3A_62 : vector<2048x1xf32>
    %sub3A = vector.broadcast %div3A_63 : vector<2048x1xf32> to vector<2048x64xf32>
    %sub3A_64 = arith.subf %add3A_54, %sub3A : vector<2048x64xf32>
    %integer_pow3A = arith.mulf %sub3A_64, %sub3A_64 : vector<2048x64xf32>
    %reduce_sum3A_65 = arith.constant dense<0.000000e+00> : vector<2048xf32>
    %reduce_sum3A_66 = vector.multi_reduction <add>, %integer_pow3A, %reduce_sum3A_65 [1] : vector<2048x64xf32> to vector<2048xf32>
    %broadcast_in_dim3A_67 = vector.shape_cast %reduce_sum3A_66 : vector<2048xf32> to vector<2048x1xf32>
    %div3A_68 = arith.constant 6.400000e+01 : f32
    %div3A_69 = vector.broadcast %div3A_68 : f32 to vector<2048x1xf32>
    %div3A_70 = arith.divf %broadcast_in_dim3A_67, %div3A_69 : vector<2048x1xf32>
    %sub3A_71 = vector.broadcast %div3A_63 : vector<2048x1xf32> to vector<2048x64xf32>
    %sub3A_72 = arith.subf %add3A_54, %sub3A_71 : vector<2048x64xf32>
    %add3A_73 = arith.constant 9.99999974E-6 : f32
    %add3A_74 = vector.broadcast %add3A_73 : f32 to vector<2048x1xf32>
    %add3A_75 = arith.addf %div3A_70, %add3A_74 : vector<2048x1xf32>
    %sqrt3A = math.sqrt %add3A_75 : vector<2048x1xf32>
    %div3A_76 = vector.broadcast %sqrt3A : vector<2048x1xf32> to vector<2048x64xf32>
    %div3A_77 = arith.divf %sub3A_72, %div3A_76 : vector<2048x64xf32>
    %mul3A = vector.broadcast %get3A_57 : vector<1x64xf32> to vector<2048x64xf32>
    %mul3A_78 = arith.mulf %div3A_77, %mul3A : vector<2048x64xf32>
    %add3A_79 = vector.broadcast %get3A_60 : vector<1x64xf32> to vector<2048x64xf32>
    %add3A_80 = arith.addf %mul3A_78, %add3A_79 : vector<2048x64xf32>
    %add3A_81 = arith.addf %slice3A, %add3A_80 : vector<2048x64xf32>
    %mul3A_82 = arith.constant 2048 : i32
    %mul3A_83 = arith.muli %arg0, %mul3A_82 : i32
    %add3A_84 = arith.constant 81920 : i32
    %add3A_85 = arith.addi %add3A_84, %mul3A_83 : i32
    %iota3A = tpu.iota {dimensions = array<i32: 0>} : vector<2048x1xi32>
    %add3A_86 = vector.broadcast %add3A_85 : i32 to vector<2048x1xi32>
    %add3A_87 = arith.addi %add3A_86, %iota3A : vector<2048x1xi32>
    %broadcast_in_dim3A_88 = arith.constant 0.000000e+00 : f32
    %broadcast_in_dim3A_89 = vector.broadcast %broadcast_in_dim3A_88 : f32 to vector<2048x64xf32>
    %concatenate3A = tpu.concatenate %add3A_81, %broadcast_in_dim3A_89 in 1 : vector<2048x64xf32>, vector<2048x64xf32> -> vector<2048x128xf32>
    %lt3A = arith.constant 160000 : i32
    %lt3A_90 = vector.broadcast %lt3A : i32 to vector<2048x1xi32>
    %lt3A_91 = arith.cmpi slt, %add3A_87, %lt3A_90 : vector<2048x1xi32>
    %jit3A = arith.constant 0.000000e+00 : f32
    %broadcast_in_dim3A_92 = vector.shape_cast %lt3A_91 : vector<2048x1xi1> to vector<2048x1xi1>
    %broadcast_in_dim3A_93 = vector.broadcast %broadcast_in_dim3A_92 : vector<2048x1xi1> to vector<2048x128xi1>
    %broadcast_in_dim3A_94 = vector.broadcast %jit3A : f32 to vector<2048x128xf32>
    %select_n3A = arith.select %broadcast_in_dim3A_93, %concatenate3A, %broadcast_in_dim3A_94 : vector<2048x128xi1>, vector<2048x128xf32>
    %swap3A = arith.constant 0 : index
    %swap3A_95 = arith.constant 0 : index
    %swap3A_96 = vector.load %arg14[%swap3A, %swap3A_95] : memref<2048x128xf32, #tpu.memory_space<vmem>>, vector<2048x128xf32>
    tpu.vector_store %arg14[%swap3A, %swap3A_95], %select_n3A {strides = array<i32>} : memref<2048x128xf32, #tpu.memory_space<vmem>>, vector<2048x128xf32>,
    return
  }
  func.func @transform_0(%arg0: i32) -> (i32, i32) {
    %c0_i32 = arith.constant 0 : i32
    %c0_i32_0 = arith.constant 0 : i32
    return %arg0, %c0_i32 : i32, i32
  }
  func.func @transform_1(%arg0: i32) -> (i32, i32) {
    %c0_i32 = arith.constant 0 : i32
    %c0_i32_0 = arith.constant 0 : i32
    return %arg0, %c0_i32 : i32, i32
  }
  func.func @transform_2(%arg0: i32) -> (i32, i32) {
    %c0_i32 = arith.constant 0 : i32
    %c0_i32_0 = arith.constant 0 : i32
    return %arg0, %c0_i32 : i32, i32
  }
  func.func @transform_3(%arg0: i32) -> (i32, i32) {
    %c0_i32 = arith.constant 0 : i32
    %c0_i32_0 = arith.constant 0 : i32
    %c0_i32_1 = arith.constant 0 : i32
    return %c0_i32, %c0_i32_0 : i32, i32
  }
  func.func @transform_4(%arg0: i32) -> (i32, i32) {
    %c0_i32 = arith.constant 0 : i32
    %c0_i32_0 = arith.constant 0 : i32
    %c0_i32_1 = arith.constant 0 : i32
    return %c0_i32, %c0_i32_0 : i32, i32
  }
  func.func @transform_5(%arg0: i32) -> (i32, i32) {
    %c0_i32 = arith.constant 0 : i32
    %c0_i32_0 = arith.constant 0 : i32
    %c0_i32_1 = arith.constant 0 : i32
    return %c0_i32, %c0_i32_0 : i32, i32
  }
  func.func @transform_6(%arg0: i32) -> (i32, i32) {
    %c0_i32 = arith.constant 0 : i32
    %c0_i32_0 = arith.constant 0 : i32
    %c0_i32_1 = arith.constant 0 : i32
    return %c0_i32, %c0_i32_0 : i32, i32
  }
  func.func @transform_7(%arg0: i32) -> (i32, i32) {
    %c0_i32 = arith.constant 0 : i32
    %c0_i32_0 = arith.constant 0 : i32
    %c0_i32_1 = arith.constant 0 : i32
    return %c0_i32, %c0_i32_0 : i32, i32
  }
  func.func @transform_8(%arg0: i32) -> (i32, i32) {
    %c0_i32 = arith.constant 0 : i32
    %c0_i32_0 = arith.constant 0 : i32
    %c0_i32_1 = arith.constant 0 : i32
    return %c0_i32, %c0_i32_0 : i32, i32
  }
  func.func @transform_9(%arg0: i32) -> (i32, i32) {
    %c0_i32 = arith.constant 0 : i32
    %c0_i32_0 = arith.constant 0 : i32
    %c0_i32_1 = arith.constant 0 : i32
    return %c0_i32, %c0_i32_0 : i32, i32
  }
  func.func @transform_10(%arg0: i32) -> (i32, i32) {
    %c0_i32 = arith.constant 0 : i32
    %c0_i32_0 = arith.constant 0 : i32
    %c0_i32_1 = arith.constant 0 : i32
    return %c0_i32, %c0_i32_0 : i32, i32
  }
  func.func @transform_11(%arg0: i32) -> (i32, i32) {
    %c0_i32 = arith.constant 0 : i32
    %c0_i32_0 = arith.constant 0 : i32
    %c0_i32_1 = arith.constant 0 : i32
    return %c0_i32, %c0_i32_0 : i32, i32
  }
  func.func @transform_12(%arg0: i32) -> (i32, i32) {
    %c0_i32 = arith.constant 0 : i32
    %c0_i32_0 = arith.constant 0 : i32
    %c0_i32_1 = arith.constant 0 : i32
    return %c0_i32, %c0_i32_0 : i32, i32
  }
  func.func @transform_13(%arg0: i32) -> (i32, i32) {
    %c0_i32 = arith.constant 0 : i32
    %c0_i32_0 = arith.constant 0 : i32
    return %arg0, %c0_i32 : i32, i32
  }
}

module attributes {stable_mosaic.version = 14 : i64} {
  func.func @_edge1_body(%arg0: i32, %arg1: memref<2048x128xf32, #tpu.memory_space<vmem>>, %arg2: memref<2048x128xf32, #tpu.memory_space<vmem>>, %arg3: memref<2048x128xf32, #tpu.memory_space<vmem>>, %arg4: memref<64x64xf32, #tpu.memory_space<vmem>>, %arg5: memref<64x64xf32, #tpu.memory_space<vmem>>, %arg6: memref<64x64xf32, #tpu.memory_space<vmem>>, %arg7: memref<1x64xf32, #tpu.memory_space<vmem>>, %arg8: memref<64x64xf32, #tpu.memory_space<vmem>>, %arg9: memref<1x64xf32, #tpu.memory_space<vmem>>, %arg10: memref<64x64xf32, #tpu.memory_space<vmem>>, %arg11: memref<1x64xf32, #tpu.memory_space<vmem>>, %arg12: memref<1x64xf32, #tpu.memory_space<vmem>>, %arg13: memref<1x64xf32, #tpu.memory_space<vmem>>, %arg14: memref<2048x128xf32, #tpu.memory_space<vmem>>) attributes {dimension_semantics = [#tpu.dimension_semantics<arbitrary>], iteration_bounds = array<i64: 40>, scalar_prefetch = 0 : i64, scratch_operands = 0 : i64, tpu.core_type = #tpu.core_type<tc>, window_params = [{transform_indices = @transform_0, window_bounds = array<i64: 2048, 128>}, {transform_indices = @transform_1, window_bounds = array<i64: 2048, 128>}, {transform_indices = @transform_2, window_bounds = array<i64: 2048, 128>}, {pipeline_mode = #tpu.pipeline_mode<synchronous>, transform_indices = @transform_3, window_bounds = array<i64: 64, 64>}, {pipeline_mode = #tpu.pipeline_mode<synchronous>, transform_indices = @transform_4, window_bounds = array<i64: 64, 64>}, {pipeline_mode = #tpu.pipeline_mode<synchronous>, transform_indices = @transform_5, window_bounds = array<i64: 64, 64>}, {pipeline_mode = #tpu.pipeline_mode<synchronous>, transform_indices = @transform_6, window_bounds = array<i64: 1, 64>}, {pipeline_mode = #tpu.pipeline_mode<synchronous>, transform_indices = @transform_7, window_bounds = array<i64: 64, 64>}, {pipeline_mode = #tpu.pipeline_mode<synchronous>, transform_indices = @transform_8, window_bounds = array<i64: 1, 64>}, {pipeline_mode = #tpu.pipeline_mode<synchronous>, transform_indices = @transform_9, window_bounds = array<i64: 64, 64>}, {pipeline_mode = #tpu.pipeline_mode<synchronous>, transform_indices = @transform_10, window_bounds = array<i64: 1, 64>}, {pipeline_mode = #tpu.pipeline_mode<synchronous>, transform_indices = @transform_11, window_bounds = array<i64: 1, 64>}, {pipeline_mode = #tpu.pipeline_mode<synchronous>, transform_indices = @transform_12, window_bounds = array<i64: 1, 64>}, {transform_indices = @transform_13, window_bounds = array<i64: 2048, 128>}]} {
    %get3A = arith.constant 0 : index
    %get3A_0 = arith.constant 0 : index
    %get3A_1 = vector.load %arg1[%get3A, %get3A_0] : memref<2048x128xf32, #tpu.memory_space<vmem>>, vector<2048x128xf32>
    %slice3A = vector.extract_strided_slice %get3A_1 {offsets = [0, 0], sizes = [2048, 64], strides = [1, 1]} : vector<2048x128xf32> to vector<2048x64xf32>
    %get3A_2 = arith.constant 0 : index
    %get3A_3 = arith.constant 0 : index
    %get3A_4 = vector.load %arg2[%get3A_2, %get3A_3] : memref<2048x128xf32, #tpu.memory_space<vmem>>, vector<2048x128xf32>
    %slice3A_5 = vector.extract_strided_slice %get3A_4 {offsets = [0, 0], sizes = [2048, 64], strides = [1, 1]} : vector<2048x128xf32> to vector<2048x64xf32>
    %get3A_6 = arith.constant 0 : index
    %get3A_7 = arith.constant 0 : index
    %get3A_8 = vector.load %arg3[%get3A_6, %get3A_7] : memref<2048x128xf32, #tpu.memory_space<vmem>>, vector<2048x128xf32>
    %slice3A_9 = vector.extract_strided_slice %get3A_8 {offsets = [0, 0], sizes = [2048, 64], strides = [1, 1]} : vector<2048x128xf32> to vector<2048x64xf32>
    %get3A_10 = arith.constant 0 : index
    %get3A_11 = arith.constant 0 : index
    %get3A_12 = vector.load %arg4[%get3A_10, %get3A_11] : memref<64x64xf32, #tpu.memory_space<vmem>>, vector<64x64xf32>
    %dot_general3A = arith.constant dense<0.000000e+00> : vector<2048x64xf32>
    %dot_general3A_13 = tpu.matmul %slice3A, %get3A_12, %dot_general3A {dimension_numbers = #tpu.dot_dimension_numbers<[1], [0], [0], [1], [0, 0, 1, 1], [], []>, transpose_lhs_hint = false} : vector<2048x64xf32>, vector<64x64xf32>, vector<2048x64xf32> -> vector<2048x64xf32>
    %get3A_14 = arith.constant 0 : index
    %get3A_15 = arith.constant 0 : index
    %get3A_16 = vector.load %arg5[%get3A_14, %get3A_15] : memref<64x64xf32, #tpu.memory_space<vmem>>, vector<64x64xf32>
    %dot_general3A_17 = arith.constant dense<0.000000e+00> : vector<2048x64xf32>
    %dot_general3A_18 = tpu.matmul %slice3A_5, %get3A_16, %dot_general3A_17 {dimension_numbers = #tpu.dot_dimension_numbers<[1], [0], [0], [1], [0, 0, 1, 1], [], []>, transpose_lhs_hint = false} : vector<2048x64xf32>, vector<64x64xf32>, vector<2048x64xf32> -> vector<2048x64xf32>
    %add3A = arith.addf %dot_general3A_13, %dot_general3A_18 : vector<2048x64xf32>
    %get3A_19 = arith.constant 0 : index
    %get3A_20 = arith.constant 0 : index
    %get3A_21 = vector.load %arg6[%get3A_19, %get3A_20] : memref<64x64xf32, #tpu.memory_space<vmem>>, vector<64x64xf32>
    %dot_general3A_22 = arith.constant dense<0.000000e+00> : vector<2048x64xf32>
    %dot_general3A_23 = tpu.matmul %slice3A_9, %get3A_21, %dot_general3A_22 {dimension_numbers = #tpu.dot_dimension_numbers<[1], [0], [0], [1], [0, 0, 1, 1], [], []>, transpose_lhs_hint = false} : vector<2048x64xf32>, vector<64x64xf32>, vector<2048x64xf32> -> vector<2048x64xf32>
    %add3A_24 = arith.addf %add3A, %dot_general3A_23 : vector<2048x64xf32>
    %get3A_25 = arith.constant 0 : index
    %get3A_26 = arith.constant 0 : index
    %get3A_27 = vector.load %arg7[%get3A_25, %get3A_26] : memref<1x64xf32, #tpu.memory_space<vmem>>, vector<1x64xf32>
    %add3A_28 = vector.broadcast %get3A_27 : vector<1x64xf32> to vector<2048x64xf32>
    %add3A_29 = arith.addf %add3A_24, %add3A_28 : vector<2048x64xf32>
    %max3A = arith.constant 0.000000e+00 : f32
    %max3A_30 = vector.broadcast %max3A : f32 to vector<2048x64xf32>
    %max3A_31 = arith.maximumf %add3A_29, %max3A_30 : vector<2048x64xf32>
    %get3A_32 = arith.constant 0 : index
    %get3A_33 = arith.constant 0 : index
    %get3A_34 = vector.load %arg8[%get3A_32, %get3A_33] : memref<64x64xf32, #tpu.memory_space<vmem>>, vector<64x64xf32>
    %dot_general3A_35 = arith.constant dense<0.000000e+00> : vector<2048x64xf32>
    %dot_general3A_36 = tpu.matmul %max3A_31, %get3A_34, %dot_general3A_35 {dimension_numbers = #tpu.dot_dimension_numbers<[1], [0], [0], [1], [0, 0, 1, 1], [], []>, transpose_lhs_hint = false} : vector<2048x64xf32>, vector<64x64xf32>, vector<2048x64xf32> -> vector<2048x64xf32>
    %get3A_37 = arith.constant 0 : index
    %get3A_38 = arith.constant 0 : index
    %get3A_39 = vector.load %arg9[%get3A_37, %get3A_38] : memref<1x64xf32, #tpu.memory_space<vmem>>, vector<1x64xf32>
    %add3A_40 = vector.broadcast %get3A_39 : vector<1x64xf32> to vector<2048x64xf32>
    %add3A_41 = arith.addf %dot_general3A_36, %add3A_40 : vector<2048x64xf32>
    %max3A_42 = arith.constant 0.000000e+00 : f32
    %max3A_43 = vector.broadcast %max3A_42 : f32 to vector<2048x64xf32>
    %max3A_44 = arith.maximumf %add3A_41, %max3A_43 : vector<2048x64xf32>
    %get3A_45 = arith.constant 0 : index
    %get3A_46 = arith.constant 0 : index
    %get3A_47 = vector.load %arg10[%get3A_45, %get3A_46] : memref<64x64xf32, #tpu.memory_space<vmem>>, vector<64x64xf32>
    %dot_general3A_48 = arith.constant dense<0.000000e+00> : vector<2048x64xf32>
    %dot_general3A_49 = tpu.matmul %max3A_44, %get3A_47, %dot_general3A_48 {dimension_numbers = #tpu.dot_dimension_numbers<[1], [0], [0], [1], [0, 0, 1, 1], [], []>, transpose_lhs_hint = false} : vector<2048x64xf32>, vector<64x64xf32>, vector<2048x64xf32> -> vector<2048x64xf32>
    %get3A_50 = arith.constant 0 : index
    %get3A_51 = arith.constant 0 : index
    %get3A_52 = vector.load %arg11[%get3A_50, %get3A_51] : memref<1x64xf32, #tpu.memory_space<vmem>>, vector<1x64xf32>
    %add3A_53 = vector.broadcast %get3A_52 : vector<1x64xf32> to vector<2048x64xf32>
    %add3A_54 = arith.addf %dot_general3A_49, %add3A_53 : vector<2048x64xf32>
    %get3A_55 = arith.constant 0 : index
    %get3A_56 = arith.constant 0 : index
    %get3A_57 = vector.load %arg12[%get3A_55, %get3A_56] : memref<1x64xf32, #tpu.memory_space<vmem>>, vector<1x64xf32>
    %get3A_58 = arith.constant 0 : index
    %get3A_59 = arith.constant 0 : index
    %get3A_60 = vector.load %arg13[%get3A_58, %get3A_59] : memref<1x64xf32, #tpu.memory_space<vmem>>, vector<1x64xf32>
    %reduce_sum3A = arith.constant dense<0.000000e+00> : vector<2048xf32>
    %reduce_sum3A_61 = vector.multi_reduction <add>, %add3A_54, %reduce_sum3A [1] : vector<2048x64xf32> to vector<2048xf32>
    %broadcast_in_dim3A = vector.shape_cast %reduce_sum3A_61 : vector<2048xf32> to vector<2048x1xf32>
    %div3A = arith.constant 6.400000e+01 : f32
    %div3A_62 = vector.broadcast %div3A : f32 to vector<2048x1xf32>
    %div3A_63 = arith.divf %broadcast_in_dim3A, %div3A_62 : vector<2048x1xf32>
    %sub3A = vector.broadcast %div3A_63 : vector<2048x1xf32> to vector<2048x64xf32>
    %sub3A_64 = arith.subf %add3A_54, %sub3A : vector<2048x64xf32>
    %integer_pow3A = arith.mulf %sub3A_64, %sub3A_64 : vector<2048x64xf32>
    %reduce_sum3A_65 = arith.constant dense<0.000000e+00> : vector<2048xf32>
    %reduce_sum3A_66 = vector.multi_reduction <add>, %integer_pow3A, %reduce_sum3A_65 [1] : vector<2048x64xf32> to vector<2048xf32>
    %broadcast_in_dim3A_67 = vector.shape_cast %reduce_sum3A_66 : vector<2048xf32> to vector<2048x1xf32>
    %div3A_68 = arith.constant 6.400000e+01 : f32
    %div3A_69 = vector.broadcast %div3A_68 : f32 to vector<2048x1xf32>
    %div3A_70 = arith.divf %broadcast_in_dim3A_67, %div3A_69 : vector<2048x1xf32>
    %sub3A_71 = vector.broadcast %div3A_63 : vector<2048x1xf32> to vector<2048x64xf32>
    %sub3A_72 = arith.subf %add3A_54, %sub3A_71 : vector<2048x64xf32>
    %add3A_73 = arith.constant 9.99999974E-6 : f32
    %add3A_74 = vector.broadcast %add3A_73 : f32 to vector<2048x1xf32>
    %add3A_75 = arith.addf %div3A_70, %add3A_74 : vector<2048x1xf32>
    %sqrt3A = math.sqrt %add3A_75 : vector<2048x1xf32>
    %div3A_76 = vector.broadcast %sqrt3A : vector<2048x1xf32> to vector<2048x64xf32>
    %div3A_77 = arith.divf %sub3A_72, %div3A_76 : vector<2048x64xf32>
    %mul3A = vector.broadcast %get3A_57 : vector<1x64xf32> to vector<2048x64xf32>
    %mul3A_78 = arith.mulf %div3A_77, %mul3A : vector<2048x64xf32>
    %add3A_79 = vector.broadcast %get3A_60 : vector<1x64xf32> to vector<2048x64xf32>
    %add3A_80 = arith.addf %mul3A_78, %add3A_79 : vector<2048x64xf32>
    %add3A_81 = arith.addf %slice3A, %add3A_80 : vector<2048x64xf32>
    %mul3A_82 = arith.constant 2048 : i32
    %mul3A_83 = arith.muli %arg0, %mul3A_82 : i32
    %add3A_84 = arith.constant 0 : i32
    %add3A_85 = arith.addi %add3A_84, %mul3A_83 : i32
    %iota3A = tpu.iota {dimensions = array<i32: 0>} : vector<2048x1xi32>
    %add3A_86 = vector.broadcast %add3A_85 : i32 to vector<2048x1xi32>
    %add3A_87 = arith.addi %add3A_86, %iota3A : vector<2048x1xi32>
    %broadcast_in_dim3A_88 = arith.constant 0.000000e+00 : f32
    %broadcast_in_dim3A_89 = vector.broadcast %broadcast_in_dim3A_88 : f32 to vector<2048x64xf32>
    %concatenate3A = tpu.concatenate %add3A_81, %broadcast_in_dim3A_89 in 1 : vector<2048x64xf32>, vector<2048x64xf32> -> vector<2048x128xf32>
    %lt3A = arith.constant 160000 : i32
    %lt3A_90 = vector.broadcast %lt3A : i32 to vector<2048x1xi32>
    %lt3A_91 = arith.cmpi slt, %add3A_87, %lt3A_90 : vector<2048x1xi32>
    %jit3A = arith.constant 0.000000e+00 : f32
    %broadcast_in_dim3A_92 = vector.shape_cast %lt3A_91 : vector<2048x1xi1> to vector<2048x1xi1>
    %broadcast_in_dim3A_93 = vector.broadcast %broadcast_in_dim3A_92 : vector<2048x1xi1> to vector<2048x128xi1>
    %broadcast_in_dim3A_94 = vector.broadcast %jit3A : f32 to vector<2048x128xf32>
    %select_n3A = arith.select %broadcast_in_dim3A_93, %concatenate3A, %broadcast_in_dim3A_94 : vector<2048x128xi1>, vector<2048x128xf32>
    %swap3A = arith.constant 0 : index
    %swap3A_95 = arith.constant 0 : index
    %swap3A_96 = vector.load %arg14[%swap3A, %swap3A_95] : memref<2048x128xf32, #tpu.memory_space<vmem>>, vector<2048x128xf32>
    tpu.vector_store %arg14[%swap3A, %swap3A_95], %select_n3A {strides = array<i32>} : memref<2048x128xf32, #tpu.memory_space<vmem>>, vector<2048x128xf32>,
    return
  }
  func.func @transform_0(%arg0: i32) -> (i32, i32) {
    %c0_i32 = arith.constant 0 : i32
    %c0_i32_0 = arith.constant 0 : i32
    return %arg0, %c0_i32 : i32, i32
  }
  func.func @transform_1(%arg0: i32) -> (i32, i32) {
    %c0_i32 = arith.constant 0 : i32
    %c0_i32_0 = arith.constant 0 : i32
    return %arg0, %c0_i32 : i32, i32
  }
  func.func @transform_2(%arg0: i32) -> (i32, i32) {
    %c0_i32 = arith.constant 0 : i32
    %c0_i32_0 = arith.constant 0 : i32
    return %arg0, %c0_i32 : i32, i32
  }
  func.func @transform_3(%arg0: i32) -> (i32, i32) {
    %c0_i32 = arith.constant 0 : i32
    %c0_i32_0 = arith.constant 0 : i32
    %c0_i32_1 = arith.constant 0 : i32
    return %c0_i32, %c0_i32_0 : i32, i32
  }
  func.func @transform_4(%arg0: i32) -> (i32, i32) {
    %c0_i32 = arith.constant 0 : i32
    %c0_i32_0 = arith.constant 0 : i32
    %c0_i32_1 = arith.constant 0 : i32
    return %c0_i32, %c0_i32_0 : i32, i32
  }
  func.func @transform_5(%arg0: i32) -> (i32, i32) {
    %c0_i32 = arith.constant 0 : i32
    %c0_i32_0 = arith.constant 0 : i32
    %c0_i32_1 = arith.constant 0 : i32
    return %c0_i32, %c0_i32_0 : i32, i32
  }
  func.func @transform_6(%arg0: i32) -> (i32, i32) {
    %c0_i32 = arith.constant 0 : i32
    %c0_i32_0 = arith.constant 0 : i32
    %c0_i32_1 = arith.constant 0 : i32
    return %c0_i32, %c0_i32_0 : i32, i32
  }
  func.func @transform_7(%arg0: i32) -> (i32, i32) {
    %c0_i32 = arith.constant 0 : i32
    %c0_i32_0 = arith.constant 0 : i32
    %c0_i32_1 = arith.constant 0 : i32
    return %c0_i32, %c0_i32_0 : i32, i32
  }
  func.func @transform_8(%arg0: i32) -> (i32, i32) {
    %c0_i32 = arith.constant 0 : i32
    %c0_i32_0 = arith.constant 0 : i32
    %c0_i32_1 = arith.constant 0 : i32
    return %c0_i32, %c0_i32_0 : i32, i32
  }
  func.func @transform_9(%arg0: i32) -> (i32, i32) {
    %c0_i32 = arith.constant 0 : i32
    %c0_i32_0 = arith.constant 0 : i32
    %c0_i32_1 = arith.constant 0 : i32
    return %c0_i32, %c0_i32_0 : i32, i32
  }
  func.func @transform_10(%arg0: i32) -> (i32, i32) {
    %c0_i32 = arith.constant 0 : i32
    %c0_i32_0 = arith.constant 0 : i32
    %c0_i32_1 = arith.constant 0 : i32
    return %c0_i32, %c0_i32_0 : i32, i32
  }
  func.func @transform_11(%arg0: i32) -> (i32, i32) {
    %c0_i32 = arith.constant 0 : i32
    %c0_i32_0 = arith.constant 0 : i32
    %c0_i32_1 = arith.constant 0 : i32
    return %c0_i32, %c0_i32_0 : i32, i32
  }
  func.func @transform_12(%arg0: i32) -> (i32, i32) {
    %c0_i32 = arith.constant 0 : i32
    %c0_i32_0 = arith.constant 0 : i32
    %c0_i32_1 = arith.constant 0 : i32
    return %c0_i32, %c0_i32_0 : i32, i32
  }
  func.func @transform_13(%arg0: i32) -> (i32, i32) {
    %c0_i32 = arith.constant 0 : i32
    %c0_i32_0 = arith.constant 0 : i32
    return %arg0, %c0_i32 : i32, i32
  }
}

module attributes {stable_mosaic.version = 14 : i64} {
  func.func @_node1_body(%arg0: i32, %arg1: memref<1000x128xf32, #tpu.memory_space<vmem>>, %arg2: memref<1x1000x128xf32, #tpu.memory_space<vmem>>, %arg3: memref<1x1000x128xf32, #tpu.memory_space<vmem>>, %arg4: memref<1x1000x128xf32, #tpu.memory_space<vmem>>, %arg5: memref<1x1000x128xf32, #tpu.memory_space<vmem>>, %arg6: memref<1000x128xf32, #tpu.memory_space<vmem>>, %arg7: memref<64x64xf32, #tpu.memory_space<vmem>>, %arg8: memref<64x64xf32, #tpu.memory_space<vmem>>, %arg9: memref<1x64xf32, #tpu.memory_space<vmem>>, %arg10: memref<64x64xf32, #tpu.memory_space<vmem>>, %arg11: memref<1x64xf32, #tpu.memory_space<vmem>>, %arg12: memref<64x64xf32, #tpu.memory_space<vmem>>, %arg13: memref<1x64xf32, #tpu.memory_space<vmem>>, %arg14: memref<1x64xf32, #tpu.memory_space<vmem>>, %arg15: memref<1x64xf32, #tpu.memory_space<vmem>>, %arg16: memref<64x64xf32, #tpu.memory_space<vmem>>, %arg17: memref<1x64xf32, #tpu.memory_space<vmem>>, %arg18: memref<64x64xf32, #tpu.memory_space<vmem>>, %arg19: memref<1x64xf32, #tpu.memory_space<vmem>>, %arg20: memref<64x128xf32, #tpu.memory_space<vmem>>, %arg21: memref<1x128xf32, #tpu.memory_space<vmem>>, %arg22: memref<1000x128xf32, #tpu.memory_space<vmem>>, %arg23: memref<1x1xf32, #tpu.memory_space<vmem>>) attributes {dimension_semantics = [#tpu.dimension_semantics<arbitrary>], iteration_bounds = array<i64: 10>, scalar_prefetch = 0 : i64, scratch_operands = 0 : i64, tpu.core_type = #tpu.core_type<tc>, window_params = [{transform_indices = @transform_0, window_bounds = array<i64: 1000, 128>}, {transform_indices = @transform_1, window_bounds = array<i64: 1, 1000, 128>}, {transform_indices = @transform_2, window_bounds = array<i64: 1, 1000, 128>}, {transform_indices = @transform_3, window_bounds = array<i64: 1, 1000, 128>}, {transform_indices = @transform_4, window_bounds = array<i64: 1, 1000, 128>}, {transform_indices = @transform_5, window_bounds = array<i64: 1000, 128>}, {pipeline_mode = #tpu.pipeline_mode<synchronous>, transform_indices = @transform_6, window_bounds = array<i64: 64, 64>}, {pipeline_mode = #tpu.pipeline_mode<synchronous>, transform_indices = @transform_7, window_bounds = array<i64: 64, 64>}, {pipeline_mode = #tpu.pipeline_mode<synchronous>, transform_indices = @transform_8, window_bounds = array<i64: 1, 64>}, {pipeline_mode = #tpu.pipeline_mode<synchronous>, transform_indices = @transform_9, window_bounds = array<i64: 64, 64>}, {pipeline_mode = #tpu.pipeline_mode<synchronous>, transform_indices = @transform_10, window_bounds = array<i64: 1, 64>}, {pipeline_mode = #tpu.pipeline_mode<synchronous>, transform_indices = @transform_11, window_bounds = array<i64: 64, 64>}, {pipeline_mode = #tpu.pipeline_mode<synchronous>, transform_indices = @transform_12, window_bounds = array<i64: 1, 64>}, {pipeline_mode = #tpu.pipeline_mode<synchronous>, transform_indices = @transform_13, window_bounds = array<i64: 1, 64>}, {pipeline_mode = #tpu.pipeline_mode<synchronous>, transform_indices = @transform_14, window_bounds = array<i64: 1, 64>}, {pipeline_mode = #tpu.pipeline_mode<synchronous>, transform_indices = @transform_15, window_bounds = array<i64: 64, 64>}, {pipeline_mode = #tpu.pipeline_mode<synchronous>, transform_indices = @transform_16, window_bounds = array<i64: 1, 64>}, {pipeline_mode = #tpu.pipeline_mode<synchronous>, transform_indices = @transform_17, window_bounds = array<i64: 64, 64>}, {pipeline_mode = #tpu.pipeline_mode<synchronous>, transform_indices = @transform_18, window_bounds = array<i64: 1, 64>}, {pipeline_mode = #tpu.pipeline_mode<synchronous>, transform_indices = @transform_19, window_bounds = array<i64: 64, 128>}, {pipeline_mode = #tpu.pipeline_mode<synchronous>, transform_indices = @transform_20, window_bounds = array<i64: 1, 128>}, {transform_indices = @transform_21, window_bounds = array<i64: 1000, 128>}, {pipeline_mode = #tpu.pipeline_mode<synchronous>, transform_indices = @transform_22, window_bounds = array<i64: 1, 1>}]} {
    %get3A = arith.constant 0 : index
    %get3A_0 = arith.constant 0 : index
    %get3A_1 = vector.load %arg1[%get3A, %get3A_0] : memref<1000x128xf32, #tpu.memory_space<vmem>>, vector<1000x128xf32>
    %slice3A = vector.extract_strided_slice %get3A_1 {offsets = [0, 0], sizes = [1000, 64], strides = [1, 1]} : vector<1000x128xf32> to vector<1000x64xf32>
    %get3A_2 = arith.constant 0 : index
    %get3A_3 = arith.constant 0 : index
    %get3A_4 = arith.constant 0 : index
    %get3A_5 = vector.load %arg2[%get3A_2, %get3A_3, %get3A_4] : memref<1x1000x128xf32, #tpu.memory_space<vmem>>, vector<1x1000x128xf32>
    %squeeze3A = vector.shape_cast %get3A_5 : vector<1x1000x128xf32> to vector<1000x128xf32>
    %get3A_6 = arith.constant 0 : index
    %get3A_7 = arith.constant 0 : index
    %get3A_8 = arith.constant 0 : index
    %get3A_9 = vector.load %arg3[%get3A_6, %get3A_7, %get3A_8] : memref<1x1000x128xf32, #tpu.memory_space<vmem>>, vector<1x1000x128xf32>
    %squeeze3A_10 = vector.shape_cast %get3A_9 : vector<1x1000x128xf32> to vector<1000x128xf32>
    %add3A = arith.addf %squeeze3A, %squeeze3A_10 : vector<1000x128xf32>
    %get3A_11 = arith.constant 0 : index
    %get3A_12 = arith.constant 0 : index
    %get3A_13 = arith.constant 0 : index
    %get3A_14 = vector.load %arg4[%get3A_11, %get3A_12, %get3A_13] : memref<1x1000x128xf32, #tpu.memory_space<vmem>>, vector<1x1000x128xf32>
    %squeeze3A_15 = vector.shape_cast %get3A_14 : vector<1x1000x128xf32> to vector<1000x128xf32>
    %add3A_16 = arith.addf %add3A, %squeeze3A_15 : vector<1000x128xf32>
    %get3A_17 = arith.constant 0 : index
    %get3A_18 = arith.constant 0 : index
    %get3A_19 = arith.constant 0 : index
    %get3A_20 = vector.load %arg5[%get3A_17, %get3A_18, %get3A_19] : memref<1x1000x128xf32, #tpu.memory_space<vmem>>, vector<1x1000x128xf32>
    %squeeze3A_21 = vector.shape_cast %get3A_20 : vector<1x1000x128xf32> to vector<1000x128xf32>
    %add3A_22 = arith.addf %add3A_16, %squeeze3A_21 : vector<1000x128xf32>
    %slice3A_23 = vector.extract_strided_slice %add3A_22 {offsets = [0, 0], sizes = [1000, 64], strides = [1, 1]} : vector<1000x128xf32> to vector<1000x64xf32>
    %get3A_24 = arith.constant 0 : index
    %get3A_25 = arith.constant 0 : index
    %get3A_26 = vector.load %arg7[%get3A_24, %get3A_25] : memref<64x64xf32, #tpu.memory_space<vmem>>, vector<64x64xf32>
    %dot_general3A = arith.constant dense<0.000000e+00> : vector<1000x64xf32>
    %dot_general3A_27 = tpu.matmul %slice3A, %get3A_26, %dot_general3A {dimension_numbers = #tpu.dot_dimension_numbers<[1], [0], [0], [1], [0, 0, 1, 1], [], []>, transpose_lhs_hint = false} : vector<1000x64xf32>, vector<64x64xf32>, vector<1000x64xf32> -> vector<1000x64xf32>
    %get3A_28 = arith.constant 0 : index
    %get3A_29 = arith.constant 0 : index
    %get3A_30 = vector.load %arg8[%get3A_28, %get3A_29] : memref<64x64xf32, #tpu.memory_space<vmem>>, vector<64x64xf32>
    %dot_general3A_31 = arith.constant dense<0.000000e+00> : vector<1000x64xf32>
    %dot_general3A_32 = tpu.matmul %slice3A_23, %get3A_30, %dot_general3A_31 {dimension_numbers = #tpu.dot_dimension_numbers<[1], [0], [0], [1], [0, 0, 1, 1], [], []>, transpose_lhs_hint = false} : vector<1000x64xf32>, vector<64x64xf32>, vector<1000x64xf32> -> vector<1000x64xf32>
    %add3A_33 = arith.addf %dot_general3A_27, %dot_general3A_32 : vector<1000x64xf32>
    %get3A_34 = arith.constant 0 : index
    %get3A_35 = arith.constant 0 : index
    %get3A_36 = vector.load %arg9[%get3A_34, %get3A_35] : memref<1x64xf32, #tpu.memory_space<vmem>>, vector<1x64xf32>
    %add3A_37 = vector.broadcast %get3A_36 : vector<1x64xf32> to vector<1000x64xf32>
    %add3A_38 = arith.addf %add3A_33, %add3A_37 : vector<1000x64xf32>
    %max3A = arith.constant 0.000000e+00 : f32
    %max3A_39 = vector.broadcast %max3A : f32 to vector<1000x64xf32>
    %max3A_40 = arith.maximumf %add3A_38, %max3A_39 : vector<1000x64xf32>
    %get3A_41 = arith.constant 0 : index
    %get3A_42 = arith.constant 0 : index
    %get3A_43 = vector.load %arg10[%get3A_41, %get3A_42] : memref<64x64xf32, #tpu.memory_space<vmem>>, vector<64x64xf32>
    %dot_general3A_44 = arith.constant dense<0.000000e+00> : vector<1000x64xf32>
    %dot_general3A_45 = tpu.matmul %max3A_40, %get3A_43, %dot_general3A_44 {dimension_numbers = #tpu.dot_dimension_numbers<[1], [0], [0], [1], [0, 0, 1, 1], [], []>, transpose_lhs_hint = false} : vector<1000x64xf32>, vector<64x64xf32>, vector<1000x64xf32> -> vector<1000x64xf32>
    %get3A_46 = arith.constant 0 : index
    %get3A_47 = arith.constant 0 : index
    %get3A_48 = vector.load %arg11[%get3A_46, %get3A_47] : memref<1x64xf32, #tpu.memory_space<vmem>>, vector<1x64xf32>
    %add3A_49 = vector.broadcast %get3A_48 : vector<1x64xf32> to vector<1000x64xf32>
    %add3A_50 = arith.addf %dot_general3A_45, %add3A_49 : vector<1000x64xf32>
    %max3A_51 = arith.constant 0.000000e+00 : f32
    %max3A_52 = vector.broadcast %max3A_51 : f32 to vector<1000x64xf32>
    %max3A_53 = arith.maximumf %add3A_50, %max3A_52 : vector<1000x64xf32>
    %get3A_54 = arith.constant 0 : index
    %get3A_55 = arith.constant 0 : index
    %get3A_56 = vector.load %arg12[%get3A_54, %get3A_55] : memref<64x64xf32, #tpu.memory_space<vmem>>, vector<64x64xf32>
    %dot_general3A_57 = arith.constant dense<0.000000e+00> : vector<1000x64xf32>
    %dot_general3A_58 = tpu.matmul %max3A_53, %get3A_56, %dot_general3A_57 {dimension_numbers = #tpu.dot_dimension_numbers<[1], [0], [0], [1], [0, 0, 1, 1], [], []>, transpose_lhs_hint = false} : vector<1000x64xf32>, vector<64x64xf32>, vector<1000x64xf32> -> vector<1000x64xf32>
    %get3A_59 = arith.constant 0 : index
    %get3A_60 = arith.constant 0 : index
    %get3A_61 = vector.load %arg13[%get3A_59, %get3A_60] : memref<1x64xf32, #tpu.memory_space<vmem>>, vector<1x64xf32>
    %add3A_62 = vector.broadcast %get3A_61 : vector<1x64xf32> to vector<1000x64xf32>
    %add3A_63 = arith.addf %dot_general3A_58, %add3A_62 : vector<1000x64xf32>
    %get3A_64 = arith.constant 0 : index
    %get3A_65 = arith.constant 0 : index
    %get3A_66 = vector.load %arg14[%get3A_64, %get3A_65] : memref<1x64xf32, #tpu.memory_space<vmem>>, vector<1x64xf32>
    %get3A_67 = arith.constant 0 : index
    %get3A_68 = arith.constant 0 : index
    %get3A_69 = vector.load %arg15[%get3A_67, %get3A_68] : memref<1x64xf32, #tpu.memory_space<vmem>>, vector<1x64xf32>
    %reduce_sum3A = arith.constant dense<0.000000e+00> : vector<1000xf32>
    %reduce_sum3A_70 = vector.multi_reduction <add>, %add3A_63, %reduce_sum3A [1] : vector<1000x64xf32> to vector<1000xf32>
    %broadcast_in_dim3A = vector.shape_cast %reduce_sum3A_70 : vector<1000xf32> to vector<1000x1xf32>
    %div3A = arith.constant 6.400000e+01 : f32
    %div3A_71 = vector.broadcast %div3A : f32 to vector<1000x1xf32>
    %div3A_72 = arith.divf %broadcast_in_dim3A, %div3A_71 : vector<1000x1xf32>
    %sub3A = vector.broadcast %div3A_72 : vector<1000x1xf32> to vector<1000x64xf32>
    %sub3A_73 = arith.subf %add3A_63, %sub3A : vector<1000x64xf32>
    %integer_pow3A = arith.mulf %sub3A_73, %sub3A_73 : vector<1000x64xf32>
    %reduce_sum3A_74 = arith.constant dense<0.000000e+00> : vector<1000xf32>
    %reduce_sum3A_75 = vector.multi_reduction <add>, %integer_pow3A, %reduce_sum3A_74 [1] : vector<1000x64xf32> to vector<1000xf32>
    %broadcast_in_dim3A_76 = vector.shape_cast %reduce_sum3A_75 : vector<1000xf32> to vector<1000x1xf32>
    %div3A_77 = arith.constant 6.400000e+01 : f32
    %div3A_78 = vector.broadcast %div3A_77 : f32 to vector<1000x1xf32>
    %div3A_79 = arith.divf %broadcast_in_dim3A_76, %div3A_78 : vector<1000x1xf32>
    %sub3A_80 = vector.broadcast %div3A_72 : vector<1000x1xf32> to vector<1000x64xf32>
    %sub3A_81 = arith.subf %add3A_63, %sub3A_80 : vector<1000x64xf32>
    %add3A_82 = arith.constant 9.99999974E-6 : f32
    %add3A_83 = vector.broadcast %add3A_82 : f32 to vector<1000x1xf32>
    %add3A_84 = arith.addf %div3A_79, %add3A_83 : vector<1000x1xf32>
    %sqrt3A = math.sqrt %add3A_84 : vector<1000x1xf32>
    %div3A_85 = vector.broadcast %sqrt3A : vector<1000x1xf32> to vector<1000x64xf32>
    %div3A_86 = arith.divf %sub3A_81, %div3A_85 : vector<1000x64xf32>
    %mul3A = vector.broadcast %get3A_66 : vector<1x64xf32> to vector<1000x64xf32>
    %mul3A_87 = arith.mulf %div3A_86, %mul3A : vector<1000x64xf32>
    %add3A_88 = vector.broadcast %get3A_69 : vector<1x64xf32> to vector<1000x64xf32>
    %add3A_89 = arith.addf %mul3A_87, %add3A_88 : vector<1000x64xf32>
    %add3A_90 = arith.addf %slice3A, %add3A_89 : vector<1000x64xf32>
    %get3A_91 = arith.constant 0 : index
    %get3A_92 = arith.constant 0 : index
    %get3A_93 = vector.load %arg16[%get3A_91, %get3A_92] : memref<64x64xf32, #tpu.memory_space<vmem>>, vector<64x64xf32>
    %dot_general3A_94 = arith.constant dense<0.000000e+00> : vector<1000x64xf32>
    %dot_general3A_95 = tpu.matmul %add3A_90, %get3A_93, %dot_general3A_94 {dimension_numbers = #tpu.dot_dimension_numbers<[1], [0], [0], [1], [0, 0, 1, 1], [], []>, transpose_lhs_hint = false} : vector<1000x64xf32>, vector<64x64xf32>, vector<1000x64xf32> -> vector<1000x64xf32>
    %get3A_96 = arith.constant 0 : index
    %get3A_97 = arith.constant 0 : index
    %get3A_98 = vector.load %arg17[%get3A_96, %get3A_97] : memref<1x64xf32, #tpu.memory_space<vmem>>, vector<1x64xf32>
    %add3A_99 = vector.broadcast %get3A_98 : vector<1x64xf32> to vector<1000x64xf32>
    %add3A_100 = arith.addf %dot_general3A_95, %add3A_99 : vector<1000x64xf32>
    %max3A_101 = arith.constant 0.000000e+00 : f32
    %max3A_102 = vector.broadcast %max3A_101 : f32 to vector<1000x64xf32>
    %max3A_103 = arith.maximumf %add3A_100, %max3A_102 : vector<1000x64xf32>
    %get3A_104 = arith.constant 0 : index
    %get3A_105 = arith.constant 0 : index
    %get3A_106 = vector.load %arg18[%get3A_104, %get3A_105] : memref<64x64xf32, #tpu.memory_space<vmem>>, vector<64x64xf32>
    %dot_general3A_107 = arith.constant dense<0.000000e+00> : vector<1000x64xf32>
    %dot_general3A_108 = tpu.matmul %max3A_103, %get3A_106, %dot_general3A_107 {dimension_numbers = #tpu.dot_dimension_numbers<[1], [0], [0], [1], [0, 0, 1, 1], [], []>, transpose_lhs_hint = false} : vector<1000x64xf32>, vector<64x64xf32>, vector<1000x64xf32> -> vector<1000x64xf32>
    %get3A_109 = arith.constant 0 : index
    %get3A_110 = arith.constant 0 : index
    %get3A_111 = vector.load %arg19[%get3A_109, %get3A_110] : memref<1x64xf32, #tpu.memory_space<vmem>>, vector<1x64xf32>
    %add3A_112 = vector.broadcast %get3A_111 : vector<1x64xf32> to vector<1000x64xf32>
    %add3A_113 = arith.addf %dot_general3A_108, %add3A_112 : vector<1000x64xf32>
    %max3A_114 = arith.constant 0.000000e+00 : f32
    %max3A_115 = vector.broadcast %max3A_114 : f32 to vector<1000x64xf32>
    %max3A_116 = arith.maximumf %add3A_113, %max3A_115 : vector<1000x64xf32>
    %get3A_117 = arith.constant 0 : index
    %get3A_118 = arith.constant 0 : index
    %get3A_119 = vector.load %arg20[%get3A_117, %get3A_118] : memref<64x128xf32, #tpu.memory_space<vmem>>, vector<64x128xf32>
    %dot_general3A_120 = arith.constant dense<0.000000e+00> : vector<1000x128xf32>
    %dot_general3A_121 = tpu.matmul %max3A_116, %get3A_119, %dot_general3A_120 {dimension_numbers = #tpu.dot_dimension_numbers<[1], [0], [0], [1], [0, 0, 1, 1], [], []>, transpose_lhs_hint = false} : vector<1000x64xf32>, vector<64x128xf32>, vector<1000x128xf32> -> vector<1000x128xf32>
    %get3A_122 = arith.constant 0 : index
    %get3A_123 = arith.constant 0 : index
    %get3A_124 = vector.load %arg21[%get3A_122, %get3A_123] : memref<1x128xf32, #tpu.memory_space<vmem>>, vector<1x128xf32>
    %add3A_125 = vector.broadcast %get3A_124 : vector<1x128xf32> to vector<1000x128xf32>
    %add3A_126 = arith.addf %dot_general3A_121, %add3A_125 : vector<1000x128xf32>
    %swap3A = arith.constant 0 : index
    %swap3A_127 = arith.constant 0 : index
    %swap3A_128 = vector.load %arg22[%swap3A, %swap3A_127] : memref<1000x128xf32, #tpu.memory_space<vmem>>, vector<1000x128xf32>
    tpu.vector_store %arg22[%swap3A, %swap3A_127], %add3A_126 {strides = array<i32>} : memref<1000x128xf32, #tpu.memory_space<vmem>>, vector<1000x128xf32>,
    %get3A_129 = arith.constant 0 : index
    %get3A_130 = arith.constant 0 : index
    %get3A_131 = vector.load %arg6[%get3A_129, %get3A_130] : memref<1000x128xf32, #tpu.memory_space<vmem>>, vector<1000x128xf32>
    %sub3A_132 = arith.subf %add3A_126, %get3A_131 : vector<1000x128xf32>
    %integer_pow3A_133 = arith.mulf %sub3A_132, %sub3A_132 : vector<1000x128xf32>
    %reduce_sum3A_134 = vector.shape_cast %integer_pow3A_133 : vector<1000x128xf32> to vector<1x1000x128xf32>
    %reduce_sum3A_135 = arith.constant dense<0.000000e+00> : vector<1xf32>
    %reduce_sum3A_136 = vector.multi_reduction <add>, %reduce_sum3A_134, %reduce_sum3A_135 [1, 2] : vector<1x1000x128xf32> to vector<1xf32>
    %reduce_sum3A_137 = vector.shape_cast %reduce_sum3A_136 : vector<1xf32> to vector<1x1x1xf32>
    %reduce_sum3A_138 = vector.extract %reduce_sum3A_137[0, 0, 0] : f32 from vector<1x1x1xf32>
    %eq3A = arith.constant 0 : i32
    %eq3A_139 = arith.cmpi eq, %arg0, %eq3A : i32
    %get3A_140 = arith.constant 0 : index
    %get3A_141 = arith.constant 0 : index
    %get3A_142 = vector.load %arg23[%get3A_140, %get3A_141] : memref<1x1xf32, #tpu.memory_space<vmem>>, vector<1x1xf32>
    %jit3A = arith.constant 0.000000e+00 : f32
    %broadcast_in_dim3A_143 = vector.broadcast %jit3A : f32 to vector<1x1xf32>
    %select_n3A = arith.select %eq3A_139, %broadcast_in_dim3A_143, %get3A_142 : vector<1x1xf32>
    %add3A_144 = vector.broadcast %reduce_sum3A_138 : f32 to vector<1x1xf32>
    %add3A_145 = arith.addf %select_n3A, %add3A_144 : vector<1x1xf32>
    %eq3A_146 = arith.constant 9 : i32
    %eq3A_147 = arith.cmpi eq, %arg0, %eq3A_146 : i32
    %div3A_148 = arith.constant 3.000000e+04 : f32
    %div3A_149 = vector.broadcast %div3A_148 : f32 to vector<1x1xf32>
    %div3A_150 = arith.divf %add3A_145, %div3A_149 : vector<1x1xf32>
    %select_n3A_151 = arith.select %eq3A_147, %div3A_150, %add3A_145 : vector<1x1xf32>
    %swap3A_152 = arith.constant 0 : index
    %swap3A_153 = arith.constant 0 : index
    %swap3A_154 = vector.load %arg23[%swap3A_152, %swap3A_153] : memref<1x1xf32, #tpu.memory_space<vmem>>, vector<1x1xf32>
    tpu.vector_store %arg23[%swap3A_152, %swap3A_153], %select_n3A_151 {strides = array<i32>} : memref<1x1xf32, #tpu.memory_space<vmem>>, vector<1x1xf32>,
    return
  }
  func.func @transform_0(%arg0: i32) -> (i32, i32) {
    %c0_i32 = arith.constant 0 : i32
    %c0_i32_0 = arith.constant 0 : i32
    return %arg0, %c0_i32 : i32, i32
  }
  func.func @transform_1(%arg0: i32) -> (i32, i32, i32) {
    %c0_i32 = arith.constant 0 : i32
    %c0_i32_0 = arith.constant 0 : i32
    %c0_i32_1 = arith.constant 0 : i32
    return %c0_i32, %arg0, %c0_i32_0 : i32, i32, i32
  }
  func.func @transform_2(%arg0: i32) -> (i32, i32, i32) {
    %c1_i32 = arith.constant 1 : i32
    %c0_i32 = arith.constant 0 : i32
    %c0_i32_0 = arith.constant 0 : i32
    return %c1_i32, %arg0, %c0_i32 : i32, i32, i32
  }
  func.func @transform_3(%arg0: i32) -> (i32, i32, i32) {
    %c0_i32 = arith.constant 0 : i32
    %c0_i32_0 = arith.constant 0 : i32
    %c0_i32_1 = arith.constant 0 : i32
    return %c0_i32, %arg0, %c0_i32_0 : i32, i32, i32
  }
  func.func @transform_4(%arg0: i32) -> (i32, i32, i32) {
    %c1_i32 = arith.constant 1 : i32
    %c0_i32 = arith.constant 0 : i32
    %c0_i32_0 = arith.constant 0 : i32
    return %c1_i32, %arg0, %c0_i32 : i32, i32, i32
  }
  func.func @transform_5(%arg0: i32) -> (i32, i32) {
    %c0_i32 = arith.constant 0 : i32
    %c0_i32_0 = arith.constant 0 : i32
    return %arg0, %c0_i32 : i32, i32
  }
  func.func @transform_6(%arg0: i32) -> (i32, i32) {
    %c0_i32 = arith.constant 0 : i32
    %c0_i32_0 = arith.constant 0 : i32
    %c0_i32_1 = arith.constant 0 : i32
    return %c0_i32, %c0_i32_0 : i32, i32
  }
  func.func @transform_7(%arg0: i32) -> (i32, i32) {
    %c0_i32 = arith.constant 0 : i32
    %c0_i32_0 = arith.constant 0 : i32
    %c0_i32_1 = arith.constant 0 : i32
    return %c0_i32, %c0_i32_0 : i32, i32
  }
  func.func @transform_8(%arg0: i32) -> (i32, i32) {
    %c0_i32 = arith.constant 0 : i32
    %c0_i32_0 = arith.constant 0 : i32
    %c0_i32_1 = arith.constant 0 : i32
    return %c0_i32, %c0_i32_0 : i32, i32
  }
  func.func @transform_9(%arg0: i32) -> (i32, i32) {
    %c0_i32 = arith.constant 0 : i32
    %c0_i32_0 = arith.constant 0 : i32
    %c0_i32_1 = arith.constant 0 : i32
    return %c0_i32, %c0_i32_0 : i32, i32
  }
  func.func @transform_10(%arg0: i32) -> (i32, i32) {
    %c0_i32 = arith.constant 0 : i32
    %c0_i32_0 = arith.constant 0 : i32
    %c0_i32_1 = arith.constant 0 : i32
    return %c0_i32, %c0_i32_0 : i32, i32
  }
  func.func @transform_11(%arg0: i32) -> (i32, i32) {
    %c0_i32 = arith.constant 0 : i32
    %c0_i32_0 = arith.constant 0 : i32
    %c0_i32_1 = arith.constant 0 : i32
    return %c0_i32, %c0_i32_0 : i32, i32
  }
  func.func @transform_12(%arg0: i32) -> (i32, i32) {
    %c0_i32 = arith.constant 0 : i32
    %c0_i32_0 = arith.constant 0 : i32
    %c0_i32_1 = arith.constant 0 : i32
    return %c0_i32, %c0_i32_0 : i32, i32
  }
  func.func @transform_13(%arg0: i32) -> (i32, i32) {
    %c0_i32 = arith.constant 0 : i32
    %c0_i32_0 = arith.constant 0 : i32
    %c0_i32_1 = arith.constant 0 : i32
    return %c0_i32, %c0_i32_0 : i32, i32
  }
  func.func @transform_14(%arg0: i32) -> (i32, i32) {
    %c0_i32 = arith.constant 0 : i32
    %c0_i32_0 = arith.constant 0 : i32
    %c0_i32_1 = arith.constant 0 : i32
    return %c0_i32, %c0_i32_0 : i32, i32
  }
  func.func @transform_15(%arg0: i32) -> (i32, i32) {
    %c0_i32 = arith.constant 0 : i32
    %c0_i32_0 = arith.constant 0 : i32
    %c0_i32_1 = arith.constant 0 : i32
    return %c0_i32, %c0_i32_0 : i32, i32
  }
  func.func @transform_16(%arg0: i32) -> (i32, i32) {
    %c0_i32 = arith.constant 0 : i32
    %c0_i32_0 = arith.constant 0 : i32
    %c0_i32_1 = arith.constant 0 : i32
    return %c0_i32, %c0_i32_0 : i32, i32
  }
  func.func @transform_17(%arg0: i32) -> (i32, i32) {
    %c0_i32 = arith.constant 0 : i32
    %c0_i32_0 = arith.constant 0 : i32
    %c0_i32_1 = arith.constant 0 : i32
    return %c0_i32, %c0_i32_0 : i32, i32
  }
  func.func @transform_18(%arg0: i32) -> (i32, i32) {
    %c0_i32 = arith.constant 0 : i32
    %c0_i32_0 = arith.constant 0 : i32
    %c0_i32_1 = arith.constant 0 : i32
    return %c0_i32, %c0_i32_0 : i32, i32
  }
  func.func @transform_19(%arg0: i32) -> (i32, i32) {
    %c0_i32 = arith.constant 0 : i32
    %c0_i32_0 = arith.constant 0 : i32
    %c0_i32_1 = arith.constant 0 : i32
    return %c0_i32, %c0_i32_0 : i32, i32
  }
  func.func @transform_20(%arg0: i32) -> (i32, i32) {
    %c0_i32 = arith.constant 0 : i32
    %c0_i32_0 = arith.constant 0 : i32
    %c0_i32_1 = arith.constant 0 : i32
    return %c0_i32, %c0_i32_0 : i32, i32
  }
  func.func @transform_21(%arg0: i32) -> (i32, i32) {
    %c0_i32 = arith.constant 0 : i32
    %c0_i32_0 = arith.constant 0 : i32
    return %arg0, %c0_i32 : i32, i32
  }
  func.func @transform_22(%arg0: i32) -> (i32, i32) {
    %c0_i32 = arith.constant 0 : i32
    %c0_i32_0 = arith.constant 0 : i32
    %c0_i32_1 = arith.constant 0 : i32
    return %c0_i32, %c0_i32_0 : i32, i32
  }
}

</mosaic_0001>

<sc_bundles>
// kernel: kernel.17.cloned.1.call-start
scs
__scs_entry_jumppad:
0x0: {  	(pc) =	sbr.rel $0x88, $3  }
0x1: {  	(tag) =	ssettag $0x0;
	lr =	simm.s32 $0x1  }
0x2: {  	[smem:$0x3F68] =	sst lr;
	_ =	strace $0xD0000000  }
0x3: {  	_ = 	snop  }
0x4: {  	_ = 	snop  }
0x5: {  	_ = 	snop  }
0x6: {  	_ = 	snop  }
0x7: {  	_ = 	snop  }
__scs_overlays_trampoline_lowered:
0x8: {  	[smem:$0x3F77] =	sst s0  }
0x9: {  	[smem:$0x3F78] =	sst s1  }
0xa: {  	[smem:$0x3F79] =	sst s2  }
0xb: {  	[smem:$0x3F7A] =	sst s3  }
0xc: {  	[smem:$0x3F7B] =	sst s4  }
0xd: {  	[smem:$0x3F7C] =	sst s5  }
0xe: {  	[smem:$0x3F7D] =	sst s6  }
0xf: {  	[smem:$0x3F7E] =	sst s7  }
0x10: {  	[smem:$0x3F7F] =	sst s8  }
0x11: {  	[smem:$0x3F80] =	sst s9;
	s0 =	simm.s32 @!p0 $0x0  }
0x12: {  	s1 =	sld [smem:$0x3F66];
	s0 =	simm.s32 @p0 $0x1  }
0x13: {  	[smem:$0x3F81] =	sst s0;
	s0 =	simm.s32 @!p1 $0x0  }
0x14: {  	s2 =	sld [smem:$0x3F65];
	s0 =	simm.s32 @p1 $0x1  }
0x15: {  	[smem:$0x3F82] =	sst s0;
	s0 =	simm.s32 @!p2 $0x0  }
0x16: {  	s3 =	sld [smem:$0x3FDB];
	s0 =	simm.s32 @p2 $0x1  }
0x17: {  	s4 =	simm.s32 $0x1BF5;
	[smem:$0x3F84] =	sst s0  }
0x18: {  	s0 =	sld [smem:$0x3F67];
	_ =	swait.ge [sflag:s4], $0x0  }
0x19: {  	s7 =	sld [smem:$0x3F68]  }
0x1a: {  	s8 =	sadd.s32 $0xFFFFE003, lr  }
0x1b: {  	s9 =	sadd.s32 $0xFFFFFEF7, lr;
	s5 =	simm.s32 $0xFFFFFFFF;
	p2 =	slt.u32 s8, $0xFFFFF086  }
0x1c: {  	p1 =	slt.u32 s9, $0xF7A;
	s5 =	simm.s32 @!p2 $0x0  }
0x1d: {  	s5 =	simm.s32 @p1 $0x1;
	p0 =	seq.s32 s7, s2  }
0x1e: {  	s7 =	smul.u32 @!p0 $0xF7A, s2;
	p2 =	seq.s32 @!p0 s5, $0x0  }
0x1f: {  	s9 =	smul.u32 $0xF7A, s1;
	s8 =	simm.s32 @!p0 $0x1BF5;
	p2 =	por !p2, p0  }
0x20: {  	[sflag:s8] =	ssyncset.s32 @!p0 $0xFFFFF086;
	s6 =	sadd.s32 @!p0 s3, s7;
	s7 =	simm.s32 @!p0 $0x108  }
0x21: {  	s3 =	sadd.s32 s3, s9;
	s6 =	sadd.s32 @!p0 $0x88, s6;
	s7 =	simm.s32 @p2 $0x1082  }
0x22: {  	[simem:s7], [sflag:s8] =	dma.local @!p0 [hbm:s6], $0xF7A  }
0x23: {  	s9 =	sor.u32 $0xD0000000, s2;
	s6 =	simm.s32 $0x108;
	_ =	swait.ge @!p0 [sflag:s8], $0x0  }
0x24: {  	s3 =	sadd.s32 $0x88, s3;
	s6 =	simm.s32 @!p1 $0x1082;
	[sflag:s4] =	ssyncset.s32 $0xFFFFF086  }
0x25: {  	[simem:s6], [sflag:s4] =	dma.local [hbm:s3], $0xF7A  }
0x26: {  	[smem:$0x3F68] =	sst s1;
	(tag) =	ssettag s2;
	_ =	strace s9  }
0x27: {  	s1 =	sld [smem:$0x3F78]  }
0x28: {  	s2 =	sld [smem:$0x3F79]  }
0x29: {  	s4 =	sld [smem:$0x3F7B]  }
0x2a: {  	p0 =	seq.s32 s5, $0x0;
	s5 =	sld [smem:$0x3F7C]  }
0x2b: {  	s6 =	sld [smem:$0x3F7D]  }
0x2c: {  	s7 =	sld [smem:$0x3F7E]  }
0x2d: {  	s3 =	simm.s32 $0x108;
	s8 =	sld [smem:$0x3F7F]  }
0x2e: {  	s3 =	simm.s32 @!p0 $0x1082;
	s9 =	sld [smem:$0x3F80]  }
0x2f: {  	lr =	sadd.s32 s0, s3;
	s0 =	sld [smem:$0x3F77]  }
0x30: {  	s3 =	sld [smem:$0x3F7A]  }
0x31: {  	[smem:$0x3F83] =	sst s10  }
0x32: {  	s10 =	sld [smem:$0x3F81];
	_ =	sdelay $0x3  }
0x33: {  	p0 =	seq.s32 s10, $0x1;
	s10 =	sld [smem:$0x3F83];
	_ =	sdelay $0x3  }
0x34: {  	[smem:$0x3F83] =	sst s10  }
0x35: {  	s10 =	sld [smem:$0x3F82];
	_ =	sdelay $0x3  }
0x36: {  	p1 =	seq.s32 s10, $0x1;
	s10 =	sld [smem:$0x3F83];
	_ =	sdelay $0x3  }
0x37: {  	[smem:$0x3F83] =	sst s10  }
0x38: {  	s10 =	sld [smem:$0x3F84]  }
0x39: {  	_ = 	snop;
	(pc) =	sbr.ind lr, $3  }
0x3a: {  	_ = 	snop  }
0x3b: {  	_ = 	snop  }
0x3c: {  	p2 =	seq.s32 s10, $0x1;
	s10 =	sld [smem:$0x3F83]  }
0x3d: {  	_ =	shalt  }
0x3e: {  	_ =	shalt  }
0x3f: {  	_ =	shalt  }
0x40: {  	_ =	shalt  }
0x41: {  	_ =	shalt  }
0x42: {  	_ =	shalt  }
0x43: {  	_ =	shalt  }
0x44: {  	_ =	shalt  }
0x45: {  	_ =	shalt  }
0x46: {  	_ =	shalt  }
0x47: {  	_ =	shalt  }
0x48: {  	_ =	shalt  }
0x49: {  	_ =	shalt  }
0x4a: {  	_ =	shalt  }
0x4b: {  	_ =	shalt  }
0x4c: {  	_ =	shalt  }
0x4d: {  	_ =	shalt  }
0x4e: {  	_ =	shalt  }
0x4f: {  	_ =	shalt  }
0x50: {  	_ =	shalt  }
0x51: {  	_ =	shalt  }
0x52: {  	_ =	shalt  }
0x53: {  	_ =	shalt  }
0x54: {  	_ =	shalt  }
0x55: {  	_ =	shalt  }
0x56: {  	_ =	shalt  }
0x57: {  	_ =	shalt  }
0x58: {  	_ =	shalt  }
0x59: {  	_ =	shalt  }
0x5a: {  	_ =	shalt  }
0x5b: {  	_ =	shalt  }
0x5c: {  	_ =	shalt  }
0x5d: {  	_ =	shalt  }
0x5e: {  	_ =	shalt  }
0x5f: {  	_ =	shalt  }
0x60: {  	_ =	shalt  }
0x61: {  	_ =	shalt  }
0x62: {  	_ =	shalt  }
0x63: {  	_ =	shalt  }
0x64: {  	_ =	shalt  }
0x65: {  	_ =	shalt  }
0x66: {  	_ =	shalt  }
0x67: {  	_ =	shalt  }
0x68: {  	_ =	shalt  }
0x69: {  	_ =	shalt  }
0x6a: {  	_ =	shalt  }
0x6b: {  	_ =	shalt  }
0x6c: {  	_ =	shalt  }
0x6d: {  	_ =	shalt  }
0x6e: {  	_ =	shalt  }
0x6f: {  	_ =	shalt  }
0x70: {  	_ =	shalt  }
0x71: {  	_ =	shalt  }
0x72: {  	_ =	shalt  }
0x73: {  	_ =	shalt  }
0x74: {  	_ =	shalt  }
0x75: {  	_ =	shalt  }
0x76: {  	_ =	shalt  }
0x77: {  	_ =	shalt  }
0x78: {  	_ =	shalt  }
0x79: {  	_ =	shalt  }
0x7a: {  	_ =	shalt  }
0x7b: {  	_ =	shalt  }
0x7c: {  	_ =	shalt  }
0x7d: {  	_ =	shalt  }
0x7e: {  	_ =	shalt  }
0x7f: {  	_ =	shalt  }
0x80: {  	_ =	shalt  }
0x81: {  	_ =	shalt  }
0x82: {  	_ =	shalt  }
0x83: {  	_ =	shalt  }
0x84: {  	_ =	shalt  }
0x85: {  	_ =	shalt  }
0x86: {  	_ =	shalt  }
0x87: {  	_ =	shalt  }
.Lfunc_end0:
.L_simem_size_0:
called_computation_lowered:
.L_overlay_start_0:
0x88: {  	s2 =	sld [smem:$0x3FD9]  }
0x89: {  	s3 =	sld [smem:$0x3FFE];
	_ =	sdelay $0x1  }
0x8a: {  	s1 =	srdreg.scid  }
0x8b: {  	s0 =	sand.u32 $0x1, s1  }
0x8c: {  	s17 =	sshll.u32 s0, $0xA;
	s2 =	sadd.s32 s3, s2  }
0x8d: {  	s2 =	sadd.s32 s2, s17  }
0x8e: {  	[smem:$0x3F8F] =	sst s2  }
0x8f: {  	_ = 	snop  }
0x90: {  	(tm) =	ssettm $0x1  }
0x91: {  	s18 =	sld [smem:$0x3FFB];
	_ =	sdelay $0x3  }
0x92: {  	_ =	strace s18  }
0x93: {  	s2 =	sld [smem:$0x3FFC];
	_ =	sdelay $0x3  }
0x94: {  	_ =	strace s2  }
0x95: {  	s2 =	sld [smem:$0x3FFD];
	_ =	sdelay $0x3  }
0x96: {  	_ =	strace s2  }
0x97: {  	_ =	strace $0x8FFFFFFF  }
0x98: {  	s19 =	sld [smem:$0x3FDB];
	_ =	sdelay $0x1  }
0x99: {  	s20 =	simm.s32 $_scs_section_size  }
0x9a: {  	s4 =	simm.s32 $_size__tile_overlayer_lowered;
	s5 =	simm.s32 $_tile_overlayer_lowered  }
0x9b: {  	s6 =	simm.s32 $0x1BFF;
	s21 =	sshll.u32 s5, $0x1;
	s3 =	sadd.s32 s20, s19  }
0x9c: {  	s22 =	simm.s32 $0x0;
	s4 =	sshll.u32 s4, $0x1;
	s5 =	sadd.s32 s21, s3  }
0x9d: {  	[timem:s22], [sflag:s6] =	dma.local [hbm:s5], s4  }
0x9e: {  	_ =	swait.ge [sflag:s6], s4  }
0x9f: {  	s4 =	ssub.s32 $0x0, s4;
	[sflag:s6] =	ssyncset.done $0x0  }
0xa0: {  	[sflag:s6] =	ssyncadd.s32 s4;
	_ =	sdelay $0x1  }
0xa1: {  	s23 =	simm.s32 $0x1B8B  }
0xa2: {  	_ =	swait.ge [sflag:s23], $0x1  }
0xa3: {  	[sflag:s23] =	ssyncset.done $0x0  }
0xa4: {  	[sflag:s23] =	ssyncadd.s32 $0xFFFFFFFF  }
0xa5: {  	s4 =	sld [smem:$0x0]  }
0xa6: {  	s5 =	sand.u32 $0xFFFFFFFE, s1  }
0xa7: {  	p0 =	sne.s32 s1, s5  }
0xa8: {  	s5 =	sshll.u32 @p0 s5, $0xE  }
0xa9: {  	s5 =	sadd.s32 @p0 $0x11B8D, s5;
	s6 =	sshll.u32 @p0 s4, $0x11  }
0xaa: {  	s5 =	sor.u32 @p0 s6, s5  }
0xab: {  	[sflag:s5] =	ssyncadd.remote.s32 @p0 $0x1;
	_ =	sdelay $0x1  }
0xac: {  	s5 =	simm.s32 @p0 $0x1B8D  }
0xad: {  	_ =	swait.eq @p0 [sflag:s5], $0x1  }
0xae: {  	[sflag:s5] =	ssyncadd.s32 @p0 $0xFFFFFFFF  }
0xaf: {  	s6 =	sshll.u32 @!p0 s1, $0xE  }
0xb0: {  	s6 =	sor.u32 @!p0 $0x4000, s6;
	s5 =	simm.s32 @!p0 $0x1B8D  }
0xb1: {  	s4 =	sshll.u32 @!p0 s4, $0x11;
	s6 =	sadd.s32 @!p0 $0x11B8D, s6;
	_ =	swait.eq @!p0 [sflag:s5], $0x1  }
0xb2: {  	s4 =	sor.u32 @!p0 s4, s6;
	[sflag:s5] =	ssyncadd.s32 @!p0 $0xFFFFFFFF  }
0xb3: {  	s25 =	simm.s32 $0x1B8E;
	s24 =	sld [smem:$0x3FFE];
	[sflag:s4] =	ssyncadd.remote.s32 @!p0 $0x1  }
0xb4: {  	s26 =	simm.s32 $execute0_lowered;
	[smem:$0x3FD2] =	sst s25  }
0xb5: {  	s5 =	sshll.u32 s26, $0x1;
	_ =	strace $0x80000049;
	[dreg:$0x1] =	wrdreg $0xFFFFFFFF  }
0xb6: {  	s28 =	simm.s32 $_size_execute0_lowered;
	s3 =	sadd.s32 s3, s5;
	[dreg:$0x0] =	wrdreg $0x0  }
0xb7: {  	s5 =	sshll.u32 s28, $0x1;
	[dreg:$0x2] =	wrdreg s3  }
0xb8: {  	[dreg:$0x3] =	wrdreg s5  }
0xb9: {  	[dreg:$0x4] =	wrdreg $0xC0  }
0xba: {  	_ =	task [dreg:s22], $0x5FFFF  }
0xbb: {  	[dreg:$0x1] =	wrdreg $0xFFFFFFFF  }
0xbc: {  	[dreg:$0x0] =	wrdreg $0x60  }
0xbd: {  	[dreg:$0x2] =	wrdreg s24  }
0xbe: {  	[dreg:$0x3] =	wrdreg $0x9  }
0xbf: {  	_ =	task.clear_ibuf [dreg:s22], $0x4FFFF;
	_ =	strace $0x90000049  }
0xc0: {  	s29 =	simm.s32 $0x9;
	_ =	strace $0x8000004B  }
0xc1: {  	_ =	swait.ge [sflag:s29], $0x1  }
0xc2: {  	[sflag:s29] =	ssyncadd.s32 $0xFFFFFFFF  }
0xc3: {  	_ =	strace $0x9000004B  }
0xc4: {  	_ =	sfence  }
0xc5: {  	s30 =	sld [smem:$0x0];
	_ =	sdelay $0x2  }
0xc6: {  	s31 =	sshll.u32 s1, $0xD;
	s1 =	sshrl.u32 s1, $0x2  }
0xc7: {  	s4 =	sand.u32 $0x4000, s31;
	s1 =	sadd.s32 s1, s30  }
0xc8: {  	s0 =	sor.u32 s4, s0;
	s1 =	sshll.u32 s1, $0x11  }
0xc9: {  	s0 =	sor.u32 s1, s0  }
0xca: {  	s0 =	sadd.s32 $0x8F2B, s0  }
0xcb: {  	[sflag:s0] =	ssyncadd.remote.s32 $0x1  }
0xcc: {  	_ =	sfence.sel $0xFFFF  }
0xcd: {  	[dreg:$0x0] =	wrdreg $0xFFFFFFFF;
	(pc) =	sbr.abs _section_cstart, $3  }
0xce: {  	[dreg:$0x1] =	wrdreg $0xFFFFFFFF  }
0xcf: {  	_ =	task.clear_ibuf [dreg:s22], $0x2FFFF;
	_ =	strace $0x9FFFFFFF  }
0xd0: {  	(tm) =	ssettm $0x7FFFFFFF  }
0xd1: {  	_ =	shalt  }
tec
execute0_lowered:
.L_overlay_start_1:
0x0: {  	(tag) =	ssettag $0x1  }
0x1: {  	s1 =	srdreg.scid;
	s0 =	stileid.u32  }
0x2: {  	s4 =	rddreg [dreg:$0x0];
	s17 =	simm.s32 $0x80;
	s18 =	simm.s32 $0x2800  }
0x3: {  	s19 =	simm.s32 $0x6800;
	s20 =	simm.s32 $0xA800;
	s21 =	simm.s32 $0x1480  }
0x4: {  	s22 =	simm.s32 $0xE800;
	s23 =	simm.s32 $0x1;
	s24 =	simm.s32 $0x2  }
0x5: {  	s25 =	simm.s32 $0x3;
	s26 =	simm.s32 $0x4;
	s10 =	smul.u32 $0xA0000, s0  }
0x6: {  	s28 =	simm.s32 $0x0;
	s1 =	sand.u32 $0x1, s1;
	s15 =	smul.u32 $0x14000, s0  }
0x7: {  	s2 =	sshll.u32 s0, $0x1;
	s12 =	sadd.s32 $0x2C2200, s4;
	s11 =	smul.u32 $0x50000, s1  }
0x8: {  	s5 =	sor.u32 s1, s2;
	s7 =	ssub.s32 $0x2, s1;
	s1 =	smul.u32 $0xA000, s1  }
0x9: {  	s13 =	sadd.s32 $0x402200, s4;
	s2 =	simm.s32 $0x0;
	s3 =	smul.u32 $0x280, s5  }
0xa: {  	[smem:$0x7FF] =	sst s2;
	s29 =	sshrl.u32 s7, $0x1;
	s8 =	smul.u32 $0x50000, s5  }
0xb: {  	s9 =	smul.u32 $0xA000, s5;
	s16 =	sadd.s32 s15, s12;
	_ =	strace $0x8000004A  }
0xc: {  	s7 =	ssub.s32 s7, s29;
	s11 =	sadd.s32 s11, s10;
	s31 =	sadd.s32 s1, s16  }
0xd: {  	s16 =	simm.s32 $0x1400;
	s6 =	sadd.s32 s3, s4;
	s3 =	sadd.s32 $0x1B000, s4  }
0xe: {  	s8 =	sshrl.u32 s8, $0x3;
	s14 =	sadd.s32 $0x9800, s9;
	s30 =	sshrl.u32 s11, $0x3  }
0xf: {  	s4 =	sadd.s32 $0x16000, s6;
	s5 =	sadd.s32 $0x11000, s6;
	s6 =	smax.u32 s7, $0x1  }
0x10: {  	s8 =	sadd.s32 $0x9000, s8;
	s10 =	sadd.s32 s13, s14;
	s11 =	sadd.s32 s30, s13  }
0x11: {  	s7 =	sadd.s32 s12, s8;
	s8 =	sadd.s32 s13, s8;
	s13 =	sadd.s32 s15, s13  }
0x12: {  	s9 =	sadd.s32 s12, s14;
	s12 =	sadd.s32 s30, s12;
	s1 =	sadd.s32 s1, s13  }
0x13: {  	s15 =	simm.s32 $0x5;
	s13 =	sadd.s32 $0x800, s31;
	s14 =	sadd.s32 $0x800, s1  }
.LBB2_1:
0x14: {  	[tilespmem:s2], [sflag:$0x5] =	stream.linear.gather [hbm4b:s4+s2], $0x1400, $0x38;
	[tilespmem:$0x12800] =	vst v63  }
0x15: {  	_ =	swait.ge [sflag:s15], $0x1400  }
0x16: {  	[sflag:s15] =	ssyncset.done $0x0  }
0x17: {  	[sflag:s15] =	ssyncadd.s32 $0xFFFFEC00  }
0x18: {  	[tilespmem:s16], [sflag:$0x5] =	stream.linear.gather [hbm4b:s5+s2], $0x1400, $0x38;
	[tilespmem:$0x12800] =	vst v63  }
0x19: {  	_ =	swait.ge [sflag:s15], $0x1400  }
0x1a: {  	[sflag:s15] =	ssyncset.done $0x0  }
0x1b: {  	[sflag:s15] =	ssyncadd.s32 $0xFFFFEC00  }
0x1c: {  	[tilespmem:s18], [sflag:$0x1] =	stream.indirect.gather [hbm4b:s3+s17], $0x80, s2, s17, $0xb8;
	[tilespmem:$0x12800] =	vst v63  }
0x1d: {  	_ = 	snop  }
0x1e: {  	[tilespmem:s19], [sflag:$0x1] =	stream.indirect.gather [hbm4b:s3+s17], $0x80, s16, s17, $0xb8;
	[tilespmem:$0x12800] =	vst v63  }
0x1f: {  	_ = 	snop  }
0x20: {  	[tilespmem:s20], [sflag:$0x3] =	stream.indirect.gather [hbm4b:s3+s17], $0x80, s17, s17, $0xb8;
	[tilespmem:$0x12800] =	vst v63  }
0x21: {  	_ = 	snop  }
0x22: {  	[tilespmem:s22], [sflag:$0x3] =	stream.indirect.gather [hbm4b:s3+s17], $0x80, s21, s17, $0xb8;
	[tilespmem:$0x12800] =	vst v63  }
0x23: {  	_ =	swait.ge [sflag:s23], $0x4000  }
0x24: {  	[sflag:s23] =	ssyncset.done $0x0  }
0x25: {  	[sflag:s23] =	ssyncadd.s32 $0xFFFFC000  }
0x26: {  	_ =	swait.ge [sflag:s23], $0x4000  }
0x27: {  	[sflag:s23] =	ssyncset.done $0x0  }
0x28: {  	s1 =	sadd.s32 $0x0, s12;
	[sflag:s23] =	ssyncadd.s32 $0xFFFFC000  }
0x29: {  	[hbm4b:s1+s2] =	stream.linear.scatter [tilespmem:s18], [sflag:$0x2], $0x4000, $0x38;
	[tilespmem:$0x12800] =	vst v63  }
0x2a: {  	s0 =	sadd.s32 $0x0, s11  }
0x2b: {  	[hbm4b:s0+s2] =	stream.linear.scatter [tilespmem:s19], [sflag:$0x2], $0x4000, $0x38;
	[tilespmem:$0x12800] =	vst v63  }
0x2c: {  	_ =	swait.ge [sflag:s24], $0x4000  }
0x2d: {  	[sflag:s24] =	ssyncset.done $0x0  }
0x2e: {  	[sflag:s24] =	ssyncadd.s32 $0xFFFFC000  }
0x2f: {  	_ =	swait.ge [sflag:s24], $0x4000  }
0x30: {  	[sflag:s24] =	ssyncset.done $0x0  }
0x31: {  	s0 =	simm.s32 $0x100;
	[sflag:s24] =	ssyncadd.s32 $0xFFFFC000  }
0x32: {  	[tilespmem:s18], [sflag:$0x1] =	stream.indirect.gather [hbm4b:s3+s17], $0x80, s0, s17, $0xb8;
	[tilespmem:$0x12800] =	vst v63  }
0x33: {  	s0 =	simm.s32 $0x1500  }
0x34: {  	[tilespmem:s19], [sflag:$0x1] =	stream.indirect.gather [hbm4b:s3+s17], $0x80, s0, s17, $0xb8;
	[tilespmem:$0x12800] =	vst v63  }
0x35: {  	_ =	swait.ge [sflag:s25], $0x4000  }
0x36: {  	[sflag:s25] =	ssyncset.done $0x0  }
0x37: {  	[sflag:s25] =	ssyncadd.s32 $0xFFFFC000  }
0x38: {  	_ =	swait.ge [sflag:s25], $0x4000  }
0x39: {  	[sflag:s25] =	ssyncset.done $0x0  }
0x3a: {  	s0 =	sadd.s32 $0x0, s13;
	[sflag:s25] =	ssyncadd.s32 $0xFFFFC000  }
0x3b: {  	[hbm4b:s0+s2] =	stream.linear.scatter [tilespmem:s20], [sflag:$0x4], $0x4000, $0x38;
	[tilespmem:$0x12800] =	vst v63  }
0x3c: {  	s0 =	sadd.s32 $0x0, s14  }
0x3d: {  	[hbm4b:s0+s2] =	stream.linear.scatter [tilespmem:s22], [sflag:$0x4], $0x4000, $0x38;
	[tilespmem:$0x12800] =	vst v63  }
0x3e: {  	_ =	swait.ge [sflag:s26], $0x4000  }
0x3f: {  	[sflag:s26] =	ssyncset.done $0x0  }
0x40: {  	[sflag:s26] =	ssyncadd.s32 $0xFFFFC000  }
0x41: {  	s29 =	simm.s32 $0x1000;
	_ =	swait.ge [sflag:s26], $0x4000  }
0x42: {  	s30 =	simm.s32 $0x1600;
	s31 =	simm.s32 $0x200;
	[sflag:s26] =	ssyncset.done $0x0  }
0x43: {  	s1 =	simm.s32 $0x1580;
	s0 =	simm.s32 $0x180;
	[sflag:s26] =	ssyncadd.s32 $0xFFFFC000  }
0x44: {  	[tilespmem:s20], [sflag:$0x3] =	stream.indirect.gather [hbm4b:s3+s17], $0x80, s0, s17, $0xb8;
	[tilespmem:$0x12800] =	vst v63  }
.LBB2_2:
0x45: {  	[tilespmem:s22], [sflag:$0x3] =	stream.indirect.gather [hbm4b:s3+s17], $0x80, s1, s17, $0xb8;
	[tilespmem:$0x12800] =	vst v63  }
0x46: {  	s1 =	smov.u32 s29  }
0x47: {  	p0 =	sne.s32 s29, $0x8000;
	s29 =	sadd.s32 $0x1000, s29;
	_ =	swait.ge [sflag:s23], $0x4000  }
0x48: {  	[sflag:s23] =	ssyncset.done $0x0  }
0x49: {  	[sflag:s23] =	ssyncadd.s32 $0xFFFFC000  }
0x4a: {  	_ =	swait.ge [sflag:s23], $0x4000  }
0x4b: {  	[sflag:s23] =	ssyncset.done $0x0  }
0x4c: {  	s0 =	sadd.s32 s1, s12;
	[sflag:s23] =	ssyncadd.s32 $0xFFFFC000  }
0x4d: {  	[hbm4b:s0+s2] =	stream.linear.scatter [tilespmem:s18], [sflag:$0x2], $0x4000, $0x38;
	[tilespmem:$0x12800] =	vst v63  }
0x4e: {  	s0 =	sadd.s32 s1, s11  }
0x4f: {  	[hbm4b:s0+s2] =	stream.linear.scatter [tilespmem:s19], [sflag:$0x2], $0x4000, $0x38;
	[tilespmem:$0x12800] =	vst v63  }
0x50: {  	_ =	swait.ge [sflag:s24], $0x4000  }
0x51: {  	[sflag:s24] =	ssyncset.done $0x0  }
0x52: {  	[sflag:s24] =	ssyncadd.s32 $0xFFFFC000  }
0x53: {  	_ =	swait.ge [sflag:s24], $0x4000  }
0x54: {  	[sflag:s24] =	ssyncset.done $0x0  }
0x55: {  	[sflag:s24] =	ssyncadd.s32 $0xFFFFC000  }
0x56: {  	[tilespmem:s18], [sflag:$0x1] =	stream.indirect.gather [hbm4b:s3+s17], $0x80, s31, s17, $0xb8;
	[tilespmem:$0x12800] =	vst v63  }
0x57: {  	_ = 	snop  }
0x58: {  	[tilespmem:s19], [sflag:$0x1] =	stream.indirect.gather [hbm4b:s3+s17], $0x80, s30, s17, $0xb8;
	[tilespmem:$0x12800] =	vst v63  }
0x59: {  	_ =	swait.ge [sflag:s25], $0x4000  }
0x5a: {  	[sflag:s25] =	ssyncset.done $0x0  }
0x5b: {  	[sflag:s25] =	ssyncadd.s32 $0xFFFFC000  }
0x5c: {  	_ =	swait.ge [sflag:s25], $0x4000  }
0x5d: {  	[sflag:s25] =	ssyncset.done $0x0  }
0x5e: {  	s0 =	sadd.s32 s1, s13;
	[sflag:s25] =	ssyncadd.s32 $0xFFFFC000  }
0x5f: {  	[hbm4b:s0+s2] =	stream.linear.scatter [tilespmem:s20], [sflag:$0x4], $0x4000, $0x38;
	[tilespmem:$0x12800] =	vst v63  }
0x60: {  	s0 =	sadd.s32 s1, s14  }
0x61: {  	[hbm4b:s0+s2] =	stream.linear.scatter [tilespmem:s22], [sflag:$0x4], $0x4000, $0x38;
	[tilespmem:$0x12800] =	vst v63  }
0x62: {  	_ =	swait.ge [sflag:s26], $0x4000  }
0x63: {  	[sflag:s26] =	ssyncset.done $0x0  }
0x64: {  	[sflag:s26] =	ssyncadd.s32 $0xFFFFC000  }
.Ltmp0:
0x65: {  	_ =	swait.ge [sflag:s26], $0x4000;
	(pc) =	sbr.rel @p0 .LBB2_2-.Ltmp0, $4  }
0x66: {  	[sflag:s26] =	ssyncset.done $0x0  }
0x67: {  	s0 =	sadd.s32 $0x80, s31;
	[sflag:s26] =	ssyncadd.s32 $0xFFFFC000  }
0x68: {  	[tilespmem:s20], [sflag:$0x3] =	stream.indirect.gather [hbm4b:s3+s17], $0x80, s0, s17, $0xb8;
	[tilespmem:$0x12800] =	vst v63  }
0x69: {  	s1 =	sadd.s32 $0x80, s30;
	s30 =	sadd.s32 $0x100, s30;
	s31 =	sadd.s32 $0x100, s31  }
0x6a: {  	[tilespmem:s22], [sflag:$0x3] =	stream.indirect.gather [hbm4b:s3+s17], $0x80, s1, s17, $0xb8;
	[tilespmem:$0x12800] =	vst v63  }
0x6b: {  	_ =	swait.ge [sflag:s23], $0x4000  }
0x6c: {  	[sflag:s23] =	ssyncset.done $0x0  }
0x6d: {  	[sflag:s23] =	ssyncadd.s32 $0xFFFFC000  }
0x6e: {  	_ =	swait.ge [sflag:s23], $0x4000  }
0x6f: {  	[sflag:s23] =	ssyncset.done $0x0  }
0x70: {  	[sflag:s23] =	ssyncadd.s32 $0xFFFFC000  }
0x71: {  	[hbm4b:s7+s2] =	stream.linear.scatter [tilespmem:s18], [sflag:$0x2], $0x4000, $0x38;
	[tilespmem:$0x12800] =	vst v63  }
0x72: {  	_ = 	snop  }
0x73: {  	[hbm4b:s8+s2] =	stream.linear.scatter [tilespmem:s19], [sflag:$0x2], $0x4000, $0x38;
	[tilespmem:$0x12800] =	vst v63  }
0x74: {  	_ =	swait.ge [sflag:s25], $0x4000  }
0x75: {  	[sflag:s25] =	ssyncset.done $0x0  }
0x76: {  	[sflag:s25] =	ssyncadd.s32 $0xFFFFC000  }
0x77: {  	_ =	swait.ge [sflag:s25], $0x4000  }
0x78: {  	[sflag:s25] =	ssyncset.done $0x0  }
0x79: {  	[sflag:s25] =	ssyncadd.s32 $0xFFFFC000  }
0x7a: {  	[hbm4b:s9+s2] =	stream.linear.scatter [tilespmem:s20], [sflag:$0x4], $0x4000, $0x38;
	[tilespmem:$0x12800] =	vst v63  }
0x7b: {  	_ = 	snop  }
0x7c: {  	[hbm4b:s10+s2] =	stream.linear.scatter [tilespmem:s22], [sflag:$0x4], $0x4000, $0x38;
	[tilespmem:$0x12800] =	vst v63  }
0x7d: {  	_ =	swait.ge [sflag:s24], $0x4000  }
0x7e: {  	[sflag:s24] =	ssyncset.done $0x0  }
0x7f: {  	[sflag:s24] =	ssyncadd.s32 $0xFFFFC000  }
0x80: {  	_ =	swait.ge [sflag:s24], $0x4000  }
0x81: {  	[sflag:s24] =	ssyncset.done $0x0  }
0x82: {  	s28 =	sadd.s32 $0x1, s28;
	[sflag:s24] =	ssyncadd.s32 $0xFFFFC000  }
0x83: {  	p0 =	sne.s32 s28, s6;
	_ =	swait.ge [sflag:s26], $0x4000  }
.Ltmp1:
0x84: {  	[sflag:s26] =	ssyncset.done $0x0;
	(pc) =	sbr.rel @p0 .LBB2_1-.Ltmp1, $4  }
0x85: {  	[sflag:s26] =	ssyncadd.s32 $0xFFFFC000  }
0x86: {  	_ =	swait.ge [sflag:s26], $0x4000  }
0x87: {  	[sflag:s26] =	ssyncset.done $0x0  }
0x88: {  	[sflag:s26] =	ssyncadd.s32 $0xFFFFC000  }
0x89: {  	_ =	sfence.sel $0x180000  }
0x8a: {  	[bflag:$0x0] =	sbarrier.arrive $0xFFFF  }
0x8b: {  	_ =	strace $0x9000004A  }
0x8c: {  	s0 =	stileid.u32;
	[bflag:$0x2] =	sbarrier.arrive $0xFFFF  }
0x8d: {  	p0 =	sne.s32 s0, $0x0;
	s0 =	rddreg [dreg:$0x1]  }
0x8e: {  	s0 =	sadd.s32 @!p0 $0x100000, s0  }
0x8f: {  	[sflag:s0] =	ssyncadd.tile.s32 @!p0 $0x1;
	_ =	shalt  }
.Lfunc_end2:
_tile_overlayer_lowered:
.L_overlay_start_2:
0x90: {  	(tag) =	ssettag $0x2  }
0x91: {  	s0 =	rddreg [dreg:$0x0];
	s2 =	stileid.u32  }
0x92: {  	s1 =	rddreg [dreg:$0x1];
	p0 =	sne.s32 s2, $0x0  }
0x93: {  	s3 =	rddreg [dreg:$0x2];
	[bflag:$0x3] =	sbarrier.arrive $0xFFFF;
	s2 =	simm.s32 @!p0 $0x1C05  }
0x94: {  	[timem:s3], [sflag:s2] =	dma.local @!p0 [hbm:s0], s1  }
0x95: {  	s0 =	simm.s32 @!p0 $0x5  }
0x96: {  	_ =	swait.ge @!p0 [sflag:s0], s1  }
0x97: {  	s1 =	ssub.s32 @!p0 $0x0, s1;
	[sflag:s0] =	ssyncset.done @!p0 $0x0  }
0x98: {  	[sflag:s0] =	ssyncadd.s32 @!p0 s1  }
0x99: {  	[bflag:$0x3] =	sbarrier.arrive $0xFFFF  }
0x9a: {  	_ =	shalt  }

// kernel: kernel.20.cloned.1.call-start
scs
__scs_entry_jumppad:
0x0: {  	(pc) =	sbr.rel $0x88, $3  }
0x1: {  	(tag) =	ssettag $0x0;
	lr =	simm.s32 $0x1  }
0x2: {  	[smem:$0x3F68] =	sst lr;
	_ =	strace $0xD0000000  }
0x3: {  	_ = 	snop  }
0x4: {  	_ = 	snop  }
0x5: {  	_ = 	snop  }
0x6: {  	_ = 	snop  }
0x7: {  	_ = 	snop  }
__scs_overlays_trampoline_lowered:
0x8: {  	[smem:$0x3F77] =	sst s0  }
0x9: {  	[smem:$0x3F78] =	sst s1  }
0xa: {  	[smem:$0x3F79] =	sst s2  }
0xb: {  	[smem:$0x3F7A] =	sst s3  }
0xc: {  	[smem:$0x3F7B] =	sst s4  }
0xd: {  	[smem:$0x3F7C] =	sst s5  }
0xe: {  	[smem:$0x3F7D] =	sst s6  }
0xf: {  	[smem:$0x3F7E] =	sst s7  }
0x10: {  	[smem:$0x3F7F] =	sst s8  }
0x11: {  	[smem:$0x3F80] =	sst s9;
	s0 =	simm.s32 @!p0 $0x0  }
0x12: {  	s1 =	sld [smem:$0x3F66];
	s0 =	simm.s32 @p0 $0x1  }
0x13: {  	[smem:$0x3F81] =	sst s0;
	s0 =	simm.s32 @!p1 $0x0  }
0x14: {  	s2 =	sld [smem:$0x3F65];
	s0 =	simm.s32 @p1 $0x1  }
0x15: {  	[smem:$0x3F82] =	sst s0;
	s0 =	simm.s32 @!p2 $0x0  }
0x16: {  	s3 =	sld [smem:$0x3FDB];
	s0 =	simm.s32 @p2 $0x1  }
0x17: {  	s4 =	simm.s32 $0x1BF5;
	[smem:$0x3F84] =	sst s0  }
0x18: {  	s0 =	sld [smem:$0x3F67];
	_ =	swait.ge [sflag:s4], $0x0  }
0x19: {  	s7 =	sld [smem:$0x3F68]  }
0x1a: {  	s8 =	sadd.s32 $0xFFFFE003, lr  }
0x1b: {  	s9 =	sadd.s32 $0xFFFFFEF7, lr;
	s5 =	simm.s32 $0xFFFFFFFF;
	p2 =	slt.u32 s8, $0xFFFFF086  }
0x1c: {  	p1 =	slt.u32 s9, $0xF7A;
	s5 =	simm.s32 @!p2 $0x0  }
0x1d: {  	s5 =	simm.s32 @p1 $0x1;
	p0 =	seq.s32 s7, s2  }
0x1e: {  	s7 =	smul.u32 @!p0 $0xF7A, s2;
	p2 =	seq.s32 @!p0 s5, $0x0  }
0x1f: {  	s9 =	smul.u32 $0xF7A, s1;
	s8 =	simm.s32 @!p0 $0x1BF5;
	p2 =	por !p2, p0  }
0x20: {  	[sflag:s8] =	ssyncset.s32 @!p0 $0xFFFFF086;
	s6 =	sadd.s32 @!p0 s3, s7;
	s7 =	simm.s32 @!p0 $0x108  }
0x21: {  	s3 =	sadd.s32 s3, s9;
	s6 =	sadd.s32 @!p0 $0x88, s6;
	s7 =	simm.s32 @p2 $0x1082  }
0x22: {  	[simem:s7], [sflag:s8] =	dma.local @!p0 [hbm:s6], $0xF7A  }
0x23: {  	s9 =	sor.u32 $0xD0000000, s2;
	s6 =	simm.s32 $0x108;
	_ =	swait.ge @!p0 [sflag:s8], $0x0  }
0x24: {  	s3 =	sadd.s32 $0x88, s3;
	s6 =	simm.s32 @!p1 $0x1082;
	[sflag:s4] =	ssyncset.s32 $0xFFFFF086  }
0x25: {  	[simem:s6], [sflag:s4] =	dma.local [hbm:s3], $0xF7A  }
0x26: {  	[smem:$0x3F68] =	sst s1;
	(tag) =	ssettag s2;
	_ =	strace s9  }
0x27: {  	s1 =	sld [smem:$0x3F78]  }
0x28: {  	s2 =	sld [smem:$0x3F79]  }
0x29: {  	s4 =	sld [smem:$0x3F7B]  }
0x2a: {  	p0 =	seq.s32 s5, $0x0;
	s5 =	sld [smem:$0x3F7C]  }
0x2b: {  	s6 =	sld [smem:$0x3F7D]  }
0x2c: {  	s7 =	sld [smem:$0x3F7E]  }
0x2d: {  	s3 =	simm.s32 $0x108;
	s8 =	sld [smem:$0x3F7F]  }
0x2e: {  	s3 =	simm.s32 @!p0 $0x1082;
	s9 =	sld [smem:$0x3F80]  }
0x2f: {  	lr =	sadd.s32 s0, s3;
	s0 =	sld [smem:$0x3F77]  }
0x30: {  	s3 =	sld [smem:$0x3F7A]  }
0x31: {  	[smem:$0x3F83] =	sst s10  }
0x32: {  	s10 =	sld [smem:$0x3F81];
	_ =	sdelay $0x3  }
0x33: {  	p0 =	seq.s32 s10, $0x1;
	s10 =	sld [smem:$0x3F83];
	_ =	sdelay $0x3  }
0x34: {  	[smem:$0x3F83] =	sst s10  }
0x35: {  	s10 =	sld [smem:$0x3F82];
	_ =	sdelay $0x3  }
0x36: {  	p1 =	seq.s32 s10, $0x1;
	s10 =	sld [smem:$0x3F83];
	_ =	sdelay $0x3  }
0x37: {  	[smem:$0x3F83] =	sst s10  }
0x38: {  	s10 =	sld [smem:$0x3F84]  }
0x39: {  	_ = 	snop;
	(pc) =	sbr.ind lr, $3  }
0x3a: {  	_ = 	snop  }
0x3b: {  	_ = 	snop  }
0x3c: {  	p2 =	seq.s32 s10, $0x1;
	s10 =	sld [smem:$0x3F83]  }
0x3d: {  	_ =	shalt  }
0x3e: {  	_ =	shalt  }
0x3f: {  	_ =	shalt  }
0x40: {  	_ =	shalt  }
0x41: {  	_ =	shalt  }
0x42: {  	_ =	shalt  }
0x43: {  	_ =	shalt  }
0x44: {  	_ =	shalt  }
0x45: {  	_ =	shalt  }
0x46: {  	_ =	shalt  }
0x47: {  	_ =	shalt  }
0x48: {  	_ =	shalt  }
0x49: {  	_ =	shalt  }
0x4a: {  	_ =	shalt  }
0x4b: {  	_ =	shalt  }
0x4c: {  	_ =	shalt  }
0x4d: {  	_ =	shalt  }
0x4e: {  	_ =	shalt  }
0x4f: {  	_ =	shalt  }
0x50: {  	_ =	shalt  }
0x51: {  	_ =	shalt  }
0x52: {  	_ =	shalt  }
0x53: {  	_ =	shalt  }
0x54: {  	_ =	shalt  }
0x55: {  	_ =	shalt  }
0x56: {  	_ =	shalt  }
0x57: {  	_ =	shalt  }
0x58: {  	_ =	shalt  }
0x59: {  	_ =	shalt  }
0x5a: {  	_ =	shalt  }
0x5b: {  	_ =	shalt  }
0x5c: {  	_ =	shalt  }
0x5d: {  	_ =	shalt  }
0x5e: {  	_ =	shalt  }
0x5f: {  	_ =	shalt  }
0x60: {  	_ =	shalt  }
0x61: {  	_ =	shalt  }
0x62: {  	_ =	shalt  }
0x63: {  	_ =	shalt  }
0x64: {  	_ =	shalt  }
0x65: {  	_ =	shalt  }
0x66: {  	_ =	shalt  }
0x67: {  	_ =	shalt  }
0x68: {  	_ =	shalt  }
0x69: {  	_ =	shalt  }
0x6a: {  	_ =	shalt  }
0x6b: {  	_ =	shalt  }
0x6c: {  	_ =	shalt  }
0x6d: {  	_ =	shalt  }
0x6e: {  	_ =	shalt  }
0x6f: {  	_ =	shalt  }
0x70: {  	_ =	shalt  }
0x71: {  	_ =	shalt  }
0x72: {  	_ =	shalt  }
0x73: {  	_ =	shalt  }
0x74: {  	_ =	shalt  }
0x75: {  	_ =	shalt  }
0x76: {  	_ =	shalt  }
0x77: {  	_ =	shalt  }
0x78: {  	_ =	shalt  }
0x79: {  	_ =	shalt  }
0x7a: {  	_ =	shalt  }
0x7b: {  	_ =	shalt  }
0x7c: {  	_ =	shalt  }
0x7d: {  	_ =	shalt  }
0x7e: {  	_ =	shalt  }
0x7f: {  	_ =	shalt  }
0x80: {  	_ =	shalt  }
0x81: {  	_ =	shalt  }
0x82: {  	_ =	shalt  }
0x83: {  	_ =	shalt  }
0x84: {  	_ =	shalt  }
0x85: {  	_ =	shalt  }
0x86: {  	_ =	shalt  }
0x87: {  	_ =	shalt  }
.Lfunc_end0:
.L_simem_size_0:
called_computation.1_lowered:
.L_overlay_start_0:
0x88: {  	s2 =	sld [smem:$0x3FD9]  }
0x89: {  	s3 =	sld [smem:$0x3FFE];
	_ =	sdelay $0x1  }
0x8a: {  	s1 =	srdreg.scid  }
0x8b: {  	s0 =	sand.u32 $0x1, s1  }
0x8c: {  	s16 =	sshll.u32 s0, $0xA;
	s2 =	sadd.s32 s3, s2  }
0x8d: {  	s2 =	sadd.s32 s2, s16  }
0x8e: {  	[smem:$0x3F8F] =	sst s2  }
0x8f: {  	_ = 	snop  }
0x90: {  	(tm) =	ssettm $0x1  }
0x91: {  	s17 =	sld [smem:$0x3FFB];
	_ =	sdelay $0x3  }
0x92: {  	_ =	strace s17  }
0x93: {  	s2 =	sld [smem:$0x3FFC];
	_ =	sdelay $0x3  }
0x94: {  	_ =	strace s2  }
0x95: {  	s2 =	sld [smem:$0x3FFD];
	_ =	sdelay $0x3  }
0x96: {  	_ =	strace s2  }
0x97: {  	_ =	strace $0x8FFFFFFF  }
0x98: {  	s18 =	sld [smem:$0x3FDB];
	_ =	sdelay $0x1  }
0x99: {  	s19 =	simm.s32 $_scs_section_size  }
0x9a: {  	s4 =	simm.s32 $_size__tile_overlayer_lowered;
	s5 =	simm.s32 $_tile_overlayer_lowered  }
0x9b: {  	s22 =	simm.s32 $0x1BFF;
	s21 =	sshll.u32 s5, $0x1;
	s2 =	sadd.s32 s19, s18  }
0x9c: {  	s6 =	simm.s32 $0x0;
	s20 =	sshll.u32 s4, $0x1;
	s4 =	sadd.s32 s21, s2  }
0x9d: {  	[timem:s6], [sflag:s22] =	dma.local [hbm:s4], s20  }
0x9e: {  	_ =	swait.ge [sflag:s22], s20  }
0x9f: {  	s3 =	ssub.s32 $0x0, s20;
	[sflag:s22] =	ssyncset.done $0x0  }
0xa0: {  	[sflag:s22] =	ssyncadd.s32 s3;
	_ =	sdelay $0x1  }
0xa1: {  	s23 =	simm.s32 $0x1B8B  }
0xa2: {  	_ =	swait.ge [sflag:s23], $0x1  }
0xa3: {  	[sflag:s23] =	ssyncset.done $0x0  }
0xa4: {  	s25 =	simm.s32 $0x1B8E;
	s24 =	sld [smem:$0x3FFE];
	[sflag:s23] =	ssyncadd.s32 $0xFFFFFFFF  }
0xa5: {  	s26 =	simm.s32 $execute0_lowered;
	[smem:$0x3FD2] =	sst s25  }
0xa6: {  	s4 =	sshll.u32 s26, $0x1;
	_ =	strace $0x80000046;
	[dreg:$0x1] =	wrdreg $0xFFFFFFFF  }
0xa7: {  	s28 =	simm.s32 $_size_execute0_lowered;
	s2 =	sadd.s32 s2, s4;
	[dreg:$0x0] =	wrdreg $0x0  }
0xa8: {  	s4 =	sshll.u32 s28, $0x1;
	[dreg:$0x2] =	wrdreg s2  }
0xa9: {  	[dreg:$0x3] =	wrdreg s4  }
0xaa: {  	[dreg:$0x4] =	wrdreg $0xC0  }
0xab: {  	_ =	task [dreg:s6], $0x5FFFF  }
0xac: {  	[dreg:$0x1] =	wrdreg $0xFFFFFFFF  }
0xad: {  	[dreg:$0x0] =	wrdreg $0x60  }
0xae: {  	[dreg:$0x2] =	wrdreg s24  }
0xaf: {  	[dreg:$0x3] =	wrdreg $0xA  }
0xb0: {  	_ =	task.clear_ibuf [dreg:s6], $0x4FFFF;
	_ =	strace $0x90000046  }
0xb1: {  	s29 =	simm.s32 $0xA;
	_ =	strace $0x80000048  }
0xb2: {  	_ =	swait.ge [sflag:s29], $0x1  }
0xb3: {  	[sflag:s29] =	ssyncadd.s32 $0xFFFFFFFF  }
0xb4: {  	_ =	strace $0x90000048  }
0xb5: {  	_ =	sfence  }
0xb6: {  	s30 =	sld [smem:$0x0];
	_ =	sdelay $0x2  }
0xb7: {  	s31 =	sshll.u32 s1, $0xD;
	s1 =	sshrl.u32 s1, $0x2  }
0xb8: {  	s3 =	sand.u32 $0x4000, s31;
	s1 =	sadd.s32 s1, s30  }
0xb9: {  	s0 =	sor.u32 s3, s0;
	s1 =	sshll.u32 s1, $0x11  }
0xba: {  	s0 =	sor.u32 s1, s0  }
0xbb: {  	s0 =	sadd.s32 $0x8F2B, s0  }
0xbc: {  	[sflag:s0] =	ssyncadd.remote.s32 $0x1  }
0xbd: {  	_ =	sfence.sel $0xFFFF  }
0xbe: {  	[dreg:$0x0] =	wrdreg $0xFFFFFFFF;
	(pc) =	sbr.abs _section_cstart, $3  }
0xbf: {  	[dreg:$0x1] =	wrdreg $0xFFFFFFFF  }
0xc0: {  	_ =	task.clear_ibuf [dreg:s6], $0x2FFFF;
	_ =	strace $0x9FFFFFFF  }
0xc1: {  	(tm) =	ssettm $0x7FFFFFFF  }
tec
execute0_lowered:
.L_overlay_start_1:
0x0: {  	(tag) =	ssettag $0x1  }
0x1: {  	s0 =	srdreg.scid  }
0x2: {  	s14 =	stileid.u32;
	s4 =	rddreg [dreg:$0x0];
	s2 =	simm.s32 $0x0  }
0x3: {  	s17 =	simm.s32 $0x80;
	s19 =	simm.s32 $0x2800;
	s21 =	simm.s32 $0x6800  }
0x4: {  	s23 =	simm.s32 $0xA800;
	s28 =	simm.s32 $0x2;
	s10 =	smul.u32 $0xA0000, s14  }
0x5: {  	s0 =	sand.u32 $0x1, s0;
	s1 =	sshll.u32 s14, $0x1;
	s14 =	smul.u32 $0x14000, s14  }
0x6: {  	s29 =	simm.s32 $0x3;
	s30 =	simm.s32 $0x4;
	s11 =	smul.u32 $0x50000, s0  }
0x7: {  	s1 =	sor.u32 s0, s1;
	s6 =	ssub.s32 $0x2, s0;
	s0 =	smul.u32 $0xA000, s0  }
0x8: {  	s31 =	simm.s32 $0x0;
	[smem:$0x7FF] =	sst s2;
	s3 =	smul.u32 $0x280, s1  }
0x9: {  	s12 =	sadd.s32 $0x42200, s4;
	s13 =	sadd.s32 $0x182200, s4;
	s7 =	smul.u32 $0x50000, s1  }
0xa: {  	_ =	strace $0x80000047;
	s24 =	sshrl.u32 s6, $0x1;
	s1 =	smul.u32 $0xA000, s1  }
0xb: {  	s15 =	sadd.s32 s14, s12;
	s6 =	ssub.s32 s6, s24;
	s11 =	sadd.s32 s11, s10  }
0xc: {  	s26 =	sadd.s32 s0, s15;
	s15 =	simm.s32 $0x5;
	s24 =	simm.s32 $0x1E80  }
0xd: {  	s5 =	sadd.s32 s3, s4;
	s3 =	sadd.s32 $0x1B000, s4;
	s7 =	sshrl.u32 s7, $0x3  }
0xe: {  	s6 =	smax.u32 s6, $0x1;
	s1 =	sadd.s32 $0x9800, s1;
	s25 =	sshrl.u32 s11, $0x3  }
0xf: {  	s4 =	sadd.s32 $0x16000, s5;
	s5 =	sadd.s32 $0x11000, s5;
	s8 =	sadd.s32 $0x9000, s7  }
0x10: {  	s9 =	sadd.s32 s12, s1;
	s10 =	sadd.s32 s13, s1;
	s11 =	sadd.s32 s25, s13  }
0x11: {  	s7 =	sadd.s32 s12, s8;
	s8 =	sadd.s32 s13, s8;
	s13 =	sadd.s32 s14, s13  }
0x12: {  	s12 =	sadd.s32 s25, s12;
	s25 =	simm.s32 $0xE800;
	s0 =	sadd.s32 s0, s13  }
0x13: {  	s13 =	sadd.s32 $0x800, s26;
	s26 =	simm.s32 $0x1;
	s14 =	sadd.s32 $0x800, s0  }
.LBB2_1:
0x14: {  	[tilespmem:s2], [sflag:$0x5] =	stream.linear.gather [hbm4b:s4+s2], $0x1400, $0x38;
	[tilespmem:$0x12800] =	vst v63  }
0x15: {  	_ =	swait.ge [sflag:s15], $0x1400  }
0x16: {  	[sflag:s15] =	ssyncset.done $0x0  }
0x17: {  	s0 =	simm.s32 $0x1400;
	[sflag:s15] =	ssyncadd.s32 $0xFFFFEC00  }
0x18: {  	[tilespmem:s0], [sflag:$0x5] =	stream.linear.gather [hbm4b:s5+s2], $0x1400, $0x38;
	[tilespmem:$0x12800] =	vst v63  }
0x19: {  	_ =	swait.ge [sflag:s15], $0x1400  }
0x1a: {  	[sflag:s15] =	ssyncset.done $0x0  }
0x1b: {  	s1 =	simm.s32 $0xA00;
	[sflag:s15] =	ssyncadd.s32 $0xFFFFEC00  }
0x1c: {  	[tilespmem:s19], [sflag:$0x1] =	stream.indirect.gather [hbm4b:s3+s17], $0x80, s1, s17, $0xb8;
	[tilespmem:$0x12800] =	vst v63  }
0x1d: {  	s16 =	simm.s32 $0x1E00  }
0x1e: {  	[tilespmem:s21], [sflag:$0x1] =	stream.indirect.gather [hbm4b:s3+s17], $0x80, s16, s17, $0xb8;
	[tilespmem:$0x12800] =	vst v63  }
0x1f: {  	s18 =	simm.s32 $0xA80  }
0x20: {  	[tilespmem:s23], [sflag:$0x3] =	stream.indirect.gather [hbm4b:s3+s17], $0x80, s18, s17, $0xb8;
	[tilespmem:$0x12800] =	vst v63  }
0x21: {  	_ = 	snop  }
0x22: {  	[tilespmem:s25], [sflag:$0x3] =	stream.indirect.gather [hbm4b:s3+s17], $0x80, s24, s17, $0xb8;
	[tilespmem:$0x12800] =	vst v63  }
0x23: {  	_ =	swait.ge [sflag:s26], $0x4000  }
0x24: {  	[sflag:s26] =	ssyncset.done $0x0  }
0x25: {  	[sflag:s26] =	ssyncadd.s32 $0xFFFFC000  }
0x26: {  	_ =	swait.ge [sflag:s26], $0x4000  }
0x27: {  	[sflag:s26] =	ssyncset.done $0x0  }
0x28: {  	s20 =	sadd.s32 $0x0, s12;
	[sflag:s26] =	ssyncadd.s32 $0xFFFFC000  }
0x29: {  	[hbm4b:s20+s2] =	stream.linear.scatter [tilespmem:s19], [sflag:$0x2], $0x4000, $0x38;
	[tilespmem:$0x12800] =	vst v63  }
0x2a: {  	s22 =	sadd.s32 $0x0, s11  }
0x2b: {  	[hbm4b:s22+s2] =	stream.linear.scatter [tilespmem:s21], [sflag:$0x2], $0x4000, $0x38;
	[tilespmem:$0x12800] =	vst v63  }
0x2c: {  	_ =	swait.ge [sflag:s28], $0x4000  }
0x2d: {  	[sflag:s28] =	ssyncset.done $0x0  }
0x2e: {  	[sflag:s28] =	ssyncadd.s32 $0xFFFFC000  }
0x2f: {  	_ =	swait.ge [sflag:s28], $0x4000  }
0x30: {  	[sflag:s28] =	ssyncset.done $0x0  }
0x31: {  	s1 =	simm.s32 $0xB00;
	[sflag:s28] =	ssyncadd.s32 $0xFFFFC000  }
0x32: {  	[tilespmem:s19], [sflag:$0x1] =	stream.indirect.gather [hbm4b:s3+s17], $0x80, s1, s17, $0xb8;
	[tilespmem:$0x12800] =	vst v63  }
0x33: {  	s16 =	simm.s32 $0x1F00  }
0x34: {  	[tilespmem:s21], [sflag:$0x1] =	stream.indirect.gather [hbm4b:s3+s17], $0x80, s16, s17, $0xb8;
	[tilespmem:$0x12800] =	vst v63  }
0x35: {  	_ =	swait.ge [sflag:s29], $0x4000  }
0x36: {  	[sflag:s29] =	ssyncset.done $0x0  }
0x37: {  	[sflag:s29] =	ssyncadd.s32 $0xFFFFC000  }
0x38: {  	_ =	swait.ge [sflag:s29], $0x4000  }
0x39: {  	[sflag:s29] =	ssyncset.done $0x0  }
0x3a: {  	s18 =	sadd.s32 $0x0, s13;
	[sflag:s29] =	ssyncadd.s32 $0xFFFFC000  }
0x3b: {  	[hbm4b:s18+s2] =	stream.linear.scatter [tilespmem:s23], [sflag:$0x4], $0x4000, $0x38;
	[tilespmem:$0x12800] =	vst v63  }
0x3c: {  	s20 =	sadd.s32 $0x0, s14  }
0x3d: {  	[hbm4b:s20+s2] =	stream.linear.scatter [tilespmem:s25], [sflag:$0x4], $0x4000, $0x38;
	[tilespmem:$0x12800] =	vst v63  }
0x3e: {  	_ =	swait.ge [sflag:s30], $0x4000  }
0x3f: {  	[sflag:s30] =	ssyncset.done $0x0  }
0x40: {  	[sflag:s30] =	ssyncadd.s32 $0xFFFFC000  }
0x41: {  	s0 =	simm.s32 $0x1000;
	_ =	swait.ge [sflag:s30], $0x4000  }
0x42: {  	s22 =	simm.s32 $0xB80;
	s1 =	simm.s32 $0x1F80;
	[sflag:s30] =	ssyncset.done $0x0  }
0x43: {  	s16 =	simm.s32 $0x2080;
	s18 =	simm.s32 $0xC80;
	[sflag:s30] =	ssyncadd.s32 $0xFFFFC000  }
0x44: {  	[tilespmem:s23], [sflag:$0x3] =	stream.indirect.gather [hbm4b:s3+s17], $0x80, s22, s17, $0xb8;
	[tilespmem:$0x12800] =	vst v63  }
.LBB2_2:
0x45: {  	[tilespmem:s25], [sflag:$0x3] =	stream.indirect.gather [hbm4b:s3+s17], $0x80, s1, s17, $0xb8;
	[tilespmem:$0x12800] =	vst v63  }
0x46: {  	s20 =	smov.u32 s0;
	s1 =	smov.u32 s16  }
0x47: {  	p0 =	sne.s32 s0, $0x8000;
	s0 =	sadd.s32 $0x1000, s0;
	_ =	swait.ge [sflag:s26], $0x4000  }
0x48: {  	[sflag:s26] =	ssyncset.done $0x0  }
0x49: {  	[sflag:s26] =	ssyncadd.s32 $0xFFFFC000  }
0x4a: {  	_ =	swait.ge [sflag:s26], $0x4000  }
0x4b: {  	[sflag:s26] =	ssyncset.done $0x0  }
0x4c: {  	s22 =	sadd.s32 s20, s12;
	[sflag:s26] =	ssyncadd.s32 $0xFFFFC000  }
0x4d: {  	[hbm4b:s22+s2] =	stream.linear.scatter [tilespmem:s19], [sflag:$0x2], $0x4000, $0x38;
	[tilespmem:$0x12800] =	vst v63  }
0x4e: {  	s22 =	sadd.s32 s20, s11  }
0x4f: {  	[hbm4b:s22+s2] =	stream.linear.scatter [tilespmem:s21], [sflag:$0x2], $0x4000, $0x38;
	[tilespmem:$0x12800] =	vst v63  }
0x50: {  	_ =	swait.ge [sflag:s28], $0x4000  }
0x51: {  	[sflag:s28] =	ssyncset.done $0x0  }
0x52: {  	[sflag:s28] =	ssyncadd.s32 $0xFFFFC000  }
0x53: {  	_ =	swait.ge [sflag:s28], $0x4000  }
0x54: {  	[sflag:s28] =	ssyncset.done $0x0  }
0x55: {  	s22 =	sadd.s32 $0xFFFFFF80, s18;
	[sflag:s28] =	ssyncadd.s32 $0xFFFFC000  }
0x56: {  	[tilespmem:s19], [sflag:$0x1] =	stream.indirect.gather [hbm4b:s3+s17], $0x80, s22, s17, $0xb8;
	[tilespmem:$0x12800] =	vst v63  }
0x57: {  	s22 =	sadd.s32 $0xFFFFFF80, s16  }
0x58: {  	[tilespmem:s21], [sflag:$0x1] =	stream.indirect.gather [hbm4b:s3+s17], $0x80, s22, s17, $0xb8;
	[tilespmem:$0x12800] =	vst v63  }
0x59: {  	_ =	swait.ge [sflag:s29], $0x4000  }
0x5a: {  	[sflag:s29] =	ssyncset.done $0x0  }
0x5b: {  	[sflag:s29] =	ssyncadd.s32 $0xFFFFC000  }
0x5c: {  	_ =	swait.ge [sflag:s29], $0x4000  }
0x5d: {  	[sflag:s29] =	ssyncset.done $0x0  }
0x5e: {  	s22 =	sadd.s32 s20, s13;
	[sflag:s29] =	ssyncadd.s32 $0xFFFFC000  }
0x5f: {  	[hbm4b:s22+s2] =	stream.linear.scatter [tilespmem:s23], [sflag:$0x4], $0x4000, $0x38;
	[tilespmem:$0x12800] =	vst v63  }
0x60: {  	s20 =	sadd.s32 s20, s14  }
0x61: {  	[hbm4b:s20+s2] =	stream.linear.scatter [tilespmem:s25], [sflag:$0x4], $0x4000, $0x38;
	[tilespmem:$0x12800] =	vst v63  }
0x62: {  	_ =	swait.ge [sflag:s30], $0x4000  }
0x63: {  	[sflag:s30] =	ssyncset.done $0x0  }
0x64: {  	[sflag:s30] =	ssyncadd.s32 $0xFFFFC000  }
.Ltmp0:
0x65: {  	_ =	swait.ge [sflag:s30], $0x4000;
	(pc) =	sbr.rel @p0 .LBB2_2-.Ltmp0, $4  }
0x66: {  	[sflag:s30] =	ssyncset.done $0x0  }
0x67: {  	[sflag:s30] =	ssyncadd.s32 $0xFFFFC000  }
0x68: {  	[tilespmem:s23], [sflag:$0x3] =	stream.indirect.gather [hbm4b:s3+s17], $0x80, s18, s17, $0xb8;
	[tilespmem:$0x12800] =	vst v63  }
0x69: {  	s16 =	sadd.s32 $0x100, s16;
	s18 =	sadd.s32 $0x100, s18  }
0x6a: {  	[tilespmem:s25], [sflag:$0x3] =	stream.indirect.gather [hbm4b:s3+s17], $0x80, s1, s17, $0xb8;
	[tilespmem:$0x12800] =	vst v63  }
0x6b: {  	_ =	swait.ge [sflag:s26], $0x4000  }
0x6c: {  	[sflag:s26] =	ssyncset.done $0x0  }
0x6d: {  	[sflag:s26] =	ssyncadd.s32 $0xFFFFC000  }
0x6e: {  	_ =	swait.ge [sflag:s26], $0x4000  }
0x6f: {  	[sflag:s26] =	ssyncset.done $0x0  }
0x70: {  	[sflag:s26] =	ssyncadd.s32 $0xFFFFC000  }
0x71: {  	[hbm4b:s7+s2] =	stream.linear.scatter [tilespmem:s19], [sflag:$0x2], $0x4000, $0x38;
	[tilespmem:$0x12800] =	vst v63  }
0x72: {  	_ = 	snop  }
0x73: {  	[hbm4b:s8+s2] =	stream.linear.scatter [tilespmem:s21], [sflag:$0x2], $0x4000, $0x38;
	[tilespmem:$0x12800] =	vst v63  }
0x74: {  	_ =	swait.ge [sflag:s29], $0x4000  }
0x75: {  	[sflag:s29] =	ssyncset.done $0x0  }
0x76: {  	[sflag:s29] =	ssyncadd.s32 $0xFFFFC000  }
0x77: {  	_ =	swait.ge [sflag:s29], $0x4000  }
0x78: {  	[sflag:s29] =	ssyncset.done $0x0  }
0x79: {  	[sflag:s29] =	ssyncadd.s32 $0xFFFFC000  }
0x7a: {  	[hbm4b:s9+s2] =	stream.linear.scatter [tilespmem:s23], [sflag:$0x4], $0x4000, $0x38;
	[tilespmem:$0x12800] =	vst v63  }
0x7b: {  	_ = 	snop  }
0x7c: {  	[hbm4b:s10+s2] =	stream.linear.scatter [tilespmem:s25], [sflag:$0x4], $0x4000, $0x38;
	[tilespmem:$0x12800] =	vst v63  }
0x7d: {  	_ =	swait.ge [sflag:s28], $0x4000  }
0x7e: {  	[sflag:s28] =	ssyncset.done $0x0  }
0x7f: {  	[sflag:s28] =	ssyncadd.s32 $0xFFFFC000  }
0x80: {  	_ =	swait.ge [sflag:s28], $0x4000  }
0x81: {  	[sflag:s28] =	ssyncset.done $0x0  }
0x82: {  	s31 =	sadd.s32 $0x1, s31;
	[sflag:s28] =	ssyncadd.s32 $0xFFFFC000  }
0x83: {  	p0 =	sne.s32 s31, s6;
	_ =	swait.ge [sflag:s30], $0x4000  }
.Ltmp1:
0x84: {  	[sflag:s30] =	ssyncset.done $0x0;
	(pc) =	sbr.rel @p0 .LBB2_1-.Ltmp1, $4  }
0x85: {  	[sflag:s30] =	ssyncadd.s32 $0xFFFFC000  }
0x86: {  	_ =	swait.ge [sflag:s30], $0x4000  }
0x87: {  	[sflag:s30] =	ssyncset.done $0x0  }
0x88: {  	[sflag:s30] =	ssyncadd.s32 $0xFFFFC000  }
0x89: {  	_ =	sfence.sel $0x180000  }
0x8a: {  	[bflag:$0x0] =	sbarrier.arrive $0xFFFF  }
0x8b: {  	_ =	strace $0x90000047  }
0x8c: {  	s0 =	stileid.u32;
	[bflag:$0x2] =	sbarrier.arrive $0xFFFF  }
0x8d: {  	p0 =	sne.s32 s0, $0x0;
	s0 =	rddreg [dreg:$0x1]  }
0x8e: {  	s0 =	sadd.s32 @!p0 $0x100000, s0  }
0x8f: {  	[sflag:s0] =	ssyncadd.tile.s32 @!p0 $0x1;
	_ =	shalt  }
.Lfunc_end2:
_tile_overlayer_lowered:
.L_overlay_start_2:
0x90: {  	(tag) =	ssettag $0x2  }
0x91: {  	s0 =	rddreg [dreg:$0x0];
	s2 =	stileid.u32  }
0x92: {  	s1 =	rddreg [dreg:$0x1];
	p0 =	sne.s32 s2, $0x0  }
0x93: {  	s3 =	rddreg [dreg:$0x2];
	[bflag:$0x3] =	sbarrier.arrive $0xFFFF;
	s2 =	simm.s32 @!p0 $0x1C05  }
0x94: {  	[timem:s3], [sflag:s2] =	dma.local @!p0 [hbm:s0], s1  }
0x95: {  	s0 =	simm.s32 @!p0 $0x5  }
0x96: {  	_ =	swait.ge @!p0 [sflag:s0], s1  }
0x97: {  	s1 =	ssub.s32 @!p0 $0x0, s1;
	[sflag:s0] =	ssyncset.done @!p0 $0x0  }
0x98: {  	[sflag:s0] =	ssyncadd.s32 @!p0 s1  }
0x99: {  	[bflag:$0x3] =	sbarrier.arrive $0xFFFF  }
0x9a: {  	_ =	shalt  }

// kernel: kernel.23.cloned.1.call-start
scs
__scs_entry_jumppad:
0x0: {  	(pc) =	sbr.rel $0x88, $3  }
0x1: {  	(tag) =	ssettag $0x0;
	lr =	simm.s32 $0x1  }
0x2: {  	[smem:$0x3F68] =	sst lr;
	_ =	strace $0xD0000000  }
0x3: {  	_ = 	snop  }
0x4: {  	_ = 	snop  }
0x5: {  	_ = 	snop  }
0x6: {  	_ = 	snop  }
0x7: {  	_ = 	snop  }
__scs_overlays_trampoline_lowered:
0x8: {  	[smem:$0x3F77] =	sst s0  }
0x9: {  	[smem:$0x3F78] =	sst s1  }
0xa: {  	[smem:$0x3F79] =	sst s2  }
0xb: {  	[smem:$0x3F7A] =	sst s3  }
0xc: {  	[smem:$0x3F7B] =	sst s4  }
0xd: {  	[smem:$0x3F7C] =	sst s5  }
0xe: {  	[smem:$0x3F7D] =	sst s6  }
0xf: {  	[smem:$0x3F7E] =	sst s7  }
0x10: {  	[smem:$0x3F7F] =	sst s8  }
0x11: {  	[smem:$0x3F80] =	sst s9;
	s0 =	simm.s32 @!p0 $0x0  }
0x12: {  	s1 =	sld [smem:$0x3F66];
	s0 =	simm.s32 @p0 $0x1  }
0x13: {  	[smem:$0x3F81] =	sst s0;
	s0 =	simm.s32 @!p1 $0x0  }
0x14: {  	s2 =	sld [smem:$0x3F65];
	s0 =	simm.s32 @p1 $0x1  }
0x15: {  	[smem:$0x3F82] =	sst s0;
	s0 =	simm.s32 @!p2 $0x0  }
0x16: {  	s3 =	sld [smem:$0x3FDB];
	s0 =	simm.s32 @p2 $0x1  }
0x17: {  	s4 =	simm.s32 $0x1BF5;
	[smem:$0x3F84] =	sst s0  }
0x18: {  	s0 =	sld [smem:$0x3F67];
	_ =	swait.ge [sflag:s4], $0x0  }
0x19: {  	s7 =	sld [smem:$0x3F68]  }
0x1a: {  	s8 =	sadd.s32 $0xFFFFE003, lr  }
0x1b: {  	s9 =	sadd.s32 $0xFFFFFEF7, lr;
	s5 =	simm.s32 $0xFFFFFFFF;
	p2 =	slt.u32 s8, $0xFFFFF086  }
0x1c: {  	p1 =	slt.u32 s9, $0xF7A;
	s5 =	simm.s32 @!p2 $0x0  }
0x1d: {  	s5 =	simm.s32 @p1 $0x1;
	p0 =	seq.s32 s7, s2  }
0x1e: {  	s7 =	smul.u32 @!p0 $0xF7A, s2;
	p2 =	seq.s32 @!p0 s5, $0x0  }
0x1f: {  	s9 =	smul.u32 $0xF7A, s1;
	s8 =	simm.s32 @!p0 $0x1BF5;
	p2 =	por !p2, p0  }
0x20: {  	[sflag:s8] =	ssyncset.s32 @!p0 $0xFFFFF086;
	s6 =	sadd.s32 @!p0 s3, s7;
	s7 =	simm.s32 @!p0 $0x108  }
0x21: {  	s3 =	sadd.s32 s3, s9;
	s6 =	sadd.s32 @!p0 $0x88, s6;
	s7 =	simm.s32 @p2 $0x1082  }
0x22: {  	[simem:s7], [sflag:s8] =	dma.local @!p0 [hbm:s6], $0xF7A  }
0x23: {  	s9 =	sor.u32 $0xD0000000, s2;
	s6 =	simm.s32 $0x108;
	_ =	swait.ge @!p0 [sflag:s8], $0x0  }
0x24: {  	s3 =	sadd.s32 $0x88, s3;
	s6 =	simm.s32 @!p1 $0x1082;
	[sflag:s4] =	ssyncset.s32 $0xFFFFF086  }
0x25: {  	[simem:s6], [sflag:s4] =	dma.local [hbm:s3], $0xF7A  }
0x26: {  	[smem:$0x3F68] =	sst s1;
	(tag) =	ssettag s2;
	_ =	strace s9  }
0x27: {  	s1 =	sld [smem:$0x3F78]  }
0x28: {  	s2 =	sld [smem:$0x3F79]  }
0x29: {  	s4 =	sld [smem:$0x3F7B]  }
0x2a: {  	p0 =	seq.s32 s5, $0x0;
	s5 =	sld [smem:$0x3F7C]  }
0x2b: {  	s6 =	sld [smem:$0x3F7D]  }
0x2c: {  	s7 =	sld [smem:$0x3F7E]  }
0x2d: {  	s3 =	simm.s32 $0x108;
	s8 =	sld [smem:$0x3F7F]  }
0x2e: {  	s3 =	simm.s32 @!p0 $0x1082;
	s9 =	sld [smem:$0x3F80]  }
0x2f: {  	lr =	sadd.s32 s0, s3;
	s0 =	sld [smem:$0x3F77]  }
0x30: {  	s3 =	sld [smem:$0x3F7A]  }
0x31: {  	[smem:$0x3F83] =	sst s10  }
0x32: {  	s10 =	sld [smem:$0x3F81];
	_ =	sdelay $0x3  }
0x33: {  	p0 =	seq.s32 s10, $0x1;
	s10 =	sld [smem:$0x3F83];
	_ =	sdelay $0x3  }
0x34: {  	[smem:$0x3F83] =	sst s10  }
0x35: {  	s10 =	sld [smem:$0x3F82];
	_ =	sdelay $0x3  }
0x36: {  	p1 =	seq.s32 s10, $0x1;
	s10 =	sld [smem:$0x3F83];
	_ =	sdelay $0x3  }
0x37: {  	[smem:$0x3F83] =	sst s10  }
0x38: {  	s10 =	sld [smem:$0x3F84]  }
0x39: {  	_ = 	snop;
	(pc) =	sbr.ind lr, $3  }
0x3a: {  	_ = 	snop  }
0x3b: {  	_ = 	snop  }
0x3c: {  	p2 =	seq.s32 s10, $0x1;
	s10 =	sld [smem:$0x3F83]  }
0x3d: {  	_ =	shalt  }
0x3e: {  	_ =	shalt  }
0x3f: {  	_ =	shalt  }
0x40: {  	_ =	shalt  }
0x41: {  	_ =	shalt  }
0x42: {  	_ =	shalt  }
0x43: {  	_ =	shalt  }
0x44: {  	_ =	shalt  }
0x45: {  	_ =	shalt  }
0x46: {  	_ =	shalt  }
0x47: {  	_ =	shalt  }
0x48: {  	_ =	shalt  }
0x49: {  	_ =	shalt  }
0x4a: {  	_ =	shalt  }
0x4b: {  	_ =	shalt  }
0x4c: {  	_ =	shalt  }
0x4d: {  	_ =	shalt  }
0x4e: {  	_ =	shalt  }
0x4f: {  	_ =	shalt  }
0x50: {  	_ =	shalt  }
0x51: {  	_ =	shalt  }
0x52: {  	_ =	shalt  }
0x53: {  	_ =	shalt  }
0x54: {  	_ =	shalt  }
0x55: {  	_ =	shalt  }
0x56: {  	_ =	shalt  }
0x57: {  	_ =	shalt  }
0x58: {  	_ =	shalt  }
0x59: {  	_ =	shalt  }
0x5a: {  	_ =	shalt  }
0x5b: {  	_ =	shalt  }
0x5c: {  	_ =	shalt  }
0x5d: {  	_ =	shalt  }
0x5e: {  	_ =	shalt  }
0x5f: {  	_ =	shalt  }
0x60: {  	_ =	shalt  }
0x61: {  	_ =	shalt  }
0x62: {  	_ =	shalt  }
0x63: {  	_ =	shalt  }
0x64: {  	_ =	shalt  }
0x65: {  	_ =	shalt  }
0x66: {  	_ =	shalt  }
0x67: {  	_ =	shalt  }
0x68: {  	_ =	shalt  }
0x69: {  	_ =	shalt  }
0x6a: {  	_ =	shalt  }
0x6b: {  	_ =	shalt  }
0x6c: {  	_ =	shalt  }
0x6d: {  	_ =	shalt  }
0x6e: {  	_ =	shalt  }
0x6f: {  	_ =	shalt  }
0x70: {  	_ =	shalt  }
0x71: {  	_ =	shalt  }
0x72: {  	_ =	shalt  }
0x73: {  	_ =	shalt  }
0x74: {  	_ =	shalt  }
0x75: {  	_ =	shalt  }
0x76: {  	_ =	shalt  }
0x77: {  	_ =	shalt  }
0x78: {  	_ =	shalt  }
0x79: {  	_ =	shalt  }
0x7a: {  	_ =	shalt  }
0x7b: {  	_ =	shalt  }
0x7c: {  	_ =	shalt  }
0x7d: {  	_ =	shalt  }
0x7e: {  	_ =	shalt  }
0x7f: {  	_ =	shalt  }
0x80: {  	_ =	shalt  }
0x81: {  	_ =	shalt  }
0x82: {  	_ =	shalt  }
0x83: {  	_ =	shalt  }
0x84: {  	_ =	shalt  }
0x85: {  	_ =	shalt  }
0x86: {  	_ =	shalt  }
0x87: {  	_ =	shalt  }
.Lfunc_end0:
.L_simem_size_0:
called_computation.2_lowered:
.L_overlay_start_0:
0x88: {  	s2 =	sld [smem:$0x3FD9]  }
0x89: {  	s3 =	sld [smem:$0x3FFE];
	_ =	sdelay $0x1  }
0x8a: {  	s1 =	srdreg.scid  }
0x8b: {  	s0 =	sand.u32 $0x1, s1  }
0x8c: {  	s17 =	sshll.u32 s0, $0xA;
	s2 =	sadd.s32 s3, s2  }
0x8d: {  	s2 =	sadd.s32 s2, s17  }
0x8e: {  	[smem:$0x3F8F] =	sst s2  }
0x8f: {  	_ = 	snop  }
0x90: {  	(tm) =	ssettm $0x1  }
0x91: {  	s18 =	sld [smem:$0x3FFB];
	_ =	sdelay $0x3  }
0x92: {  	_ =	strace s18  }
0x93: {  	s2 =	sld [smem:$0x3FFC];
	_ =	sdelay $0x3  }
0x94: {  	_ =	strace s2  }
0x95: {  	s2 =	sld [smem:$0x3FFD];
	_ =	sdelay $0x3  }
0x96: {  	_ =	strace s2  }
0x97: {  	_ =	strace $0x8FFFFFFF  }
0x98: {  	s19 =	sld [smem:$0x3FDB];
	_ =	sdelay $0x1  }
0x99: {  	s20 =	simm.s32 $_scs_section_size  }
0x9a: {  	s4 =	simm.s32 $_size__tile_overlayer_lowered;
	s5 =	simm.s32 $_tile_overlayer_lowered  }
0x9b: {  	s6 =	simm.s32 $0x1BFF;
	s21 =	sshll.u32 s5, $0x1;
	s3 =	sadd.s32 s20, s19  }
0x9c: {  	s22 =	simm.s32 $0x0;
	s4 =	sshll.u32 s4, $0x1;
	s5 =	sadd.s32 s21, s3  }
0x9d: {  	[timem:s22], [sflag:s6] =	dma.local [hbm:s5], s4  }
0x9e: {  	_ =	swait.ge [sflag:s6], s4  }
0x9f: {  	s4 =	ssub.s32 $0x0, s4;
	[sflag:s6] =	ssyncset.done $0x0  }
0xa0: {  	[sflag:s6] =	ssyncadd.s32 s4;
	_ =	sdelay $0x1  }
0xa1: {  	s23 =	simm.s32 $0x1B8B  }
0xa2: {  	_ =	swait.ge [sflag:s23], $0x1  }
0xa3: {  	[sflag:s23] =	ssyncset.done $0x0  }
0xa4: {  	[sflag:s23] =	ssyncadd.s32 $0xFFFFFFFF  }
0xa5: {  	s4 =	sld [smem:$0x0]  }
0xa6: {  	s5 =	sand.u32 $0xFFFFFFFE, s1  }
0xa7: {  	p0 =	sne.s32 s1, s5  }
0xa8: {  	s5 =	sshll.u32 @p0 s5, $0xE  }
0xa9: {  	s5 =	sadd.s32 @p0 $0x11B8D, s5;
	s6 =	sshll.u32 @p0 s4, $0x11  }
0xaa: {  	s5 =	sor.u32 @p0 s6, s5  }
0xab: {  	[sflag:s5] =	ssyncadd.remote.s32 @p0 $0x1;
	_ =	sdelay $0x1  }
0xac: {  	s5 =	simm.s32 @p0 $0x1B8D  }
0xad: {  	_ =	swait.eq @p0 [sflag:s5], $0x1  }
0xae: {  	[sflag:s5] =	ssyncadd.s32 @p0 $0xFFFFFFFF  }
0xaf: {  	s6 =	sshll.u32 @!p0 s1, $0xE  }
0xb0: {  	s6 =	sor.u32 @!p0 $0x4000, s6;
	s5 =	simm.s32 @!p0 $0x1B8D  }
0xb1: {  	s4 =	sshll.u32 @!p0 s4, $0x11;
	s6 =	sadd.s32 @!p0 $0x11B8D, s6;
	_ =	swait.eq @!p0 [sflag:s5], $0x1  }
0xb2: {  	s4 =	sor.u32 @!p0 s4, s6;
	[sflag:s5] =	ssyncadd.s32 @!p0 $0xFFFFFFFF  }
0xb3: {  	s25 =	simm.s32 $0x1B8E;
	s24 =	sld [smem:$0x3FFE];
	[sflag:s4] =	ssyncadd.remote.s32 @!p0 $0x1  }
0xb4: {  	s26 =	simm.s32 $execute0_lowered;
	[smem:$0x3FD2] =	sst s25  }
0xb5: {  	s5 =	sshll.u32 s26, $0x1;
	_ =	strace $0x8000004F;
	[dreg:$0x1] =	wrdreg $0xFFFFFFFF  }
0xb6: {  	s28 =	simm.s32 $_size_execute0_lowered;
	s3 =	sadd.s32 s3, s5;
	[dreg:$0x0] =	wrdreg $0x0  }
0xb7: {  	s5 =	sshll.u32 s28, $0x1;
	[dreg:$0x2] =	wrdreg s3  }
0xb8: {  	[dreg:$0x3] =	wrdreg s5  }
0xb9: {  	[dreg:$0x4] =	wrdreg $0xC0  }
0xba: {  	_ =	task [dreg:s22], $0x5FFFF  }
0xbb: {  	[dreg:$0x1] =	wrdreg $0xFFFFFFFF  }
0xbc: {  	[dreg:$0x0] =	wrdreg $0x60  }
0xbd: {  	[dreg:$0x2] =	wrdreg s24  }
0xbe: {  	[dreg:$0x3] =	wrdreg $0x81000  }
0xbf: {  	[dreg:$0x4] =	wrdreg $0x9  }
0xc0: {  	_ =	task.clear_ibuf [dreg:s22], $0x5FFFF;
	_ =	strace $0x9000004F  }
0xc1: {  	s29 =	simm.s32 $0x9;
	_ =	strace $0x80000051  }
0xc2: {  	_ =	swait.ge [sflag:s29], $0x1  }
0xc3: {  	[sflag:s29] =	ssyncadd.s32 $0xFFFFFFFF  }
0xc4: {  	_ =	strace $0x90000051  }
0xc5: {  	_ =	sfence  }
0xc6: {  	s30 =	sld [smem:$0x0];
	_ =	sdelay $0x2  }
0xc7: {  	s31 =	sshll.u32 s1, $0xD;
	s1 =	sshrl.u32 s1, $0x2  }
0xc8: {  	s4 =	sand.u32 $0x4000, s31;
	s1 =	sadd.s32 s1, s30  }
0xc9: {  	s0 =	sor.u32 s4, s0;
	s1 =	sshll.u32 s1, $0x11  }
0xca: {  	s0 =	sor.u32 s1, s0  }
0xcb: {  	s0 =	sadd.s32 $0x8F2B, s0  }
0xcc: {  	[sflag:s0] =	ssyncadd.remote.s32 $0x1  }
0xcd: {  	_ =	sfence.sel $0xFFFF  }
0xce: {  	[dreg:$0x0] =	wrdreg $0xFFFFFFFF;
	(pc) =	sbr.abs _section_cstart, $3  }
0xcf: {  	[dreg:$0x1] =	wrdreg $0xFFFFFFFF  }
0xd0: {  	_ =	task.clear_ibuf [dreg:s22], $0x2FFFF;
	_ =	strace $0x9FFFFFFF  }
0xd1: {  	(tm) =	ssettm $0x7FFFFFFF  }
tec
execute0_lowered:
.L_overlay_start_1:
0x0: {  	(tag) =	ssettag $0x1  }
0x1: {  	s4 =	rddreg [dreg:$0x0]  }
0x2: {  	s2 =	rddreg [dreg:$0x1];
	s1 =	stileid.u32  }
0x3: {  	s0 =	rddreg [dreg:$0x2];
	s3 =	simm.s32 $0x0;
	s5 =	smul.u32 $0x14000, s1  }
0x4: {  	s6 =	srdreg.scid;
	s20 =	simm.s32 $0x1;
	s8 =	smul.u32 $0x50000, s1  }
0x5: {  	s21 =	simm.s32 $0x2;
	[smem:$0x7FF] =	sst s3;
	s18 =	smul.u32 $0xA0000, s1  }
0x6: {  	s12 =	sand.u32 $0x1, s6;
	s13 =	sadd.s32 $0xBA200, s4;
	s29 =	smul.u32 $0x280, s1  }
0x7: {  	s14 =	sadd.s32 $0xC000, s4;
	s23 =	sshll.u32 s1, $0x1;
	s7 =	smul.u32 $0x140000, s12  }
0x8: {  	s26 =	sshll.u32 s1, $0x6;
	_ =	strace $0x80000050;
	s19 =	smul.u32 $0x50000, s12  }
0x9: {  	s9 =	ssub.s32 $0x2, s12;
	s25 =	sshll.u32 s12, $0x9;
	s30 =	smul.u32 $0x140, s12  }
0xa: {  	s22 =	sshrl.u32 s5, $0x3;
	s10 =	sshrl.u32 s9, $0x1;
	s8 =	sshrl.u32 s8, $0x2  }
0xb: {  	s6 =	sadd.s32 s22, s4;
	s5 =	sadd.s32 s5, s7;
	s7 =	sor.u32 s12, s23  }
0xc: {  	s16 =	ssub.s32 s9, s10;
	s17 =	sadd.s32 s8, s2;
	s28 =	sadd.s32 s19, s18  }
0xd: {  	s19 =	simm.s32 $0x4100;
	s22 =	simm.s32 $0x0;
	s11 =	smul.u32 $0xA00, s7  }
0xe: {  	s5 =	sshrl.u32 s5, $0x3;
	s7 =	smul.u32 $0xA000, s7;
	s18 =	sor.u32 $0xC000, s28  }
0xf: {  	s15 =	sadd.s32 s5, s4;
	s4 =	sadd.s32 $0x42200, s6;
	s5 =	sor.u32 $0x1C03, s26  }
0x10: {  	s31 =	sshrl.u32 s18, $0x3;
	s18 =	simm.s32 $0x80;
	s24 =	sand.u32 $0x1FC00, s11  }
0x11: {  	s7 =	sadd.s32 s13, s7;
	s10 =	sadd.s32 $0x1FA200, s15;
	s11 =	smax.u32 s16, $0x1  }
0x12: {  	s15 =	sor.u32 $0x8000, s28;
	s12 =	sadd.s32 s31, s13;
	s6 =	sor.u32 s25, s24  }
0x13: {  	s16 =	simm.s32 $0x3;
	s9 =	sadd.s32 $0x800, s7;
	s6 =	sshrl.u32 s6, $0x3  }
0x14: {  	s15 =	sshrl.u32 s15, $0x3;
	s6 =	sadd.s32 s14, s6;
	s14 =	sadd.s32 s29, s14  }
0x15: {  	s13 =	sadd.s32 s15, s13;
	s15 =	sshrl.u32 s17, $0x3;
	s14 =	sadd.s32 s30, s14  }
0x16: {  	s17 =	simm.s32 $0x100;
	s8 =	sadd.s32 $0x10, s6;
	s14 =	sadd.s32 $0x30, s14  }
.LBB2_1:
0x17: {  	[spmem:s15], [sflag:s5] =	dma.local [hbm:s4], $0x2800  }
0x18: {  	_ =	swait.ge [sflag:s16], $0x2800  }
0x19: {  	[sflag:s16] =	ssyncset.done $0x0  }
0x1a: {  	[sflag:s16] =	ssyncadd.s32 $0xFFFFD800  }
0x1b: {  	[bflag:$0x0] =	sbarrier.arrive $0xFFFF  }
0x1c: {  	[tilespmem:s3], [sflag:$0x1] =	stream.linear.gather [hbm4b:s6+s3], $0x80, $0x38;
	[tilespmem:$0x1C100] =	vst v63  }
0x1d: {  	_ = 	snop  }
0x1e: {  	[tilespmem:s17], [sflag:$0x1] =	stream.linear.gather [hbm4b:s7+s3], $0x4000, $0x38;
	[tilespmem:$0x1C100] =	vst v63  }
0x1f: {  	_ = 	snop  }
0x20: {  	[tilespmem:s18], [sflag:$0x2] =	stream.linear.gather [hbm4b:s8+s3], $0x80, $0x38;
	[tilespmem:$0x1C100] =	vst v63  }
0x21: {  	_ = 	snop  }
0x22: {  	[tilespmem:s19], [sflag:$0x2] =	stream.linear.gather [hbm4b:s9+s3], $0x4000, $0x38;
	[tilespmem:$0x1C100] =	vst v63  }
0x23: {  	_ =	swait.ge [sflag:s20], $0x80  }
0x24: {  	[sflag:s20] =	ssyncset.done $0x0  }
0x25: {  	[sflag:s20] =	ssyncadd.s32 $0xFFFFFF80  }
0x26: {  	_ =	swait.ge [sflag:s20], $0x4000  }
0x27: {  	[sflag:s20] =	ssyncset.done $0x0  }
0x28: {  	[sflag:s20] =	ssyncadd.s32 $0xFFFFC000  }
0x29: {  	[spmem:s2] =	stream.indirect.scatter.add.f32 [tilespmem:s17], [sflag:$0x3], $0x80, s3, s18, $0xb8;
	[tilespmem:$0x1C100] =	vst v63  }
0x2a: {  	_ =	swait.ge [sflag:s16], $0x4000  }
0x2b: {  	[sflag:s16] =	ssyncset.done $0x0  }
0x2c: {  	s23 =	sadd.s32 $0xFFFFFFF0, s14;
	[sflag:s16] =	ssyncadd.s32 $0xFFFFC000  }
0x2d: {  	[tilespmem:s3], [sflag:$0x1] =	stream.linear.gather [hbm4b:s23+s3], $0x80, $0x38;
	[tilespmem:$0x1C100] =	vst v63  }
0x2e: {  	s31 =	sadd.s32 $0x0, s13  }
0x2f: {  	[tilespmem:s17], [sflag:$0x1] =	stream.linear.gather [hbm4b:s31+s3], $0x4000, $0x38;
	[tilespmem:$0x1C100] =	vst v63  }
0x30: {  	_ =	swait.ge [sflag:s21], $0x80  }
0x31: {  	[sflag:s21] =	ssyncset.done $0x0  }
0x32: {  	[sflag:s21] =	ssyncadd.s32 $0xFFFFFF80  }
0x33: {  	_ =	swait.ge [sflag:s21], $0x4000  }
0x34: {  	[sflag:s21] =	ssyncset.done $0x0  }
0x35: {  	[sflag:s21] =	ssyncadd.s32 $0xFFFFC000  }
0x36: {  	[spmem:s2] =	stream.indirect.scatter.add.f32 [tilespmem:s19], [sflag:$0x3], $0x80, s18, s18, $0xb8;
	[tilespmem:$0x1C100] =	vst v63  }
0x37: {  	_ =	swait.ge [sflag:s16], $0x4000  }
0x38: {  	s25 =	sadd.s32 $0x0, s12;
	[sflag:s16] =	ssyncset.done $0x0  }
0x39: {  	s24 =	sadd.s32 $0x20, s14;
	s23 =	simm.s32 $0x1000;
	[sflag:s16] =	ssyncadd.s32 $0xFFFFC000  }
0x3a: {  	[tilespmem:s18], [sflag:$0x2] =	stream.linear.gather [hbm4b:s14+s3], $0x80, $0x38;
	[tilespmem:$0x1C100] =	vst v63  }
.LBB2_2:
0x3b: {  	[tilespmem:s19], [sflag:$0x2] =	stream.linear.gather [hbm4b:s25+s3], $0x4000, $0x38;
	[tilespmem:$0x1C100] =	vst v63  }
0x3c: {  	s25 =	smov.u32 s23  }
0x3d: {  	p0 =	sne.s32 s23, $0x8000;
	s23 =	sadd.s32 $0x1000, s23;
	_ =	swait.ge [sflag:s20], $0x80  }
0x3e: {  	[sflag:s20] =	ssyncset.done $0x0  }
0x3f: {  	[sflag:s20] =	ssyncadd.s32 $0xFFFFFF80  }
0x40: {  	_ =	swait.ge [sflag:s20], $0x4000  }
0x41: {  	[sflag:s20] =	ssyncset.done $0x0  }
0x42: {  	[sflag:s20] =	ssyncadd.s32 $0xFFFFC000  }
0x43: {  	[spmem:s2] =	stream.indirect.scatter.add.f32 [tilespmem:s17], [sflag:$0x3], $0x80, s3, s18, $0xb8;
	[tilespmem:$0x1C100] =	vst v63  }
0x44: {  	_ =	swait.ge [sflag:s16], $0x4000  }
0x45: {  	[sflag:s16] =	ssyncset.done $0x0  }
0x46: {  	s26 =	sadd.s32 $0xFFFFFFF0, s24;
	[sflag:s16] =	ssyncadd.s32 $0xFFFFC000  }
0x47: {  	[tilespmem:s3], [sflag:$0x1] =	stream.linear.gather [hbm4b:s26+s3], $0x80, $0x38;
	[tilespmem:$0x1C100] =	vst v63  }
0x48: {  	s26 =	sadd.s32 s25, s13  }
0x49: {  	[tilespmem:s17], [sflag:$0x1] =	stream.linear.gather [hbm4b:s26+s3], $0x4000, $0x38;
	[tilespmem:$0x1C100] =	vst v63  }
0x4a: {  	_ =	swait.ge [sflag:s21], $0x80  }
0x4b: {  	[sflag:s21] =	ssyncset.done $0x0  }
0x4c: {  	[sflag:s21] =	ssyncadd.s32 $0xFFFFFF80  }
0x4d: {  	_ =	swait.ge [sflag:s21], $0x4000  }
0x4e: {  	[sflag:s21] =	ssyncset.done $0x0  }
0x4f: {  	[sflag:s21] =	ssyncadd.s32 $0xFFFFC000  }
0x50: {  	[spmem:s2] =	stream.indirect.scatter.add.f32 [tilespmem:s19], [sflag:$0x3], $0x80, s18, s18, $0xb8;
	[tilespmem:$0x1C100] =	vst v63  }
.Ltmp0:
0x51: {  	_ =	swait.ge [sflag:s16], $0x4000;
	(pc) =	sbr.rel @p0 .LBB2_2-.Ltmp0, $4  }
0x52: {  	[sflag:s16] =	ssyncset.done $0x0  }
0x53: {  	[sflag:s16] =	ssyncadd.s32 $0xFFFFC000  }
0x54: {  	[tilespmem:s18], [sflag:$0x2] =	stream.linear.gather [hbm4b:s24+s3], $0x80, $0x38;
	[tilespmem:$0x1C100] =	vst v63  }
0x55: {  	s25 =	sadd.s32 s25, s12;
	s24 =	sadd.s32 $0x20, s24  }
0x56: {  	[tilespmem:s19], [sflag:$0x2] =	stream.linear.gather [hbm4b:s25+s3], $0x4000, $0x38;
	[tilespmem:$0x1C100] =	vst v63  }
0x57: {  	_ =	swait.ge [sflag:s20], $0x80  }
0x58: {  	[sflag:s20] =	ssyncset.done $0x0  }
0x59: {  	[sflag:s20] =	ssyncadd.s32 $0xFFFFFF80  }
0x5a: {  	_ =	swait.ge [sflag:s20], $0x4000  }
0x5b: {  	[sflag:s20] =	ssyncset.done $0x0  }
0x5c: {  	[sflag:s20] =	ssyncadd.s32 $0xFFFFC000  }
0x5d: {  	[spmem:s2] =	stream.indirect.scatter.add.f32 [tilespmem:s17], [sflag:$0x3], $0x80, s3, s18, $0xb8;
	[tilespmem:$0x1C100] =	vst v63  }
0x5e: {  	_ =	swait.ge [sflag:s16], $0x4000  }
0x5f: {  	[sflag:s16] =	ssyncset.done $0x0  }
0x60: {  	[sflag:s16] =	ssyncadd.s32 $0xFFFFC000  }
0x61: {  	_ =	swait.ge [sflag:s21], $0x80  }
0x62: {  	[sflag:s21] =	ssyncset.done $0x0  }
0x63: {  	[sflag:s21] =	ssyncadd.s32 $0xFFFFFF80  }
0x64: {  	_ =	swait.ge [sflag:s21], $0x4000  }
0x65: {  	[sflag:s21] =	ssyncset.done $0x0  }
0x66: {  	[sflag:s21] =	ssyncadd.s32 $0xFFFFC000  }
0x67: {  	[spmem:s2] =	stream.indirect.scatter.add.f32 [tilespmem:s19], [sflag:$0x3], $0x80, s18, s18, $0xb8;
	[tilespmem:$0x1C100] =	vst v63  }
0x68: {  	_ =	swait.ge [sflag:s16], $0x4000  }
0x69: {  	s22 =	sadd.s32 $0x1, s22;
	[sflag:s16] =	ssyncset.done $0x0  }
0x6a: {  	p0 =	sne.s32 s22, s11;
	[sflag:s16] =	ssyncadd.s32 $0xFFFFC000  }
.Ltmp1:
0x6b: {  	[bflag:$0x0] =	sbarrier.arrive $0xFFFF;
	(pc) =	sbr.rel @p0 .LBB2_1-.Ltmp1, $4  }
0x6c: {  	[hbm:s10], [sflag:s5] =	dma.local [spmem:s15], $0x2800  }
0x6d: {  	_ =	swait.ge [sflag:s16], $0x2800  }
0x6e: {  	[sflag:s16] =	ssyncset.done $0x0  }
0x6f: {  	[sflag:s16] =	ssyncadd.s32 $0xFFFFD800  }
0x70: {  	_ =	sfence.sel $0x180000  }
0x71: {  	[bflag:$0x0] =	sbarrier.arrive $0xFFFF  }
0x72: {  	p0 =	sne.s32 s1, $0x0;
	_ =	strace $0x90000050  }
0x73: {  	s0 =	sadd.s32 @!p0 $0x100000, s0;
	[bflag:$0x2] =	sbarrier.arrive $0xFFFF  }
0x74: {  	[sflag:s0] =	ssyncadd.tile.s32 @!p0 $0x1;
	_ =	shalt  }
.Lfunc_end2:
_tile_overlayer_lowered:
.L_overlay_start_2:
0x75: {  	(tag) =	ssettag $0x2  }
0x76: {  	s0 =	rddreg [dreg:$0x0];
	s2 =	stileid.u32  }
0x77: {  	s1 =	rddreg [dreg:$0x1];
	p0 =	sne.s32 s2, $0x0  }
0x78: {  	s3 =	rddreg [dreg:$0x2];
	[bflag:$0x3] =	sbarrier.arrive $0xFFFF;
	s2 =	simm.s32 @!p0 $0x1C03  }
0x79: {  	[timem:s3], [sflag:s2] =	dma.local @!p0 [hbm:s0], s1  }
0x7a: {  	s0 =	simm.s32 @!p0 $0x3  }
0x7b: {  	_ =	swait.ge @!p0 [sflag:s0], s1  }
0x7c: {  	s1 =	ssub.s32 @!p0 $0x0, s1;
	[sflag:s0] =	ssyncset.done @!p0 $0x0  }
0x7d: {  	[sflag:s0] =	ssyncadd.s32 @!p0 s1  }
0x7e: {  	[bflag:$0x3] =	sbarrier.arrive $0xFFFF  }
0x7f: {  	_ =	shalt  }

// kernel: kernel.26.cloned.1.call-start
scs
__scs_entry_jumppad:
0x0: {  	(pc) =	sbr.rel $0x88, $3  }
0x1: {  	(tag) =	ssettag $0x0;
	lr =	simm.s32 $0x1  }
0x2: {  	[smem:$0x3F68] =	sst lr;
	_ =	strace $0xD0000000  }
0x3: {  	_ = 	snop  }
0x4: {  	_ = 	snop  }
0x5: {  	_ = 	snop  }
0x6: {  	_ = 	snop  }
0x7: {  	_ = 	snop  }
__scs_overlays_trampoline_lowered:
0x8: {  	[smem:$0x3F77] =	sst s0  }
0x9: {  	[smem:$0x3F78] =	sst s1  }
0xa: {  	[smem:$0x3F79] =	sst s2  }
0xb: {  	[smem:$0x3F7A] =	sst s3  }
0xc: {  	[smem:$0x3F7B] =	sst s4  }
0xd: {  	[smem:$0x3F7C] =	sst s5  }
0xe: {  	[smem:$0x3F7D] =	sst s6  }
0xf: {  	[smem:$0x3F7E] =	sst s7  }
0x10: {  	[smem:$0x3F7F] =	sst s8  }
0x11: {  	[smem:$0x3F80] =	sst s9;
	s0 =	simm.s32 @!p0 $0x0  }
0x12: {  	s1 =	sld [smem:$0x3F66];
	s0 =	simm.s32 @p0 $0x1  }
0x13: {  	[smem:$0x3F81] =	sst s0;
	s0 =	simm.s32 @!p1 $0x0  }
0x14: {  	s2 =	sld [smem:$0x3F65];
	s0 =	simm.s32 @p1 $0x1  }
0x15: {  	[smem:$0x3F82] =	sst s0;
	s0 =	simm.s32 @!p2 $0x0  }
0x16: {  	s3 =	sld [smem:$0x3FDB];
	s0 =	simm.s32 @p2 $0x1  }
0x17: {  	s4 =	simm.s32 $0x1BF5;
	[smem:$0x3F84] =	sst s0  }
0x18: {  	s0 =	sld [smem:$0x3F67];
	_ =	swait.ge [sflag:s4], $0x0  }
0x19: {  	s7 =	sld [smem:$0x3F68]  }
0x1a: {  	s8 =	sadd.s32 $0xFFFFE003, lr  }
0x1b: {  	s9 =	sadd.s32 $0xFFFFFEF7, lr;
	s5 =	simm.s32 $0xFFFFFFFF;
	p2 =	slt.u32 s8, $0xFFFFF086  }
0x1c: {  	p1 =	slt.u32 s9, $0xF7A;
	s5 =	simm.s32 @!p2 $0x0  }
0x1d: {  	s5 =	simm.s32 @p1 $0x1;
	p0 =	seq.s32 s7, s2  }
0x1e: {  	s7 =	smul.u32 @!p0 $0xF7A, s2;
	p2 =	seq.s32 @!p0 s5, $0x0  }
0x1f: {  	s9 =	smul.u32 $0xF7A, s1;
	s8 =	simm.s32 @!p0 $0x1BF5;
	p2 =	por !p2, p0  }
0x20: {  	[sflag:s8] =	ssyncset.s32 @!p0 $0xFFFFF086;
	s6 =	sadd.s32 @!p0 s3, s7;
	s7 =	simm.s32 @!p0 $0x108  }
0x21: {  	s3 =	sadd.s32 s3, s9;
	s6 =	sadd.s32 @!p0 $0x88, s6;
	s7 =	simm.s32 @p2 $0x1082  }
0x22: {  	[simem:s7], [sflag:s8] =	dma.local @!p0 [hbm:s6], $0xF7A  }
0x23: {  	s9 =	sor.u32 $0xD0000000, s2;
	s6 =	simm.s32 $0x108;
	_ =	swait.ge @!p0 [sflag:s8], $0x0  }
0x24: {  	s3 =	sadd.s32 $0x88, s3;
	s6 =	simm.s32 @!p1 $0x1082;
	[sflag:s4] =	ssyncset.s32 $0xFFFFF086  }
0x25: {  	[simem:s6], [sflag:s4] =	dma.local [hbm:s3], $0xF7A  }
0x26: {  	[smem:$0x3F68] =	sst s1;
	(tag) =	ssettag s2;
	_ =	strace s9  }
0x27: {  	s1 =	sld [smem:$0x3F78]  }
0x28: {  	s2 =	sld [smem:$0x3F79]  }
0x29: {  	s4 =	sld [smem:$0x3F7B]  }
0x2a: {  	p0 =	seq.s32 s5, $0x0;
	s5 =	sld [smem:$0x3F7C]  }
0x2b: {  	s6 =	sld [smem:$0x3F7D]  }
0x2c: {  	s7 =	sld [smem:$0x3F7E]  }
0x2d: {  	s3 =	simm.s32 $0x108;
	s8 =	sld [smem:$0x3F7F]  }
0x2e: {  	s3 =	simm.s32 @!p0 $0x1082;
	s9 =	sld [smem:$0x3F80]  }
0x2f: {  	lr =	sadd.s32 s0, s3;
	s0 =	sld [smem:$0x3F77]  }
0x30: {  	s3 =	sld [smem:$0x3F7A]  }
0x31: {  	[smem:$0x3F83] =	sst s10  }
0x32: {  	s10 =	sld [smem:$0x3F81];
	_ =	sdelay $0x3  }
0x33: {  	p0 =	seq.s32 s10, $0x1;
	s10 =	sld [smem:$0x3F83];
	_ =	sdelay $0x3  }
0x34: {  	[smem:$0x3F83] =	sst s10  }
0x35: {  	s10 =	sld [smem:$0x3F82];
	_ =	sdelay $0x3  }
0x36: {  	p1 =	seq.s32 s10, $0x1;
	s10 =	sld [smem:$0x3F83];
	_ =	sdelay $0x3  }
0x37: {  	[smem:$0x3F83] =	sst s10  }
0x38: {  	s10 =	sld [smem:$0x3F84]  }
0x39: {  	_ = 	snop;
	(pc) =	sbr.ind lr, $3  }
0x3a: {  	_ = 	snop  }
0x3b: {  	_ = 	snop  }
0x3c: {  	p2 =	seq.s32 s10, $0x1;
	s10 =	sld [smem:$0x3F83]  }
0x3d: {  	_ =	shalt  }
0x3e: {  	_ =	shalt  }
0x3f: {  	_ =	shalt  }
0x40: {  	_ =	shalt  }
0x41: {  	_ =	shalt  }
0x42: {  	_ =	shalt  }
0x43: {  	_ =	shalt  }
0x44: {  	_ =	shalt  }
0x45: {  	_ =	shalt  }
0x46: {  	_ =	shalt  }
0x47: {  	_ =	shalt  }
0x48: {  	_ =	shalt  }
0x49: {  	_ =	shalt  }
0x4a: {  	_ =	shalt  }
0x4b: {  	_ =	shalt  }
0x4c: {  	_ =	shalt  }
0x4d: {  	_ =	shalt  }
0x4e: {  	_ =	shalt  }
0x4f: {  	_ =	shalt  }
0x50: {  	_ =	shalt  }
0x51: {  	_ =	shalt  }
0x52: {  	_ =	shalt  }
0x53: {  	_ =	shalt  }
0x54: {  	_ =	shalt  }
0x55: {  	_ =	shalt  }
0x56: {  	_ =	shalt  }
0x57: {  	_ =	shalt  }
0x58: {  	_ =	shalt  }
0x59: {  	_ =	shalt  }
0x5a: {  	_ =	shalt  }
0x5b: {  	_ =	shalt  }
0x5c: {  	_ =	shalt  }
0x5d: {  	_ =	shalt  }
0x5e: {  	_ =	shalt  }
0x5f: {  	_ =	shalt  }
0x60: {  	_ =	shalt  }
0x61: {  	_ =	shalt  }
0x62: {  	_ =	shalt  }
0x63: {  	_ =	shalt  }
0x64: {  	_ =	shalt  }
0x65: {  	_ =	shalt  }
0x66: {  	_ =	shalt  }
0x67: {  	_ =	shalt  }
0x68: {  	_ =	shalt  }
0x69: {  	_ =	shalt  }
0x6a: {  	_ =	shalt  }
0x6b: {  	_ =	shalt  }
0x6c: {  	_ =	shalt  }
0x6d: {  	_ =	shalt  }
0x6e: {  	_ =	shalt  }
0x6f: {  	_ =	shalt  }
0x70: {  	_ =	shalt  }
0x71: {  	_ =	shalt  }
0x72: {  	_ =	shalt  }
0x73: {  	_ =	shalt  }
0x74: {  	_ =	shalt  }
0x75: {  	_ =	shalt  }
0x76: {  	_ =	shalt  }
0x77: {  	_ =	shalt  }
0x78: {  	_ =	shalt  }
0x79: {  	_ =	shalt  }
0x7a: {  	_ =	shalt  }
0x7b: {  	_ =	shalt  }
0x7c: {  	_ =	shalt  }
0x7d: {  	_ =	shalt  }
0x7e: {  	_ =	shalt  }
0x7f: {  	_ =	shalt  }
0x80: {  	_ =	shalt  }
0x81: {  	_ =	shalt  }
0x82: {  	_ =	shalt  }
0x83: {  	_ =	shalt  }
0x84: {  	_ =	shalt  }
0x85: {  	_ =	shalt  }
0x86: {  	_ =	shalt  }
0x87: {  	_ =	shalt  }
.Lfunc_end0:
.L_simem_size_0:
called_computation.3_lowered:
.L_overlay_start_0:
0x88: {  	s2 =	sld [smem:$0x3FD9]  }
0x89: {  	s3 =	sld [smem:$0x3FFE];
	_ =	sdelay $0x1  }
0x8a: {  	s1 =	srdreg.scid  }
0x8b: {  	s0 =	sand.u32 $0x1, s1  }
0x8c: {  	s17 =	sshll.u32 s0, $0xA;
	s2 =	sadd.s32 s3, s2  }
0x8d: {  	s2 =	sadd.s32 s2, s17  }
0x8e: {  	[smem:$0x3F8F] =	sst s2  }
0x8f: {  	_ = 	snop  }
0x90: {  	(tm) =	ssettm $0x1  }
0x91: {  	s18 =	sld [smem:$0x3FFB];
	_ =	sdelay $0x3  }
0x92: {  	_ =	strace s18  }
0x93: {  	s2 =	sld [smem:$0x3FFC];
	_ =	sdelay $0x3  }
0x94: {  	_ =	strace s2  }
0x95: {  	s2 =	sld [smem:$0x3FFD];
	_ =	sdelay $0x3  }
0x96: {  	_ =	strace s2  }
0x97: {  	_ =	strace $0x8FFFFFFF  }
0x98: {  	s19 =	sld [smem:$0x3FDB];
	_ =	sdelay $0x1  }
0x99: {  	s20 =	simm.s32 $_scs_section_size  }
0x9a: {  	s4 =	simm.s32 $_size__tile_overlayer_lowered;
	s5 =	simm.s32 $_tile_overlayer_lowered  }
0x9b: {  	s6 =	simm.s32 $0x1BFF;
	s21 =	sshll.u32 s5, $0x1;
	s3 =	sadd.s32 s20, s19  }
0x9c: {  	s22 =	simm.s32 $0x0;
	s4 =	sshll.u32 s4, $0x1;
	s5 =	sadd.s32 s21, s3  }
0x9d: {  	[timem:s22], [sflag:s6] =	dma.local [hbm:s5], s4  }
0x9e: {  	_ =	swait.ge [sflag:s6], s4  }
0x9f: {  	s4 =	ssub.s32 $0x0, s4;
	[sflag:s6] =	ssyncset.done $0x0  }
0xa0: {  	[sflag:s6] =	ssyncadd.s32 s4;
	_ =	sdelay $0x1  }
0xa1: {  	s23 =	simm.s32 $0x1B8B  }
0xa2: {  	_ =	swait.ge [sflag:s23], $0x1  }
0xa3: {  	[sflag:s23] =	ssyncset.done $0x0  }
0xa4: {  	[sflag:s23] =	ssyncadd.s32 $0xFFFFFFFF  }
0xa5: {  	s4 =	sld [smem:$0x0]  }
0xa6: {  	s5 =	sand.u32 $0xFFFFFFFE, s1  }
0xa7: {  	p0 =	sne.s32 s1, s5  }
0xa8: {  	s5 =	sshll.u32 @p0 s5, $0xE  }
0xa9: {  	s5 =	sadd.s32 @p0 $0x11B8D, s5;
	s6 =	sshll.u32 @p0 s4, $0x11  }
0xaa: {  	s5 =	sor.u32 @p0 s6, s5  }
0xab: {  	[sflag:s5] =	ssyncadd.remote.s32 @p0 $0x1;
	_ =	sdelay $0x1  }
0xac: {  	s5 =	simm.s32 @p0 $0x1B8D  }
0xad: {  	_ =	swait.eq @p0 [sflag:s5], $0x1  }
0xae: {  	[sflag:s5] =	ssyncadd.s32 @p0 $0xFFFFFFFF  }
0xaf: {  	s6 =	sshll.u32 @!p0 s1, $0xE  }
0xb0: {  	s6 =	sor.u32 @!p0 $0x4000, s6;
	s5 =	simm.s32 @!p0 $0x1B8D  }
0xb1: {  	s4 =	sshll.u32 @!p0 s4, $0x11;
	s6 =	sadd.s32 @!p0 $0x11B8D, s6;
	_ =	swait.eq @!p0 [sflag:s5], $0x1  }
0xb2: {  	s4 =	sor.u32 @!p0 s4, s6;
	[sflag:s5] =	ssyncadd.s32 @!p0 $0xFFFFFFFF  }
0xb3: {  	s25 =	simm.s32 $0x1B8E;
	s24 =	sld [smem:$0x3FFE];
	[sflag:s4] =	ssyncadd.remote.s32 @!p0 $0x1  }
0xb4: {  	s26 =	simm.s32 $execute0_lowered;
	[smem:$0x3FD2] =	sst s25  }
0xb5: {  	s5 =	sshll.u32 s26, $0x1;
	_ =	strace $0x8000004C;
	[dreg:$0x1] =	wrdreg $0xFFFFFFFF  }
0xb6: {  	s28 =	simm.s32 $_size_execute0_lowered;
	s3 =	sadd.s32 s3, s5;
	[dreg:$0x0] =	wrdreg $0x0  }
0xb7: {  	s5 =	sshll.u32 s28, $0x1;
	[dreg:$0x2] =	wrdreg s3  }
0xb8: {  	[dreg:$0x3] =	wrdreg s5  }
0xb9: {  	[dreg:$0x4] =	wrdreg $0xC0  }
0xba: {  	_ =	task [dreg:s22], $0x5FFFF  }
0xbb: {  	[dreg:$0x1] =	wrdreg $0xFFFFFFFF  }
0xbc: {  	[dreg:$0x0] =	wrdreg $0x60  }
0xbd: {  	[dreg:$0x2] =	wrdreg s24  }
0xbe: {  	[dreg:$0x3] =	wrdreg $0x81000  }
0xbf: {  	[dreg:$0x4] =	wrdreg $0xA  }
0xc0: {  	_ =	task.clear_ibuf [dreg:s22], $0x5FFFF;
	_ =	strace $0x9000004C  }
0xc1: {  	s29 =	simm.s32 $0xA;
	_ =	strace $0x8000004E  }
0xc2: {  	_ =	swait.ge [sflag:s29], $0x1  }
0xc3: {  	[sflag:s29] =	ssyncadd.s32 $0xFFFFFFFF  }
0xc4: {  	_ =	strace $0x9000004E  }
0xc5: {  	_ =	sfence  }
0xc6: {  	s30 =	sld [smem:$0x0];
	_ =	sdelay $0x2  }
0xc7: {  	s31 =	sshll.u32 s1, $0xD;
	s1 =	sshrl.u32 s1, $0x2  }
0xc8: {  	s4 =	sand.u32 $0x4000, s31;
	s1 =	sadd.s32 s1, s30  }
0xc9: {  	s0 =	sor.u32 s4, s0;
	s1 =	sshll.u32 s1, $0x11  }
0xca: {  	s0 =	sor.u32 s1, s0  }
0xcb: {  	s0 =	sadd.s32 $0x8F2B, s0  }
0xcc: {  	[sflag:s0] =	ssyncadd.remote.s32 $0x1  }
0xcd: {  	_ =	sfence.sel $0xFFFF  }
0xce: {  	[dreg:$0x0] =	wrdreg $0xFFFFFFFF;
	(pc) =	sbr.abs _section_cstart, $3  }
0xcf: {  	[dreg:$0x1] =	wrdreg $0xFFFFFFFF  }
0xd0: {  	_ =	task.clear_ibuf [dreg:s22], $0x2FFFF;
	_ =	strace $0x9FFFFFFF  }
0xd1: {  	(tm) =	ssettm $0x7FFFFFFF  }
tec
execute0_lowered:
.L_overlay_start_1:
0x0: {  	(tag) =	ssettag $0x1  }
0x1: {  	s4 =	rddreg [dreg:$0x0]  }
0x2: {  	s2 =	rddreg [dreg:$0x1]  }
0x3: {  	s0 =	rddreg [dreg:$0x2];
	s1 =	stileid.u32  }
0x4: {  	s5 =	srdreg.scid;
	s6 =	smul.u32 $0x14000, s1  }
0x5: {  	s3 =	simm.s32 $0x0;
	s12 =	sand.u32 $0x1, s5;
	s10 =	smul.u32 $0x50000, s1  }
0x6: {  	[smem:$0x7FF] =	sst s3;
	s13 =	sadd.s32 $0x542200, s4;
	s17 =	smul.u32 $0xA0000, s1  }
0x7: {  	s14 =	sadd.s32 $0xC000, s4;
	s9 =	sshll.u32 s1, $0x1;
	s30 =	smul.u32 $0x280, s1  }
0x8: {  	s23 =	sshll.u32 s1, $0x6;
	s5 =	smul.u32 $0x140000, s12;
	_ =	strace $0x8000004D  }
0x9: {  	s20 =	ssub.s32 $0x2, s12;
	s21 =	sor.u32 s12, s9;
	s18 =	smul.u32 $0x50000, s12  }
0xa: {  	s26 =	sshll.u32 s12, $0x6;
	s7 =	sshrl.u32 s6, $0x3;
	s24 =	smul.u32 $0x140, s21  }
0xb: {  	s8 =	sshrl.u32 s20, $0x1;
	s22 =	sshrl.u32 s10, $0x2;
	s9 =	smul.u32 $0xA00, s21  }
0xc: {  	s5 =	sadd.s32 s6, s5;
	s19 =	sadd.s32 s7, s4;
	s15 =	ssub.s32 s20, s8  }
0xd: {  	s16 =	sadd.s32 s22, s2;
	s8 =	sadd.s32 s14, s26;
	s7 =	smul.u32 $0xA000, s21  }
0xe: {  	s29 =	sadd.s32 s18, s17;
	s17 =	simm.s32 $0x100;
	s20 =	simm.s32 $0x1  }
0xf: {  	s21 =	simm.s32 $0x2;
	s22 =	simm.s32 $0x0;
	s5 =	sshrl.u32 s5, $0x3  }
0x10: {  	s25 =	sadd.s32 $0x2800, s24;
	s28 =	sshrl.u32 s9, $0x3;
	s18 =	sor.u32 $0xC000, s29  }
0x11: {  	s11 =	sadd.s32 s5, s4;
	s4 =	sadd.s32 $0x42200, s19;
	s5 =	sor.u32 $0x1C03, s23  }
0x12: {  	s6 =	sand.u32 $0x7F80, s25;
	s7 =	sadd.s32 s13, s7;
	s19 =	smul.u32 $0x140, s12  }
0x13: {  	s31 =	sshrl.u32 s18, $0x3;
	s18 =	simm.s32 $0x80;
	s6 =	sadd.s32 s6, s8  }
0x14: {  	s8 =	sadd.s32 s14, s28;
	s9 =	sadd.s32 $0x800, s7;
	s10 =	sadd.s32 $0x6A200, s11  }
0x15: {  	s11 =	smax.u32 s15, $0x1;
	s15 =	sor.u32 $0x8000, s29;
	s14 =	sadd.s32 s30, s14  }
0x16: {  	s12 =	sadd.s32 s31, s13;
	s8 =	sadd.s32 $0x2810, s8;
	s15 =	sshrl.u32 s15, $0x3  }
0x17: {  	s14 =	sadd.s32 s19, s14;
	s19 =	simm.s32 $0x4100;
	s13 =	sadd.s32 s15, s13  }
0x18: {  	s14 =	sadd.s32 $0x2830, s14;
	s15 =	sshrl.u32 s16, $0x3;
	s16 =	simm.s32 $0x3  }
.LBB2_1:
0x19: {  	[spmem:s15], [sflag:s5] =	dma.local [hbm:s4], $0x2800  }
0x1a: {  	_ =	swait.ge [sflag:s16], $0x2800  }
0x1b: {  	[sflag:s16] =	ssyncset.done $0x0  }
0x1c: {  	[sflag:s16] =	ssyncadd.s32 $0xFFFFD800  }
0x1d: {  	[bflag:$0x0] =	sbarrier.arrive $0xFFFF  }
0x1e: {  	[tilespmem:s3], [sflag:$0x1] =	stream.linear.gather [hbm4b:s6+s3], $0x80, $0x38;
	[tilespmem:$0x1C100] =	vst v63  }
0x1f: {  	_ = 	snop  }
0x20: {  	[tilespmem:s17], [sflag:$0x1] =	stream.linear.gather [hbm4b:s7+s3], $0x4000, $0x38;
	[tilespmem:$0x1C100] =	vst v63  }
0x21: {  	_ = 	snop  }
0x22: {  	[tilespmem:s18], [sflag:$0x2] =	stream.linear.gather [hbm4b:s8+s3], $0x80, $0x38;
	[tilespmem:$0x1C100] =	vst v63  }
0x23: {  	_ = 	snop  }
0x24: {  	[tilespmem:s19], [sflag:$0x2] =	stream.linear.gather [hbm4b:s9+s3], $0x4000, $0x38;
	[tilespmem:$0x1C100] =	vst v63  }
0x25: {  	_ =	swait.ge [sflag:s20], $0x80  }
0x26: {  	[sflag:s20] =	ssyncset.done $0x0  }
0x27: {  	[sflag:s20] =	ssyncadd.s32 $0xFFFFFF80  }
0x28: {  	_ =	swait.ge [sflag:s20], $0x4000  }
0x29: {  	[sflag:s20] =	ssyncset.done $0x0  }
0x2a: {  	[sflag:s20] =	ssyncadd.s32 $0xFFFFC000  }
0x2b: {  	[spmem:s2] =	stream.indirect.scatter.add.f32 [tilespmem:s17], [sflag:$0x3], $0x80, s3, s18, $0xb8;
	[tilespmem:$0x1C100] =	vst v63  }
0x2c: {  	_ =	swait.ge [sflag:s16], $0x4000  }
0x2d: {  	[sflag:s16] =	ssyncset.done $0x0  }
0x2e: {  	s23 =	sadd.s32 $0xFFFFFFF0, s14;
	[sflag:s16] =	ssyncadd.s32 $0xFFFFC000  }
0x2f: {  	[tilespmem:s3], [sflag:$0x1] =	stream.linear.gather [hbm4b:s23+s3], $0x80, $0x38;
	[tilespmem:$0x1C100] =	vst v63  }
0x30: {  	s31 =	sadd.s32 $0x0, s13  }
0x31: {  	[tilespmem:s17], [sflag:$0x1] =	stream.linear.gather [hbm4b:s31+s3], $0x4000, $0x38;
	[tilespmem:$0x1C100] =	vst v63  }
0x32: {  	_ =	swait.ge [sflag:s21], $0x80  }
0x33: {  	[sflag:s21] =	ssyncset.done $0x0  }
0x34: {  	[sflag:s21] =	ssyncadd.s32 $0xFFFFFF80  }
0x35: {  	_ =	swait.ge [sflag:s21], $0x4000  }
0x36: {  	[sflag:s21] =	ssyncset.done $0x0  }
0x37: {  	[sflag:s21] =	ssyncadd.s32 $0xFFFFC000  }
0x38: {  	[spmem:s2] =	stream.indirect.scatter.add.f32 [tilespmem:s19], [sflag:$0x3], $0x80, s18, s18, $0xb8;
	[tilespmem:$0x1C100] =	vst v63  }
0x39: {  	_ =	swait.ge [sflag:s16], $0x4000  }
0x3a: {  	s25 =	sadd.s32 $0x0, s12;
	[sflag:s16] =	ssyncset.done $0x0  }
0x3b: {  	s24 =	sadd.s32 $0x20, s14;
	s23 =	simm.s32 $0x1000;
	[sflag:s16] =	ssyncadd.s32 $0xFFFFC000  }
0x3c: {  	[tilespmem:s18], [sflag:$0x2] =	stream.linear.gather [hbm4b:s14+s3], $0x80, $0x38;
	[tilespmem:$0x1C100] =	vst v63  }
.LBB2_2:
0x3d: {  	[tilespmem:s19], [sflag:$0x2] =	stream.linear.gather [hbm4b:s25+s3], $0x4000, $0x38;
	[tilespmem:$0x1C100] =	vst v63  }
0x3e: {  	s25 =	smov.u32 s23  }
0x3f: {  	p0 =	sne.s32 s23, $0x8000;
	s23 =	sadd.s32 $0x1000, s23;
	_ =	swait.ge [sflag:s20], $0x80  }
0x40: {  	[sflag:s20] =	ssyncset.done $0x0  }
0x41: {  	[sflag:s20] =	ssyncadd.s32 $0xFFFFFF80  }
0x42: {  	_ =	swait.ge [sflag:s20], $0x4000  }
0x43: {  	[sflag:s20] =	ssyncset.done $0x0  }
0x44: {  	[sflag:s20] =	ssyncadd.s32 $0xFFFFC000  }
0x45: {  	[spmem:s2] =	stream.indirect.scatter.add.f32 [tilespmem:s17], [sflag:$0x3], $0x80, s3, s18, $0xb8;
	[tilespmem:$0x1C100] =	vst v63  }
0x46: {  	_ =	swait.ge [sflag:s16], $0x4000  }
0x47: {  	[sflag:s16] =	ssyncset.done $0x0  }
0x48: {  	s26 =	sadd.s32 $0xFFFFFFF0, s24;
	[sflag:s16] =	ssyncadd.s32 $0xFFFFC000  }
0x49: {  	[tilespmem:s3], [sflag:$0x1] =	stream.linear.gather [hbm4b:s26+s3], $0x80, $0x38;
	[tilespmem:$0x1C100] =	vst v63  }
0x4a: {  	s26 =	sadd.s32 s25, s13  }
0x4b: {  	[tilespmem:s17], [sflag:$0x1] =	stream.linear.gather [hbm4b:s26+s3], $0x4000, $0x38;
	[tilespmem:$0x1C100] =	vst v63  }
0x4c: {  	_ =	swait.ge [sflag:s21], $0x80  }
0x4d: {  	[sflag:s21] =	ssyncset.done $0x0  }
0x4e: {  	[sflag:s21] =	ssyncadd.s32 $0xFFFFFF80  }
0x4f: {  	_ =	swait.ge [sflag:s21], $0x4000  }
0x50: {  	[sflag:s21] =	ssyncset.done $0x0  }
0x51: {  	[sflag:s21] =	ssyncadd.s32 $0xFFFFC000  }
0x52: {  	[spmem:s2] =	stream.indirect.scatter.add.f32 [tilespmem:s19], [sflag:$0x3], $0x80, s18, s18, $0xb8;
	[tilespmem:$0x1C100] =	vst v63  }
.Ltmp0:
0x53: {  	_ =	swait.ge [sflag:s16], $0x4000;
	(pc) =	sbr.rel @p0 .LBB2_2-.Ltmp0, $4  }
0x54: {  	[sflag:s16] =	ssyncset.done $0x0  }
0x55: {  	[sflag:s16] =	ssyncadd.s32 $0xFFFFC000  }
0x56: {  	[tilespmem:s18], [sflag:$0x2] =	stream.linear.gather [hbm4b:s24+s3], $0x80, $0x38;
	[tilespmem:$0x1C100] =	vst v63  }
0x57: {  	s25 =	sadd.s32 s25, s12;
	s24 =	sadd.s32 $0x20, s24  }
0x58: {  	[tilespmem:s19], [sflag:$0x2] =	stream.linear.gather [hbm4b:s25+s3], $0x4000, $0x38;
	[tilespmem:$0x1C100] =	vst v63  }
0x59: {  	_ =	swait.ge [sflag:s20], $0x80  }
0x5a: {  	[sflag:s20] =	ssyncset.done $0x0  }
0x5b: {  	[sflag:s20] =	ssyncadd.s32 $0xFFFFFF80  }
0x5c: {  	_ =	swait.ge [sflag:s20], $0x4000  }
0x5d: {  	[sflag:s20] =	ssyncset.done $0x0  }
0x5e: {  	[sflag:s20] =	ssyncadd.s32 $0xFFFFC000  }
0x5f: {  	[spmem:s2] =	stream.indirect.scatter.add.f32 [tilespmem:s17], [sflag:$0x3], $0x80, s3, s18, $0xb8;
	[tilespmem:$0x1C100] =	vst v63  }
0x60: {  	_ =	swait.ge [sflag:s16], $0x4000  }
0x61: {  	[sflag:s16] =	ssyncset.done $0x0  }
0x62: {  	[sflag:s16] =	ssyncadd.s32 $0xFFFFC000  }
0x63: {  	_ =	swait.ge [sflag:s21], $0x80  }
0x64: {  	[sflag:s21] =	ssyncset.done $0x0  }
0x65: {  	[sflag:s21] =	ssyncadd.s32 $0xFFFFFF80  }
0x66: {  	_ =	swait.ge [sflag:s21], $0x4000  }
0x67: {  	[sflag:s21] =	ssyncset.done $0x0  }
0x68: {  	[sflag:s21] =	ssyncadd.s32 $0xFFFFC000  }
0x69: {  	[spmem:s2] =	stream.indirect.scatter.add.f32 [tilespmem:s19], [sflag:$0x3], $0x80, s18, s18, $0xb8;
	[tilespmem:$0x1C100] =	vst v63  }
0x6a: {  	_ =	swait.ge [sflag:s16], $0x4000  }
0x6b: {  	s22 =	sadd.s32 $0x1, s22;
	[sflag:s16] =	ssyncset.done $0x0  }
0x6c: {  	p0 =	sne.s32 s22, s11;
	[sflag:s16] =	ssyncadd.s32 $0xFFFFC000  }
.Ltmp1:
0x6d: {  	[bflag:$0x0] =	sbarrier.arrive $0xFFFF;
	(pc) =	sbr.rel @p0 .LBB2_1-.Ltmp1, $4  }
0x6e: {  	[hbm:s10], [sflag:s5] =	dma.local [spmem:s15], $0x2800  }
0x6f: {  	_ =	swait.ge [sflag:s16], $0x2800  }
0x70: {  	[sflag:s16] =	ssyncset.done $0x0  }
0x71: {  	[sflag:s16] =	ssyncadd.s32 $0xFFFFD800  }
0x72: {  	_ =	sfence.sel $0x180000  }
0x73: {  	[bflag:$0x0] =	sbarrier.arrive $0xFFFF  }
0x74: {  	p0 =	sne.s32 s1, $0x0;
	_ =	strace $0x9000004D  }
0x75: {  	s0 =	sadd.s32 @!p0 $0x100000, s0;
	[bflag:$0x2] =	sbarrier.arrive $0xFFFF  }
0x76: {  	[sflag:s0] =	ssyncadd.tile.s32 @!p0 $0x1;
	_ =	shalt  }
.Lfunc_end2:
_tile_overlayer_lowered:
.L_overlay_start_2:
0x77: {  	(tag) =	ssettag $0x2  }
0x78: {  	s0 =	rddreg [dreg:$0x0];
	s2 =	stileid.u32  }
0x79: {  	s1 =	rddreg [dreg:$0x1];
	p0 =	sne.s32 s2, $0x0  }
0x7a: {  	s3 =	rddreg [dreg:$0x2];
	[bflag:$0x3] =	sbarrier.arrive $0xFFFF;
	s2 =	simm.s32 @!p0 $0x1C03  }
0x7b: {  	[timem:s3], [sflag:s2] =	dma.local @!p0 [hbm:s0], s1  }
0x7c: {  	s0 =	simm.s32 @!p0 $0x3  }
0x7d: {  	_ =	swait.ge @!p0 [sflag:s0], s1  }
0x7e: {  	s1 =	ssub.s32 @!p0 $0x0, s1;
	[sflag:s0] =	ssyncset.done @!p0 $0x0  }
0x7f: {  	[sflag:s0] =	ssyncadd.s32 @!p0 s1  }
0x80: {  	[bflag:$0x3] =	sbarrier.arrive $0xFFFF  }
0x81: {  	_ =	shalt  }

// kernel: kernel.29.cloned.1.call-start
scs
__scs_entry_jumppad:
0x0: {  	(pc) =	sbr.rel $0x88, $3  }
0x1: {  	(tag) =	ssettag $0x0;
	lr =	simm.s32 $0x1  }
0x2: {  	[smem:$0x3F68] =	sst lr;
	_ =	strace $0xD0000000  }
0x3: {  	_ = 	snop  }
0x4: {  	_ = 	snop  }
0x5: {  	_ = 	snop  }
0x6: {  	_ = 	snop  }
0x7: {  	_ = 	snop  }
__scs_overlays_trampoline_lowered:
0x8: {  	[smem:$0x3F77] =	sst s0  }
0x9: {  	[smem:$0x3F78] =	sst s1  }
0xa: {  	[smem:$0x3F79] =	sst s2  }
0xb: {  	[smem:$0x3F7A] =	sst s3  }
0xc: {  	[smem:$0x3F7B] =	sst s4  }
0xd: {  	[smem:$0x3F7C] =	sst s5  }
0xe: {  	[smem:$0x3F7D] =	sst s6  }
0xf: {  	[smem:$0x3F7E] =	sst s7  }
0x10: {  	[smem:$0x3F7F] =	sst s8  }
0x11: {  	[smem:$0x3F80] =	sst s9;
	s0 =	simm.s32 @!p0 $0x0  }
0x12: {  	s1 =	sld [smem:$0x3F66];
	s0 =	simm.s32 @p0 $0x1  }
0x13: {  	[smem:$0x3F81] =	sst s0;
	s0 =	simm.s32 @!p1 $0x0  }
0x14: {  	s2 =	sld [smem:$0x3F65];
	s0 =	simm.s32 @p1 $0x1  }
0x15: {  	[smem:$0x3F82] =	sst s0;
	s0 =	simm.s32 @!p2 $0x0  }
0x16: {  	s3 =	sld [smem:$0x3FDB];
	s0 =	simm.s32 @p2 $0x1  }
0x17: {  	s4 =	simm.s32 $0x1BF5;
	[smem:$0x3F84] =	sst s0  }
0x18: {  	s0 =	sld [smem:$0x3F67];
	_ =	swait.ge [sflag:s4], $0x0  }
0x19: {  	s7 =	sld [smem:$0x3F68]  }
0x1a: {  	s8 =	sadd.s32 $0xFFFFE003, lr  }
0x1b: {  	s9 =	sadd.s32 $0xFFFFFEF7, lr;
	s5 =	simm.s32 $0xFFFFFFFF;
	p2 =	slt.u32 s8, $0xFFFFF086  }
0x1c: {  	p1 =	slt.u32 s9, $0xF7A;
	s5 =	simm.s32 @!p2 $0x0  }
0x1d: {  	s5 =	simm.s32 @p1 $0x1;
	p0 =	seq.s32 s7, s2  }
0x1e: {  	s7 =	smul.u32 @!p0 $0xF7A, s2;
	p2 =	seq.s32 @!p0 s5, $0x0  }
0x1f: {  	s9 =	smul.u32 $0xF7A, s1;
	s8 =	simm.s32 @!p0 $0x1BF5;
	p2 =	por !p2, p0  }
0x20: {  	[sflag:s8] =	ssyncset.s32 @!p0 $0xFFFFF086;
	s6 =	sadd.s32 @!p0 s3, s7;
	s7 =	simm.s32 @!p0 $0x108  }
0x21: {  	s3 =	sadd.s32 s3, s9;
	s6 =	sadd.s32 @!p0 $0x88, s6;
	s7 =	simm.s32 @p2 $0x1082  }
0x22: {  	[simem:s7], [sflag:s8] =	dma.local @!p0 [hbm:s6], $0xF7A  }
0x23: {  	s9 =	sor.u32 $0xD0000000, s2;
	s6 =	simm.s32 $0x108;
	_ =	swait.ge @!p0 [sflag:s8], $0x0  }
0x24: {  	s3 =	sadd.s32 $0x88, s3;
	s6 =	simm.s32 @!p1 $0x1082;
	[sflag:s4] =	ssyncset.s32 $0xFFFFF086  }
0x25: {  	[simem:s6], [sflag:s4] =	dma.local [hbm:s3], $0xF7A  }
0x26: {  	[smem:$0x3F68] =	sst s1;
	(tag) =	ssettag s2;
	_ =	strace s9  }
0x27: {  	s1 =	sld [smem:$0x3F78]  }
0x28: {  	s2 =	sld [smem:$0x3F79]  }
0x29: {  	s4 =	sld [smem:$0x3F7B]  }
0x2a: {  	p0 =	seq.s32 s5, $0x0;
	s5 =	sld [smem:$0x3F7C]  }
0x2b: {  	s6 =	sld [smem:$0x3F7D]  }
0x2c: {  	s7 =	sld [smem:$0x3F7E]  }
0x2d: {  	s3 =	simm.s32 $0x108;
	s8 =	sld [smem:$0x3F7F]  }
0x2e: {  	s3 =	simm.s32 @!p0 $0x1082;
	s9 =	sld [smem:$0x3F80]  }
0x2f: {  	lr =	sadd.s32 s0, s3;
	s0 =	sld [smem:$0x3F77]  }
0x30: {  	s3 =	sld [smem:$0x3F7A]  }
0x31: {  	[smem:$0x3F83] =	sst s10  }
0x32: {  	s10 =	sld [smem:$0x3F81];
	_ =	sdelay $0x3  }
0x33: {  	p0 =	seq.s32 s10, $0x1;
	s10 =	sld [smem:$0x3F83];
	_ =	sdelay $0x3  }
0x34: {  	[smem:$0x3F83] =	sst s10  }
0x35: {  	s10 =	sld [smem:$0x3F82];
	_ =	sdelay $0x3  }
0x36: {  	p1 =	seq.s32 s10, $0x1;
	s10 =	sld [smem:$0x3F83];
	_ =	sdelay $0x3  }
0x37: {  	[smem:$0x3F83] =	sst s10  }
0x38: {  	s10 =	sld [smem:$0x3F84]  }
0x39: {  	_ = 	snop;
	(pc) =	sbr.ind lr, $3  }
0x3a: {  	_ = 	snop  }
0x3b: {  	_ = 	snop  }
0x3c: {  	p2 =	seq.s32 s10, $0x1;
	s10 =	sld [smem:$0x3F83]  }
0x3d: {  	_ =	shalt  }
0x3e: {  	_ =	shalt  }
0x3f: {  	_ =	shalt  }
0x40: {  	_ =	shalt  }
0x41: {  	_ =	shalt  }
0x42: {  	_ =	shalt  }
0x43: {  	_ =	shalt  }
0x44: {  	_ =	shalt  }
0x45: {  	_ =	shalt  }
0x46: {  	_ =	shalt  }
0x47: {  	_ =	shalt  }
0x48: {  	_ =	shalt  }
0x49: {  	_ =	shalt  }
0x4a: {  	_ =	shalt  }
0x4b: {  	_ =	shalt  }
0x4c: {  	_ =	shalt  }
0x4d: {  	_ =	shalt  }
0x4e: {  	_ =	shalt  }
0x4f: {  	_ =	shalt  }
0x50: {  	_ =	shalt  }
0x51: {  	_ =	shalt  }
0x52: {  	_ =	shalt  }
0x53: {  	_ =	shalt  }
0x54: {  	_ =	shalt  }
0x55: {  	_ =	shalt  }
0x56: {  	_ =	shalt  }
0x57: {  	_ =	shalt  }
0x58: {  	_ =	shalt  }
0x59: {  	_ =	shalt  }
0x5a: {  	_ =	shalt  }
0x5b: {  	_ =	shalt  }
0x5c: {  	_ =	shalt  }
0x5d: {  	_ =	shalt  }
0x5e: {  	_ =	shalt  }
0x5f: {  	_ =	shalt  }
0x60: {  	_ =	shalt  }
0x61: {  	_ =	shalt  }
0x62: {  	_ =	shalt  }
0x63: {  	_ =	shalt  }
0x64: {  	_ =	shalt  }
0x65: {  	_ =	shalt  }
0x66: {  	_ =	shalt  }
0x67: {  	_ =	shalt  }
0x68: {  	_ =	shalt  }
0x69: {  	_ =	shalt  }
0x6a: {  	_ =	shalt  }
0x6b: {  	_ =	shalt  }
0x6c: {  	_ =	shalt  }
0x6d: {  	_ =	shalt  }
0x6e: {  	_ =	shalt  }
0x6f: {  	_ =	shalt  }
0x70: {  	_ =	shalt  }
0x71: {  	_ =	shalt  }
0x72: {  	_ =	shalt  }
0x73: {  	_ =	shalt  }
0x74: {  	_ =	shalt  }
0x75: {  	_ =	shalt  }
0x76: {  	_ =	shalt  }
0x77: {  	_ =	shalt  }
0x78: {  	_ =	shalt  }
0x79: {  	_ =	shalt  }
0x7a: {  	_ =	shalt  }
0x7b: {  	_ =	shalt  }
0x7c: {  	_ =	shalt  }
0x7d: {  	_ =	shalt  }
0x7e: {  	_ =	shalt  }
0x7f: {  	_ =	shalt  }
0x80: {  	_ =	shalt  }
0x81: {  	_ =	shalt  }
0x82: {  	_ =	shalt  }
0x83: {  	_ =	shalt  }
0x84: {  	_ =	shalt  }
0x85: {  	_ =	shalt  }
0x86: {  	_ =	shalt  }
0x87: {  	_ =	shalt  }
.Lfunc_end0:
.L_simem_size_0:
called_computation.4_lowered:
.L_overlay_start_0:
0x88: {  	s2 =	sld [smem:$0x3FD9]  }
0x89: {  	s3 =	sld [smem:$0x3FFE];
	_ =	sdelay $0x1  }
0x8a: {  	s1 =	srdreg.scid  }
0x8b: {  	s0 =	sand.u32 $0x1, s1  }
0x8c: {  	s17 =	sshll.u32 s0, $0xA;
	s2 =	sadd.s32 s3, s2  }
0x8d: {  	s2 =	sadd.s32 s2, s17  }
0x8e: {  	[smem:$0x3F8F] =	sst s2  }
0x8f: {  	_ = 	snop  }
0x90: {  	(tm) =	ssettm $0x1  }
0x91: {  	s18 =	sld [smem:$0x3FFB];
	_ =	sdelay $0x3  }
0x92: {  	_ =	strace s18  }
0x93: {  	s2 =	sld [smem:$0x3FFC];
	_ =	sdelay $0x3  }
0x94: {  	_ =	strace s2  }
0x95: {  	s2 =	sld [smem:$0x3FFD];
	_ =	sdelay $0x3  }
0x96: {  	_ =	strace s2  }
0x97: {  	_ =	strace $0x8FFFFFFF  }
0x98: {  	s19 =	sld [smem:$0x3FDB];
	_ =	sdelay $0x1  }
0x99: {  	s20 =	simm.s32 $_scs_section_size  }
0x9a: {  	s4 =	simm.s32 $_size__tile_overlayer_lowered;
	s5 =	simm.s32 $_tile_overlayer_lowered  }
0x9b: {  	s6 =	simm.s32 $0x1BFF;
	s21 =	sshll.u32 s5, $0x1;
	s3 =	sadd.s32 s20, s19  }
0x9c: {  	s22 =	simm.s32 $0x0;
	s4 =	sshll.u32 s4, $0x1;
	s5 =	sadd.s32 s21, s3  }
0x9d: {  	[timem:s22], [sflag:s6] =	dma.local [hbm:s5], s4  }
0x9e: {  	_ =	swait.ge [sflag:s6], s4  }
0x9f: {  	s4 =	ssub.s32 $0x0, s4;
	[sflag:s6] =	ssyncset.done $0x0  }
0xa0: {  	[sflag:s6] =	ssyncadd.s32 s4;
	_ =	sdelay $0x1  }
0xa1: {  	s23 =	simm.s32 $0x1B8B  }
0xa2: {  	_ =	swait.ge [sflag:s23], $0x1  }
0xa3: {  	[sflag:s23] =	ssyncset.done $0x0  }
0xa4: {  	[sflag:s23] =	ssyncadd.s32 $0xFFFFFFFF  }
0xa5: {  	s4 =	sld [smem:$0x0]  }
0xa6: {  	s5 =	sand.u32 $0xFFFFFFFE, s1  }
0xa7: {  	p0 =	sne.s32 s1, s5  }
0xa8: {  	s5 =	sshll.u32 @p0 s5, $0xE  }
0xa9: {  	s5 =	sadd.s32 @p0 $0x11B8D, s5;
	s6 =	sshll.u32 @p0 s4, $0x11  }
0xaa: {  	s5 =	sor.u32 @p0 s6, s5  }
0xab: {  	[sflag:s5] =	ssyncadd.remote.s32 @p0 $0x1;
	_ =	sdelay $0x1  }
0xac: {  	s5 =	simm.s32 @p0 $0x1B8D  }
0xad: {  	_ =	swait.eq @p0 [sflag:s5], $0x1  }
0xae: {  	[sflag:s5] =	ssyncadd.s32 @p0 $0xFFFFFFFF  }
0xaf: {  	s6 =	sshll.u32 @!p0 s1, $0xE  }
0xb0: {  	s6 =	sor.u32 @!p0 $0x4000, s6;
	s5 =	simm.s32 @!p0 $0x1B8D  }
0xb1: {  	s4 =	sshll.u32 @!p0 s4, $0x11;
	s6 =	sadd.s32 @!p0 $0x11B8D, s6;
	_ =	swait.eq @!p0 [sflag:s5], $0x1  }
0xb2: {  	s4 =	sor.u32 @!p0 s4, s6;
	[sflag:s5] =	ssyncadd.s32 @!p0 $0xFFFFFFFF  }
0xb3: {  	s25 =	simm.s32 $0x1B8E;
	s24 =	sld [smem:$0x3FFE];
	[sflag:s4] =	ssyncadd.remote.s32 @!p0 $0x1  }
0xb4: {  	s26 =	simm.s32 $execute0_lowered;
	[smem:$0x3FD2] =	sst s25  }
0xb5: {  	s5 =	sshll.u32 s26, $0x1;
	_ =	strace $0x80000055;
	[dreg:$0x1] =	wrdreg $0xFFFFFFFF  }
0xb6: {  	s28 =	simm.s32 $_size_execute0_lowered;
	s3 =	sadd.s32 s3, s5;
	[dreg:$0x0] =	wrdreg $0x0  }
0xb7: {  	s5 =	sshll.u32 s28, $0x1;
	[dreg:$0x2] =	wrdreg s3  }
0xb8: {  	[dreg:$0x3] =	wrdreg s5  }
0xb9: {  	[dreg:$0x4] =	wrdreg $0xC0  }
0xba: {  	_ =	task [dreg:s22], $0x5FFFF  }
0xbb: {  	[dreg:$0x1] =	wrdreg $0xFFFFFFFF  }
0xbc: {  	[dreg:$0x0] =	wrdreg $0x60  }
0xbd: {  	[dreg:$0x2] =	wrdreg s24  }
0xbe: {  	[dreg:$0x3] =	wrdreg $0x9  }
0xbf: {  	_ =	task.clear_ibuf [dreg:s22], $0x4FFFF;
	_ =	strace $0x90000055  }
0xc0: {  	s29 =	simm.s32 $0x9;
	_ =	strace $0x80000057  }
0xc1: {  	_ =	swait.ge [sflag:s29], $0x1  }
0xc2: {  	[sflag:s29] =	ssyncadd.s32 $0xFFFFFFFF  }
0xc3: {  	_ =	strace $0x90000057  }
0xc4: {  	_ =	sfence  }
0xc5: {  	s30 =	sld [smem:$0x0];
	_ =	sdelay $0x2  }
0xc6: {  	s31 =	sshll.u32 s1, $0xD;
	s1 =	sshrl.u32 s1, $0x2  }
0xc7: {  	s4 =	sand.u32 $0x4000, s31;
	s1 =	sadd.s32 s1, s30  }
0xc8: {  	s0 =	sor.u32 s4, s0;
	s1 =	sshll.u32 s1, $0x11  }
0xc9: {  	s0 =	sor.u32 s1, s0  }
0xca: {  	s0 =	sadd.s32 $0x8F2B, s0  }
0xcb: {  	[sflag:s0] =	ssyncadd.remote.s32 $0x1  }
0xcc: {  	_ =	sfence.sel $0xFFFF  }
0xcd: {  	[dreg:$0x0] =	wrdreg $0xFFFFFFFF;
	(pc) =	sbr.abs _section_cstart, $3  }
0xce: {  	[dreg:$0x1] =	wrdreg $0xFFFFFFFF  }
0xcf: {  	_ =	task.clear_ibuf [dreg:s22], $0x2FFFF;
	_ =	strace $0x9FFFFFFF  }
0xd0: {  	(tm) =	ssettm $0x7FFFFFFF  }
0xd1: {  	_ =	shalt  }
tec
execute0_lowered:
.L_overlay_start_1:
0x0: {  	(tag) =	ssettag $0x1  }
0x1: {  	s1 =	srdreg.scid;
	s0 =	stileid.u32  }
0x2: {  	s4 =	rddreg [dreg:$0x0];
	s17 =	simm.s32 $0x80;
	s18 =	simm.s32 $0x2800  }
0x3: {  	s19 =	simm.s32 $0x6800;
	s20 =	simm.s32 $0xA800;
	s21 =	simm.s32 $0x1480  }
0x4: {  	s22 =	simm.s32 $0xE800;
	s23 =	simm.s32 $0x1;
	s24 =	simm.s32 $0x2  }
0x5: {  	s25 =	simm.s32 $0x3;
	s26 =	simm.s32 $0x4;
	s10 =	smul.u32 $0xA0000, s0  }
0x6: {  	s28 =	simm.s32 $0x0;
	s1 =	sand.u32 $0x1, s1;
	s15 =	smul.u32 $0x14000, s0  }
0x7: {  	s2 =	sshll.u32 s0, $0x1;
	s12 =	sadd.s32 $0x682200, s4;
	s11 =	smul.u32 $0x50000, s1  }
0x8: {  	s5 =	sor.u32 s1, s2;
	s7 =	ssub.s32 $0x2, s1;
	s1 =	smul.u32 $0xA000, s1  }
0x9: {  	s13 =	sadd.s32 $0x7C2200, s4;
	s2 =	simm.s32 $0x0;
	s3 =	smul.u32 $0x280, s5  }
0xa: {  	[smem:$0x7FF] =	sst s2;
	s29 =	sshrl.u32 s7, $0x1;
	s8 =	smul.u32 $0x50000, s5  }
0xb: {  	s9 =	smul.u32 $0xA000, s5;
	s16 =	sadd.s32 s15, s12;
	_ =	strace $0x80000056  }
0xc: {  	s7 =	ssub.s32 s7, s29;
	s11 =	sadd.s32 s11, s10;
	s31 =	sadd.s32 s1, s16  }
0xd: {  	s16 =	simm.s32 $0x1400;
	s6 =	sadd.s32 s3, s4;
	s3 =	sadd.s32 $0x1B000, s4  }
0xe: {  	s8 =	sshrl.u32 s8, $0x3;
	s14 =	sadd.s32 $0x9800, s9;
	s30 =	sshrl.u32 s11, $0x3  }
0xf: {  	s4 =	sadd.s32 $0x16000, s6;
	s5 =	sadd.s32 $0x11000, s6;
	s6 =	smax.u32 s7, $0x1  }
0x10: {  	s8 =	sadd.s32 $0x9000, s8;
	s10 =	sadd.s32 s13, s14;
	s11 =	sadd.s32 s30, s13  }
0x11: {  	s7 =	sadd.s32 s12, s8;
	s8 =	sadd.s32 s13, s8;
	s13 =	sadd.s32 s15, s13  }
0x12: {  	s9 =	sadd.s32 s12, s14;
	s12 =	sadd.s32 s30, s12;
	s1 =	sadd.s32 s1, s13  }
0x13: {  	s15 =	simm.s32 $0x5;
	s13 =	sadd.s32 $0x800, s31;
	s14 =	sadd.s32 $0x800, s1  }
.LBB2_1:
0x14: {  	[tilespmem:s2], [sflag:$0x5] =	stream.linear.gather [hbm4b:s4+s2], $0x1400, $0x38;
	[tilespmem:$0x12800] =	vst v63  }
0x15: {  	_ =	swait.ge [sflag:s15], $0x1400  }
0x16: {  	[sflag:s15] =	ssyncset.done $0x0  }
0x17: {  	[sflag:s15] =	ssyncadd.s32 $0xFFFFEC00  }
0x18: {  	[tilespmem:s16], [sflag:$0x5] =	stream.linear.gather [hbm4b:s5+s2], $0x1400, $0x38;
	[tilespmem:$0x12800] =	vst v63  }
0x19: {  	_ =	swait.ge [sflag:s15], $0x1400  }
0x1a: {  	[sflag:s15] =	ssyncset.done $0x0  }
0x1b: {  	[sflag:s15] =	ssyncadd.s32 $0xFFFFEC00  }
0x1c: {  	[tilespmem:s18], [sflag:$0x1] =	stream.indirect.gather [hbm4b:s3+s17], $0x80, s2, s17, $0xb8;
	[tilespmem:$0x12800] =	vst v63  }
0x1d: {  	_ = 	snop  }
0x1e: {  	[tilespmem:s19], [sflag:$0x1] =	stream.indirect.gather [hbm4b:s3+s17], $0x80, s16, s17, $0xb8;
	[tilespmem:$0x12800] =	vst v63  }
0x1f: {  	_ = 	snop  }
0x20: {  	[tilespmem:s20], [sflag:$0x3] =	stream.indirect.gather [hbm4b:s3+s17], $0x80, s17, s17, $0xb8;
	[tilespmem:$0x12800] =	vst v63  }
0x21: {  	_ = 	snop  }
0x22: {  	[tilespmem:s22], [sflag:$0x3] =	stream.indirect.gather [hbm4b:s3+s17], $0x80, s21, s17, $0xb8;
	[tilespmem:$0x12800] =	vst v63  }
0x23: {  	_ =	swait.ge [sflag:s23], $0x4000  }
0x24: {  	[sflag:s23] =	ssyncset.done $0x0  }
0x25: {  	[sflag:s23] =	ssyncadd.s32 $0xFFFFC000  }
0x26: {  	_ =	swait.ge [sflag:s23], $0x4000  }
0x27: {  	[sflag:s23] =	ssyncset.done $0x0  }
0x28: {  	s1 =	sadd.s32 $0x0, s12;
	[sflag:s23] =	ssyncadd.s32 $0xFFFFC000  }
0x29: {  	[hbm4b:s1+s2] =	stream.linear.scatter [tilespmem:s18], [sflag:$0x2], $0x4000, $0x38;
	[tilespmem:$0x12800] =	vst v63  }
0x2a: {  	s0 =	sadd.s32 $0x0, s11  }
0x2b: {  	[hbm4b:s0+s2] =	stream.linear.scatter [tilespmem:s19], [sflag:$0x2], $0x4000, $0x38;
	[tilespmem:$0x12800] =	vst v63  }
0x2c: {  	_ =	swait.ge [sflag:s24], $0x4000  }
0x2d: {  	[sflag:s24] =	ssyncset.done $0x0  }
0x2e: {  	[sflag:s24] =	ssyncadd.s32 $0xFFFFC000  }
0x2f: {  	_ =	swait.ge [sflag:s24], $0x4000  }
0x30: {  	[sflag:s24] =	ssyncset.done $0x0  }
0x31: {  	s0 =	simm.s32 $0x100;
	[sflag:s24] =	ssyncadd.s32 $0xFFFFC000  }
0x32: {  	[tilespmem:s18], [sflag:$0x1] =	stream.indirect.gather [hbm4b:s3+s17], $0x80, s0, s17, $0xb8;
	[tilespmem:$0x12800] =	vst v63  }
0x33: {  	s0 =	simm.s32 $0x1500  }
0x34: {  	[tilespmem:s19], [sflag:$0x1] =	stream.indirect.gather [hbm4b:s3+s17], $0x80, s0, s17, $0xb8;
	[tilespmem:$0x12800] =	vst v63  }
0x35: {  	_ =	swait.ge [sflag:s25], $0x4000  }
0x36: {  	[sflag:s25] =	ssyncset.done $0x0  }
0x37: {  	[sflag:s25] =	ssyncadd.s32 $0xFFFFC000  }
0x38: {  	_ =	swait.ge [sflag:s25], $0x4000  }
0x39: {  	[sflag:s25] =	ssyncset.done $0x0  }
0x3a: {  	s0 =	sadd.s32 $0x0, s13;
	[sflag:s25] =	ssyncadd.s32 $0xFFFFC000  }
0x3b: {  	[hbm4b:s0+s2] =	stream.linear.scatter [tilespmem:s20], [sflag:$0x4], $0x4000, $0x38;
	[tilespmem:$0x12800] =	vst v63  }
0x3c: {  	s0 =	sadd.s32 $0x0, s14  }
0x3d: {  	[hbm4b:s0+s2] =	stream.linear.scatter [tilespmem:s22], [sflag:$0x4], $0x4000, $0x38;
	[tilespmem:$0x12800] =	vst v63  }
0x3e: {  	_ =	swait.ge [sflag:s26], $0x4000  }
0x3f: {  	[sflag:s26] =	ssyncset.done $0x0  }
0x40: {  	[sflag:s26] =	ssyncadd.s32 $0xFFFFC000  }
0x41: {  	s29 =	simm.s32 $0x1000;
	_ =	swait.ge [sflag:s26], $0x4000  }
0x42: {  	s30 =	simm.s32 $0x1600;
	s31 =	simm.s32 $0x200;
	[sflag:s26] =	ssyncset.done $0x0  }
0x43: {  	s1 =	simm.s32 $0x1580;
	s0 =	simm.s32 $0x180;
	[sflag:s26] =	ssyncadd.s32 $0xFFFFC000  }
0x44: {  	[tilespmem:s20], [sflag:$0x3] =	stream.indirect.gather [hbm4b:s3+s17], $0x80, s0, s17, $0xb8;
	[tilespmem:$0x12800] =	vst v63  }
.LBB2_2:
0x45: {  	[tilespmem:s22], [sflag:$0x3] =	stream.indirect.gather [hbm4b:s3+s17], $0x80, s1, s17, $0xb8;
	[tilespmem:$0x12800] =	vst v63  }
0x46: {  	s1 =	smov.u32 s29  }
0x47: {  	p0 =	sne.s32 s29, $0x8000;
	s29 =	sadd.s32 $0x1000, s29;
	_ =	swait.ge [sflag:s23], $0x4000  }
0x48: {  	[sflag:s23] =	ssyncset.done $0x0  }
0x49: {  	[sflag:s23] =	ssyncadd.s32 $0xFFFFC000  }
0x4a: {  	_ =	swait.ge [sflag:s23], $0x4000  }
0x4b: {  	[sflag:s23] =	ssyncset.done $0x0  }
0x4c: {  	s0 =	sadd.s32 s1, s12;
	[sflag:s23] =	ssyncadd.s32 $0xFFFFC000  }
0x4d: {  	[hbm4b:s0+s2] =	stream.linear.scatter [tilespmem:s18], [sflag:$0x2], $0x4000, $0x38;
	[tilespmem:$0x12800] =	vst v63  }
0x4e: {  	s0 =	sadd.s32 s1, s11  }
0x4f: {  	[hbm4b:s0+s2] =	stream.linear.scatter [tilespmem:s19], [sflag:$0x2], $0x4000, $0x38;
	[tilespmem:$0x12800] =	vst v63  }
0x50: {  	_ =	swait.ge [sflag:s24], $0x4000  }
0x51: {  	[sflag:s24] =	ssyncset.done $0x0  }
0x52: {  	[sflag:s24] =	ssyncadd.s32 $0xFFFFC000  }
0x53: {  	_ =	swait.ge [sflag:s24], $0x4000  }
0x54: {  	[sflag:s24] =	ssyncset.done $0x0  }
0x55: {  	[sflag:s24] =	ssyncadd.s32 $0xFFFFC000  }
0x56: {  	[tilespmem:s18], [sflag:$0x1] =	stream.indirect.gather [hbm4b:s3+s17], $0x80, s31, s17, $0xb8;
	[tilespmem:$0x12800] =	vst v63  }
0x57: {  	_ = 	snop  }
0x58: {  	[tilespmem:s19], [sflag:$0x1] =	stream.indirect.gather [hbm4b:s3+s17], $0x80, s30, s17, $0xb8;
	[tilespmem:$0x12800] =	vst v63  }
0x59: {  	_ =	swait.ge [sflag:s25], $0x4000  }
0x5a: {  	[sflag:s25] =	ssyncset.done $0x0  }
0x5b: {  	[sflag:s25] =	ssyncadd.s32 $0xFFFFC000  }
0x5c: {  	_ =	swait.ge [sflag:s25], $0x4000  }
0x5d: {  	[sflag:s25] =	ssyncset.done $0x0  }
0x5e: {  	s0 =	sadd.s32 s1, s13;
	[sflag:s25] =	ssyncadd.s32 $0xFFFFC000  }
0x5f: {  	[hbm4b:s0+s2] =	stream.linear.scatter [tilespmem:s20], [sflag:$0x4], $0x4000, $0x38;
	[tilespmem:$0x12800] =	vst v63  }
0x60: {  	s0 =	sadd.s32 s1, s14  }
0x61: {  	[hbm4b:s0+s2] =	stream.linear.scatter [tilespmem:s22], [sflag:$0x4], $0x4000, $0x38;
	[tilespmem:$0x12800] =	vst v63  }
0x62: {  	_ =	swait.ge [sflag:s26], $0x4000  }
0x63: {  	[sflag:s26] =	ssyncset.done $0x0  }
0x64: {  	[sflag:s26] =	ssyncadd.s32 $0xFFFFC000  }
.Ltmp0:
0x65: {  	_ =	swait.ge [sflag:s26], $0x4000;
	(pc) =	sbr.rel @p0 .LBB2_2-.Ltmp0, $4  }
0x66: {  	[sflag:s26] =	ssyncset.done $0x0  }
0x67: {  	s0 =	sadd.s32 $0x80, s31;
	[sflag:s26] =	ssyncadd.s32 $0xFFFFC000  }
0x68: {  	[tilespmem:s20], [sflag:$0x3] =	stream.indirect.gather [hbm4b:s3+s17], $0x80, s0, s17, $0xb8;
	[tilespmem:$0x12800] =	vst v63  }
0x69: {  	s1 =	sadd.s32 $0x80, s30;
	s30 =	sadd.s32 $0x100, s30;
	s31 =	sadd.s32 $0x100, s31  }
0x6a: {  	[tilespmem:s22], [sflag:$0x3] =	stream.indirect.gather [hbm4b:s3+s17], $0x80, s1, s17, $0xb8;
	[tilespmem:$0x12800] =	vst v63  }
0x6b: {  	_ =	swait.ge [sflag:s23], $0x4000  }
0x6c: {  	[sflag:s23] =	ssyncset.done $0x0  }
0x6d: {  	[sflag:s23] =	ssyncadd.s32 $0xFFFFC000  }
0x6e: {  	_ =	swait.ge [sflag:s23], $0x4000  }
0x6f: {  	[sflag:s23] =	ssyncset.done $0x0  }
0x70: {  	[sflag:s23] =	ssyncadd.s32 $0xFFFFC000  }
0x71: {  	[hbm4b:s7+s2] =	stream.linear.scatter [tilespmem:s18], [sflag:$0x2], $0x4000, $0x38;
	[tilespmem:$0x12800] =	vst v63  }
0x72: {  	_ = 	snop  }
0x73: {  	[hbm4b:s8+s2] =	stream.linear.scatter [tilespmem:s19], [sflag:$0x2], $0x4000, $0x38;
	[tilespmem:$0x12800] =	vst v63  }
0x74: {  	_ =	swait.ge [sflag:s25], $0x4000  }
0x75: {  	[sflag:s25] =	ssyncset.done $0x0  }
0x76: {  	[sflag:s25] =	ssyncadd.s32 $0xFFFFC000  }
0x77: {  	_ =	swait.ge [sflag:s25], $0x4000  }
0x78: {  	[sflag:s25] =	ssyncset.done $0x0  }
0x79: {  	[sflag:s25] =	ssyncadd.s32 $0xFFFFC000  }
0x7a: {  	[hbm4b:s9+s2] =	stream.linear.scatter [tilespmem:s20], [sflag:$0x4], $0x4000, $0x38;
	[tilespmem:$0x12800] =	vst v63  }
0x7b: {  	_ = 	snop  }
0x7c: {  	[hbm4b:s10+s2] =	stream.linear.scatter [tilespmem:s22], [sflag:$0x4], $0x4000, $0x38;
	[tilespmem:$0x12800] =	vst v63  }
0x7d: {  	_ =	swait.ge [sflag:s24], $0x4000  }
0x7e: {  	[sflag:s24] =	ssyncset.done $0x0  }
0x7f: {  	[sflag:s24] =	ssyncadd.s32 $0xFFFFC000  }
0x80: {  	_ =	swait.ge [sflag:s24], $0x4000  }
0x81: {  	[sflag:s24] =	ssyncset.done $0x0  }
0x82: {  	s28 =	sadd.s32 $0x1, s28;
	[sflag:s24] =	ssyncadd.s32 $0xFFFFC000  }
0x83: {  	p0 =	sne.s32 s28, s6;
	_ =	swait.ge [sflag:s26], $0x4000  }
.Ltmp1:
0x84: {  	[sflag:s26] =	ssyncset.done $0x0;
	(pc) =	sbr.rel @p0 .LBB2_1-.Ltmp1, $4  }
0x85: {  	[sflag:s26] =	ssyncadd.s32 $0xFFFFC000  }
0x86: {  	_ =	swait.ge [sflag:s26], $0x4000  }
0x87: {  	[sflag:s26] =	ssyncset.done $0x0  }
0x88: {  	[sflag:s26] =	ssyncadd.s32 $0xFFFFC000  }
0x89: {  	_ =	sfence.sel $0x180000  }
0x8a: {  	[bflag:$0x0] =	sbarrier.arrive $0xFFFF  }
0x8b: {  	_ =	strace $0x90000056  }
0x8c: {  	s0 =	stileid.u32;
	[bflag:$0x2] =	sbarrier.arrive $0xFFFF  }
0x8d: {  	p0 =	sne.s32 s0, $0x0;
	s0 =	rddreg [dreg:$0x1]  }
0x8e: {  	s0 =	sadd.s32 @!p0 $0x100000, s0  }
0x8f: {  	[sflag:s0] =	ssyncadd.tile.s32 @!p0 $0x1;
	_ =	shalt  }
.Lfunc_end2:
_tile_overlayer_lowered:
.L_overlay_start_2:
0x90: {  	(tag) =	ssettag $0x2  }
0x91: {  	s0 =	rddreg [dreg:$0x0];
	s2 =	stileid.u32  }
0x92: {  	s1 =	rddreg [dreg:$0x1];
	p0 =	sne.s32 s2, $0x0  }
0x93: {  	s3 =	rddreg [dreg:$0x2];
	[bflag:$0x3] =	sbarrier.arrive $0xFFFF;
	s2 =	simm.s32 @!p0 $0x1C05  }
0x94: {  	[timem:s3], [sflag:s2] =	dma.local @!p0 [hbm:s0], s1  }
0x95: {  	s0 =	simm.s32 @!p0 $0x5  }
0x96: {  	_ =	swait.ge @!p0 [sflag:s0], s1  }
0x97: {  	s1 =	ssub.s32 @!p0 $0x0, s1;
	[sflag:s0] =	ssyncset.done @!p0 $0x0  }
0x98: {  	[sflag:s0] =	ssyncadd.s32 @!p0 s1  }
0x99: {  	[bflag:$0x3] =	sbarrier.arrive $0xFFFF  }
0x9a: {  	_ =	shalt  }

// kernel: kernel.32.cloned.1.call-start
scs
__scs_entry_jumppad:
0x0: {  	(pc) =	sbr.rel $0x88, $3  }
0x1: {  	(tag) =	ssettag $0x0;
	lr =	simm.s32 $0x1  }
0x2: {  	[smem:$0x3F68] =	sst lr;
	_ =	strace $0xD0000000  }
0x3: {  	_ = 	snop  }
0x4: {  	_ = 	snop  }
0x5: {  	_ = 	snop  }
0x6: {  	_ = 	snop  }
0x7: {  	_ = 	snop  }
__scs_overlays_trampoline_lowered:
0x8: {  	[smem:$0x3F77] =	sst s0  }
0x9: {  	[smem:$0x3F78] =	sst s1  }
0xa: {  	[smem:$0x3F79] =	sst s2  }
0xb: {  	[smem:$0x3F7A] =	sst s3  }
0xc: {  	[smem:$0x3F7B] =	sst s4  }
0xd: {  	[smem:$0x3F7C] =	sst s5  }
0xe: {  	[smem:$0x3F7D] =	sst s6  }
0xf: {  	[smem:$0x3F7E] =	sst s7  }
0x10: {  	[smem:$0x3F7F] =	sst s8  }
0x11: {  	[smem:$0x3F80] =	sst s9;
	s0 =	simm.s32 @!p0 $0x0  }
0x12: {  	s1 =	sld [smem:$0x3F66];
	s0 =	simm.s32 @p0 $0x1  }
0x13: {  	[smem:$0x3F81] =	sst s0;
	s0 =	simm.s32 @!p1 $0x0  }
0x14: {  	s2 =	sld [smem:$0x3F65];
	s0 =	simm.s32 @p1 $0x1  }
0x15: {  	[smem:$0x3F82] =	sst s0;
	s0 =	simm.s32 @!p2 $0x0  }
0x16: {  	s3 =	sld [smem:$0x3FDB];
	s0 =	simm.s32 @p2 $0x1  }
0x17: {  	s4 =	simm.s32 $0x1BF5;
	[smem:$0x3F84] =	sst s0  }
0x18: {  	s0 =	sld [smem:$0x3F67];
	_ =	swait.ge [sflag:s4], $0x0  }
0x19: {  	s7 =	sld [smem:$0x3F68]  }
0x1a: {  	s8 =	sadd.s32 $0xFFFFE003, lr  }
0x1b: {  	s9 =	sadd.s32 $0xFFFFFEF7, lr;
	s5 =	simm.s32 $0xFFFFFFFF;
	p2 =	slt.u32 s8, $0xFFFFF086  }
0x1c: {  	p1 =	slt.u32 s9, $0xF7A;
	s5 =	simm.s32 @!p2 $0x0  }
0x1d: {  	s5 =	simm.s32 @p1 $0x1;
	p0 =	seq.s32 s7, s2  }
0x1e: {  	s7 =	smul.u32 @!p0 $0xF7A, s2;
	p2 =	seq.s32 @!p0 s5, $0x0  }
0x1f: {  	s9 =	smul.u32 $0xF7A, s1;
	s8 =	simm.s32 @!p0 $0x1BF5;
	p2 =	por !p2, p0  }
0x20: {  	[sflag:s8] =	ssyncset.s32 @!p0 $0xFFFFF086;
	s6 =	sadd.s32 @!p0 s3, s7;
	s7 =	simm.s32 @!p0 $0x108  }
0x21: {  	s3 =	sadd.s32 s3, s9;
	s6 =	sadd.s32 @!p0 $0x88, s6;
	s7 =	simm.s32 @p2 $0x1082  }
0x22: {  	[simem:s7], [sflag:s8] =	dma.local @!p0 [hbm:s6], $0xF7A  }
0x23: {  	s9 =	sor.u32 $0xD0000000, s2;
	s6 =	simm.s32 $0x108;
	_ =	swait.ge @!p0 [sflag:s8], $0x0  }
0x24: {  	s3 =	sadd.s32 $0x88, s3;
	s6 =	simm.s32 @!p1 $0x1082;
	[sflag:s4] =	ssyncset.s32 $0xFFFFF086  }
0x25: {  	[simem:s6], [sflag:s4] =	dma.local [hbm:s3], $0xF7A  }
0x26: {  	[smem:$0x3F68] =	sst s1;
	(tag) =	ssettag s2;
	_ =	strace s9  }
0x27: {  	s1 =	sld [smem:$0x3F78]  }
0x28: {  	s2 =	sld [smem:$0x3F79]  }
0x29: {  	s4 =	sld [smem:$0x3F7B]  }
0x2a: {  	p0 =	seq.s32 s5, $0x0;
	s5 =	sld [smem:$0x3F7C]  }
0x2b: {  	s6 =	sld [smem:$0x3F7D]  }
0x2c: {  	s7 =	sld [smem:$0x3F7E]  }
0x2d: {  	s3 =	simm.s32 $0x108;
	s8 =	sld [smem:$0x3F7F]  }
0x2e: {  	s3 =	simm.s32 @!p0 $0x1082;
	s9 =	sld [smem:$0x3F80]  }
0x2f: {  	lr =	sadd.s32 s0, s3;
	s0 =	sld [smem:$0x3F77]  }
0x30: {  	s3 =	sld [smem:$0x3F7A]  }
0x31: {  	[smem:$0x3F83] =	sst s10  }
0x32: {  	s10 =	sld [smem:$0x3F81];
	_ =	sdelay $0x3  }
0x33: {  	p0 =	seq.s32 s10, $0x1;
	s10 =	sld [smem:$0x3F83];
	_ =	sdelay $0x3  }
0x34: {  	[smem:$0x3F83] =	sst s10  }
0x35: {  	s10 =	sld [smem:$0x3F82];
	_ =	sdelay $0x3  }
0x36: {  	p1 =	seq.s32 s10, $0x1;
	s10 =	sld [smem:$0x3F83];
	_ =	sdelay $0x3  }
0x37: {  	[smem:$0x3F83] =	sst s10  }
0x38: {  	s10 =	sld [smem:$0x3F84]  }
0x39: {  	_ = 	snop;
	(pc) =	sbr.ind lr, $3  }
0x3a: {  	_ = 	snop  }
0x3b: {  	_ = 	snop  }
0x3c: {  	p2 =	seq.s32 s10, $0x1;
	s10 =	sld [smem:$0x3F83]  }
0x3d: {  	_ =	shalt  }
0x3e: {  	_ =	shalt  }
0x3f: {  	_ =	shalt  }
0x40: {  	_ =	shalt  }
0x41: {  	_ =	shalt  }
0x42: {  	_ =	shalt  }
0x43: {  	_ =	shalt  }
0x44: {  	_ =	shalt  }
0x45: {  	_ =	shalt  }
0x46: {  	_ =	shalt  }
0x47: {  	_ =	shalt  }
0x48: {  	_ =	shalt  }
0x49: {  	_ =	shalt  }
0x4a: {  	_ =	shalt  }
0x4b: {  	_ =	shalt  }
0x4c: {  	_ =	shalt  }
0x4d: {  	_ =	shalt  }
0x4e: {  	_ =	shalt  }
0x4f: {  	_ =	shalt  }
0x50: {  	_ =	shalt  }
0x51: {  	_ =	shalt  }
0x52: {  	_ =	shalt  }
0x53: {  	_ =	shalt  }
0x54: {  	_ =	shalt  }
0x55: {  	_ =	shalt  }
0x56: {  	_ =	shalt  }
0x57: {  	_ =	shalt  }
0x58: {  	_ =	shalt  }
0x59: {  	_ =	shalt  }
0x5a: {  	_ =	shalt  }
0x5b: {  	_ =	shalt  }
0x5c: {  	_ =	shalt  }
0x5d: {  	_ =	shalt  }
0x5e: {  	_ =	shalt  }
0x5f: {  	_ =	shalt  }
0x60: {  	_ =	shalt  }
0x61: {  	_ =	shalt  }
0x62: {  	_ =	shalt  }
0x63: {  	_ =	shalt  }
0x64: {  	_ =	shalt  }
0x65: {  	_ =	shalt  }
0x66: {  	_ =	shalt  }
0x67: {  	_ =	shalt  }
0x68: {  	_ =	shalt  }
0x69: {  	_ =	shalt  }
0x6a: {  	_ =	shalt  }
0x6b: {  	_ =	shalt  }
0x6c: {  	_ =	shalt  }
0x6d: {  	_ =	shalt  }
0x6e: {  	_ =	shalt  }
0x6f: {  	_ =	shalt  }
0x70: {  	_ =	shalt  }
0x71: {  	_ =	shalt  }
0x72: {  	_ =	shalt  }
0x73: {  	_ =	shalt  }
0x74: {  	_ =	shalt  }
0x75: {  	_ =	shalt  }
0x76: {  	_ =	shalt  }
0x77: {  	_ =	shalt  }
0x78: {  	_ =	shalt  }
0x79: {  	_ =	shalt  }
0x7a: {  	_ =	shalt  }
0x7b: {  	_ =	shalt  }
0x7c: {  	_ =	shalt  }
0x7d: {  	_ =	shalt  }
0x7e: {  	_ =	shalt  }
0x7f: {  	_ =	shalt  }
0x80: {  	_ =	shalt  }
0x81: {  	_ =	shalt  }
0x82: {  	_ =	shalt  }
0x83: {  	_ =	shalt  }
0x84: {  	_ =	shalt  }
0x85: {  	_ =	shalt  }
0x86: {  	_ =	shalt  }
0x87: {  	_ =	shalt  }
.Lfunc_end0:
.L_simem_size_0:
called_computation.5_lowered:
.L_overlay_start_0:
0x88: {  	s2 =	sld [smem:$0x3FD9]  }
0x89: {  	s3 =	sld [smem:$0x3FFE];
	_ =	sdelay $0x1  }
0x8a: {  	s1 =	srdreg.scid  }
0x8b: {  	s0 =	sand.u32 $0x1, s1  }
0x8c: {  	s16 =	sshll.u32 s0, $0xA;
	s2 =	sadd.s32 s3, s2  }
0x8d: {  	s2 =	sadd.s32 s2, s16  }
0x8e: {  	[smem:$0x3F8F] =	sst s2  }
0x8f: {  	_ = 	snop  }
0x90: {  	(tm) =	ssettm $0x1  }
0x91: {  	s17 =	sld [smem:$0x3FFB];
	_ =	sdelay $0x3  }
0x92: {  	_ =	strace s17  }
0x93: {  	s2 =	sld [smem:$0x3FFC];
	_ =	sdelay $0x3  }
0x94: {  	_ =	strace s2  }
0x95: {  	s2 =	sld [smem:$0x3FFD];
	_ =	sdelay $0x3  }
0x96: {  	_ =	strace s2  }
0x97: {  	_ =	strace $0x8FFFFFFF  }
0x98: {  	s18 =	sld [smem:$0x3FDB];
	_ =	sdelay $0x1  }
0x99: {  	s19 =	simm.s32 $_scs_section_size  }
0x9a: {  	s4 =	simm.s32 $_size__tile_overlayer_lowered;
	s5 =	simm.s32 $_tile_overlayer_lowered  }
0x9b: {  	s22 =	simm.s32 $0x1BFF;
	s21 =	sshll.u32 s5, $0x1;
	s2 =	sadd.s32 s19, s18  }
0x9c: {  	s6 =	simm.s32 $0x0;
	s20 =	sshll.u32 s4, $0x1;
	s4 =	sadd.s32 s21, s2  }
0x9d: {  	[timem:s6], [sflag:s22] =	dma.local [hbm:s4], s20  }
0x9e: {  	_ =	swait.ge [sflag:s22], s20  }
0x9f: {  	s3 =	ssub.s32 $0x0, s20;
	[sflag:s22] =	ssyncset.done $0x0  }
0xa0: {  	[sflag:s22] =	ssyncadd.s32 s3;
	_ =	sdelay $0x1  }
0xa1: {  	s23 =	simm.s32 $0x1B8B  }
0xa2: {  	_ =	swait.ge [sflag:s23], $0x1  }
0xa3: {  	[sflag:s23] =	ssyncset.done $0x0  }
0xa4: {  	s25 =	simm.s32 $0x1B8E;
	s24 =	sld [smem:$0x3FFE];
	[sflag:s23] =	ssyncadd.s32 $0xFFFFFFFF  }
0xa5: {  	s26 =	simm.s32 $execute0_lowered;
	[smem:$0x3FD2] =	sst s25  }
0xa6: {  	s4 =	sshll.u32 s26, $0x1;
	_ =	strace $0x80000052;
	[dreg:$0x1] =	wrdreg $0xFFFFFFFF  }
0xa7: {  	s28 =	simm.s32 $_size_execute0_lowered;
	s2 =	sadd.s32 s2, s4;
	[dreg:$0x0] =	wrdreg $0x0  }
0xa8: {  	s4 =	sshll.u32 s28, $0x1;
	[dreg:$0x2] =	wrdreg s2  }
0xa9: {  	[dreg:$0x3] =	wrdreg s4  }
0xaa: {  	[dreg:$0x4] =	wrdreg $0xC0  }
0xab: {  	_ =	task [dreg:s6], $0x5FFFF  }
0xac: {  	[dreg:$0x1] =	wrdreg $0xFFFFFFFF  }
0xad: {  	[dreg:$0x0] =	wrdreg $0x60  }
0xae: {  	[dreg:$0x2] =	wrdreg s24  }
0xaf: {  	[dreg:$0x3] =	wrdreg $0xA  }
0xb0: {  	_ =	task.clear_ibuf [dreg:s6], $0x4FFFF;
	_ =	strace $0x90000052  }
0xb1: {  	s29 =	simm.s32 $0xA;
	_ =	strace $0x80000054  }
0xb2: {  	_ =	swait.ge [sflag:s29], $0x1  }
0xb3: {  	[sflag:s29] =	ssyncadd.s32 $0xFFFFFFFF  }
0xb4: {  	_ =	strace $0x90000054  }
0xb5: {  	_ =	sfence  }
0xb6: {  	s30 =	sld [smem:$0x0];
	_ =	sdelay $0x2  }
0xb7: {  	s31 =	sshll.u32 s1, $0xD;
	s1 =	sshrl.u32 s1, $0x2  }
0xb8: {  	s3 =	sand.u32 $0x4000, s31;
	s1 =	sadd.s32 s1, s30  }
0xb9: {  	s0 =	sor.u32 s3, s0;
	s1 =	sshll.u32 s1, $0x11  }
0xba: {  	s0 =	sor.u32 s1, s0  }
0xbb: {  	s0 =	sadd.s32 $0x8F2B, s0  }
0xbc: {  	[sflag:s0] =	ssyncadd.remote.s32 $0x1  }
0xbd: {  	_ =	sfence.sel $0xFFFF  }
0xbe: {  	[dreg:$0x0] =	wrdreg $0xFFFFFFFF;
	(pc) =	sbr.abs _section_cstart, $3  }
0xbf: {  	[dreg:$0x1] =	wrdreg $0xFFFFFFFF  }
0xc0: {  	_ =	task.clear_ibuf [dreg:s6], $0x2FFFF;
	_ =	strace $0x9FFFFFFF  }
0xc1: {  	(tm) =	ssettm $0x7FFFFFFF  }
tec
execute0_lowered:
.L_overlay_start_1:
0x0: {  	(tag) =	ssettag $0x1  }
0x1: {  	s0 =	srdreg.scid  }
0x2: {  	s14 =	stileid.u32;
	s4 =	rddreg [dreg:$0x0];
	s2 =	simm.s32 $0x0  }
0x3: {  	s17 =	simm.s32 $0x80;
	s19 =	simm.s32 $0x2800;
	s21 =	simm.s32 $0x6800  }
0x4: {  	s23 =	simm.s32 $0xA800;
	s28 =	simm.s32 $0x2;
	s10 =	smul.u32 $0xA0000, s14  }
0x5: {  	s0 =	sand.u32 $0x1, s0;
	s1 =	sshll.u32 s14, $0x1;
	s14 =	smul.u32 $0x14000, s14  }
0x6: {  	s29 =	simm.s32 $0x3;
	s30 =	simm.s32 $0x4;
	s11 =	smul.u32 $0x50000, s0  }
0x7: {  	s1 =	sor.u32 s0, s1;
	s6 =	ssub.s32 $0x2, s0;
	s0 =	smul.u32 $0xA000, s0  }
0x8: {  	s31 =	simm.s32 $0x0;
	s12 =	sadd.s32 $0x1FA200, s4;
	s3 =	smul.u32 $0x280, s1  }
0x9: {  	[smem:$0x7FF] =	sst s2;
	s13 =	sadd.s32 $0x33A200, s4;
	s7 =	smul.u32 $0x50000, s1  }
0xa: {  	_ =	strace $0x80000053;
	s24 =	sshrl.u32 s6, $0x1;
	s1 =	smul.u32 $0xA000, s1  }
0xb: {  	s15 =	sadd.s32 s14, s12;
	s6 =	ssub.s32 s6, s24;
	s11 =	sadd.s32 s11, s10  }
0xc: {  	s26 =	sadd.s32 s0, s15;
	s15 =	simm.s32 $0x5;
	s24 =	simm.s32 $0x1E80  }
0xd: {  	s5 =	sadd.s32 s3, s4;
	s3 =	sadd.s32 $0x1B000, s4;
	s7 =	sshrl.u32 s7, $0x3  }
0xe: {  	s6 =	smax.u32 s6, $0x1;
	s1 =	sadd.s32 $0x9800, s1;
	s25 =	sshrl.u32 s11, $0x3  }
0xf: {  	s4 =	sadd.s32 $0x16000, s5;
	s5 =	sadd.s32 $0x11000, s5;
	s8 =	sadd.s32 $0x9000, s7  }
0x10: {  	s9 =	sadd.s32 s12, s1;
	s10 =	sadd.s32 s13, s1;
	s11 =	sadd.s32 s25, s13  }
0x11: {  	s7 =	sadd.s32 s12, s8;
	s8 =	sadd.s32 s13, s8;
	s13 =	sadd.s32 s14, s13  }
0x12: {  	s12 =	sadd.s32 s25, s12;
	s25 =	simm.s32 $0xE800;
	s0 =	sadd.s32 s0, s13  }
0x13: {  	s13 =	sadd.s32 $0x800, s26;
	s26 =	simm.s32 $0x1;
	s14 =	sadd.s32 $0x800, s0  }
.LBB2_1:
0x14: {  	[tilespmem:s2], [sflag:$0x5] =	stream.linear.gather [hbm4b:s4+s2], $0x1400, $0x38;
	[tilespmem:$0x12800] =	vst v63  }
0x15: {  	_ =	swait.ge [sflag:s15], $0x1400  }
0x16: {  	[sflag:s15] =	ssyncset.done $0x0  }
0x17: {  	s0 =	simm.s32 $0x1400;
	[sflag:s15] =	ssyncadd.s32 $0xFFFFEC00  }
0x18: {  	[tilespmem:s0], [sflag:$0x5] =	stream.linear.gather [hbm4b:s5+s2], $0x1400, $0x38;
	[tilespmem:$0x12800] =	vst v63  }
0x19: {  	_ =	swait.ge [sflag:s15], $0x1400  }
0x1a: {  	[sflag:s15] =	ssyncset.done $0x0  }
0x1b: {  	s1 =	simm.s32 $0xA00;
	[sflag:s15] =	ssyncadd.s32 $0xFFFFEC00  }
0x1c: {  	[tilespmem:s19], [sflag:$0x1] =	stream.indirect.gather [hbm4b:s3+s17], $0x80, s1, s17, $0xb8;
	[tilespmem:$0x12800] =	vst v63  }
0x1d: {  	s16 =	simm.s32 $0x1E00  }
0x1e: {  	[tilespmem:s21], [sflag:$0x1] =	stream.indirect.gather [hbm4b:s3+s17], $0x80, s16, s17, $0xb8;
	[tilespmem:$0x12800] =	vst v63  }
0x1f: {  	s18 =	simm.s32 $0xA80  }
0x20: {  	[tilespmem:s23], [sflag:$0x3] =	stream.indirect.gather [hbm4b:s3+s17], $0x80, s18, s17, $0xb8;
	[tilespmem:$0x12800] =	vst v63  }
0x21: {  	_ = 	snop  }
0x22: {  	[tilespmem:s25], [sflag:$0x3] =	stream.indirect.gather [hbm4b:s3+s17], $0x80, s24, s17, $0xb8;
	[tilespmem:$0x12800] =	vst v63  }
0x23: {  	_ =	swait.ge [sflag:s26], $0x4000  }
0x24: {  	[sflag:s26] =	ssyncset.done $0x0  }
0x25: {  	[sflag:s26] =	ssyncadd.s32 $0xFFFFC000  }
0x26: {  	_ =	swait.ge [sflag:s26], $0x4000  }
0x27: {  	[sflag:s26] =	ssyncset.done $0x0  }
0x28: {  	s20 =	sadd.s32 $0x0, s12;
	[sflag:s26] =	ssyncadd.s32 $0xFFFFC000  }
0x29: {  	[hbm4b:s20+s2] =	stream.linear.scatter [tilespmem:s19], [sflag:$0x2], $0x4000, $0x38;
	[tilespmem:$0x12800] =	vst v63  }
0x2a: {  	s22 =	sadd.s32 $0x0, s11  }
0x2b: {  	[hbm4b:s22+s2] =	stream.linear.scatter [tilespmem:s21], [sflag:$0x2], $0x4000, $0x38;
	[tilespmem:$0x12800] =	vst v63  }
0x2c: {  	_ =	swait.ge [sflag:s28], $0x4000  }
0x2d: {  	[sflag:s28] =	ssyncset.done $0x0  }
0x2e: {  	[sflag:s28] =	ssyncadd.s32 $0xFFFFC000  }
0x2f: {  	_ =	swait.ge [sflag:s28], $0x4000  }
0x30: {  	[sflag:s28] =	ssyncset.done $0x0  }
0x31: {  	s1 =	simm.s32 $0xB00;
	[sflag:s28] =	ssyncadd.s32 $0xFFFFC000  }
0x32: {  	[tilespmem:s19], [sflag:$0x1] =	stream.indirect.gather [hbm4b:s3+s17], $0x80, s1, s17, $0xb8;
	[tilespmem:$0x12800] =	vst v63  }
0x33: {  	s16 =	simm.s32 $0x1F00  }
0x34: {  	[tilespmem:s21], [sflag:$0x1] =	stream.indirect.gather [hbm4b:s3+s17], $0x80, s16, s17, $0xb8;
	[tilespmem:$0x12800] =	vst v63  }
0x35: {  	_ =	swait.ge [sflag:s29], $0x4000  }
0x36: {  	[sflag:s29] =	ssyncset.done $0x0  }
0x37: {  	[sflag:s29] =	ssyncadd.s32 $0xFFFFC000  }
0x38: {  	_ =	swait.ge [sflag:s29], $0x4000  }
0x39: {  	[sflag:s29] =	ssyncset.done $0x0  }
0x3a: {  	s18 =	sadd.s32 $0x0, s13;
	[sflag:s29] =	ssyncadd.s32 $0xFFFFC000  }
0x3b: {  	[hbm4b:s18+s2] =	stream.linear.scatter [tilespmem:s23], [sflag:$0x4], $0x4000, $0x38;
	[tilespmem:$0x12800] =	vst v63  }
0x3c: {  	s20 =	sadd.s32 $0x0, s14  }
0x3d: {  	[hbm4b:s20+s2] =	stream.linear.scatter [tilespmem:s25], [sflag:$0x4], $0x4000, $0x38;
	[tilespmem:$0x12800] =	vst v63  }
0x3e: {  	_ =	swait.ge [sflag:s30], $0x4000  }
0x3f: {  	[sflag:s30] =	ssyncset.done $0x0  }
0x40: {  	[sflag:s30] =	ssyncadd.s32 $0xFFFFC000  }
0x41: {  	s0 =	simm.s32 $0x1000;
	_ =	swait.ge [sflag:s30], $0x4000  }
0x42: {  	s22 =	simm.s32 $0xB80;
	s1 =	simm.s32 $0x1F80;
	[sflag:s30] =	ssyncset.done $0x0  }
0x43: {  	s16 =	simm.s32 $0x2080;
	s18 =	simm.s32 $0xC80;
	[sflag:s30] =	ssyncadd.s32 $0xFFFFC000  }
0x44: {  	[tilespmem:s23], [sflag:$0x3] =	stream.indirect.gather [hbm4b:s3+s17], $0x80, s22, s17, $0xb8;
	[tilespmem:$0x12800] =	vst v63  }
.LBB2_2:
0x45: {  	[tilespmem:s25], [sflag:$0x3] =	stream.indirect.gather [hbm4b:s3+s17], $0x80, s1, s17, $0xb8;
	[tilespmem:$0x12800] =	vst v63  }
0x46: {  	s20 =	smov.u32 s0;
	s1 =	smov.u32 s16  }
0x47: {  	p0 =	sne.s32 s0, $0x8000;
	s0 =	sadd.s32 $0x1000, s0;
	_ =	swait.ge [sflag:s26], $0x4000  }
0x48: {  	[sflag:s26] =	ssyncset.done $0x0  }
0x49: {  	[sflag:s26] =	ssyncadd.s32 $0xFFFFC000  }
0x4a: {  	_ =	swait.ge [sflag:s26], $0x4000  }
0x4b: {  	[sflag:s26] =	ssyncset.done $0x0  }
0x4c: {  	s22 =	sadd.s32 s20, s12;
	[sflag:s26] =	ssyncadd.s32 $0xFFFFC000  }
0x4d: {  	[hbm4b:s22+s2] =	stream.linear.scatter [tilespmem:s19], [sflag:$0x2], $0x4000, $0x38;
	[tilespmem:$0x12800] =	vst v63  }
0x4e: {  	s22 =	sadd.s32 s20, s11  }
0x4f: {  	[hbm4b:s22+s2] =	stream.linear.scatter [tilespmem:s21], [sflag:$0x2], $0x4000, $0x38;
	[tilespmem:$0x12800] =	vst v63  }
0x50: {  	_ =	swait.ge [sflag:s28], $0x4000  }
0x51: {  	[sflag:s28] =	ssyncset.done $0x0  }
0x52: {  	[sflag:s28] =	ssyncadd.s32 $0xFFFFC000  }
0x53: {  	_ =	swait.ge [sflag:s28], $0x4000  }
0x54: {  	[sflag:s28] =	ssyncset.done $0x0  }
0x55: {  	s22 =	sadd.s32 $0xFFFFFF80, s18;
	[sflag:s28] =	ssyncadd.s32 $0xFFFFC000  }
0x56: {  	[tilespmem:s19], [sflag:$0x1] =	stream.indirect.gather [hbm4b:s3+s17], $0x80, s22, s17, $0xb8;
	[tilespmem:$0x12800] =	vst v63  }
0x57: {  	s22 =	sadd.s32 $0xFFFFFF80, s16  }
0x58: {  	[tilespmem:s21], [sflag:$0x1] =	stream.indirect.gather [hbm4b:s3+s17], $0x80, s22, s17, $0xb8;
	[tilespmem:$0x12800] =	vst v63  }
0x59: {  	_ =	swait.ge [sflag:s29], $0x4000  }
0x5a: {  	[sflag:s29] =	ssyncset.done $0x0  }
0x5b: {  	[sflag:s29] =	ssyncadd.s32 $0xFFFFC000  }
0x5c: {  	_ =	swait.ge [sflag:s29], $0x4000  }
0x5d: {  	[sflag:s29] =	ssyncset.done $0x0  }
0x5e: {  	s22 =	sadd.s32 s20, s13;
	[sflag:s29] =	ssyncadd.s32 $0xFFFFC000  }
0x5f: {  	[hbm4b:s22+s2] =	stream.linear.scatter [tilespmem:s23], [sflag:$0x4], $0x4000, $0x38;
	[tilespmem:$0x12800] =	vst v63  }
0x60: {  	s20 =	sadd.s32 s20, s14  }
0x61: {  	[hbm4b:s20+s2] =	stream.linear.scatter [tilespmem:s25], [sflag:$0x4], $0x4000, $0x38;
	[tilespmem:$0x12800] =	vst v63  }
0x62: {  	_ =	swait.ge [sflag:s30], $0x4000  }
0x63: {  	[sflag:s30] =	ssyncset.done $0x0  }
0x64: {  	[sflag:s30] =	ssyncadd.s32 $0xFFFFC000  }
.Ltmp0:
0x65: {  	_ =	swait.ge [sflag:s30], $0x4000;
	(pc) =	sbr.rel @p0 .LBB2_2-.Ltmp0, $4  }
0x66: {  	[sflag:s30] =	ssyncset.done $0x0  }
0x67: {  	[sflag:s30] =	ssyncadd.s32 $0xFFFFC000  }
0x68: {  	[tilespmem:s23], [sflag:$0x3] =	stream.indirect.gather [hbm4b:s3+s17], $0x80, s18, s17, $0xb8;
	[tilespmem:$0x12800] =	vst v63  }
0x69: {  	s16 =	sadd.s32 $0x100, s16;
	s18 =	sadd.s32 $0x100, s18  }
0x6a: {  	[tilespmem:s25], [sflag:$0x3] =	stream.indirect.gather [hbm4b:s3+s17], $0x80, s1, s17, $0xb8;
	[tilespmem:$0x12800] =	vst v63  }
0x6b: {  	_ =	swait.ge [sflag:s26], $0x4000  }
0x6c: {  	[sflag:s26] =	ssyncset.done $0x0  }
0x6d: {  	[sflag:s26] =	ssyncadd.s32 $0xFFFFC000  }
0x6e: {  	_ =	swait.ge [sflag:s26], $0x4000  }
0x6f: {  	[sflag:s26] =	ssyncset.done $0x0  }
0x70: {  	[sflag:s26] =	ssyncadd.s32 $0xFFFFC000  }
0x71: {  	[hbm4b:s7+s2] =	stream.linear.scatter [tilespmem:s19], [sflag:$0x2], $0x4000, $0x38;
	[tilespmem:$0x12800] =	vst v63  }
0x72: {  	_ = 	snop  }
0x73: {  	[hbm4b:s8+s2] =	stream.linear.scatter [tilespmem:s21], [sflag:$0x2], $0x4000, $0x38;
	[tilespmem:$0x12800] =	vst v63  }
0x74: {  	_ =	swait.ge [sflag:s29], $0x4000  }
0x75: {  	[sflag:s29] =	ssyncset.done $0x0  }
0x76: {  	[sflag:s29] =	ssyncadd.s32 $0xFFFFC000  }
0x77: {  	_ =	swait.ge [sflag:s29], $0x4000  }
0x78: {  	[sflag:s29] =	ssyncset.done $0x0  }
0x79: {  	[sflag:s29] =	ssyncadd.s32 $0xFFFFC000  }
0x7a: {  	[hbm4b:s9+s2] =	stream.linear.scatter [tilespmem:s23], [sflag:$0x4], $0x4000, $0x38;
	[tilespmem:$0x12800] =	vst v63  }
0x7b: {  	_ = 	snop  }
0x7c: {  	[hbm4b:s10+s2] =	stream.linear.scatter [tilespmem:s25], [sflag:$0x4], $0x4000, $0x38;
	[tilespmem:$0x12800] =	vst v63  }
0x7d: {  	_ =	swait.ge [sflag:s28], $0x4000  }
0x7e: {  	[sflag:s28] =	ssyncset.done $0x0  }
0x7f: {  	[sflag:s28] =	ssyncadd.s32 $0xFFFFC000  }
0x80: {  	_ =	swait.ge [sflag:s28], $0x4000  }
0x81: {  	[sflag:s28] =	ssyncset.done $0x0  }
0x82: {  	s31 =	sadd.s32 $0x1, s31;
	[sflag:s28] =	ssyncadd.s32 $0xFFFFC000  }
0x83: {  	p0 =	sne.s32 s31, s6;
	_ =	swait.ge [sflag:s30], $0x4000  }
.Ltmp1:
0x84: {  	[sflag:s30] =	ssyncset.done $0x0;
	(pc) =	sbr.rel @p0 .LBB2_1-.Ltmp1, $4  }
0x85: {  	[sflag:s30] =	ssyncadd.s32 $0xFFFFC000  }
0x86: {  	_ =	swait.ge [sflag:s30], $0x4000  }
0x87: {  	[sflag:s30] =	ssyncset.done $0x0  }
0x88: {  	[sflag:s30] =	ssyncadd.s32 $0xFFFFC000  }
0x89: {  	_ =	sfence.sel $0x180000  }
0x8a: {  	[bflag:$0x0] =	sbarrier.arrive $0xFFFF  }
0x8b: {  	_ =	strace $0x90000053  }
0x8c: {  	s0 =	stileid.u32;
	[bflag:$0x2] =	sbarrier.arrive $0xFFFF  }
0x8d: {  	p0 =	sne.s32 s0, $0x0;
	s0 =	rddreg [dreg:$0x1]  }
0x8e: {  	s0 =	sadd.s32 @!p0 $0x100000, s0  }
0x8f: {  	[sflag:s0] =	ssyncadd.tile.s32 @!p0 $0x1;
	_ =	shalt  }
.Lfunc_end2:
_tile_overlayer_lowered:
.L_overlay_start_2:
0x90: {  	(tag) =	ssettag $0x2  }
0x91: {  	s0 =	rddreg [dreg:$0x0];
	s2 =	stileid.u32  }
0x92: {  	s1 =	rddreg [dreg:$0x1];
	p0 =	sne.s32 s2, $0x0  }
0x93: {  	s3 =	rddreg [dreg:$0x2];
	[bflag:$0x3] =	sbarrier.arrive $0xFFFF;
	s2 =	simm.s32 @!p0 $0x1C05  }
0x94: {  	[timem:s3], [sflag:s2] =	dma.local @!p0 [hbm:s0], s1  }
0x95: {  	s0 =	simm.s32 @!p0 $0x5  }
0x96: {  	_ =	swait.ge @!p0 [sflag:s0], s1  }
0x97: {  	s1 =	ssub.s32 @!p0 $0x0, s1;
	[sflag:s0] =	ssyncset.done @!p0 $0x0  }
0x98: {  	[sflag:s0] =	ssyncadd.s32 @!p0 s1  }
0x99: {  	[bflag:$0x3] =	sbarrier.arrive $0xFFFF  }
0x9a: {  	_ =	shalt  }

// kernel: kernel.35.cloned.1.call-start
scs
__scs_entry_jumppad:
0x0: {  	(pc) =	sbr.rel $0x88, $3  }
0x1: {  	(tag) =	ssettag $0x0;
	lr =	simm.s32 $0x1  }
0x2: {  	[smem:$0x3F68] =	sst lr;
	_ =	strace $0xD0000000  }
0x3: {  	_ = 	snop  }
0x4: {  	_ = 	snop  }
0x5: {  	_ = 	snop  }
0x6: {  	_ = 	snop  }
0x7: {  	_ = 	snop  }
__scs_overlays_trampoline_lowered:
0x8: {  	[smem:$0x3F77] =	sst s0  }
0x9: {  	[smem:$0x3F78] =	sst s1  }
0xa: {  	[smem:$0x3F79] =	sst s2  }
0xb: {  	[smem:$0x3F7A] =	sst s3  }
0xc: {  	[smem:$0x3F7B] =	sst s4  }
0xd: {  	[smem:$0x3F7C] =	sst s5  }
0xe: {  	[smem:$0x3F7D] =	sst s6  }
0xf: {  	[smem:$0x3F7E] =	sst s7  }
0x10: {  	[smem:$0x3F7F] =	sst s8  }
0x11: {  	[smem:$0x3F80] =	sst s9;
	s0 =	simm.s32 @!p0 $0x0  }
0x12: {  	s1 =	sld [smem:$0x3F66];
	s0 =	simm.s32 @p0 $0x1  }
0x13: {  	[smem:$0x3F81] =	sst s0;
	s0 =	simm.s32 @!p1 $0x0  }
0x14: {  	s2 =	sld [smem:$0x3F65];
	s0 =	simm.s32 @p1 $0x1  }
0x15: {  	[smem:$0x3F82] =	sst s0;
	s0 =	simm.s32 @!p2 $0x0  }
0x16: {  	s3 =	sld [smem:$0x3FDB];
	s0 =	simm.s32 @p2 $0x1  }
0x17: {  	s4 =	simm.s32 $0x1BF5;
	[smem:$0x3F84] =	sst s0  }
0x18: {  	s0 =	sld [smem:$0x3F67];
	_ =	swait.ge [sflag:s4], $0x0  }
0x19: {  	s7 =	sld [smem:$0x3F68]  }
0x1a: {  	s8 =	sadd.s32 $0xFFFFE003, lr  }
0x1b: {  	s9 =	sadd.s32 $0xFFFFFEF7, lr;
	s5 =	simm.s32 $0xFFFFFFFF;
	p2 =	slt.u32 s8, $0xFFFFF086  }
0x1c: {  	p1 =	slt.u32 s9, $0xF7A;
	s5 =	simm.s32 @!p2 $0x0  }
0x1d: {  	s5 =	simm.s32 @p1 $0x1;
	p0 =	seq.s32 s7, s2  }
0x1e: {  	s7 =	smul.u32 @!p0 $0xF7A, s2;
	p2 =	seq.s32 @!p0 s5, $0x0  }
0x1f: {  	s9 =	smul.u32 $0xF7A, s1;
	s8 =	simm.s32 @!p0 $0x1BF5;
	p2 =	por !p2, p0  }
0x20: {  	[sflag:s8] =	ssyncset.s32 @!p0 $0xFFFFF086;
	s6 =	sadd.s32 @!p0 s3, s7;
	s7 =	simm.s32 @!p0 $0x108  }
0x21: {  	s3 =	sadd.s32 s3, s9;
	s6 =	sadd.s32 @!p0 $0x88, s6;
	s7 =	simm.s32 @p2 $0x1082  }
0x22: {  	[simem:s7], [sflag:s8] =	dma.local @!p0 [hbm:s6], $0xF7A  }
0x23: {  	s9 =	sor.u32 $0xD0000000, s2;
	s6 =	simm.s32 $0x108;
	_ =	swait.ge @!p0 [sflag:s8], $0x0  }
0x24: {  	s3 =	sadd.s32 $0x88, s3;
	s6 =	simm.s32 @!p1 $0x1082;
	[sflag:s4] =	ssyncset.s32 $0xFFFFF086  }
0x25: {  	[simem:s6], [sflag:s4] =	dma.local [hbm:s3], $0xF7A  }
0x26: {  	[smem:$0x3F68] =	sst s1;
	(tag) =	ssettag s2;
	_ =	strace s9  }
0x27: {  	s1 =	sld [smem:$0x3F78]  }
0x28: {  	s2 =	sld [smem:$0x3F79]  }
0x29: {  	s4 =	sld [smem:$0x3F7B]  }
0x2a: {  	p0 =	seq.s32 s5, $0x0;
	s5 =	sld [smem:$0x3F7C]  }
0x2b: {  	s6 =	sld [smem:$0x3F7D]  }
0x2c: {  	s7 =	sld [smem:$0x3F7E]  }
0x2d: {  	s3 =	simm.s32 $0x108;
	s8 =	sld [smem:$0x3F7F]  }
0x2e: {  	s3 =	simm.s32 @!p0 $0x1082;
	s9 =	sld [smem:$0x3F80]  }
0x2f: {  	lr =	sadd.s32 s0, s3;
	s0 =	sld [smem:$0x3F77]  }
0x30: {  	s3 =	sld [smem:$0x3F7A]  }
0x31: {  	[smem:$0x3F83] =	sst s10  }
0x32: {  	s10 =	sld [smem:$0x3F81];
	_ =	sdelay $0x3  }
0x33: {  	p0 =	seq.s32 s10, $0x1;
	s10 =	sld [smem:$0x3F83];
	_ =	sdelay $0x3  }
0x34: {  	[smem:$0x3F83] =	sst s10  }
0x35: {  	s10 =	sld [smem:$0x3F82];
	_ =	sdelay $0x3  }
0x36: {  	p1 =	seq.s32 s10, $0x1;
	s10 =	sld [smem:$0x3F83];
	_ =	sdelay $0x3  }
0x37: {  	[smem:$0x3F83] =	sst s10  }
0x38: {  	s10 =	sld [smem:$0x3F84]  }
0x39: {  	_ = 	snop;
	(pc) =	sbr.ind lr, $3  }
0x3a: {  	_ = 	snop  }
0x3b: {  	_ = 	snop  }
0x3c: {  	p2 =	seq.s32 s10, $0x1;
	s10 =	sld [smem:$0x3F83]  }
0x3d: {  	_ =	shalt  }
0x3e: {  	_ =	shalt  }
0x3f: {  	_ =	shalt  }
0x40: {  	_ =	shalt  }
0x41: {  	_ =	shalt  }
0x42: {  	_ =	shalt  }
0x43: {  	_ =	shalt  }
0x44: {  	_ =	shalt  }
0x45: {  	_ =	shalt  }
0x46: {  	_ =	shalt  }
0x47: {  	_ =	shalt  }
0x48: {  	_ =	shalt  }
0x49: {  	_ =	shalt  }
0x4a: {  	_ =	shalt  }
0x4b: {  	_ =	shalt  }
0x4c: {  	_ =	shalt  }
0x4d: {  	_ =	shalt  }
0x4e: {  	_ =	shalt  }
0x4f: {  	_ =	shalt  }
0x50: {  	_ =	shalt  }
0x51: {  	_ =	shalt  }
0x52: {  	_ =	shalt  }
0x53: {  	_ =	shalt  }
0x54: {  	_ =	shalt  }
0x55: {  	_ =	shalt  }
0x56: {  	_ =	shalt  }
0x57: {  	_ =	shalt  }
0x58: {  	_ =	shalt  }
0x59: {  	_ =	shalt  }
0x5a: {  	_ =	shalt  }
0x5b: {  	_ =	shalt  }
0x5c: {  	_ =	shalt  }
0x5d: {  	_ =	shalt  }
0x5e: {  	_ =	shalt  }
0x5f: {  	_ =	shalt  }
0x60: {  	_ =	shalt  }
0x61: {  	_ =	shalt  }
0x62: {  	_ =	shalt  }
0x63: {  	_ =	shalt  }
0x64: {  	_ =	shalt  }
0x65: {  	_ =	shalt  }
0x66: {  	_ =	shalt  }
0x67: {  	_ =	shalt  }
0x68: {  	_ =	shalt  }
0x69: {  	_ =	shalt  }
0x6a: {  	_ =	shalt  }
0x6b: {  	_ =	shalt  }
0x6c: {  	_ =	shalt  }
0x6d: {  	_ =	shalt  }
0x6e: {  	_ =	shalt  }
0x6f: {  	_ =	shalt  }
0x70: {  	_ =	shalt  }
0x71: {  	_ =	shalt  }
0x72: {  	_ =	shalt  }
0x73: {  	_ =	shalt  }
0x74: {  	_ =	shalt  }
0x75: {  	_ =	shalt  }
0x76: {  	_ =	shalt  }
0x77: {  	_ =	shalt  }
0x78: {  	_ =	shalt  }
0x79: {  	_ =	shalt  }
0x7a: {  	_ =	shalt  }
0x7b: {  	_ =	shalt  }
0x7c: {  	_ =	shalt  }
0x7d: {  	_ =	shalt  }
0x7e: {  	_ =	shalt  }
0x7f: {  	_ =	shalt  }
0x80: {  	_ =	shalt  }
0x81: {  	_ =	shalt  }
0x82: {  	_ =	shalt  }
0x83: {  	_ =	shalt  }
0x84: {  	_ =	shalt  }
0x85: {  	_ =	shalt  }
0x86: {  	_ =	shalt  }
0x87: {  	_ =	shalt  }
.Lfunc_end0:
.L_simem_size_0:
called_computation.6_lowered:
.L_overlay_start_0:
0x88: {  	s2 =	sld [smem:$0x3FD9]  }
0x89: {  	s3 =	sld [smem:$0x3FFE];
	_ =	sdelay $0x1  }
0x8a: {  	s1 =	srdreg.scid  }
0x8b: {  	s0 =	sand.u32 $0x1, s1  }
0x8c: {  	s17 =	sshll.u32 s0, $0xA;
	s2 =	sadd.s32 s3, s2  }
0x8d: {  	s2 =	sadd.s32 s2, s17  }
0x8e: {  	[smem:$0x3F8F] =	sst s2  }
0x8f: {  	_ = 	snop  }
0x90: {  	(tm) =	ssettm $0x1  }
0x91: {  	s18 =	sld [smem:$0x3FFB];
	_ =	sdelay $0x3  }
0x92: {  	_ =	strace s18  }
0x93: {  	s2 =	sld [smem:$0x3FFC];
	_ =	sdelay $0x3  }
0x94: {  	_ =	strace s2  }
0x95: {  	s2 =	sld [smem:$0x3FFD];
	_ =	sdelay $0x3  }
0x96: {  	_ =	strace s2  }
0x97: {  	_ =	strace $0x8FFFFFFF  }
0x98: {  	s19 =	sld [smem:$0x3FDB];
	_ =	sdelay $0x1  }
0x99: {  	s20 =	simm.s32 $_scs_section_size  }
0x9a: {  	s4 =	simm.s32 $_size__tile_overlayer_lowered;
	s5 =	simm.s32 $_tile_overlayer_lowered  }
0x9b: {  	s6 =	simm.s32 $0x1BFF;
	s21 =	sshll.u32 s5, $0x1;
	s3 =	sadd.s32 s20, s19  }
0x9c: {  	s22 =	simm.s32 $0x0;
	s4 =	sshll.u32 s4, $0x1;
	s5 =	sadd.s32 s21, s3  }
0x9d: {  	[timem:s22], [sflag:s6] =	dma.local [hbm:s5], s4  }
0x9e: {  	_ =	swait.ge [sflag:s6], s4  }
0x9f: {  	s4 =	ssub.s32 $0x0, s4;
	[sflag:s6] =	ssyncset.done $0x0  }
0xa0: {  	[sflag:s6] =	ssyncadd.s32 s4;
	_ =	sdelay $0x1  }
0xa1: {  	s23 =	simm.s32 $0x1B8B  }
0xa2: {  	_ =	swait.ge [sflag:s23], $0x1  }
0xa3: {  	[sflag:s23] =	ssyncset.done $0x0  }
0xa4: {  	[sflag:s23] =	ssyncadd.s32 $0xFFFFFFFF  }
0xa5: {  	s4 =	sld [smem:$0x0]  }
0xa6: {  	s5 =	sand.u32 $0xFFFFFFFE, s1  }
0xa7: {  	p0 =	sne.s32 s1, s5  }
0xa8: {  	s5 =	sshll.u32 @p0 s5, $0xE  }
0xa9: {  	s5 =	sadd.s32 @p0 $0x11B8D, s5;
	s6 =	sshll.u32 @p0 s4, $0x11  }
0xaa: {  	s5 =	sor.u32 @p0 s6, s5  }
0xab: {  	[sflag:s5] =	ssyncadd.remote.s32 @p0 $0x1;
	_ =	sdelay $0x1  }
0xac: {  	s5 =	simm.s32 @p0 $0x1B8D  }
0xad: {  	_ =	swait.eq @p0 [sflag:s5], $0x1  }
0xae: {  	[sflag:s5] =	ssyncadd.s32 @p0 $0xFFFFFFFF  }
0xaf: {  	s6 =	sshll.u32 @!p0 s1, $0xE  }
0xb0: {  	s6 =	sor.u32 @!p0 $0x4000, s6;
	s5 =	simm.s32 @!p0 $0x1B8D  }
0xb1: {  	s4 =	sshll.u32 @!p0 s4, $0x11;
	s6 =	sadd.s32 @!p0 $0x11B8D, s6;
	_ =	swait.eq @!p0 [sflag:s5], $0x1  }
0xb2: {  	s4 =	sor.u32 @!p0 s4, s6;
	[sflag:s5] =	ssyncadd.s32 @!p0 $0xFFFFFFFF  }
0xb3: {  	s25 =	simm.s32 $0x1B8E;
	s24 =	sld [smem:$0x3FFE];
	[sflag:s4] =	ssyncadd.remote.s32 @!p0 $0x1  }
0xb4: {  	s26 =	simm.s32 $execute0_lowered;
	[smem:$0x3FD2] =	sst s25  }
0xb5: {  	s5 =	sshll.u32 s26, $0x1;
	_ =	strace $0x8000005B;
	[dreg:$0x1] =	wrdreg $0xFFFFFFFF  }
0xb6: {  	s28 =	simm.s32 $_size_execute0_lowered;
	s3 =	sadd.s32 s3, s5;
	[dreg:$0x0] =	wrdreg $0x0  }
0xb7: {  	s5 =	sshll.u32 s28, $0x1;
	[dreg:$0x2] =	wrdreg s3  }
0xb8: {  	[dreg:$0x3] =	wrdreg s5  }
0xb9: {  	[dreg:$0x4] =	wrdreg $0xC0  }
0xba: {  	_ =	task [dreg:s22], $0x5FFFF  }
0xbb: {  	[dreg:$0x1] =	wrdreg $0xFFFFFFFF  }
0xbc: {  	[dreg:$0x0] =	wrdreg $0x60  }
0xbd: {  	[dreg:$0x2] =	wrdreg s24  }
0xbe: {  	[dreg:$0x3] =	wrdreg $0x81000  }
0xbf: {  	[dreg:$0x4] =	wrdreg $0x9  }
0xc0: {  	_ =	task.clear_ibuf [dreg:s22], $0x5FFFF;
	_ =	strace $0x9000005B  }
0xc1: {  	s29 =	simm.s32 $0x9;
	_ =	strace $0x8000005D  }
0xc2: {  	_ =	swait.ge [sflag:s29], $0x1  }
0xc3: {  	[sflag:s29] =	ssyncadd.s32 $0xFFFFFFFF  }
0xc4: {  	_ =	strace $0x9000005D  }
0xc5: {  	_ =	sfence  }
0xc6: {  	s30 =	sld [smem:$0x0];
	_ =	sdelay $0x2  }
0xc7: {  	s31 =	sshll.u32 s1, $0xD;
	s1 =	sshrl.u32 s1, $0x2  }
0xc8: {  	s4 =	sand.u32 $0x4000, s31;
	s1 =	sadd.s32 s1, s30  }
0xc9: {  	s0 =	sor.u32 s4, s0;
	s1 =	sshll.u32 s1, $0x11  }
0xca: {  	s0 =	sor.u32 s1, s0  }
0xcb: {  	s0 =	sadd.s32 $0x8F2B, s0  }
0xcc: {  	[sflag:s0] =	ssyncadd.remote.s32 $0x1  }
0xcd: {  	_ =	sfence.sel $0xFFFF  }
0xce: {  	[dreg:$0x0] =	wrdreg $0xFFFFFFFF;
	(pc) =	sbr.abs _section_cstart, $3  }
0xcf: {  	[dreg:$0x1] =	wrdreg $0xFFFFFFFF  }
0xd0: {  	_ =	task.clear_ibuf [dreg:s22], $0x2FFFF;
	_ =	strace $0x9FFFFFFF  }
0xd1: {  	(tm) =	ssettm $0x7FFFFFFF  }
tec
execute0_lowered:
.L_overlay_start_1:
0x0: {  	(tag) =	ssettag $0x1  }
0x1: {  	s4 =	rddreg [dreg:$0x0]  }
0x2: {  	s2 =	rddreg [dreg:$0x1];
	s1 =	stileid.u32  }
0x3: {  	s0 =	rddreg [dreg:$0x2];
	s3 =	simm.s32 $0x0;
	s5 =	smul.u32 $0x14000, s1  }
0x4: {  	s6 =	srdreg.scid;
	s20 =	simm.s32 $0x1;
	s8 =	smul.u32 $0x50000, s1  }
0x5: {  	s21 =	simm.s32 $0x2;
	[smem:$0x7FF] =	sst s3;
	s18 =	smul.u32 $0xA0000, s1  }
0x6: {  	s12 =	sand.u32 $0x1, s6;
	s13 =	sadd.s32 $0x1FA200, s4;
	s29 =	smul.u32 $0x280, s1  }
0x7: {  	s14 =	sadd.s32 $0xC000, s4;
	s23 =	sshll.u32 s1, $0x1;
	s7 =	smul.u32 $0x140000, s12  }
0x8: {  	s26 =	sshll.u32 s1, $0x6;
	_ =	strace $0x8000005C;
	s19 =	smul.u32 $0x50000, s12  }
0x9: {  	s9 =	ssub.s32 $0x2, s12;
	s25 =	sshll.u32 s12, $0x9;
	s30 =	smul.u32 $0x140, s12  }
0xa: {  	s22 =	sshrl.u32 s5, $0x3;
	s10 =	sshrl.u32 s9, $0x1;
	s8 =	sshrl.u32 s8, $0x2  }
0xb: {  	s6 =	sadd.s32 s22, s4;
	s5 =	sadd.s32 s5, s7;
	s7 =	sor.u32 s12, s23  }
0xc: {  	s16 =	ssub.s32 s9, s10;
	s17 =	sadd.s32 s8, s2;
	s28 =	sadd.s32 s19, s18  }
0xd: {  	s19 =	simm.s32 $0x4100;
	s22 =	simm.s32 $0x0;
	s11 =	smul.u32 $0xA00, s7  }
0xe: {  	s5 =	sshrl.u32 s5, $0x3;
	s7 =	smul.u32 $0xA000, s7;
	s18 =	sor.u32 $0xC000, s28  }
0xf: {  	s15 =	sadd.s32 s5, s4;
	s4 =	sadd.s32 $0x42200, s6;
	s5 =	sor.u32 $0x1C03, s26  }
0x10: {  	s31 =	sshrl.u32 s18, $0x3;
	s18 =	simm.s32 $0x80;
	s24 =	sand.u32 $0x1FC00, s11  }
0x11: {  	s7 =	sadd.s32 s13, s7;
	s10 =	sadd.s32 $0xBA200, s15;
	s11 =	smax.u32 s16, $0x1  }
0x12: {  	s15 =	sor.u32 $0x8000, s28;
	s12 =	sadd.s32 s31, s13;
	s6 =	sor.u32 s25, s24  }
0x13: {  	s16 =	simm.s32 $0x3;
	s9 =	sadd.s32 $0x800, s7;
	s6 =	sshrl.u32 s6, $0x3  }
0x14: {  	s15 =	sshrl.u32 s15, $0x3;
	s6 =	sadd.s32 s14, s6;
	s14 =	sadd.s32 s29, s14  }
0x15: {  	s13 =	sadd.s32 s15, s13;
	s15 =	sshrl.u32 s17, $0x3;
	s14 =	sadd.s32 s30, s14  }
0x16: {  	s17 =	simm.s32 $0x100;
	s8 =	sadd.s32 $0x10, s6;
	s14 =	sadd.s32 $0x30, s14  }
.LBB2_1:
0x17: {  	[spmem:s15], [sflag:s5] =	dma.local [hbm:s4], $0x2800  }
0x18: {  	_ =	swait.ge [sflag:s16], $0x2800  }
0x19: {  	[sflag:s16] =	ssyncset.done $0x0  }
0x1a: {  	[sflag:s16] =	ssyncadd.s32 $0xFFFFD800  }
0x1b: {  	[bflag:$0x0] =	sbarrier.arrive $0xFFFF  }
0x1c: {  	[tilespmem:s3], [sflag:$0x1] =	stream.linear.gather [hbm4b:s6+s3], $0x80, $0x38;
	[tilespmem:$0x1C100] =	vst v63  }
0x1d: {  	_ = 	snop  }
0x1e: {  	[tilespmem:s17], [sflag:$0x1] =	stream.linear.gather [hbm4b:s7+s3], $0x4000, $0x38;
	[tilespmem:$0x1C100] =	vst v63  }
0x1f: {  	_ = 	snop  }
0x20: {  	[tilespmem:s18], [sflag:$0x2] =	stream.linear.gather [hbm4b:s8+s3], $0x80, $0x38;
	[tilespmem:$0x1C100] =	vst v63  }
0x21: {  	_ = 	snop  }
0x22: {  	[tilespmem:s19], [sflag:$0x2] =	stream.linear.gather [hbm4b:s9+s3], $0x4000, $0x38;
	[tilespmem:$0x1C100] =	vst v63  }
0x23: {  	_ =	swait.ge [sflag:s20], $0x80  }
0x24: {  	[sflag:s20] =	ssyncset.done $0x0  }
0x25: {  	[sflag:s20] =	ssyncadd.s32 $0xFFFFFF80  }
0x26: {  	_ =	swait.ge [sflag:s20], $0x4000  }
0x27: {  	[sflag:s20] =	ssyncset.done $0x0  }
0x28: {  	[sflag:s20] =	ssyncadd.s32 $0xFFFFC000  }
0x29: {  	[spmem:s2] =	stream.indirect.scatter.add.f32 [tilespmem:s17], [sflag:$0x3], $0x80, s3, s18, $0xb8;
	[tilespmem:$0x1C100] =	vst v63  }
0x2a: {  	_ =	swait.ge [sflag:s16], $0x4000  }
0x2b: {  	[sflag:s16] =	ssyncset.done $0x0  }
0x2c: {  	s23 =	sadd.s32 $0xFFFFFFF0, s14;
	[sflag:s16] =	ssyncadd.s32 $0xFFFFC000  }
0x2d: {  	[tilespmem:s3], [sflag:$0x1] =	stream.linear.gather [hbm4b:s23+s3], $0x80, $0x38;
	[tilespmem:$0x1C100] =	vst v63  }
0x2e: {  	s31 =	sadd.s32 $0x0, s13  }
0x2f: {  	[tilespmem:s17], [sflag:$0x1] =	stream.linear.gather [hbm4b:s31+s3], $0x4000, $0x38;
	[tilespmem:$0x1C100] =	vst v63  }
0x30: {  	_ =	swait.ge [sflag:s21], $0x80  }
0x31: {  	[sflag:s21] =	ssyncset.done $0x0  }
0x32: {  	[sflag:s21] =	ssyncadd.s32 $0xFFFFFF80  }
0x33: {  	_ =	swait.ge [sflag:s21], $0x4000  }
0x34: {  	[sflag:s21] =	ssyncset.done $0x0  }
0x35: {  	[sflag:s21] =	ssyncadd.s32 $0xFFFFC000  }
0x36: {  	[spmem:s2] =	stream.indirect.scatter.add.f32 [tilespmem:s19], [sflag:$0x3], $0x80, s18, s18, $0xb8;
	[tilespmem:$0x1C100] =	vst v63  }
0x37: {  	_ =	swait.ge [sflag:s16], $0x4000  }
0x38: {  	s25 =	sadd.s32 $0x0, s12;
	[sflag:s16] =	ssyncset.done $0x0  }
0x39: {  	s24 =	sadd.s32 $0x20, s14;
	s23 =	simm.s32 $0x1000;
	[sflag:s16] =	ssyncadd.s32 $0xFFFFC000  }
0x3a: {  	[tilespmem:s18], [sflag:$0x2] =	stream.linear.gather [hbm4b:s14+s3], $0x80, $0x38;
	[tilespmem:$0x1C100] =	vst v63  }
.LBB2_2:
0x3b: {  	[tilespmem:s19], [sflag:$0x2] =	stream.linear.gather [hbm4b:s25+s3], $0x4000, $0x38;
	[tilespmem:$0x1C100] =	vst v63  }
0x3c: {  	s25 =	smov.u32 s23  }
0x3d: {  	p0 =	sne.s32 s23, $0x8000;
	s23 =	sadd.s32 $0x1000, s23;
	_ =	swait.ge [sflag:s20], $0x80  }
0x3e: {  	[sflag:s20] =	ssyncset.done $0x0  }
0x3f: {  	[sflag:s20] =	ssyncadd.s32 $0xFFFFFF80  }
0x40: {  	_ =	swait.ge [sflag:s20], $0x4000  }
0x41: {  	[sflag:s20] =	ssyncset.done $0x0  }
0x42: {  	[sflag:s20] =	ssyncadd.s32 $0xFFFFC000  }
0x43: {  	[spmem:s2] =	stream.indirect.scatter.add.f32 [tilespmem:s17], [sflag:$0x3], $0x80, s3, s18, $0xb8;
	[tilespmem:$0x1C100] =	vst v63  }
0x44: {  	_ =	swait.ge [sflag:s16], $0x4000  }
0x45: {  	[sflag:s16] =	ssyncset.done $0x0  }
0x46: {  	s26 =	sadd.s32 $0xFFFFFFF0, s24;
	[sflag:s16] =	ssyncadd.s32 $0xFFFFC000  }
0x47: {  	[tilespmem:s3], [sflag:$0x1] =	stream.linear.gather [hbm4b:s26+s3], $0x80, $0x38;
	[tilespmem:$0x1C100] =	vst v63  }
0x48: {  	s26 =	sadd.s32 s25, s13  }
0x49: {  	[tilespmem:s17], [sflag:$0x1] =	stream.linear.gather [hbm4b:s26+s3], $0x4000, $0x38;
	[tilespmem:$0x1C100] =	vst v63  }
0x4a: {  	_ =	swait.ge [sflag:s21], $0x80  }
0x4b: {  	[sflag:s21] =	ssyncset.done $0x0  }
0x4c: {  	[sflag:s21] =	ssyncadd.s32 $0xFFFFFF80  }
0x4d: {  	_ =	swait.ge [sflag:s21], $0x4000  }
0x4e: {  	[sflag:s21] =	ssyncset.done $0x0  }
0x4f: {  	[sflag:s21] =	ssyncadd.s32 $0xFFFFC000  }
0x50: {  	[spmem:s2] =	stream.indirect.scatter.add.f32 [tilespmem:s19], [sflag:$0x3], $0x80, s18, s18, $0xb8;
	[tilespmem:$0x1C100] =	vst v63  }
.Ltmp0:
0x51: {  	_ =	swait.ge [sflag:s16], $0x4000;
	(pc) =	sbr.rel @p0 .LBB2_2-.Ltmp0, $4  }
0x52: {  	[sflag:s16] =	ssyncset.done $0x0  }
0x53: {  	[sflag:s16] =	ssyncadd.s32 $0xFFFFC000  }
0x54: {  	[tilespmem:s18], [sflag:$0x2] =	stream.linear.gather [hbm4b:s24+s3], $0x80, $0x38;
	[tilespmem:$0x1C100] =	vst v63  }
0x55: {  	s25 =	sadd.s32 s25, s12;
	s24 =	sadd.s32 $0x20, s24  }
0x56: {  	[tilespmem:s19], [sflag:$0x2] =	stream.linear.gather [hbm4b:s25+s3], $0x4000, $0x38;
	[tilespmem:$0x1C100] =	vst v63  }
0x57: {  	_ =	swait.ge [sflag:s20], $0x80  }
0x58: {  	[sflag:s20] =	ssyncset.done $0x0  }
0x59: {  	[sflag:s20] =	ssyncadd.s32 $0xFFFFFF80  }
0x5a: {  	_ =	swait.ge [sflag:s20], $0x4000  }
0x5b: {  	[sflag:s20] =	ssyncset.done $0x0  }
0x5c: {  	[sflag:s20] =	ssyncadd.s32 $0xFFFFC000  }
0x5d: {  	[spmem:s2] =	stream.indirect.scatter.add.f32 [tilespmem:s17], [sflag:$0x3], $0x80, s3, s18, $0xb8;
	[tilespmem:$0x1C100] =	vst v63  }
0x5e: {  	_ =	swait.ge [sflag:s16], $0x4000  }
0x5f: {  	[sflag:s16] =	ssyncset.done $0x0  }
0x60: {  	[sflag:s16] =	ssyncadd.s32 $0xFFFFC000  }
0x61: {  	_ =	swait.ge [sflag:s21], $0x80  }
0x62: {  	[sflag:s21] =	ssyncset.done $0x0  }
0x63: {  	[sflag:s21] =	ssyncadd.s32 $0xFFFFFF80  }
0x64: {  	_ =	swait.ge [sflag:s21], $0x4000  }
0x65: {  	[sflag:s21] =	ssyncset.done $0x0  }
0x66: {  	[sflag:s21] =	ssyncadd.s32 $0xFFFFC000  }
0x67: {  	[spmem:s2] =	stream.indirect.scatter.add.f32 [tilespmem:s19], [sflag:$0x3], $0x80, s18, s18, $0xb8;
	[tilespmem:$0x1C100] =	vst v63  }
0x68: {  	_ =	swait.ge [sflag:s16], $0x4000  }
0x69: {  	s22 =	sadd.s32 $0x1, s22;
	[sflag:s16] =	ssyncset.done $0x0  }
0x6a: {  	p0 =	sne.s32 s22, s11;
	[sflag:s16] =	ssyncadd.s32 $0xFFFFC000  }
.Ltmp1:
0x6b: {  	[bflag:$0x0] =	sbarrier.arrive $0xFFFF;
	(pc) =	sbr.rel @p0 .LBB2_1-.Ltmp1, $4  }
0x6c: {  	[hbm:s10], [sflag:s5] =	dma.local [spmem:s15], $0x2800  }
0x6d: {  	_ =	swait.ge [sflag:s16], $0x2800  }
0x6e: {  	[sflag:s16] =	ssyncset.done $0x0  }
0x6f: {  	[sflag:s16] =	ssyncadd.s32 $0xFFFFD800  }
0x70: {  	_ =	sfence.sel $0x180000  }
0x71: {  	[bflag:$0x0] =	sbarrier.arrive $0xFFFF  }
0x72: {  	p0 =	sne.s32 s1, $0x0;
	_ =	strace $0x9000005C  }
0x73: {  	s0 =	sadd.s32 @!p0 $0x100000, s0;
	[bflag:$0x2] =	sbarrier.arrive $0xFFFF  }
0x74: {  	[sflag:s0] =	ssyncadd.tile.s32 @!p0 $0x1;
	_ =	shalt  }
.Lfunc_end2:
_tile_overlayer_lowered:
.L_overlay_start_2:
0x75: {  	(tag) =	ssettag $0x2  }
0x76: {  	s0 =	rddreg [dreg:$0x0];
	s2 =	stileid.u32  }
0x77: {  	s1 =	rddreg [dreg:$0x1];
	p0 =	sne.s32 s2, $0x0  }
0x78: {  	s3 =	rddreg [dreg:$0x2];
	[bflag:$0x3] =	sbarrier.arrive $0xFFFF;
	s2 =	simm.s32 @!p0 $0x1C03  }
0x79: {  	[timem:s3], [sflag:s2] =	dma.local @!p0 [hbm:s0], s1  }
0x7a: {  	s0 =	simm.s32 @!p0 $0x3  }
0x7b: {  	_ =	swait.ge @!p0 [sflag:s0], s1  }
0x7c: {  	s1 =	ssub.s32 @!p0 $0x0, s1;
	[sflag:s0] =	ssyncset.done @!p0 $0x0  }
0x7d: {  	[sflag:s0] =	ssyncadd.s32 @!p0 s1  }
0x7e: {  	[bflag:$0x3] =	sbarrier.arrive $0xFFFF  }
0x7f: {  	_ =	shalt  }

// kernel: kernel.38.cloned.1.call-start
scs
__scs_entry_jumppad:
0x0: {  	(pc) =	sbr.rel $0x88, $3  }
0x1: {  	(tag) =	ssettag $0x0;
	lr =	simm.s32 $0x1  }
0x2: {  	[smem:$0x3F68] =	sst lr;
	_ =	strace $0xD0000000  }
0x3: {  	_ = 	snop  }
0x4: {  	_ = 	snop  }
0x5: {  	_ = 	snop  }
0x6: {  	_ = 	snop  }
0x7: {  	_ = 	snop  }
__scs_overlays_trampoline_lowered:
0x8: {  	[smem:$0x3F77] =	sst s0  }
0x9: {  	[smem:$0x3F78] =	sst s1  }
0xa: {  	[smem:$0x3F79] =	sst s2  }
0xb: {  	[smem:$0x3F7A] =	sst s3  }
0xc: {  	[smem:$0x3F7B] =	sst s4  }
0xd: {  	[smem:$0x3F7C] =	sst s5  }
0xe: {  	[smem:$0x3F7D] =	sst s6  }
0xf: {  	[smem:$0x3F7E] =	sst s7  }
0x10: {  	[smem:$0x3F7F] =	sst s8  }
0x11: {  	[smem:$0x3F80] =	sst s9;
	s0 =	simm.s32 @!p0 $0x0  }
0x12: {  	s1 =	sld [smem:$0x3F66];
	s0 =	simm.s32 @p0 $0x1  }
0x13: {  	[smem:$0x3F81] =	sst s0;
	s0 =	simm.s32 @!p1 $0x0  }
0x14: {  	s2 =	sld [smem:$0x3F65];
	s0 =	simm.s32 @p1 $0x1  }
0x15: {  	[smem:$0x3F82] =	sst s0;
	s0 =	simm.s32 @!p2 $0x0  }
0x16: {  	s3 =	sld [smem:$0x3FDB];
	s0 =	simm.s32 @p2 $0x1  }
0x17: {  	s4 =	simm.s32 $0x1BF5;
	[smem:$0x3F84] =	sst s0  }
0x18: {  	s0 =	sld [smem:$0x3F67];
	_ =	swait.ge [sflag:s4], $0x0  }
0x19: {  	s7 =	sld [smem:$0x3F68]  }
0x1a: {  	s8 =	sadd.s32 $0xFFFFE003, lr  }
0x1b: {  	s9 =	sadd.s32 $0xFFFFFEF7, lr;
	s5 =	simm.s32 $0xFFFFFFFF;
	p2 =	slt.u32 s8, $0xFFFFF086  }
0x1c: {  	p1 =	slt.u32 s9, $0xF7A;
	s5 =	simm.s32 @!p2 $0x0  }
0x1d: {  	s5 =	simm.s32 @p1 $0x1;
	p0 =	seq.s32 s7, s2  }
0x1e: {  	s7 =	smul.u32 @!p0 $0xF7A, s2;
	p2 =	seq.s32 @!p0 s5, $0x0  }
0x1f: {  	s9 =	smul.u32 $0xF7A, s1;
	s8 =	simm.s32 @!p0 $0x1BF5;
	p2 =	por !p2, p0  }
0x20: {  	[sflag:s8] =	ssyncset.s32 @!p0 $0xFFFFF086;
	s6 =	sadd.s32 @!p0 s3, s7;
	s7 =	simm.s32 @!p0 $0x108  }
0x21: {  	s3 =	sadd.s32 s3, s9;
	s6 =	sadd.s32 @!p0 $0x88, s6;
	s7 =	simm.s32 @p2 $0x1082  }
0x22: {  	[simem:s7], [sflag:s8] =	dma.local @!p0 [hbm:s6], $0xF7A  }
0x23: {  	s9 =	sor.u32 $0xD0000000, s2;
	s6 =	simm.s32 $0x108;
	_ =	swait.ge @!p0 [sflag:s8], $0x0  }
0x24: {  	s3 =	sadd.s32 $0x88, s3;
	s6 =	simm.s32 @!p1 $0x1082;
	[sflag:s4] =	ssyncset.s32 $0xFFFFF086  }
0x25: {  	[simem:s6], [sflag:s4] =	dma.local [hbm:s3], $0xF7A  }
0x26: {  	[smem:$0x3F68] =	sst s1;
	(tag) =	ssettag s2;
	_ =	strace s9  }
0x27: {  	s1 =	sld [smem:$0x3F78]  }
0x28: {  	s2 =	sld [smem:$0x3F79]  }
0x29: {  	s4 =	sld [smem:$0x3F7B]  }
0x2a: {  	p0 =	seq.s32 s5, $0x0;
	s5 =	sld [smem:$0x3F7C]  }
0x2b: {  	s6 =	sld [smem:$0x3F7D]  }
0x2c: {  	s7 =	sld [smem:$0x3F7E]  }
0x2d: {  	s3 =	simm.s32 $0x108;
	s8 =	sld [smem:$0x3F7F]  }
0x2e: {  	s3 =	simm.s32 @!p0 $0x1082;
	s9 =	sld [smem:$0x3F80]  }
0x2f: {  	lr =	sadd.s32 s0, s3;
	s0 =	sld [smem:$0x3F77]  }
0x30: {  	s3 =	sld [smem:$0x3F7A]  }
0x31: {  	[smem:$0x3F83] =	sst s10  }
0x32: {  	s10 =	sld [smem:$0x3F81];
	_ =	sdelay $0x3  }
0x33: {  	p0 =	seq.s32 s10, $0x1;
	s10 =	sld [smem:$0x3F83];
	_ =	sdelay $0x3  }
0x34: {  	[smem:$0x3F83] =	sst s10  }
0x35: {  	s10 =	sld [smem:$0x3F82];
	_ =	sdelay $0x3  }
0x36: {  	p1 =	seq.s32 s10, $0x1;
	s10 =	sld [smem:$0x3F83];
	_ =	sdelay $0x3  }
0x37: {  	[smem:$0x3F83] =	sst s10  }
0x38: {  	s10 =	sld [smem:$0x3F84]  }
0x39: {  	_ = 	snop;
	(pc) =	sbr.ind lr, $3  }
0x3a: {  	_ = 	snop  }
0x3b: {  	_ = 	snop  }
0x3c: {  	p2 =	seq.s32 s10, $0x1;
	s10 =	sld [smem:$0x3F83]  }
0x3d: {  	_ =	shalt  }
0x3e: {  	_ =	shalt  }
0x3f: {  	_ =	shalt  }
0x40: {  	_ =	shalt  }
0x41: {  	_ =	shalt  }
0x42: {  	_ =	shalt  }
0x43: {  	_ =	shalt  }
0x44: {  	_ =	shalt  }
0x45: {  	_ =	shalt  }
0x46: {  	_ =	shalt  }
0x47: {  	_ =	shalt  }
0x48: {  	_ =	shalt  }
0x49: {  	_ =	shalt  }
0x4a: {  	_ =	shalt  }
0x4b: {  	_ =	shalt  }
0x4c: {  	_ =	shalt  }
0x4d: {  	_ =	shalt  }
0x4e: {  	_ =	shalt  }
0x4f: {  	_ =	shalt  }
0x50: {  	_ =	shalt  }
0x51: {  	_ =	shalt  }
0x52: {  	_ =	shalt  }
0x53: {  	_ =	shalt  }
0x54: {  	_ =	shalt  }
0x55: {  	_ =	shalt  }
0x56: {  	_ =	shalt  }
0x57: {  	_ =	shalt  }
0x58: {  	_ =	shalt  }
0x59: {  	_ =	shalt  }
0x5a: {  	_ =	shalt  }
0x5b: {  	_ =	shalt  }
0x5c: {  	_ =	shalt  }
0x5d: {  	_ =	shalt  }
0x5e: {  	_ =	shalt  }
0x5f: {  	_ =	shalt  }
0x60: {  	_ =	shalt  }
0x61: {  	_ =	shalt  }
0x62: {  	_ =	shalt  }
0x63: {  	_ =	shalt  }
0x64: {  	_ =	shalt  }
0x65: {  	_ =	shalt  }
0x66: {  	_ =	shalt  }
0x67: {  	_ =	shalt  }
0x68: {  	_ =	shalt  }
0x69: {  	_ =	shalt  }
0x6a: {  	_ =	shalt  }
0x6b: {  	_ =	shalt  }
0x6c: {  	_ =	shalt  }
0x6d: {  	_ =	shalt  }
0x6e: {  	_ =	shalt  }
0x6f: {  	_ =	shalt  }
0x70: {  	_ =	shalt  }
0x71: {  	_ =	shalt  }
0x72: {  	_ =	shalt  }
0x73: {  	_ =	shalt  }
0x74: {  	_ =	shalt  }
0x75: {  	_ =	shalt  }
0x76: {  	_ =	shalt  }
0x77: {  	_ =	shalt  }
0x78: {  	_ =	shalt  }
0x79: {  	_ =	shalt  }
0x7a: {  	_ =	shalt  }
0x7b: {  	_ =	shalt  }
0x7c: {  	_ =	shalt  }
0x7d: {  	_ =	shalt  }
0x7e: {  	_ =	shalt  }
0x7f: {  	_ =	shalt  }
0x80: {  	_ =	shalt  }
0x81: {  	_ =	shalt  }
0x82: {  	_ =	shalt  }
0x83: {  	_ =	shalt  }
0x84: {  	_ =	shalt  }
0x85: {  	_ =	shalt  }
0x86: {  	_ =	shalt  }
0x87: {  	_ =	shalt  }
.Lfunc_end0:
.L_simem_size_0:
called_computation.7_lowered:
.L_overlay_start_0:
0x88: {  	s2 =	sld [smem:$0x3FD9]  }
0x89: {  	s3 =	sld [smem:$0x3FFE];
	_ =	sdelay $0x1  }
0x8a: {  	s1 =	srdreg.scid  }
0x8b: {  	s0 =	sand.u32 $0x1, s1  }
0x8c: {  	s17 =	sshll.u32 s0, $0xA;
	s2 =	sadd.s32 s3, s2  }
0x8d: {  	s2 =	sadd.s32 s2, s17  }
0x8e: {  	[smem:$0x3F8F] =	sst s2  }
0x8f: {  	_ = 	snop  }
0x90: {  	(tm) =	ssettm $0x1  }
0x91: {  	s18 =	sld [smem:$0x3FFB];
	_ =	sdelay $0x3  }
0x92: {  	_ =	strace s18  }
0x93: {  	s2 =	sld [smem:$0x3FFC];
	_ =	sdelay $0x3  }
0x94: {  	_ =	strace s2  }
0x95: {  	s2 =	sld [smem:$0x3FFD];
	_ =	sdelay $0x3  }
0x96: {  	_ =	strace s2  }
0x97: {  	_ =	strace $0x8FFFFFFF  }
0x98: {  	s19 =	sld [smem:$0x3FDB];
	_ =	sdelay $0x1  }
0x99: {  	s20 =	simm.s32 $_scs_section_size  }
0x9a: {  	s4 =	simm.s32 $_size__tile_overlayer_lowered;
	s5 =	simm.s32 $_tile_overlayer_lowered  }
0x9b: {  	s6 =	simm.s32 $0x1BFF;
	s21 =	sshll.u32 s5, $0x1;
	s3 =	sadd.s32 s20, s19  }
0x9c: {  	s22 =	simm.s32 $0x0;
	s4 =	sshll.u32 s4, $0x1;
	s5 =	sadd.s32 s21, s3  }
0x9d: {  	[timem:s22], [sflag:s6] =	dma.local [hbm:s5], s4  }
0x9e: {  	_ =	swait.ge [sflag:s6], s4  }
0x9f: {  	s4 =	ssub.s32 $0x0, s4;
	[sflag:s6] =	ssyncset.done $0x0  }
0xa0: {  	[sflag:s6] =	ssyncadd.s32 s4;
	_ =	sdelay $0x1  }
0xa1: {  	s23 =	simm.s32 $0x1B8B  }
0xa2: {  	_ =	swait.ge [sflag:s23], $0x1  }
0xa3: {  	[sflag:s23] =	ssyncset.done $0x0  }
0xa4: {  	[sflag:s23] =	ssyncadd.s32 $0xFFFFFFFF  }
0xa5: {  	s4 =	sld [smem:$0x0]  }
0xa6: {  	s5 =	sand.u32 $0xFFFFFFFE, s1  }
0xa7: {  	p0 =	sne.s32 s1, s5  }
0xa8: {  	s5 =	sshll.u32 @p0 s5, $0xE  }
0xa9: {  	s5 =	sadd.s32 @p0 $0x11B8D, s5;
	s6 =	sshll.u32 @p0 s4, $0x11  }
0xaa: {  	s5 =	sor.u32 @p0 s6, s5  }
0xab: {  	[sflag:s5] =	ssyncadd.remote.s32 @p0 $0x1;
	_ =	sdelay $0x1  }
0xac: {  	s5 =	simm.s32 @p0 $0x1B8D  }
0xad: {  	_ =	swait.eq @p0 [sflag:s5], $0x1  }
0xae: {  	[sflag:s5] =	ssyncadd.s32 @p0 $0xFFFFFFFF  }
0xaf: {  	s6 =	sshll.u32 @!p0 s1, $0xE  }
0xb0: {  	s6 =	sor.u32 @!p0 $0x4000, s6;
	s5 =	simm.s32 @!p0 $0x1B8D  }
0xb1: {  	s4 =	sshll.u32 @!p0 s4, $0x11;
	s6 =	sadd.s32 @!p0 $0x11B8D, s6;
	_ =	swait.eq @!p0 [sflag:s5], $0x1  }
0xb2: {  	s4 =	sor.u32 @!p0 s4, s6;
	[sflag:s5] =	ssyncadd.s32 @!p0 $0xFFFFFFFF  }
0xb3: {  	s25 =	simm.s32 $0x1B8E;
	s24 =	sld [smem:$0x3FFE];
	[sflag:s4] =	ssyncadd.remote.s32 @!p0 $0x1  }
0xb4: {  	s26 =	simm.s32 $execute0_lowered;
	[smem:$0x3FD2] =	sst s25  }
0xb5: {  	s5 =	sshll.u32 s26, $0x1;
	_ =	strace $0x80000058;
	[dreg:$0x1] =	wrdreg $0xFFFFFFFF  }
0xb6: {  	s28 =	simm.s32 $_size_execute0_lowered;
	s3 =	sadd.s32 s3, s5;
	[dreg:$0x0] =	wrdreg $0x0  }
0xb7: {  	s5 =	sshll.u32 s28, $0x1;
	[dreg:$0x2] =	wrdreg s3  }
0xb8: {  	[dreg:$0x3] =	wrdreg s5  }
0xb9: {  	[dreg:$0x4] =	wrdreg $0xC0  }
0xba: {  	_ =	task [dreg:s22], $0x5FFFF  }
0xbb: {  	[dreg:$0x1] =	wrdreg $0xFFFFFFFF  }
0xbc: {  	[dreg:$0x0] =	wrdreg $0x60  }
0xbd: {  	[dreg:$0x2] =	wrdreg s24  }
0xbe: {  	[dreg:$0x3] =	wrdreg $0x81000  }
0xbf: {  	[dreg:$0x4] =	wrdreg $0xA  }
0xc0: {  	_ =	task.clear_ibuf [dreg:s22], $0x5FFFF;
	_ =	strace $0x90000058  }
0xc1: {  	s29 =	simm.s32 $0xA;
	_ =	strace $0x8000005A  }
0xc2: {  	_ =	swait.ge [sflag:s29], $0x1  }
0xc3: {  	[sflag:s29] =	ssyncadd.s32 $0xFFFFFFFF  }
0xc4: {  	_ =	strace $0x9000005A  }
0xc5: {  	_ =	sfence  }
0xc6: {  	s30 =	sld [smem:$0x0];
	_ =	sdelay $0x2  }
0xc7: {  	s31 =	sshll.u32 s1, $0xD;
	s1 =	sshrl.u32 s1, $0x2  }
0xc8: {  	s4 =	sand.u32 $0x4000, s31;
	s1 =	sadd.s32 s1, s30  }
0xc9: {  	s0 =	sor.u32 s4, s0;
	s1 =	sshll.u32 s1, $0x11  }
0xca: {  	s0 =	sor.u32 s1, s0  }
0xcb: {  	s0 =	sadd.s32 $0x8F2B, s0  }
0xcc: {  	[sflag:s0] =	ssyncadd.remote.s32 $0x1  }
0xcd: {  	_ =	sfence.sel $0xFFFF  }
0xce: {  	[dreg:$0x0] =	wrdreg $0xFFFFFFFF;
	(pc) =	sbr.abs _section_cstart, $3  }
0xcf: {  	[dreg:$0x1] =	wrdreg $0xFFFFFFFF  }
0xd0: {  	_ =	task.clear_ibuf [dreg:s22], $0x2FFFF;
	_ =	strace $0x9FFFFFFF  }
0xd1: {  	(tm) =	ssettm $0x7FFFFFFF  }
tec
execute0_lowered:
.L_overlay_start_1:
0x0: {  	(tag) =	ssettag $0x1  }
0x1: {  	s4 =	rddreg [dreg:$0x0]  }
0x2: {  	s2 =	rddreg [dreg:$0x1]  }
0x3: {  	s0 =	rddreg [dreg:$0x2];
	s1 =	stileid.u32  }
0x4: {  	s5 =	srdreg.scid;
	s6 =	smul.u32 $0x14000, s1  }
0x5: {  	s3 =	simm.s32 $0x0;
	s12 =	sand.u32 $0x1, s5;
	s10 =	smul.u32 $0x50000, s1  }
0x6: {  	[smem:$0x7FF] =	sst s3;
	s13 =	sadd.s32 $0x902200, s4;
	s17 =	smul.u32 $0xA0000, s1  }
0x7: {  	s14 =	sadd.s32 $0xC000, s4;
	s9 =	sshll.u32 s1, $0x1;
	s30 =	smul.u32 $0x280, s1  }
0x8: {  	s23 =	sshll.u32 s1, $0x6;
	s5 =	smul.u32 $0x140000, s12;
	_ =	strace $0x80000059  }
0x9: {  	s20 =	ssub.s32 $0x2, s12;
	s21 =	sor.u32 s12, s9;
	s18 =	smul.u32 $0x50000, s12  }
0xa: {  	s26 =	sshll.u32 s12, $0x6;
	s7 =	sshrl.u32 s6, $0x3;
	s24 =	smul.u32 $0x140, s21  }
0xb: {  	s8 =	sshrl.u32 s20, $0x1;
	s22 =	sshrl.u32 s10, $0x2;
	s9 =	smul.u32 $0xA00, s21  }
0xc: {  	s5 =	sadd.s32 s6, s5;
	s19 =	sadd.s32 s7, s4;
	s15 =	ssub.s32 s20, s8  }
0xd: {  	s16 =	sadd.s32 s22, s2;
	s8 =	sadd.s32 s14, s26;
	s7 =	smul.u32 $0xA000, s21  }
0xe: {  	s29 =	sadd.s32 s18, s17;
	s17 =	simm.s32 $0x100;
	s20 =	simm.s32 $0x1  }
0xf: {  	s21 =	simm.s32 $0x2;
	s22 =	simm.s32 $0x0;
	s5 =	sshrl.u32 s5, $0x3  }
0x10: {  	s25 =	sadd.s32 $0x2800, s24;
	s28 =	sshrl.u32 s9, $0x3;
	s18 =	sor.u32 $0xC000, s29  }
0x11: {  	s11 =	sadd.s32 s5, s4;
	s4 =	sadd.s32 $0x42200, s19;
	s5 =	sor.u32 $0x1C03, s23  }
0x12: {  	s6 =	sand.u32 $0x7F80, s25;
	s7 =	sadd.s32 s13, s7;
	s19 =	smul.u32 $0x140, s12  }
0x13: {  	s31 =	sshrl.u32 s18, $0x3;
	s18 =	simm.s32 $0x80;
	s6 =	sadd.s32 s6, s8  }
0x14: {  	s8 =	sadd.s32 s14, s28;
	s9 =	sadd.s32 $0x800, s7;
	s10 =	sadd.s32 $0x6A200, s11  }
0x15: {  	s11 =	smax.u32 s15, $0x1;
	s15 =	sor.u32 $0x8000, s29;
	s14 =	sadd.s32 s30, s14  }
0x16: {  	s12 =	sadd.s32 s31, s13;
	s8 =	sadd.s32 $0x2810, s8;
	s15 =	sshrl.u32 s15, $0x3  }
0x17: {  	s14 =	sadd.s32 s19, s14;
	s19 =	simm.s32 $0x4100;
	s13 =	sadd.s32 s15, s13  }
0x18: {  	s14 =	sadd.s32 $0x2830, s14;
	s15 =	sshrl.u32 s16, $0x3;
	s16 =	simm.s32 $0x3  }
.LBB2_1:
0x19: {  	[spmem:s15], [sflag:s5] =	dma.local [hbm:s4], $0x2800  }
0x1a: {  	_ =	swait.ge [sflag:s16], $0x2800  }
0x1b: {  	[sflag:s16] =	ssyncset.done $0x0  }
0x1c: {  	[sflag:s16] =	ssyncadd.s32 $0xFFFFD800  }
0x1d: {  	[bflag:$0x0] =	sbarrier.arrive $0xFFFF  }
0x1e: {  	[tilespmem:s3], [sflag:$0x1] =	stream.linear.gather [hbm4b:s6+s3], $0x80, $0x38;
	[tilespmem:$0x1C100] =	vst v63  }
0x1f: {  	_ = 	snop  }
0x20: {  	[tilespmem:s17], [sflag:$0x1] =	stream.linear.gather [hbm4b:s7+s3], $0x4000, $0x38;
	[tilespmem:$0x1C100] =	vst v63  }
0x21: {  	_ = 	snop  }
0x22: {  	[tilespmem:s18], [sflag:$0x2] =	stream.linear.gather [hbm4b:s8+s3], $0x80, $0x38;
	[tilespmem:$0x1C100] =	vst v63  }
0x23: {  	_ = 	snop  }
0x24: {  	[tilespmem:s19], [sflag:$0x2] =	stream.linear.gather [hbm4b:s9+s3], $0x4000, $0x38;
	[tilespmem:$0x1C100] =	vst v63  }
0x25: {  	_ =	swait.ge [sflag:s20], $0x80  }
0x26: {  	[sflag:s20] =	ssyncset.done $0x0  }
0x27: {  	[sflag:s20] =	ssyncadd.s32 $0xFFFFFF80  }
0x28: {  	_ =	swait.ge [sflag:s20], $0x4000  }
0x29: {  	[sflag:s20] =	ssyncset.done $0x0  }
0x2a: {  	[sflag:s20] =	ssyncadd.s32 $0xFFFFC000  }
0x2b: {  	[spmem:s2] =	stream.indirect.scatter.add.f32 [tilespmem:s17], [sflag:$0x3], $0x80, s3, s18, $0xb8;
	[tilespmem:$0x1C100] =	vst v63  }
0x2c: {  	_ =	swait.ge [sflag:s16], $0x4000  }
0x2d: {  	[sflag:s16] =	ssyncset.done $0x0  }
0x2e: {  	s23 =	sadd.s32 $0xFFFFFFF0, s14;
	[sflag:s16] =	ssyncadd.s32 $0xFFFFC000  }
0x2f: {  	[tilespmem:s3], [sflag:$0x1] =	stream.linear.gather [hbm4b:s23+s3], $0x80, $0x38;
	[tilespmem:$0x1C100] =	vst v63  }
0x30: {  	s31 =	sadd.s32 $0x0, s13  }
0x31: {  	[tilespmem:s17], [sflag:$0x1] =	stream.linear.gather [hbm4b:s31+s3], $0x4000, $0x38;
	[tilespmem:$0x1C100] =	vst v63  }
0x32: {  	_ =	swait.ge [sflag:s21], $0x80  }
0x33: {  	[sflag:s21] =	ssyncset.done $0x0  }
0x34: {  	[sflag:s21] =	ssyncadd.s32 $0xFFFFFF80  }
0x35: {  	_ =	swait.ge [sflag:s21], $0x4000  }
0x36: {  	[sflag:s21] =	ssyncset.done $0x0  }
0x37: {  	[sflag:s21] =	ssyncadd.s32 $0xFFFFC000  }
0x38: {  	[spmem:s2] =	stream.indirect.scatter.add.f32 [tilespmem:s19], [sflag:$0x3], $0x80, s18, s18, $0xb8;
	[tilespmem:$0x1C100] =	vst v63  }
0x39: {  	_ =	swait.ge [sflag:s16], $0x4000  }
0x3a: {  	s25 =	sadd.s32 $0x0, s12;
	[sflag:s16] =	ssyncset.done $0x0  }
0x3b: {  	s24 =	sadd.s32 $0x20, s14;
	s23 =	simm.s32 $0x1000;
	[sflag:s16] =	ssyncadd.s32 $0xFFFFC000  }
0x3c: {  	[tilespmem:s18], [sflag:$0x2] =	stream.linear.gather [hbm4b:s14+s3], $0x80, $0x38;
	[tilespmem:$0x1C100] =	vst v63  }
.LBB2_2:
0x3d: {  	[tilespmem:s19], [sflag:$0x2] =	stream.linear.gather [hbm4b:s25+s3], $0x4000, $0x38;
	[tilespmem:$0x1C100] =	vst v63  }
0x3e: {  	s25 =	smov.u32 s23  }
0x3f: {  	p0 =	sne.s32 s23, $0x8000;
	s23 =	sadd.s32 $0x1000, s23;
	_ =	swait.ge [sflag:s20], $0x80  }
0x40: {  	[sflag:s20] =	ssyncset.done $0x0  }
0x41: {  	[sflag:s20] =	ssyncadd.s32 $0xFFFFFF80  }
0x42: {  	_ =	swait.ge [sflag:s20], $0x4000  }
0x43: {  	[sflag:s20] =	ssyncset.done $0x0  }
0x44: {  	[sflag:s20] =	ssyncadd.s32 $0xFFFFC000  }
0x45: {  	[spmem:s2] =	stream.indirect.scatter.add.f32 [tilespmem:s17], [sflag:$0x3], $0x80, s3, s18, $0xb8;
	[tilespmem:$0x1C100] =	vst v63  }
0x46: {  	_ =	swait.ge [sflag:s16], $0x4000  }
0x47: {  	[sflag:s16] =	ssyncset.done $0x0  }
0x48: {  	s26 =	sadd.s32 $0xFFFFFFF0, s24;
	[sflag:s16] =	ssyncadd.s32 $0xFFFFC000  }
0x49: {  	[tilespmem:s3], [sflag:$0x1] =	stream.linear.gather [hbm4b:s26+s3], $0x80, $0x38;
	[tilespmem:$0x1C100] =	vst v63  }
0x4a: {  	s26 =	sadd.s32 s25, s13  }
0x4b: {  	[tilespmem:s17], [sflag:$0x1] =	stream.linear.gather [hbm4b:s26+s3], $0x4000, $0x38;
	[tilespmem:$0x1C100] =	vst v63  }
0x4c: {  	_ =	swait.ge [sflag:s21], $0x80  }
0x4d: {  	[sflag:s21] =	ssyncset.done $0x0  }
0x4e: {  	[sflag:s21] =	ssyncadd.s32 $0xFFFFFF80  }
0x4f: {  	_ =	swait.ge [sflag:s21], $0x4000  }
0x50: {  	[sflag:s21] =	ssyncset.done $0x0  }
0x51: {  	[sflag:s21] =	ssyncadd.s32 $0xFFFFC000  }
0x52: {  	[spmem:s2] =	stream.indirect.scatter.add.f32 [tilespmem:s19], [sflag:$0x3], $0x80, s18, s18, $0xb8;
	[tilespmem:$0x1C100] =	vst v63  }
.Ltmp0:
0x53: {  	_ =	swait.ge [sflag:s16], $0x4000;
	(pc) =	sbr.rel @p0 .LBB2_2-.Ltmp0, $4  }
0x54: {  	[sflag:s16] =	ssyncset.done $0x0  }
0x55: {  	[sflag:s16] =	ssyncadd.s32 $0xFFFFC000  }
0x56: {  	[tilespmem:s18], [sflag:$0x2] =	stream.linear.gather [hbm4b:s24+s3], $0x80, $0x38;
	[tilespmem:$0x1C100] =	vst v63  }
0x57: {  	s25 =	sadd.s32 s25, s12;
	s24 =	sadd.s32 $0x20, s24  }
0x58: {  	[tilespmem:s19], [sflag:$0x2] =	stream.linear.gather [hbm4b:s25+s3], $0x4000, $0x38;
	[tilespmem:$0x1C100] =	vst v63  }
0x59: {  	_ =	swait.ge [sflag:s20], $0x80  }
0x5a: {  	[sflag:s20] =	ssyncset.done $0x0  }
0x5b: {  	[sflag:s20] =	ssyncadd.s32 $0xFFFFFF80  }
0x5c: {  	_ =	swait.ge [sflag:s20], $0x4000  }
0x5d: {  	[sflag:s20] =	ssyncset.done $0x0  }
0x5e: {  	[sflag:s20] =	ssyncadd.s32 $0xFFFFC000  }
0x5f: {  	[spmem:s2] =	stream.indirect.scatter.add.f32 [tilespmem:s17], [sflag:$0x3], $0x80, s3, s18, $0xb8;
	[tilespmem:$0x1C100] =	vst v63  }
0x60: {  	_ =	swait.ge [sflag:s16], $0x4000  }
0x61: {  	[sflag:s16] =	ssyncset.done $0x0  }
0x62: {  	[sflag:s16] =	ssyncadd.s32 $0xFFFFC000  }
0x63: {  	_ =	swait.ge [sflag:s21], $0x80  }
0x64: {  	[sflag:s21] =	ssyncset.done $0x0  }
0x65: {  	[sflag:s21] =	ssyncadd.s32 $0xFFFFFF80  }
0x66: {  	_ =	swait.ge [sflag:s21], $0x4000  }
0x67: {  	[sflag:s21] =	ssyncset.done $0x0  }
0x68: {  	[sflag:s21] =	ssyncadd.s32 $0xFFFFC000  }
0x69: {  	[spmem:s2] =	stream.indirect.scatter.add.f32 [tilespmem:s19], [sflag:$0x3], $0x80, s18, s18, $0xb8;
	[tilespmem:$0x1C100] =	vst v63  }
0x6a: {  	_ =	swait.ge [sflag:s16], $0x4000  }
0x6b: {  	s22 =	sadd.s32 $0x1, s22;
	[sflag:s16] =	ssyncset.done $0x0  }
0x6c: {  	p0 =	sne.s32 s22, s11;
	[sflag:s16] =	ssyncadd.s32 $0xFFFFC000  }
.Ltmp1:
0x6d: {  	[bflag:$0x0] =	sbarrier.arrive $0xFFFF;
	(pc) =	sbr.rel @p0 .LBB2_1-.Ltmp1, $4  }
0x6e: {  	[hbm:s10], [sflag:s5] =	dma.local [spmem:s15], $0x2800  }
0x6f: {  	_ =	swait.ge [sflag:s16], $0x2800  }
0x70: {  	[sflag:s16] =	ssyncset.done $0x0  }
0x71: {  	[sflag:s16] =	ssyncadd.s32 $0xFFFFD800  }
0x72: {  	_ =	sfence.sel $0x180000  }
0x73: {  	[bflag:$0x0] =	sbarrier.arrive $0xFFFF  }
0x74: {  	p0 =	sne.s32 s1, $0x0;
	_ =	strace $0x90000059  }
0x75: {  	s0 =	sadd.s32 @!p0 $0x100000, s0;
	[bflag:$0x2] =	sbarrier.arrive $0xFFFF  }
0x76: {  	[sflag:s0] =	ssyncadd.tile.s32 @!p0 $0x1;
	_ =	shalt  }
.Lfunc_end2:
_tile_overlayer_lowered:
.L_overlay_start_2:
0x77: {  	(tag) =	ssettag $0x2  }
0x78: {  	s0 =	rddreg [dreg:$0x0];
	s2 =	stileid.u32  }
0x79: {  	s1 =	rddreg [dreg:$0x1];
	p0 =	sne.s32 s2, $0x0  }
0x7a: {  	s3 =	rddreg [dreg:$0x2];
	[bflag:$0x3] =	sbarrier.arrive $0xFFFF;
	s2 =	simm.s32 @!p0 $0x1C03  }
0x7b: {  	[timem:s3], [sflag:s2] =	dma.local @!p0 [hbm:s0], s1  }
0x7c: {  	s0 =	simm.s32 @!p0 $0x3  }
0x7d: {  	_ =	swait.ge @!p0 [sflag:s0], s1  }
0x7e: {  	s1 =	ssub.s32 @!p0 $0x0, s1;
	[sflag:s0] =	ssyncset.done @!p0 $0x0  }
0x7f: {  	[sflag:s0] =	ssyncadd.s32 @!p0 s1  }
0x80: {  	[bflag:$0x3] =	sbarrier.arrive $0xFFFF  }
0x81: {  	_ =	shalt  }

</sc_bundles>
